<compile_context>
chip_gen: v7x
topology: tpu7x:2x2x1
jax: 0.10.2.dev20260603
libtpu: 0.0.44.dev20260713+nightly
codegen_flags: <defaults>
</compile_context>

<pallas_src>
import functools

import jax
import jax.numpy as jnp
from jax.experimental import pallas as pl
from jax.experimental.pallas import tpu as pltpu

B = 1024
K = 100000
D = 128
QT = 128
KT = 4096
C = 32
NK = pl.cdiv(K, KT)
MB = KT // C
NCH = NK * MB
KPAD = NK * KT
SLAB = 128
NSLAB = KPAD // SLAB
RANK = 544
NEG = float("-inf")


def _sortable(f):
    i = jax.lax.bitcast_convert_type(f, jnp.int32)
    return jnp.where(i < 0, i ^ jnp.int32(0x7FFFFFFF), i)


def _unsortable(i):
    f = jnp.where(i < 0, i ^ jnp.int32(0x7FFFFFFF), i)
    return jax.lax.bitcast_convert_type(f, jnp.float32)


def _k1_body(g_ref, k_ref, s_ref, m_ref, tau_ref, mu_ref):
    j = pl.program_id(1)
    scores = jax.lax.dot_general(
        g_ref[...], k_ref[...], (((1,), (1,)), ((), ())),
        preferred_element_type=jnp.float32)
    gidx = jax.lax.broadcasted_iota(jnp.int32, (QT, KT), 1) + j * KT
    scores = jnp.where(gidx < K, scores, NEG)
    s_ref[...] = scores
    cm = jnp.max(scores.reshape(QT, MB, C), axis=2)
    m_ref[...] = cm
    mu_ref[j] = _sortable(cm)

    @pl.when(j == NK - 1)
    def _descent():
        u = mu_ref[...]
        cnt0 = jnp.sum((u >= 0).astype(jnp.int32), axis=(0, 2)).reshape(QT, 1)
        t = jnp.where(cnt0 >= RANK, jnp.int32(0),
                      jnp.iinfo(jnp.int32).min)
        for b in range(30, 12, -1):
            cand = t + jnp.int32(1 << b)
            cnt = jnp.sum((u >= cand.reshape(1, QT, 1)).astype(jnp.int32),
                          axis=(0, 2)).reshape(QT, 1)
            t = jnp.where(cnt >= RANK, cand, t)
        tau = _unsortable(t)
        tau_ref[...] = jnp.broadcast_to(tau, (QT, 16))


def _stage1(generated_embeddings, keys):
    nq = B // QT
    return pl.pallas_call(
        _k1_body,
        grid=(nq, NK),
        in_specs=[
            pl.BlockSpec((QT, D), lambda i, j: (i, 0)),
            pl.BlockSpec((KT, D), lambda i, j: (j, 0)),
        ],
        out_specs=[
            pl.BlockSpec((QT, KT), lambda i, j: (i, j)),
            pl.BlockSpec((QT, MB), lambda i, j: (i, j)),
            pl.BlockSpec((QT, 16), lambda i, j: (i, 0)),
        ],
        out_shape=[
            jax.ShapeDtypeStruct((B, KPAD), jnp.float32),
            jax.ShapeDtypeStruct((B, NCH), jnp.float32),
            jax.ShapeDtypeStruct((B, 16), jnp.float32),
        ],
        scratch_shapes=[pltpu.VMEM((NK, QT, MB), jnp.int32)],
        compiler_params=pltpu.CompilerParams(
            dimension_semantics=("parallel", "arbitrary")),
    )(generated_embeddings, keys)



from jax import lax
from jax.experimental.pallas import tpu_sc as plsc

NCHR = K // C
CAND = 768
NWORK = 32
NQW = B // NWORK
L = 16


def _wid():
    return lax.axis_index("s") * 2 + lax.axis_index("c")


def _sc_a_body(m_hbm, tau_hbm, lids_hbm, grow_hbm, nact_hbm,
               m_v, tau_v, lids_v, grow_v, nact_v):
    qbase = _wid() * NQW
    lane = lax.iota(jnp.int32, 16)

    def qstep(qi, _):
        q = qbase + qi
        pltpu.sync_copy(m_hbm.at[q], m_v)
        pltpu.sync_copy(tau_hbm.at[q], tau_v)
        tau = tau_v[...]

        def prefill(i, _):
            plsc.store_scatter(lids_v, [lane + i * L],
                               jnp.full((L,), NCH - 1, jnp.int32))
            plsc.store_scatter(grow_v, [lane + i * L],
                               jnp.full((L,), q * NSLAB + NSLAB - 1,
                                        jnp.int32))
            return 0

        lax.fori_loop(0, CAND // L, prefill, 0)

        def mstep(i, off):
            m = m_v[pl.ds(i * L, L)]
            mask = m >= tau
            ids = lane + i * L
            grow = jax.lax.shift_right_logical(ids, 2) + q * NSLAB
            lsort, gsort, _ = plsc.sort_key_val(ids, grow, mask=mask)
            plsc.store_scatter(lids_v, [off + lane], lsort)
            plsc.store_scatter(grow_v, [off + lane], gsort)
            pop = plsc.all_reduce_population_count(mask)[0]
            return jnp.minimum(off + pop, CAND - L)

        nact = lax.fori_loop(0, NCH // L, mstep, jnp.int32(0))
        plsc.store_scatter(nact_v, [lane], jnp.broadcast_to(nact, (L,)))
        pltpu.sync_copy(lids_v, lids_hbm.at[q])
        pltpu.sync_copy(grow_v, grow_hbm.at[q])
        pltpu.sync_copy(nact_v, nact_hbm.at[q])
        return 0

    lax.fori_loop(0, NQW, qstep, 0)


def _sc_bc_body(stab_hbm, lids_hbm, grow_hbm, tau_hbm, nact_hbm,
                oval_hbm, oidx_hbm,
                sids_v, gidx_v, gs_v, tau_v, nact_v, ov_v, oi_v, sem):
    qbase = _wid() * NQW
    lane = lax.iota(jnp.int32, 16)

    def qstep(qi, _):
        q = qbase + qi
        pltpu.sync_copy(lids_hbm.at[q], sids_v.at[pl.ds(0, CAND)])
        pltpu.sync_copy(grow_hbm.at[q], gidx_v)
        pltpu.sync_copy(tau_hbm.at[q], tau_v)
        pltpu.sync_copy(nact_hbm.at[q], nact_v)
        tau = tau_v[...]
        nact = jnp.max(nact_v[...])
        pltpu.async_copy(stab_hbm.at[gidx_v], gs_v, sem).wait()

        def opre(i, _):
            plsc.store_scatter(ov_v, [lane + i * L],
                               jnp.full((L,), NEG, jnp.float32))
            plsc.store_scatter(oi_v, [lane + i * L],
                               jnp.zeros((L,), jnp.int32))
            return 0

        lax.fori_loop(0, CAND // L, opre, 0)

        def fstep(i, off):
            sidvec = sids_v[pl.ds(i * L, L)]
            for k in range(L):
                cid = sidvec[k]
                base = (cid % 4) * C
                for h in range(C // L):
                    s = gs_v[i * L + k, pl.ds(base + h * L, L)]
                    ii = cid * C + h * L + lane
                    mask = s >= tau
                    isort, ssort, _ = plsc.sort_key_val(
                        ii, jnp.where(mask, s, NEG), mask=mask)
                    plsc.store_scatter(ov_v, [off + lane], ssort)
                    plsc.store_scatter(oi_v, [off + lane], isort)
                    pop = plsc.all_reduce_population_count(mask)[0]
                    off = jnp.minimum(off + pop, CAND - L)
            return off

        nrow = jnp.minimum(nact + (L - 1), CAND) // L
        lax.fori_loop(0, nrow, fstep, jnp.int32(0))
        pltpu.sync_copy(ov_v, oval_hbm.at[q])
        pltpu.sync_copy(oi_v, oidx_hbm.at[q])
        return 0

    lax.fori_loop(0, NQW, qstep, 0)


def _stage2(scores, chunk_max, tau):
    stab = scores.reshape(B * NSLAB, SLAB)
    mesh = plsc.VectorSubcoreMesh(core_axis_name="c", subcore_axis_name="s",
                                  num_cores=2, num_subcores=16)
    scp = pltpu.CompilerParams(needs_layout_passes=False)
    lids, grow, nact = pl.kernel(
        _sc_a_body,
        out_type=[
            jax.ShapeDtypeStruct((B, CAND), jnp.int32),
            jax.ShapeDtypeStruct((B, CAND), jnp.int32),
            jax.ShapeDtypeStruct((B, L), jnp.int32),
        ],
        mesh=mesh,
        scratch_types=[
            pltpu.VMEM((NCH,), jnp.float32),
            pltpu.VMEM((16,), jnp.float32),
            pltpu.VMEM((CAND,), jnp.int32),
            pltpu.VMEM((CAND,), jnp.int32),
            pltpu.VMEM((L,), jnp.int32),
        ],
        compiler_params=scp,
    )(chunk_max, tau)
    return pl.kernel(
        _sc_bc_body,
        out_type=[
            jax.ShapeDtypeStruct((B, CAND), jnp.float32),
            jax.ShapeDtypeStruct((B, CAND), jnp.int32),
        ],
        mesh=mesh,
        scratch_types=[
            pltpu.VMEM((CAND + L,), jnp.int32),
            pltpu.VMEM((CAND,), jnp.int32),
            pltpu.VMEM((CAND, SLAB), jnp.float32),
            pltpu.VMEM((16,), jnp.float32),
            pltpu.VMEM((L,), jnp.int32),
            pltpu.VMEM((CAND,), jnp.float32),
            pltpu.VMEM((CAND,), jnp.int32),
            pltpu.SemaphoreType.DMA,
        ],
        compiler_params=scp,
    )(stab, lids, grow, tau, nact)


def kernel(generated_embeddings, seed_tracks, keys):
    scores, chunk_max, tau = _stage1(generated_embeddings, keys)
    cval, cidx = _stage2(scores, chunk_max, tau)
    seeds = seed_tracks.astype(jnp.int32)
    hit = jnp.any(cidx[:, :, None] == seeds[:, None, :], axis=-1)
    cval = jnp.where(hit, -jnp.inf, cval)
    vals, pos = jax.lax.top_k(cval, 500)
    idx = jnp.take_along_axis(cidx, pos, axis=1)
    return (vals, idx)

# --- scband reference (transcript-rebuilt; emitter-appended) ---
"""Pipeline reference for scband-closest-embeddings-layer-60936995996269 (READ-ONLY COPY).

The authoritative reference and input builder live on the scoring server;
editing this copy changes nothing except your own understanding.
"""

import jax, jax.numpy as jnp
import numpy as np

NUM_CLOSEST = 500
NUM_KEYS = 100000
EMBED_DIM = 128
BATCH = 1024
NUM_SEEDS = 20


def setup_inputs(seed: int = 0) -> dict:
    key = jax.random.key(seed)
    k1, k2, k3 = jax.random.split(key, 3)
    generated_embeddings = jax.random.normal(k1, (BATCH, EMBED_DIM), dtype=jnp.float32)
    seed_tracks = jax.random.randint(k2, (BATCH, NUM_SEEDS), 0, NUM_KEYS, dtype=jnp.int64)
    # the 'filtered_embeddings_dict' values stacked into a dense key matrix (learned/stored embeddings)
    keys = jax.random.normal(k3, (NUM_KEYS, EMBED_DIM), dtype=jnp.float32)
    return {"generated_embeddings": generated_embeddings, "seed_tracks": seed_tracks, "keys": keys}


def reference(generated_embeddings, seed_tracks, keys):
    # scores = np.dot(embedding_arrays, generated_embedding) for every query -> [B, K]
    scores = jnp.dot(generated_embeddings, keys.T)
    # exclude seed tracks per query (original filters uris in current_seed_tracks_set)
    batch_idx = jnp.arange(scores.shape[0])[:, None]
    masked_scores = scores.at[batch_idx, seed_tracks].set(-jnp.inf)
    # top-500 indices sorted by descending score (argpartition + argsort in original)
    top_vals, top_idx = jax.lax.top_k(masked_scores, NUM_CLOSEST)
    # original returns the closest uris (i.e. indices into the stored table); we also return scores
    return top_vals, top_idx

if __name__ == "__main__":
    import jax
    _d = setup_inputs()
    print(jax.jit(kernel)(*tuple(_d.values())))

</pallas_src>

<mosaic_0001>
#map = affine_map<(d0, d1) -> (0, 0)>
module attributes {stable_mosaic.version = 14 : i64} {
  func.func @_sc_bc_body(%arg0: i32, %arg1: i32, %arg2: memref<819200x128xf32, #tpu.memory_space<hbm>>, %arg3: memref<1024x768xi32, #tpu.memory_space<hbm>>, %arg4: memref<1024x768xi32, #tpu.memory_space<hbm>>, %arg5: memref<1024x16xf32, #tpu.memory_space<hbm>>, %arg6: memref<1024x16xi32, #tpu.memory_space<hbm>>, %arg7: memref<1024x768xf32, #tpu.memory_space<hbm>>, %arg8: memref<1024x768xi32, #tpu.memory_space<hbm>>, %arg9: memref<784xi32, #tpu.memory_space<vmem>>, %arg10: memref<768xi32, #tpu.memory_space<vmem>>, %arg11: memref<768x128xf32, #tpu.memory_space<vmem>>, %arg12: memref<16xf32, #tpu.memory_space<vmem>>, %arg13: memref<16xi32, #tpu.memory_space<vmem>>, %arg14: memref<768xf32, #tpu.memory_space<vmem>>, %arg15: memref<768xi32, #tpu.memory_space<vmem>>, %arg16: memref<!tpu.dma_semaphore, #tpu.memory_space<semaphore_mem>>) attributes {dimension_semantics = [#tpu.dimension_semantics<core_parallel>, #tpu.dimension_semantics<subcore_parallel>], iteration_bounds = array<i64: 2, 16>, scalar_prefetch = 0 : i64, scratch_operands = 8 : i64, tpu.core_type = #tpu.core_type<sc_vector_subcore>, window_params = [{transform_indices = #map}, {transform_indices = #map}, {transform_indices = #map}, {transform_indices = #map}, {transform_indices = #map}, {transform_indices = #map}, {transform_indices = #map}]} {
    %mul3A = arith.constant 2 : i32
    %mul3A_0 = arith.muli %arg1, %mul3A : i32
    %add3A = arith.addi %mul3A_0, %arg0 : i32
    %mul3A_1 = arith.constant 32 : i32
    %mul3A_2 = arith.muli %add3A, %mul3A_1 : i32
    %iota3A = tpu.iota {dimensions = array<i32: 0>} : vector<16xi32>
    %scan3A = arith.constant 0 : i32
    %scan3A_3 = arith.constant 0 : i32
    %scan3A_4 = arith.constant 32 : i32
    %scan3A_5 = arith.addi %scan3A_3, %scan3A_4 : i32
    %scan3A_6 = arith.constant 1 : i32
    %scan3A_7 = scf.for %scan3A_9 = %scan3A_3 to %scan3A_5 step %scan3A_6 iter_args(%scan3A_10 = %scan3A) -> (i32)  : i32 {
      %add3A_11 = arith.addi %mul3A_2, %scan3A_9 : i32
      "tpu.region"() ({
        %run_scoped3A = tpu.sem_alloc : memref<!tpu.dma_semaphore, #tpu.memory_space<semaphore_mem>>
        %dma_start3A_64 = arith.constant 0 : i32
        %dma_start3A_65 = tpu.memref_slice %arg9[%dma_start3A_64] : memref<784xi32, #tpu.memory_space<vmem>> -> memref<768xi32, #tpu.memory_space<vmem>>
        %dma_start3A_66 = arith.constant 0 : i32
        %dma_start3A_67 = tpu.memref_slice %arg3[%add3A_11, %dma_start3A_66] : memref<1024x768xi32, #tpu.memory_space<hbm>> -> memref<1x768xi32, #tpu.memory_space<hbm>>
        %dma_start3A_68 = tpu.memref_squeeze %dma_start3A_67 : memref<1x768xi32, #tpu.memory_space<hbm>> -> memref<768xi32, #tpu.memory_space<hbm>>
        %dma_start3A_69 = arith.constant 0 : i32
        %dma_start3A_70 = tpu.memref_slice %arg9[%dma_start3A_69] : memref<784xi32, #tpu.memory_space<vmem>> -> memref<768xi32, #tpu.memory_space<vmem>>
        %dma_start3A_71 = arith.constant 0 : i32
        %dma_start3A_72 = tpu.memref_slice %arg3[%add3A_11, %dma_start3A_71] : memref<1024x768xi32, #tpu.memory_space<hbm>> -> memref<1x768xi32, #tpu.memory_space<hbm>>
        %dma_start3A_73 = tpu.memref_squeeze %dma_start3A_72 : memref<1x768xi32, #tpu.memory_space<hbm>> -> memref<768xi32, #tpu.memory_space<hbm>>
        tpu.enqueue_dma source(%dma_start3A_73 : memref<768xi32, #tpu.memory_space<hbm>>) target(%dma_start3A_70 : memref<768xi32, #tpu.memory_space<vmem>>) target_semaphore(%run_scoped3A : memref<!tpu.dma_semaphore, #tpu.memory_space<semaphore_mem>>)
        %dma_wait3A_74 = arith.constant 0 : i32
        %dma_wait3A_75 = tpu.memref_slice %arg9[%dma_wait3A_74] : memref<784xi32, #tpu.memory_space<vmem>> -> memref<768xi32, #tpu.memory_space<vmem>>
        %dma_wait3A_76 = arith.constant 0 : i32
        %dma_wait3A_77 = tpu.memref_slice %arg3[%add3A_11, %dma_wait3A_76] : memref<1024x768xi32, #tpu.memory_space<hbm>> -> memref<1x768xi32, #tpu.memory_space<hbm>>
        %dma_wait3A_78 = tpu.memref_squeeze %dma_wait3A_77 : memref<1x768xi32, #tpu.memory_space<hbm>> -> memref<768xi32, #tpu.memory_space<hbm>>
        %dma_wait3A_79 = arith.constant 0 : i32
        %dma_wait3A_80 = tpu.memref_slice %arg9[%dma_wait3A_79] : memref<784xi32, #tpu.memory_space<vmem>> -> memref<768xi32, #tpu.memory_space<vmem>>
        %dma_wait3A_81 = arith.constant 0 : i32
        %dma_wait3A_82 = tpu.memref_slice %arg3[%add3A_11, %dma_wait3A_81] : memref<1024x768xi32, #tpu.memory_space<hbm>> -> memref<1x768xi32, #tpu.memory_space<hbm>>
        %dma_wait3A_83 = tpu.memref_squeeze %dma_wait3A_82 : memref<1x768xi32, #tpu.memory_space<hbm>> -> memref<768xi32, #tpu.memory_space<hbm>>
        tpu.wait_dma2 semaphore(%run_scoped3A : memref<!tpu.dma_semaphore, #tpu.memory_space<semaphore_mem>>) src(%dma_wait3A_83 : memref<768xi32, #tpu.memory_space<hbm>>) dst(%dma_wait3A_80 : memref<768xi32, #tpu.memory_space<vmem>>)
        tpu.yield
      }) : () -> ()
      "tpu.region"() ({
        %run_scoped3A = tpu.sem_alloc : memref<!tpu.dma_semaphore, #tpu.memory_space<semaphore_mem>>
        %dma_start3A_64 = arith.constant 0 : i32
        %dma_start3A_65 = tpu.memref_slice %arg4[%add3A_11, %dma_start3A_64] : memref<1024x768xi32, #tpu.memory_space<hbm>> -> memref<1x768xi32, #tpu.memory_space<hbm>>
        %dma_start3A_66 = tpu.memref_squeeze %dma_start3A_65 : memref<1x768xi32, #tpu.memory_space<hbm>> -> memref<768xi32, #tpu.memory_space<hbm>>
        %dma_start3A_67 = arith.constant 0 : i32
        %dma_start3A_68 = tpu.memref_slice %arg4[%add3A_11, %dma_start3A_67] : memref<1024x768xi32, #tpu.memory_space<hbm>> -> memref<1x768xi32, #tpu.memory_space<hbm>>
        %dma_start3A_69 = tpu.memref_squeeze %dma_start3A_68 : memref<1x768xi32, #tpu.memory_space<hbm>> -> memref<768xi32, #tpu.memory_space<hbm>>
        tpu.enqueue_dma source(%dma_start3A_69 : memref<768xi32, #tpu.memory_space<hbm>>) target(%arg10 : memref<768xi32, #tpu.memory_space<vmem>>) target_semaphore(%run_scoped3A : memref<!tpu.dma_semaphore, #tpu.memory_space<semaphore_mem>>)
        %dma_wait3A_70 = arith.constant 0 : i32
        %dma_wait3A_71 = tpu.memref_slice %arg4[%add3A_11, %dma_wait3A_70] : memref<1024x768xi32, #tpu.memory_space<hbm>> -> memref<1x768xi32, #tpu.memory_space<hbm>>
        %dma_wait3A_72 = tpu.memref_squeeze %dma_wait3A_71 : memref<1x768xi32, #tpu.memory_space<hbm>> -> memref<768xi32, #tpu.memory_space<hbm>>
        %dma_wait3A_73 = arith.constant 0 : i32
        %dma_wait3A_74 = tpu.memref_slice %arg4[%add3A_11, %dma_wait3A_73] : memref<1024x768xi32, #tpu.memory_space<hbm>> -> memref<1x768xi32, #tpu.memory_space<hbm>>
        %dma_wait3A_75 = tpu.memref_squeeze %dma_wait3A_74 : memref<1x768xi32, #tpu.memory_space<hbm>> -> memref<768xi32, #tpu.memory_space<hbm>>
        tpu.wait_dma2 semaphore(%run_scoped3A : memref<!tpu.dma_semaphore, #tpu.memory_space<semaphore_mem>>) src(%dma_wait3A_75 : memref<768xi32, #tpu.memory_space<hbm>>) dst(%arg10 : memref<768xi32, #tpu.memory_space<vmem>>)
        tpu.yield
      }) : () -> ()
      "tpu.region"() ({
        %run_scoped3A = tpu.sem_alloc : memref<!tpu.dma_semaphore, #tpu.memory_space<semaphore_mem>>
        %dma_start3A_64 = arith.constant 0 : i32
        %dma_start3A_65 = tpu.memref_slice %arg5[%add3A_11, %dma_start3A_64] : memref<1024x16xf32, #tpu.memory_space<hbm>> -> memref<1x16xf32, #tpu.memory_space<hbm>>
        %dma_start3A_66 = tpu.memref_squeeze %dma_start3A_65 : memref<1x16xf32, #tpu.memory_space<hbm>> -> memref<16xf32, #tpu.memory_space<hbm>>
        %dma_start3A_67 = arith.constant 0 : i32
        %dma_start3A_68 = tpu.memref_slice %arg5[%add3A_11, %dma_start3A_67] : memref<1024x16xf32, #tpu.memory_space<hbm>> -> memref<1x16xf32, #tpu.memory_space<hbm>>
        %dma_start3A_69 = tpu.memref_squeeze %dma_start3A_68 : memref<1x16xf32, #tpu.memory_space<hbm>> -> memref<16xf32, #tpu.memory_space<hbm>>
        tpu.enqueue_dma source(%dma_start3A_69 : memref<16xf32, #tpu.memory_space<hbm>>) target(%arg12 : memref<16xf32, #tpu.memory_space<vmem>>) target_semaphore(%run_scoped3A : memref<!tpu.dma_semaphore, #tpu.memory_space<semaphore_mem>>)
        %dma_wait3A_70 = arith.constant 0 : i32
        %dma_wait3A_71 = tpu.memref_slice %arg5[%add3A_11, %dma_wait3A_70] : memref<1024x16xf32, #tpu.memory_space<hbm>> -> memref<1x16xf32, #tpu.memory_space<hbm>>
        %dma_wait3A_72 = tpu.memref_squeeze %dma_wait3A_71 : memref<1x16xf32, #tpu.memory_space<hbm>> -> memref<16xf32, #tpu.memory_space<hbm>>
        %dma_wait3A_73 = arith.constant 0 : i32
        %dma_wait3A_74 = tpu.memref_slice %arg5[%add3A_11, %dma_wait3A_73] : memref<1024x16xf32, #tpu.memory_space<hbm>> -> memref<1x16xf32, #tpu.memory_space<hbm>>
        %dma_wait3A_75 = tpu.memref_squeeze %dma_wait3A_74 : memref<1x16xf32, #tpu.memory_space<hbm>> -> memref<16xf32, #tpu.memory_space<hbm>>
        tpu.wait_dma2 semaphore(%run_scoped3A : memref<!tpu.dma_semaphore, #tpu.memory_space<semaphore_mem>>) src(%dma_wait3A_75 : memref<16xf32, #tpu.memory_space<hbm>>) dst(%arg12 : memref<16xf32, #tpu.memory_space<vmem>>)
        tpu.yield
      }) : () -> ()
      "tpu.region"() ({
        %run_scoped3A = tpu.sem_alloc : memref<!tpu.dma_semaphore, #tpu.memory_space<semaphore_mem>>
        %dma_start3A_64 = arith.constant 0 : i32
        %dma_start3A_65 = tpu.memref_slice %arg6[%add3A_11, %dma_start3A_64] : memref<1024x16xi32, #tpu.memory_space<hbm>> -> memref<1x16xi32, #tpu.memory_space<hbm>>
        %dma_start3A_66 = tpu.memref_squeeze %dma_start3A_65 : memref<1x16xi32, #tpu.memory_space<hbm>> -> memref<16xi32, #tpu.memory_space<hbm>>
        %dma_start3A_67 = arith.constant 0 : i32
        %dma_start3A_68 = tpu.memref_slice %arg6[%add3A_11, %dma_start3A_67] : memref<1024x16xi32, #tpu.memory_space<hbm>> -> memref<1x16xi32, #tpu.memory_space<hbm>>
        %dma_start3A_69 = tpu.memref_squeeze %dma_start3A_68 : memref<1x16xi32, #tpu.memory_space<hbm>> -> memref<16xi32, #tpu.memory_space<hbm>>
        tpu.enqueue_dma source(%dma_start3A_69 : memref<16xi32, #tpu.memory_space<hbm>>) target(%arg13 : memref<16xi32, #tpu.memory_space<vmem>>) target_semaphore(%run_scoped3A : memref<!tpu.dma_semaphore, #tpu.memory_space<semaphore_mem>>)
        %dma_wait3A_70 = arith.constant 0 : i32
        %dma_wait3A_71 = tpu.memref_slice %arg6[%add3A_11, %dma_wait3A_70] : memref<1024x16xi32, #tpu.memory_space<hbm>> -> memref<1x16xi32, #tpu.memory_space<hbm>>
        %dma_wait3A_72 = tpu.memref_squeeze %dma_wait3A_71 : memref<1x16xi32, #tpu.memory_space<hbm>> -> memref<16xi32, #tpu.memory_space<hbm>>
        %dma_wait3A_73 = arith.constant 0 : i32
        %dma_wait3A_74 = tpu.memref_slice %arg6[%add3A_11, %dma_wait3A_73] : memref<1024x16xi32, #tpu.memory_space<hbm>> -> memref<1x16xi32, #tpu.memory_space<hbm>>
        %dma_wait3A_75 = tpu.memref_squeeze %dma_wait3A_74 : memref<1x16xi32, #tpu.memory_space<hbm>> -> memref<16xi32, #tpu.memory_space<hbm>>
        tpu.wait_dma2 semaphore(%run_scoped3A : memref<!tpu.dma_semaphore, #tpu.memory_space<semaphore_mem>>) src(%dma_wait3A_75 : memref<16xi32, #tpu.memory_space<hbm>>) dst(%arg13 : memref<16xi32, #tpu.memory_space<vmem>>)
        tpu.yield
      }) : () -> ()
      %get3A = arith.constant 0 : index
      %get3A_12 = tpu.vector_load %arg12[%get3A] {strides = array<i32>} : memref<16xf32, #tpu.memory_space<vmem>>, vector<16xf32>,
      %get3A_13 = arith.constant 0 : index
      %get3A_14 = tpu.vector_load %arg13[%get3A_13] {strides = array<i32>} : memref<16xi32, #tpu.memory_space<vmem>>, vector<16xi32>,
      %reduce_max3A = arith.constant true
      %reduce_max3A_15 = vector.broadcast %reduce_max3A : i1 to vector<16xi1>
      %reduce_max3A_16 = arith.constant -2147483648 : i32
      %reduce_max3A_17 = vector.broadcast %reduce_max3A_16 : i32 to vector<16xi32>
      %reduce_max3A_18 = arith.xori %get3A_14, %reduce_max3A_17 : vector<16xi32>
      %reduce_max3A_19 = tpu.scan <max>, %reduce_max3A_18 masked %reduce_max3A_15 : vector<16xi32>, vector<16xi1> -> vector<16xi32>
      %reduce_max3A_20 = arith.xori %reduce_max3A_19, %reduce_max3A_17 : vector<16xi32>
      %reduce_max3A_21 = vector.extract %reduce_max3A_20[15] : i32 from vector<16xi32>
      %dma_start3A = arith.constant 0 : i32
      %dma_start3A_22 = arith.constant 0 : i32
      %dma_start3A_23 = tpu.memref_slice %arg2[%dma_start3A, %dma_start3A_22] : memref<819200x128xf32, #tpu.memory_space<hbm>> -> memref<819200x128xf32, #tpu.memory_space<hbm>>
      tpu.enqueue_indirect_dma source(%dma_start3A_23 : memref<819200x128xf32, #tpu.memory_space<hbm>>) target(%arg11 : memref<768x128xf32, #tpu.memory_space<vmem>>) offsets(%arg10 : memref<768xi32, #tpu.memory_space<vmem>>) semaphore(%arg16 : memref<!tpu.dma_semaphore, #tpu.memory_space<semaphore_mem>>)
      %dma_wait3A = arith.constant 0 : i32
      %dma_wait3A_24 = arith.constant 0 : i32
      %dma_wait3A_25 = tpu.memref_slice %arg2[%dma_wait3A, %dma_wait3A_24] : memref<819200x128xf32, #tpu.memory_space<hbm>> -> memref<819200x128xf32, #tpu.memory_space<hbm>>
      tpu.wait_indirect_dma semaphore(%arg16 : memref<!tpu.dma_semaphore, #tpu.memory_space<semaphore_mem>>) src(%dma_wait3A_25 : memref<819200x128xf32, #tpu.memory_space<hbm>>) dst(%arg11 : memref<768x128xf32, #tpu.memory_space<vmem>>)
      %scan3A_26 = arith.constant 0 : i32
      %scan3A_27 = arith.constant 0 : i32
      %scan3A_28 = arith.constant 48 : i32
      %scan3A_29 = arith.addi %scan3A_27, %scan3A_28 : i32
      %scan3A_30 = arith.constant 1 : i32
      %scan3A_31 = scf.for %scan3A_64 = %scan3A_27 to %scan3A_29 step %scan3A_30 iter_args(%scan3A_65 = %scan3A_26) -> (i32)  : i32 {
        %mul3A_66 = arith.constant 16 : i32
        %mul3A_67 = arith.muli %scan3A_64, %mul3A_66 : i32
        %add3A_68 = vector.broadcast %mul3A_67 : i32 to vector<16xi32>
        %add3A_69 = arith.addi %iota3A, %add3A_68 : vector<16xi32>
        %broadcast_in_dim3A = arith.constant 0xFF800000 : f32
        %broadcast_in_dim3A_70 = vector.broadcast %broadcast_in_dim3A : f32 to vector<16xf32>
        tpu.vector_store_idx %arg14[%add3A_69], %broadcast_in_dim3A_70 : memref<768xf32, #tpu.memory_space<vmem>>[vector<16xi32>], vector<16xf32>,
        %mul3A_71 = arith.constant 16 : i32
        %mul3A_72 = arith.muli %scan3A_64, %mul3A_71 : i32
        %add3A_73 = vector.broadcast %mul3A_72 : i32 to vector<16xi32>
        %add3A_74 = arith.addi %iota3A, %add3A_73 : vector<16xi32>
        %broadcast_in_dim3A_75 = arith.constant 0 : i32
        %broadcast_in_dim3A_76 = vector.broadcast %broadcast_in_dim3A_75 : i32 to vector<16xi32>
        tpu.vector_store_idx %arg15[%add3A_74], %broadcast_in_dim3A_76 : memref<768xi32, #tpu.memory_space<vmem>>[vector<16xi32>], vector<16xi32>,
        %scan3A_77 = arith.constant 0 : i32
        scf.yield %scan3A_77 : i32
      }
      %scan3A_32 = arith.constant 48 : i32
      %add3A_33 = arith.constant 15 : i32
      %add3A_34 = arith.addi %reduce_max3A_21, %add3A_33 : i32
      %min3A = arith.constant 768 : i32
      %min3A_35 = arith.minsi %add3A_34, %min3A : i32
      %jit3A = arith.constant 16 : i32
      %div3A = arith.divsi %min3A_35, %jit3A : i32
      %sign3A = arith.constant 0 : i32
      %sign3A_36 = arith.cmpi sgt, %min3A_35, %sign3A : i32
      %sign3A_37 = arith.extui %sign3A_36 : i1 to i32
      %sign3A_38 = arith.constant 0 : i32
      %sign3A_39 = arith.cmpi slt, %min3A_35, %sign3A_38 : i32
      %sign3A_40 = arith.extui %sign3A_39 : i1 to i32
      %sign3A_41 = arith.subi %sign3A_37, %sign3A_40 : i32
      %sign3A_42 = arith.constant 0 : i32
      %sign3A_43 = arith.cmpi sgt, %jit3A, %sign3A_42 : i32
      %sign3A_44 = arith.extui %sign3A_43 : i1 to i32
      %sign3A_45 = arith.constant 0 : i32
      %sign3A_46 = arith.cmpi slt, %jit3A, %sign3A_45 : i32
      %sign3A_47 = arith.extui %sign3A_46 : i1 to i32
      %sign3A_48 = arith.subi %sign3A_44, %sign3A_47 : i32
      %ne3A = arith.cmpi ne, %sign3A_41, %sign3A_48 : i32
      %rem3A = arith.remsi %min3A_35, %jit3A : i32
      %ne3A_49 = arith.constant 0 : i32
      %ne3A_50 = arith.cmpi ne, %rem3A, %ne3A_49 : i32
      %and3A = arith.andi %ne3A, %ne3A_50 : i1
      %sub3A = arith.constant 1 : i32
      %sub3A_51 = arith.subi %div3A, %sub3A : i32
      %select_n3A = arith.select %and3A, %sub3A_51, %div3A : i32
      %while3A = arith.constant 0 : i32
      %while3A_52 = arith.constant 0 : i32
      %while3A_53 = arith.subi %select_n3A, %while3A : i32
      %while3A_54 = arith.addi %while3A, %while3A_53 : i32
      %while3A_55 = arith.constant 1 : i32
      %while3A_56 = arith.divsi %while3A_53, %while3A_55 : i32
      %while3A_57 = arith.muli %while3A_56, %while3A_55 : i32
      %while3A_58 = arith.addi %while3A, %while3A_57 : i32
      %while3A_59 = arith.constant 1 : i32
      %while3A_60 = scf.for %while3A_64 = %while3A to %while3A_58 step %while3A_59 iter_args(%while3A_65 = %while3A_52) -> (i32)  : i32 {
        %mul3A_66 = arith.constant 16 : i32
        %mul3A_67 = arith.muli %while3A_64, %mul3A_66 : i32
        %get3A_68 = arith.index_cast %mul3A_67 : i32 to index
        %get3A_69 = tpu.vector_load %arg9[%get3A_68] {strides = array<i32>} : memref<784xi32, #tpu.memory_space<vmem>>, vector<16xi32>,
        %slice3A = vector.extract_strided_slice %get3A_69 {offsets = [0], sizes = [1], strides = [1]} : vector<16xi32> to vector<1xi32>
        %squeeze3A = vector.extract %slice3A[0] : i32 from vector<1xi32>
        %jit3A_70 = arith.constant 4 : i32
        %eq3A = arith.constant 0 : i32
        %eq3A_71 = arith.cmpi eq, %jit3A_70, %eq3A : i32
        %jit3A_72 = arith.constant 1 : i32
        %select_n3A_73 = arith.select %eq3A_71, %jit3A_72, %jit3A_70 : i32
        %rem3A_74 = arith.remsi %squeeze3A, %select_n3A_73 : i32
        %ne3A_75 = arith.constant 0 : i32
        %ne3A_76 = arith.cmpi ne, %rem3A_74, %ne3A_75 : i32
        %lt3A = arith.constant 0 : i32
        %lt3A_77 = arith.cmpi slt, %rem3A_74, %lt3A : i32
        %lt3A_78 = arith.constant 0 : i32
        %lt3A_79 = arith.cmpi slt, %select_n3A_73, %lt3A_78 : i32
        %ne3A_80 = arith.xori %lt3A_77, %lt3A_79 : i1
        %and3A_81 = arith.andi %ne3A_80, %ne3A_76 : i1
        %add3A_82 = arith.addi %rem3A_74, %select_n3A_73 : i32
        %select_n3A_83 = arith.select %and3A_81, %add3A_82, %rem3A_74 : i32
        %mul3A_84 = arith.constant 32 : i32
        %mul3A_85 = arith.muli %select_n3A_83, %mul3A_84 : i32
        %mul3A_86 = arith.constant 16 : i32
        %mul3A_87 = arith.muli %while3A_64, %mul3A_86 : i32
        %add3A_88 = arith.constant 0 : i32
        %add3A_89 = arith.addi %mul3A_87, %add3A_88 : i32
        %add3A_90 = arith.constant 0 : i32
        %add3A_91 = arith.addi %mul3A_85, %add3A_90 : i32
        %get3A_92 = arith.index_cast %add3A_89 : i32 to index
        %get3A_93 = arith.index_cast %add3A_91 : i32 to index
        %get3A_94 = tpu.vector_load %arg11[%get3A_92, %get3A_93] {strides = array<i32>} : memref<768x128xf32, #tpu.memory_space<vmem>>, vector<16xf32>,
        %mul3A_95 = arith.constant 32 : i32
        %mul3A_96 = arith.muli %squeeze3A, %mul3A_95 : i32
        %add3A_97 = arith.constant 0 : i32
        %add3A_98 = arith.addi %mul3A_96, %add3A_97 : i32
        %add3A_99 = vector.broadcast %add3A_98 : i32 to vector<16xi32>
        %add3A_100 = arith.addi %add3A_99, %iota3A : vector<16xi32>
        %ge3A = arith.cmpf oge, %get3A_94, %get3A_12 : vector<16xf32>
        %jit3A_101 = arith.constant 0xFF800000 : f32
        %broadcast_in_dim3A = vector.broadcast %jit3A_101 : f32 to vector<16xf32>
        %select_n3A_102 = arith.select %ge3A, %get3A_94, %broadcast_in_dim3A : vector<16xi1>, vector<16xf32>
        %masked_sort3A = arith.constant -2147483648 : i32
        %masked_sort3A_103 = vector.broadcast %masked_sort3A : i32 to vector<16xi32>
        %masked_sort3A_104 = arith.xori %add3A_100, %masked_sort3A_103 : vector<16xi32>
        %masked_sort3A_105, %masked_sort3A_106, %masked_sort3A_107 = tpu.sort %masked_sort3A_104, %select_n3A_102 masked %ge3A : (vector<16xi32>, vector<16xf32>, vector<16xi1>) -> (vector<16xi1>, vector<16xi32>, vector<16xf32>)
        %masked_sort3A_108 = arith.xori %masked_sort3A_106, %masked_sort3A_103 : vector<16xi32>
        %add3A_109 = vector.broadcast %while3A_65 : i32 to vector<16xi32>
        %add3A_110 = arith.addi %add3A_109, %iota3A : vector<16xi32>
        tpu.vector_store_idx %arg14[%add3A_110], %masked_sort3A_107 : memref<768xf32, #tpu.memory_space<vmem>>[vector<16xi32>], vector<16xf32>,
        %add3A_111 = vector.broadcast %while3A_65 : i32 to vector<16xi32>
        %add3A_112 = arith.addi %add3A_111, %iota3A : vector<16xi32>
        tpu.vector_store_idx %arg15[%add3A_112], %masked_sort3A_108 : memref<768xi32, #tpu.memory_space<vmem>>[vector<16xi32>], vector<16xi32>,
        %all_reduce_population_count3A = tpu.all_reduce %ge3A {dim = 0 : i64, kind = #tpu.reduction_kind<sum>} : vector<16xi1> -> vector<16xi32>
        %slice3A_113 = vector.extract_strided_slice %all_reduce_population_count3A {offsets = [0], sizes = [1], strides = [1]} : vector<16xi32> to vector<1xi32>
        %squeeze3A_114 = vector.extract %slice3A_113[0] : i32 from vector<1xi32>
        %add3A_115 = arith.addi %while3A_65, %squeeze3A_114 : i32
        %min3A_116 = arith.constant 752 : i32
        %min3A_117 = arith.minsi %add3A_115, %min3A_116 : i32
        %mul3A_118 = arith.constant 16 : i32
        %mul3A_119 = arith.muli %while3A_64, %mul3A_118 : i32
        %add3A_120 = arith.constant 0 : i32
        %add3A_121 = arith.addi %mul3A_119, %add3A_120 : i32
        %add3A_122 = arith.constant 16 : i32
        %add3A_123 = arith.addi %mul3A_85, %add3A_122 : i32
        %get3A_124 = arith.index_cast %add3A_121 : i32 to index
        %get3A_125 = arith.index_cast %add3A_123 : i32 to index
        %get3A_126 = tpu.vector_load %arg11[%get3A_124, %get3A_125] {strides = array<i32>} : memref<768x128xf32, #tpu.memory_space<vmem>>, vector<16xf32>,
        %mul3A_127 = arith.constant 32 : i32
        %mul3A_128 = arith.muli %squeeze3A, %mul3A_127 : i32
        %add3A_129 = arith.constant 16 : i32
        %add3A_130 = arith.addi %mul3A_128, %add3A_129 : i32
        %add3A_131 = vector.broadcast %add3A_130 : i32 to vector<16xi32>
        %add3A_132 = arith.addi %add3A_131, %iota3A : vector<16xi32>
        %ge3A_133 = arith.cmpf oge, %get3A_126, %get3A_12 : vector<16xf32>
        %jit3A_134 = arith.constant 0xFF800000 : f32
        %broadcast_in_dim3A_135 = vector.broadcast %jit3A_134 : f32 to vector<16xf32>
        %select_n3A_136 = arith.select %ge3A_133, %get3A_126, %broadcast_in_dim3A_135 : vector<16xi1>, vector<16xf32>
        %masked_sort3A_137 = arith.constant -2147483648 : i32
        %masked_sort3A_138 = vector.broadcast %masked_sort3A_137 : i32 to vector<16xi32>
        %masked_sort3A_139 = arith.xori %add3A_132, %masked_sort3A_138 : vector<16xi32>
        %masked_sort3A_140, %masked_sort3A_141, %masked_sort3A_142 = tpu.sort %masked_sort3A_139, %select_n3A_136 masked %ge3A_133 : (vector<16xi32>, vector<16xf32>, vector<16xi1>) -> (vector<16xi1>, vector<16xi32>, vector<16xf32>)
        %masked_sort3A_143 = arith.xori %masked_sort3A_141, %masked_sort3A_138 : vector<16xi32>
        %add3A_144 = vector.broadcast %min3A_117 : i32 to vector<16xi32>
        %add3A_145 = arith.addi %add3A_144, %iota3A : vector<16xi32>
        tpu.vector_store_idx %arg14[%add3A_145], %masked_sort3A_142 : memref<768xf32, #tpu.memory_space<vmem>>[vector<16xi32>], vector<16xf32>,
        %add3A_146 = vector.broadcast %min3A_117 : i32 to vector<16xi32>
        %add3A_147 = arith.addi %add3A_146, %iota3A : vector<16xi32>
        tpu.vector_store_idx %arg15[%add3A_147], %masked_sort3A_143 : memref<768xi32, #tpu.memory_space<vmem>>[vector<16xi32>], vector<16xi32>,
        %all_reduce_population_count3A_148 = tpu.all_reduce %ge3A_133 {dim = 0 : i64, kind = #tpu.reduction_kind<sum>} : vector<16xi1> -> vector<16xi32>
        %slice3A_149 = vector.extract_strided_slice %all_reduce_population_count3A_148 {offsets = [0], sizes = [1], strides = [1]} : vector<16xi32> to vector<1xi32>
        %squeeze3A_150 = vector.extract %slice3A_149[0] : i32 from vector<1xi32>
        %add3A_151 = arith.addi %min3A_117, %squeeze3A_150 : i32
        %min3A_152 = arith.constant 752 : i32
        %min3A_153 = arith.minsi %add3A_151, %min3A_152 : i32
        %slice3A_154 = vector.extract_strided_slice %get3A_69 {offsets = [1], sizes = [1], strides = [1]} : vector<16xi32> to vector<1xi32>
        %squeeze3A_155 = vector.extract %slice3A_154[0] : i32 from vector<1xi32>
        %jit3A_156 = arith.constant 4 : i32
        %eq3A_157 = arith.constant 0 : i32
        %eq3A_158 = arith.cmpi eq, %jit3A_156, %eq3A_157 : i32
        %jit3A_159 = arith.constant 1 : i32
        %select_n3A_160 = arith.select %eq3A_158, %jit3A_159, %jit3A_156 : i32
        %rem3A_161 = arith.remsi %squeeze3A_155, %select_n3A_160 : i32
        %ne3A_162 = arith.constant 0 : i32
        %ne3A_163 = arith.cmpi ne, %rem3A_161, %ne3A_162 : i32
        %lt3A_164 = arith.constant 0 : i32
        %lt3A_165 = arith.cmpi slt, %rem3A_161, %lt3A_164 : i32
        %lt3A_166 = arith.constant 0 : i32
        %lt3A_167 = arith.cmpi slt, %select_n3A_160, %lt3A_166 : i32
        %ne3A_168 = arith.xori %lt3A_165, %lt3A_167 : i1
        %and3A_169 = arith.andi %ne3A_168, %ne3A_163 : i1
        %add3A_170 = arith.addi %rem3A_161, %select_n3A_160 : i32
        %select_n3A_171 = arith.select %and3A_169, %add3A_170, %rem3A_161 : i32
        %mul3A_172 = arith.constant 32 : i32
        %mul3A_173 = arith.muli %select_n3A_171, %mul3A_172 : i32
        %mul3A_174 = arith.constant 16 : i32
        %mul3A_175 = arith.muli %while3A_64, %mul3A_174 : i32
        %add3A_176 = arith.constant 1 : i32
        %add3A_177 = arith.addi %mul3A_175, %add3A_176 : i32
        %add3A_178 = arith.constant 0 : i32
        %add3A_179 = arith.addi %mul3A_173, %add3A_178 : i32
        %get3A_180 = arith.index_cast %add3A_177 : i32 to index
        %get3A_181 = arith.index_cast %add3A_179 : i32 to index
        %get3A_182 = tpu.vector_load %arg11[%get3A_180, %get3A_181] {strides = array<i32>} : memref<768x128xf32, #tpu.memory_space<vmem>>, vector<16xf32>,
        %mul3A_183 = arith.constant 32 : i32
        %mul3A_184 = arith.muli %squeeze3A_155, %mul3A_183 : i32
        %add3A_185 = arith.constant 0 : i32
        %add3A_186 = arith.addi %mul3A_184, %add3A_185 : i32
        %add3A_187 = vector.broadcast %add3A_186 : i32 to vector<16xi32>
        %add3A_188 = arith.addi %add3A_187, %iota3A : vector<16xi32>
        %ge3A_189 = arith.cmpf oge, %get3A_182, %get3A_12 : vector<16xf32>
        %jit3A_190 = arith.constant 0xFF800000 : f32
        %broadcast_in_dim3A_191 = vector.broadcast %jit3A_190 : f32 to vector<16xf32>
        %select_n3A_192 = arith.select %ge3A_189, %get3A_182, %broadcast_in_dim3A_191 : vector<16xi1>, vector<16xf32>
        %masked_sort3A_193 = arith.constant -2147483648 : i32
        %masked_sort3A_194 = vector.broadcast %masked_sort3A_193 : i32 to vector<16xi32>
        %masked_sort3A_195 = arith.xori %add3A_188, %masked_sort3A_194 : vector<16xi32>
        %masked_sort3A_196, %masked_sort3A_197, %masked_sort3A_198 = tpu.sort %masked_sort3A_195, %select_n3A_192 masked %ge3A_189 : (vector<16xi32>, vector<16xf32>, vector<16xi1>) -> (vector<16xi1>, vector<16xi32>, vector<16xf32>)
        %masked_sort3A_199 = arith.xori %masked_sort3A_197, %masked_sort3A_194 : vector<16xi32>
        %add3A_200 = vector.broadcast %min3A_153 : i32 to vector<16xi32>
        %add3A_201 = arith.addi %add3A_200, %iota3A : vector<16xi32>
        tpu.vector_store_idx %arg14[%add3A_201], %masked_sort3A_198 : memref<768xf32, #tpu.memory_space<vmem>>[vector<16xi32>], vector<16xf32>,
        %add3A_202 = vector.broadcast %min3A_153 : i32 to vector<16xi32>
        %add3A_203 = arith.addi %add3A_202, %iota3A : vector<16xi32>
        tpu.vector_store_idx %arg15[%add3A_203], %masked_sort3A_199 : memref<768xi32, #tpu.memory_space<vmem>>[vector<16xi32>], vector<16xi32>,
        %all_reduce_population_count3A_204 = tpu.all_reduce %ge3A_189 {dim = 0 : i64, kind = #tpu.reduction_kind<sum>} : vector<16xi1> -> vector<16xi32>
        %slice3A_205 = vector.extract_strided_slice %all_reduce_population_count3A_204 {offsets = [0], sizes = [1], strides = [1]} : vector<16xi32> to vector<1xi32>
        %squeeze3A_206 = vector.extract %slice3A_205[0] : i32 from vector<1xi32>
        %add3A_207 = arith.addi %min3A_153, %squeeze3A_206 : i32
        %min3A_208 = arith.constant 752 : i32
        %min3A_209 = arith.minsi %add3A_207, %min3A_208 : i32
        %mul3A_210 = arith.constant 16 : i32
        %mul3A_211 = arith.muli %while3A_64, %mul3A_210 : i32
        %add3A_212 = arith.constant 1 : i32
        %add3A_213 = arith.addi %mul3A_211, %add3A_212 : i32
        %add3A_214 = arith.constant 16 : i32
        %add3A_215 = arith.addi %mul3A_173, %add3A_214 : i32
        %get3A_216 = arith.index_cast %add3A_213 : i32 to index
        %get3A_217 = arith.index_cast %add3A_215 : i32 to index
        %get3A_218 = tpu.vector_load %arg11[%get3A_216, %get3A_217] {strides = array<i32>} : memref<768x128xf32, #tpu.memory_space<vmem>>, vector<16xf32>,
        %mul3A_219 = arith.constant 32 : i32
        %mul3A_220 = arith.muli %squeeze3A_155, %mul3A_219 : i32
        %add3A_221 = arith.constant 16 : i32
        %add3A_222 = arith.addi %mul3A_220, %add3A_221 : i32
        %add3A_223 = vector.broadcast %add3A_222 : i32 to vector<16xi32>
        %add3A_224 = arith.addi %add3A_223, %iota3A : vector<16xi32>
        %ge3A_225 = arith.cmpf oge, %get3A_218, %get3A_12 : vector<16xf32>
        %jit3A_226 = arith.constant 0xFF800000 : f32
        %broadcast_in_dim3A_227 = vector.broadcast %jit3A_226 : f32 to vector<16xf32>
        %select_n3A_228 = arith.select %ge3A_225, %get3A_218, %broadcast_in_dim3A_227 : vector<16xi1>, vector<16xf32>
        %masked_sort3A_229 = arith.constant -2147483648 : i32
        %masked_sort3A_230 = vector.broadcast %masked_sort3A_229 : i32 to vector<16xi32>
        %masked_sort3A_231 = arith.xori %add3A_224, %masked_sort3A_230 : vector<16xi32>
        %masked_sort3A_232, %masked_sort3A_233, %masked_sort3A_234 = tpu.sort %masked_sort3A_231, %select_n3A_228 masked %ge3A_225 : (vector<16xi32>, vector<16xf32>, vector<16xi1>) -> (vector<16xi1>, vector<16xi32>, vector<16xf32>)
        %masked_sort3A_235 = arith.xori %masked_sort3A_233, %masked_sort3A_230 : vector<16xi32>
        %add3A_236 = vector.broadcast %min3A_209 : i32 to vector<16xi32>
        %add3A_237 = arith.addi %add3A_236, %iota3A : vector<16xi32>
        tpu.vector_store_idx %arg14[%add3A_237], %masked_sort3A_234 : memref<768xf32, #tpu.memory_space<vmem>>[vector<16xi32>], vector<16xf32>,
        %add3A_238 = vector.broadcast %min3A_209 : i32 to vector<16xi32>
        %add3A_239 = arith.addi %add3A_238, %iota3A : vector<16xi32>
        tpu.vector_store_idx %arg15[%add3A_239], %masked_sort3A_235 : memref<768xi32, #tpu.memory_space<vmem>>[vector<16xi32>], vector<16xi32>,
        %all_reduce_population_count3A_240 = tpu.all_reduce %ge3A_225 {dim = 0 : i64, kind = #tpu.reduction_kind<sum>} : vector<16xi1> -> vector<16xi32>
        %slice3A_241 = vector.extract_strided_slice %all_reduce_population_count3A_240 {offsets = [0], sizes = [1], strides = [1]} : vector<16xi32> to vector<1xi32>
        %squeeze3A_242 = vector.extract %slice3A_241[0] : i32 from vector<1xi32>
        %add3A_243 = arith.addi %min3A_209, %squeeze3A_242 : i32
        %min3A_244 = arith.constant 752 : i32
        %min3A_245 = arith.minsi %add3A_243, %min3A_244 : i32
        %slice3A_246 = vector.extract_strided_slice %get3A_69 {offsets = [2], sizes = [1], strides = [1]} : vector<16xi32> to vector<1xi32>
        %squeeze3A_247 = vector.extract %slice3A_246[0] : i32 from vector<1xi32>
        %jit3A_248 = arith.constant 4 : i32
        %eq3A_249 = arith.constant 0 : i32
        %eq3A_250 = arith.cmpi eq, %jit3A_248, %eq3A_249 : i32
        %jit3A_251 = arith.constant 1 : i32
        %select_n3A_252 = arith.select %eq3A_250, %jit3A_251, %jit3A_248 : i32
        %rem3A_253 = arith.remsi %squeeze3A_247, %select_n3A_252 : i32
        %ne3A_254 = arith.constant 0 : i32
        %ne3A_255 = arith.cmpi ne, %rem3A_253, %ne3A_254 : i32
        %lt3A_256 = arith.constant 0 : i32
        %lt3A_257 = arith.cmpi slt, %rem3A_253, %lt3A_256 : i32
        %lt3A_258 = arith.constant 0 : i32
        %lt3A_259 = arith.cmpi slt, %select_n3A_252, %lt3A_258 : i32
        %ne3A_260 = arith.xori %lt3A_257, %lt3A_259 : i1
        %and3A_261 = arith.andi %ne3A_260, %ne3A_255 : i1
        %add3A_262 = arith.addi %rem3A_253, %select_n3A_252 : i32
        %select_n3A_263 = arith.select %and3A_261, %add3A_262, %rem3A_253 : i32
        %mul3A_264 = arith.constant 32 : i32
        %mul3A_265 = arith.muli %select_n3A_263, %mul3A_264 : i32
        %mul3A_266 = arith.constant 16 : i32
        %mul3A_267 = arith.muli %while3A_64, %mul3A_266 : i32
        %add3A_268 = arith.constant 2 : i32
        %add3A_269 = arith.addi %mul3A_267, %add3A_268 : i32
        %add3A_270 = arith.constant 0 : i32
        %add3A_271 = arith.addi %mul3A_265, %add3A_270 : i32
        %get3A_272 = arith.index_cast %add3A_269 : i32 to index
        %get3A_273 = arith.index_cast %add3A_271 : i32 to index
        %get3A_274 = tpu.vector_load %arg11[%get3A_272, %get3A_273] {strides = array<i32>} : memref<768x128xf32, #tpu.memory_space<vmem>>, vector<16xf32>,
        %mul3A_275 = arith.constant 32 : i32
        %mul3A_276 = arith.muli %squeeze3A_247, %mul3A_275 : i32
        %add3A_277 = arith.constant 0 : i32
        %add3A_278 = arith.addi %mul3A_276, %add3A_277 : i32
        %add3A_279 = vector.broadcast %add3A_278 : i32 to vector<16xi32>
        %add3A_280 = arith.addi %add3A_279, %iota3A : vector<16xi32>
        %ge3A_281 = arith.cmpf oge, %get3A_274, %get3A_12 : vector<16xf32>
        %jit3A_282 = arith.constant 0xFF800000 : f32
        %broadcast_in_dim3A_283 = vector.broadcast %jit3A_282 : f32 to vector<16xf32>
        %select_n3A_284 = arith.select %ge3A_281, %get3A_274, %broadcast_in_dim3A_283 : vector<16xi1>, vector<16xf32>
        %masked_sort3A_285 = arith.constant -2147483648 : i32
        %masked_sort3A_286 = vector.broadcast %masked_sort3A_285 : i32 to vector<16xi32>
        %masked_sort3A_287 = arith.xori %add3A_280, %masked_sort3A_286 : vector<16xi32>
        %masked_sort3A_288, %masked_sort3A_289, %masked_sort3A_290 = tpu.sort %masked_sort3A_287, %select_n3A_284 masked %ge3A_281 : (vector<16xi32>, vector<16xf32>, vector<16xi1>) -> (vector<16xi1>, vector<16xi32>, vector<16xf32>)
        %masked_sort3A_291 = arith.xori %masked_sort3A_289, %masked_sort3A_286 : vector<16xi32>
        %add3A_292 = vector.broadcast %min3A_245 : i32 to vector<16xi32>
        %add3A_293 = arith.addi %add3A_292, %iota3A : vector<16xi32>
        tpu.vector_store_idx %arg14[%add3A_293], %masked_sort3A_290 : memref<768xf32, #tpu.memory_space<vmem>>[vector<16xi32>], vector<16xf32>,
        %add3A_294 = vector.broadcast %min3A_245 : i32 to vector<16xi32>
        %add3A_295 = arith.addi %add3A_294, %iota3A : vector<16xi32>
        tpu.vector_store_idx %arg15[%add3A_295], %masked_sort3A_291 : memref<768xi32, #tpu.memory_space<vmem>>[vector<16xi32>], vector<16xi32>,
        %all_reduce_population_count3A_296 = tpu.all_reduce %ge3A_281 {dim = 0 : i64, kind = #tpu.reduction_kind<sum>} : vector<16xi1> -> vector<16xi32>
        %slice3A_297 = vector.extract_strided_slice %all_reduce_population_count3A_296 {offsets = [0], sizes = [1], strides = [1]} : vector<16xi32> to vector<1xi32>
        %squeeze3A_298 = vector.extract %slice3A_297[0] : i32 from vector<1xi32>
        %add3A_299 = arith.addi %min3A_245, %squeeze3A_298 : i32
        %min3A_300 = arith.constant 752 : i32
        %min3A_301 = arith.minsi %add3A_299, %min3A_300 : i32
        %mul3A_302 = arith.constant 16 : i32
        %mul3A_303 = arith.muli %while3A_64, %mul3A_302 : i32
        %add3A_304 = arith.constant 2 : i32
        %add3A_305 = arith.addi %mul3A_303, %add3A_304 : i32
        %add3A_306 = arith.constant 16 : i32
        %add3A_307 = arith.addi %mul3A_265, %add3A_306 : i32
        %get3A_308 = arith.index_cast %add3A_305 : i32 to index
        %get3A_309 = arith.index_cast %add3A_307 : i32 to index
        %get3A_310 = tpu.vector_load %arg11[%get3A_308, %get3A_309] {strides = array<i32>} : memref<768x128xf32, #tpu.memory_space<vmem>>, vector<16xf32>,
        %mul3A_311 = arith.constant 32 : i32
        %mul3A_312 = arith.muli %squeeze3A_247, %mul3A_311 : i32
        %add3A_313 = arith.constant 16 : i32
        %add3A_314 = arith.addi %mul3A_312, %add3A_313 : i32
        %add3A_315 = vector.broadcast %add3A_314 : i32 to vector<16xi32>
        %add3A_316 = arith.addi %add3A_315, %iota3A : vector<16xi32>
        %ge3A_317 = arith.cmpf oge, %get3A_310, %get3A_12 : vector<16xf32>
        %jit3A_318 = arith.constant 0xFF800000 : f32
        %broadcast_in_dim3A_319 = vector.broadcast %jit3A_318 : f32 to vector<16xf32>
        %select_n3A_320 = arith.select %ge3A_317, %get3A_310, %broadcast_in_dim3A_319 : vector<16xi1>, vector<16xf32>
        %masked_sort3A_321 = arith.constant -2147483648 : i32
        %masked_sort3A_322 = vector.broadcast %masked_sort3A_321 : i32 to vector<16xi32>
        %masked_sort3A_323 = arith.xori %add3A_316, %masked_sort3A_322 : vector<16xi32>
        %masked_sort3A_324, %masked_sort3A_325, %masked_sort3A_326 = tpu.sort %masked_sort3A_323, %select_n3A_320 masked %ge3A_317 : (vector<16xi32>, vector<16xf32>, vector<16xi1>) -> (vector<16xi1>, vector<16xi32>, vector<16xf32>)
        %masked_sort3A_327 = arith.xori %masked_sort3A_325, %masked_sort3A_322 : vector<16xi32>
        %add3A_328 = vector.broadcast %min3A_301 : i32 to vector<16xi32>
        %add3A_329 = arith.addi %add3A_328, %iota3A : vector<16xi32>
        tpu.vector_store_idx %arg14[%add3A_329], %masked_sort3A_326 : memref<768xf32, #tpu.memory_space<vmem>>[vector<16xi32>], vector<16xf32>,
        %add3A_330 = vector.broadcast %min3A_301 : i32 to vector<16xi32>
        %add3A_331 = arith.addi %add3A_330, %iota3A : vector<16xi32>
        tpu.vector_store_idx %arg15[%add3A_331], %masked_sort3A_327 : memref<768xi32, #tpu.memory_space<vmem>>[vector<16xi32>], vector<16xi32>,
        %all_reduce_population_count3A_332 = tpu.all_reduce %ge3A_317 {dim = 0 : i64, kind = #tpu.reduction_kind<sum>} : vector<16xi1> -> vector<16xi32>
        %slice3A_333 = vector.extract_strided_slice %all_reduce_population_count3A_332 {offsets = [0], sizes = [1], strides = [1]} : vector<16xi32> to vector<1xi32>
        %squeeze3A_334 = vector.extract %slice3A_333[0] : i32 from vector<1xi32>
        %add3A_335 = arith.addi %min3A_301, %squeeze3A_334 : i32
        %min3A_336 = arith.constant 752 : i32
        %min3A_337 = arith.minsi %add3A_335, %min3A_336 : i32
        %slice3A_338 = vector.extract_strided_slice %get3A_69 {offsets = [3], sizes = [1], strides = [1]} : vector<16xi32> to vector<1xi32>
        %squeeze3A_339 = vector.extract %slice3A_338[0] : i32 from vector<1xi32>
        %jit3A_340 = arith.constant 4 : i32
        %eq3A_341 = arith.constant 0 : i32
        %eq3A_342 = arith.cmpi eq, %jit3A_340, %eq3A_341 : i32
        %jit3A_343 = arith.constant 1 : i32
        %select_n3A_344 = arith.select %eq3A_342, %jit3A_343, %jit3A_340 : i32
        %rem3A_345 = arith.remsi %squeeze3A_339, %select_n3A_344 : i32
        %ne3A_346 = arith.constant 0 : i32
        %ne3A_347 = arith.cmpi ne, %rem3A_345, %ne3A_346 : i32
        %lt3A_348 = arith.constant 0 : i32
        %lt3A_349 = arith.cmpi slt, %rem3A_345, %lt3A_348 : i32
        %lt3A_350 = arith.constant 0 : i32
        %lt3A_351 = arith.cmpi slt, %select_n3A_344, %lt3A_350 : i32
        %ne3A_352 = arith.xori %lt3A_349, %lt3A_351 : i1
        %and3A_353 = arith.andi %ne3A_352, %ne3A_347 : i1
        %add3A_354 = arith.addi %rem3A_345, %select_n3A_344 : i32
        %select_n3A_355 = arith.select %and3A_353, %add3A_354, %rem3A_345 : i32
        %mul3A_356 = arith.constant 32 : i32
        %mul3A_357 = arith.muli %select_n3A_355, %mul3A_356 : i32
        %mul3A_358 = arith.constant 16 : i32
        %mul3A_359 = arith.muli %while3A_64, %mul3A_358 : i32
        %add3A_360 = arith.constant 3 : i32
        %add3A_361 = arith.addi %mul3A_359, %add3A_360 : i32
        %add3A_362 = arith.constant 0 : i32
        %add3A_363 = arith.addi %mul3A_357, %add3A_362 : i32
        %get3A_364 = arith.index_cast %add3A_361 : i32 to index
        %get3A_365 = arith.index_cast %add3A_363 : i32 to index
        %get3A_366 = tpu.vector_load %arg11[%get3A_364, %get3A_365] {strides = array<i32>} : memref<768x128xf32, #tpu.memory_space<vmem>>, vector<16xf32>,
        %mul3A_367 = arith.constant 32 : i32
        %mul3A_368 = arith.muli %squeeze3A_339, %mul3A_367 : i32
        %add3A_369 = arith.constant 0 : i32
        %add3A_370 = arith.addi %mul3A_368, %add3A_369 : i32
        %add3A_371 = vector.broadcast %add3A_370 : i32 to vector<16xi32>
        %add3A_372 = arith.addi %add3A_371, %iota3A : vector<16xi32>
        %ge3A_373 = arith.cmpf oge, %get3A_366, %get3A_12 : vector<16xf32>
        %jit3A_374 = arith.constant 0xFF800000 : f32
        %broadcast_in_dim3A_375 = vector.broadcast %jit3A_374 : f32 to vector<16xf32>
        %select_n3A_376 = arith.select %ge3A_373, %get3A_366, %broadcast_in_dim3A_375 : vector<16xi1>, vector<16xf32>
        %masked_sort3A_377 = arith.constant -2147483648 : i32
        %masked_sort3A_378 = vector.broadcast %masked_sort3A_377 : i32 to vector<16xi32>
        %masked_sort3A_379 = arith.xori %add3A_372, %masked_sort3A_378 : vector<16xi32>
        %masked_sort3A_380, %masked_sort3A_381, %masked_sort3A_382 = tpu.sort %masked_sort3A_379, %select_n3A_376 masked %ge3A_373 : (vector<16xi32>, vector<16xf32>, vector<16xi1>) -> (vector<16xi1>, vector<16xi32>, vector<16xf32>)
        %masked_sort3A_383 = arith.xori %masked_sort3A_381, %masked_sort3A_378 : vector<16xi32>
        %add3A_384 = vector.broadcast %min3A_337 : i32 to vector<16xi32>
        %add3A_385 = arith.addi %add3A_384, %iota3A : vector<16xi32>
        tpu.vector_store_idx %arg14[%add3A_385], %masked_sort3A_382 : memref<768xf32, #tpu.memory_space<vmem>>[vector<16xi32>], vector<16xf32>,
        %add3A_386 = vector.broadcast %min3A_337 : i32 to vector<16xi32>
        %add3A_387 = arith.addi %add3A_386, %iota3A : vector<16xi32>
        tpu.vector_store_idx %arg15[%add3A_387], %masked_sort3A_383 : memref<768xi32, #tpu.memory_space<vmem>>[vector<16xi32>], vector<16xi32>,
        %all_reduce_population_count3A_388 = tpu.all_reduce %ge3A_373 {dim = 0 : i64, kind = #tpu.reduction_kind<sum>} : vector<16xi1> -> vector<16xi32>
        %slice3A_389 = vector.extract_strided_slice %all_reduce_population_count3A_388 {offsets = [0], sizes = [1], strides = [1]} : vector<16xi32> to vector<1xi32>
        %squeeze3A_390 = vector.extract %slice3A_389[0] : i32 from vector<1xi32>
        %add3A_391 = arith.addi %min3A_337, %squeeze3A_390 : i32
        %min3A_392 = arith.constant 752 : i32
        %min3A_393 = arith.minsi %add3A_391, %min3A_392 : i32
        %mul3A_394 = arith.constant 16 : i32
        %mul3A_395 = arith.muli %while3A_64, %mul3A_394 : i32
        %add3A_396 = arith.constant 3 : i32
        %add3A_397 = arith.addi %mul3A_395, %add3A_396 : i32
        %add3A_398 = arith.constant 16 : i32
        %add3A_399 = arith.addi %mul3A_357, %add3A_398 : i32
        %get3A_400 = arith.index_cast %add3A_397 : i32 to index
        %get3A_401 = arith.index_cast %add3A_399 : i32 to index
        %get3A_402 = tpu.vector_load %arg11[%get3A_400, %get3A_401] {strides = array<i32>} : memref<768x128xf32, #tpu.memory_space<vmem>>, vector<16xf32>,
        %mul3A_403 = arith.constant 32 : i32
        %mul3A_404 = arith.muli %squeeze3A_339, %mul3A_403 : i32
        %add3A_405 = arith.constant 16 : i32
        %add3A_406 = arith.addi %mul3A_404, %add3A_405 : i32
        %add3A_407 = vector.broadcast %add3A_406 : i32 to vector<16xi32>
        %add3A_408 = arith.addi %add3A_407, %iota3A : vector<16xi32>
        %ge3A_409 = arith.cmpf oge, %get3A_402, %get3A_12 : vector<16xf32>
        %jit3A_410 = arith.constant 0xFF800000 : f32
        %broadcast_in_dim3A_411 = vector.broadcast %jit3A_410 : f32 to vector<16xf32>
        %select_n3A_412 = arith.select %ge3A_409, %get3A_402, %broadcast_in_dim3A_411 : vector<16xi1>, vector<16xf32>
        %masked_sort3A_413 = arith.constant -2147483648 : i32
        %masked_sort3A_414 = vector.broadcast %masked_sort3A_413 : i32 to vector<16xi32>
        %masked_sort3A_415 = arith.xori %add3A_408, %masked_sort3A_414 : vector<16xi32>
        %masked_sort3A_416, %masked_sort3A_417, %masked_sort3A_418 = tpu.sort %masked_sort3A_415, %select_n3A_412 masked %ge3A_409 : (vector<16xi32>, vector<16xf32>, vector<16xi1>) -> (vector<16xi1>, vector<16xi32>, vector<16xf32>)
        %masked_sort3A_419 = arith.xori %masked_sort3A_417, %masked_sort3A_414 : vector<16xi32>
        %add3A_420 = vector.broadcast %min3A_393 : i32 to vector<16xi32>
        %add3A_421 = arith.addi %add3A_420, %iota3A : vector<16xi32>
        tpu.vector_store_idx %arg14[%add3A_421], %masked_sort3A_418 : memref<768xf32, #tpu.memory_space<vmem>>[vector<16xi32>], vector<16xf32>,
        %add3A_422 = vector.broadcast %min3A_393 : i32 to vector<16xi32>
        %add3A_423 = arith.addi %add3A_422, %iota3A : vector<16xi32>
        tpu.vector_store_idx %arg15[%add3A_423], %masked_sort3A_419 : memref<768xi32, #tpu.memory_space<vmem>>[vector<16xi32>], vector<16xi32>,
        %all_reduce_population_count3A_424 = tpu.all_reduce %ge3A_409 {dim = 0 : i64, kind = #tpu.reduction_kind<sum>} : vector<16xi1> -> vector<16xi32>
        %slice3A_425 = vector.extract_strided_slice %all_reduce_population_count3A_424 {offsets = [0], sizes = [1], strides = [1]} : vector<16xi32> to vector<1xi32>
        %squeeze3A_426 = vector.extract %slice3A_425[0] : i32 from vector<1xi32>
        %add3A_427 = arith.addi %min3A_393, %squeeze3A_426 : i32
        %min3A_428 = arith.constant 752 : i32
        %min3A_429 = arith.minsi %add3A_427, %min3A_428 : i32
        %slice3A_430 = vector.extract_strided_slice %get3A_69 {offsets = [4], sizes = [1], strides = [1]} : vector<16xi32> to vector<1xi32>
        %squeeze3A_431 = vector.extract %slice3A_430[0] : i32 from vector<1xi32>
        %jit3A_432 = arith.constant 4 : i32
        %eq3A_433 = arith.constant 0 : i32
        %eq3A_434 = arith.cmpi eq, %jit3A_432, %eq3A_433 : i32
        %jit3A_435 = arith.constant 1 : i32
        %select_n3A_436 = arith.select %eq3A_434, %jit3A_435, %jit3A_432 : i32
        %rem3A_437 = arith.remsi %squeeze3A_431, %select_n3A_436 : i32
        %ne3A_438 = arith.constant 0 : i32
        %ne3A_439 = arith.cmpi ne, %rem3A_437, %ne3A_438 : i32
        %lt3A_440 = arith.constant 0 : i32
        %lt3A_441 = arith.cmpi slt, %rem3A_437, %lt3A_440 : i32
        %lt3A_442 = arith.constant 0 : i32
        %lt3A_443 = arith.cmpi slt, %select_n3A_436, %lt3A_442 : i32
        %ne3A_444 = arith.xori %lt3A_441, %lt3A_443 : i1
        %and3A_445 = arith.andi %ne3A_444, %ne3A_439 : i1
        %add3A_446 = arith.addi %rem3A_437, %select_n3A_436 : i32
        %select_n3A_447 = arith.select %and3A_445, %add3A_446, %rem3A_437 : i32
        %mul3A_448 = arith.constant 32 : i32
        %mul3A_449 = arith.muli %select_n3A_447, %mul3A_448 : i32
        %mul3A_450 = arith.constant 16 : i32
        %mul3A_451 = arith.muli %while3A_64, %mul3A_450 : i32
        %add3A_452 = arith.constant 4 : i32
        %add3A_453 = arith.addi %mul3A_451, %add3A_452 : i32
        %add3A_454 = arith.constant 0 : i32
        %add3A_455 = arith.addi %mul3A_449, %add3A_454 : i32
        %get3A_456 = arith.index_cast %add3A_453 : i32 to index
        %get3A_457 = arith.index_cast %add3A_455 : i32 to index
        %get3A_458 = tpu.vector_load %arg11[%get3A_456, %get3A_457] {strides = array<i32>} : memref<768x128xf32, #tpu.memory_space<vmem>>, vector<16xf32>,
        %mul3A_459 = arith.constant 32 : i32
        %mul3A_460 = arith.muli %squeeze3A_431, %mul3A_459 : i32
        %add3A_461 = arith.constant 0 : i32
        %add3A_462 = arith.addi %mul3A_460, %add3A_461 : i32
        %add3A_463 = vector.broadcast %add3A_462 : i32 to vector<16xi32>
        %add3A_464 = arith.addi %add3A_463, %iota3A : vector<16xi32>
        %ge3A_465 = arith.cmpf oge, %get3A_458, %get3A_12 : vector<16xf32>
        %jit3A_466 = arith.constant 0xFF800000 : f32
        %broadcast_in_dim3A_467 = vector.broadcast %jit3A_466 : f32 to vector<16xf32>
        %select_n3A_468 = arith.select %ge3A_465, %get3A_458, %broadcast_in_dim3A_467 : vector<16xi1>, vector<16xf32>
        %masked_sort3A_469 = arith.constant -2147483648 : i32
        %masked_sort3A_470 = vector.broadcast %masked_sort3A_469 : i32 to vector<16xi32>
        %masked_sort3A_471 = arith.xori %add3A_464, %masked_sort3A_470 : vector<16xi32>
        %masked_sort3A_472, %masked_sort3A_473, %masked_sort3A_474 = tpu.sort %masked_sort3A_471, %select_n3A_468 masked %ge3A_465 : (vector<16xi32>, vector<16xf32>, vector<16xi1>) -> (vector<16xi1>, vector<16xi32>, vector<16xf32>)
        %masked_sort3A_475 = arith.xori %masked_sort3A_473, %masked_sort3A_470 : vector<16xi32>
        %add3A_476 = vector.broadcast %min3A_429 : i32 to vector<16xi32>
        %add3A_477 = arith.addi %add3A_476, %iota3A : vector<16xi32>
        tpu.vector_store_idx %arg14[%add3A_477], %masked_sort3A_474 : memref<768xf32, #tpu.memory_space<vmem>>[vector<16xi32>], vector<16xf32>,
        %add3A_478 = vector.broadcast %min3A_429 : i32 to vector<16xi32>
        %add3A_479 = arith.addi %add3A_478, %iota3A : vector<16xi32>
        tpu.vector_store_idx %arg15[%add3A_479], %masked_sort3A_475 : memref<768xi32, #tpu.memory_space<vmem>>[vector<16xi32>], vector<16xi32>,
        %all_reduce_population_count3A_480 = tpu.all_reduce %ge3A_465 {dim = 0 : i64, kind = #tpu.reduction_kind<sum>} : vector<16xi1> -> vector<16xi32>
        %slice3A_481 = vector.extract_strided_slice %all_reduce_population_count3A_480 {offsets = [0], sizes = [1], strides = [1]} : vector<16xi32> to vector<1xi32>
        %squeeze3A_482 = vector.extract %slice3A_481[0] : i32 from vector<1xi32>
        %add3A_483 = arith.addi %min3A_429, %squeeze3A_482 : i32
        %min3A_484 = arith.constant 752 : i32
        %min3A_485 = arith.minsi %add3A_483, %min3A_484 : i32
        %mul3A_486 = arith.constant 16 : i32
        %mul3A_487 = arith.muli %while3A_64, %mul3A_486 : i32
        %add3A_488 = arith.constant 4 : i32
        %add3A_489 = arith.addi %mul3A_487, %add3A_488 : i32
        %add3A_490 = arith.constant 16 : i32
        %add3A_491 = arith.addi %mul3A_449, %add3A_490 : i32
        %get3A_492 = arith.index_cast %add3A_489 : i32 to index
        %get3A_493 = arith.index_cast %add3A_491 : i32 to index
        %get3A_494 = tpu.vector_load %arg11[%get3A_492, %get3A_493] {strides = array<i32>} : memref<768x128xf32, #tpu.memory_space<vmem>>, vector<16xf32>,
        %mul3A_495 = arith.constant 32 : i32
        %mul3A_496 = arith.muli %squeeze3A_431, %mul3A_495 : i32
        %add3A_497 = arith.constant 16 : i32
        %add3A_498 = arith.addi %mul3A_496, %add3A_497 : i32
        %add3A_499 = vector.broadcast %add3A_498 : i32 to vector<16xi32>
        %add3A_500 = arith.addi %add3A_499, %iota3A : vector<16xi32>
        %ge3A_501 = arith.cmpf oge, %get3A_494, %get3A_12 : vector<16xf32>
        %jit3A_502 = arith.constant 0xFF800000 : f32
        %broadcast_in_dim3A_503 = vector.broadcast %jit3A_502 : f32 to vector<16xf32>
        %select_n3A_504 = arith.select %ge3A_501, %get3A_494, %broadcast_in_dim3A_503 : vector<16xi1>, vector<16xf32>
        %masked_sort3A_505 = arith.constant -2147483648 : i32
        %masked_sort3A_506 = vector.broadcast %masked_sort3A_505 : i32 to vector<16xi32>
        %masked_sort3A_507 = arith.xori %add3A_500, %masked_sort3A_506 : vector<16xi32>
        %masked_sort3A_508, %masked_sort3A_509, %masked_sort3A_510 = tpu.sort %masked_sort3A_507, %select_n3A_504 masked %ge3A_501 : (vector<16xi32>, vector<16xf32>, vector<16xi1>) -> (vector<16xi1>, vector<16xi32>, vector<16xf32>)
        %masked_sort3A_511 = arith.xori %masked_sort3A_509, %masked_sort3A_506 : vector<16xi32>
        %add3A_512 = vector.broadcast %min3A_485 : i32 to vector<16xi32>
        %add3A_513 = arith.addi %add3A_512, %iota3A : vector<16xi32>
        tpu.vector_store_idx %arg14[%add3A_513], %masked_sort3A_510 : memref<768xf32, #tpu.memory_space<vmem>>[vector<16xi32>], vector<16xf32>,
        %add3A_514 = vector.broadcast %min3A_485 : i32 to vector<16xi32>
        %add3A_515 = arith.addi %add3A_514, %iota3A : vector<16xi32>
        tpu.vector_store_idx %arg15[%add3A_515], %masked_sort3A_511 : memref<768xi32, #tpu.memory_space<vmem>>[vector<16xi32>], vector<16xi32>,
        %all_reduce_population_count3A_516 = tpu.all_reduce %ge3A_501 {dim = 0 : i64, kind = #tpu.reduction_kind<sum>} : vector<16xi1> -> vector<16xi32>
        %slice3A_517 = vector.extract_strided_slice %all_reduce_population_count3A_516 {offsets = [0], sizes = [1], strides = [1]} : vector<16xi32> to vector<1xi32>
        %squeeze3A_518 = vector.extract %slice3A_517[0] : i32 from vector<1xi32>
        %add3A_519 = arith.addi %min3A_485, %squeeze3A_518 : i32
        %min3A_520 = arith.constant 752 : i32
        %min3A_521 = arith.minsi %add3A_519, %min3A_520 : i32
        %slice3A_522 = vector.extract_strided_slice %get3A_69 {offsets = [5], sizes = [1], strides = [1]} : vector<16xi32> to vector<1xi32>
        %squeeze3A_523 = vector.extract %slice3A_522[0] : i32 from vector<1xi32>
        %jit3A_524 = arith.constant 4 : i32
        %eq3A_525 = arith.constant 0 : i32
        %eq3A_526 = arith.cmpi eq, %jit3A_524, %eq3A_525 : i32
        %jit3A_527 = arith.constant 1 : i32
        %select_n3A_528 = arith.select %eq3A_526, %jit3A_527, %jit3A_524 : i32
        %rem3A_529 = arith.remsi %squeeze3A_523, %select_n3A_528 : i32
        %ne3A_530 = arith.constant 0 : i32
        %ne3A_531 = arith.cmpi ne, %rem3A_529, %ne3A_530 : i32
        %lt3A_532 = arith.constant 0 : i32
        %lt3A_533 = arith.cmpi slt, %rem3A_529, %lt3A_532 : i32
        %lt3A_534 = arith.constant 0 : i32
        %lt3A_535 = arith.cmpi slt, %select_n3A_528, %lt3A_534 : i32
        %ne3A_536 = arith.xori %lt3A_533, %lt3A_535 : i1
        %and3A_537 = arith.andi %ne3A_536, %ne3A_531 : i1
        %add3A_538 = arith.addi %rem3A_529, %select_n3A_528 : i32
        %select_n3A_539 = arith.select %and3A_537, %add3A_538, %rem3A_529 : i32
        %mul3A_540 = arith.constant 32 : i32
        %mul3A_541 = arith.muli %select_n3A_539, %mul3A_540 : i32
        %mul3A_542 = arith.constant 16 : i32
        %mul3A_543 = arith.muli %while3A_64, %mul3A_542 : i32
        %add3A_544 = arith.constant 5 : i32
        %add3A_545 = arith.addi %mul3A_543, %add3A_544 : i32
        %add3A_546 = arith.constant 0 : i32
        %add3A_547 = arith.addi %mul3A_541, %add3A_546 : i32
        %get3A_548 = arith.index_cast %add3A_545 : i32 to index
        %get3A_549 = arith.index_cast %add3A_547 : i32 to index
        %get3A_550 = tpu.vector_load %arg11[%get3A_548, %get3A_549] {strides = array<i32>} : memref<768x128xf32, #tpu.memory_space<vmem>>, vector<16xf32>,
        %mul3A_551 = arith.constant 32 : i32
        %mul3A_552 = arith.muli %squeeze3A_523, %mul3A_551 : i32
        %add3A_553 = arith.constant 0 : i32
        %add3A_554 = arith.addi %mul3A_552, %add3A_553 : i32
        %add3A_555 = vector.broadcast %add3A_554 : i32 to vector<16xi32>
        %add3A_556 = arith.addi %add3A_555, %iota3A : vector<16xi32>
        %ge3A_557 = arith.cmpf oge, %get3A_550, %get3A_12 : vector<16xf32>
        %jit3A_558 = arith.constant 0xFF800000 : f32
        %broadcast_in_dim3A_559 = vector.broadcast %jit3A_558 : f32 to vector<16xf32>
        %select_n3A_560 = arith.select %ge3A_557, %get3A_550, %broadcast_in_dim3A_559 : vector<16xi1>, vector<16xf32>
        %masked_sort3A_561 = arith.constant -2147483648 : i32
        %masked_sort3A_562 = vector.broadcast %masked_sort3A_561 : i32 to vector<16xi32>
        %masked_sort3A_563 = arith.xori %add3A_556, %masked_sort3A_562 : vector<16xi32>
        %masked_sort3A_564, %masked_sort3A_565, %masked_sort3A_566 = tpu.sort %masked_sort3A_563, %select_n3A_560 masked %ge3A_557 : (vector<16xi32>, vector<16xf32>, vector<16xi1>) -> (vector<16xi1>, vector<16xi32>, vector<16xf32>)
        %masked_sort3A_567 = arith.xori %masked_sort3A_565, %masked_sort3A_562 : vector<16xi32>
        %add3A_568 = vector.broadcast %min3A_521 : i32 to vector<16xi32>
        %add3A_569 = arith.addi %add3A_568, %iota3A : vector<16xi32>
        tpu.vector_store_idx %arg14[%add3A_569], %masked_sort3A_566 : memref<768xf32, #tpu.memory_space<vmem>>[vector<16xi32>], vector<16xf32>,
        %add3A_570 = vector.broadcast %min3A_521 : i32 to vector<16xi32>
        %add3A_571 = arith.addi %add3A_570, %iota3A : vector<16xi32>
        tpu.vector_store_idx %arg15[%add3A_571], %masked_sort3A_567 : memref<768xi32, #tpu.memory_space<vmem>>[vector<16xi32>], vector<16xi32>,
        %all_reduce_population_count3A_572 = tpu.all_reduce %ge3A_557 {dim = 0 : i64, kind = #tpu.reduction_kind<sum>} : vector<16xi1> -> vector<16xi32>
        %slice3A_573 = vector.extract_strided_slice %all_reduce_population_count3A_572 {offsets = [0], sizes = [1], strides = [1]} : vector<16xi32> to vector<1xi32>
        %squeeze3A_574 = vector.extract %slice3A_573[0] : i32 from vector<1xi32>
        %add3A_575 = arith.addi %min3A_521, %squeeze3A_574 : i32
        %min3A_576 = arith.constant 752 : i32
        %min3A_577 = arith.minsi %add3A_575, %min3A_576 : i32
        %mul3A_578 = arith.constant 16 : i32
        %mul3A_579 = arith.muli %while3A_64, %mul3A_578 : i32
        %add3A_580 = arith.constant 5 : i32
        %add3A_581 = arith.addi %mul3A_579, %add3A_580 : i32
        %add3A_582 = arith.constant 16 : i32
        %add3A_583 = arith.addi %mul3A_541, %add3A_582 : i32
        %get3A_584 = arith.index_cast %add3A_581 : i32 to index
        %get3A_585 = arith.index_cast %add3A_583 : i32 to index
        %get3A_586 = tpu.vector_load %arg11[%get3A_584, %get3A_585] {strides = array<i32>} : memref<768x128xf32, #tpu.memory_space<vmem>>, vector<16xf32>,
        %mul3A_587 = arith.constant 32 : i32
        %mul3A_588 = arith.muli %squeeze3A_523, %mul3A_587 : i32
        %add3A_589 = arith.constant 16 : i32
        %add3A_590 = arith.addi %mul3A_588, %add3A_589 : i32
        %add3A_591 = vector.broadcast %add3A_590 : i32 to vector<16xi32>
        %add3A_592 = arith.addi %add3A_591, %iota3A : vector<16xi32>
        %ge3A_593 = arith.cmpf oge, %get3A_586, %get3A_12 : vector<16xf32>
        %jit3A_594 = arith.constant 0xFF800000 : f32
        %broadcast_in_dim3A_595 = vector.broadcast %jit3A_594 : f32 to vector<16xf32>
        %select_n3A_596 = arith.select %ge3A_593, %get3A_586, %broadcast_in_dim3A_595 : vector<16xi1>, vector<16xf32>
        %masked_sort3A_597 = arith.constant -2147483648 : i32
        %masked_sort3A_598 = vector.broadcast %masked_sort3A_597 : i32 to vector<16xi32>
        %masked_sort3A_599 = arith.xori %add3A_592, %masked_sort3A_598 : vector<16xi32>
        %masked_sort3A_600, %masked_sort3A_601, %masked_sort3A_602 = tpu.sort %masked_sort3A_599, %select_n3A_596 masked %ge3A_593 : (vector<16xi32>, vector<16xf32>, vector<16xi1>) -> (vector<16xi1>, vector<16xi32>, vector<16xf32>)
        %masked_sort3A_603 = arith.xori %masked_sort3A_601, %masked_sort3A_598 : vector<16xi32>
        %add3A_604 = vector.broadcast %min3A_577 : i32 to vector<16xi32>
        %add3A_605 = arith.addi %add3A_604, %iota3A : vector<16xi32>
        tpu.vector_store_idx %arg14[%add3A_605], %masked_sort3A_602 : memref<768xf32, #tpu.memory_space<vmem>>[vector<16xi32>], vector<16xf32>,
        %add3A_606 = vector.broadcast %min3A_577 : i32 to vector<16xi32>
        %add3A_607 = arith.addi %add3A_606, %iota3A : vector<16xi32>
        tpu.vector_store_idx %arg15[%add3A_607], %masked_sort3A_603 : memref<768xi32, #tpu.memory_space<vmem>>[vector<16xi32>], vector<16xi32>,
        %all_reduce_population_count3A_608 = tpu.all_reduce %ge3A_593 {dim = 0 : i64, kind = #tpu.reduction_kind<sum>} : vector<16xi1> -> vector<16xi32>
        %slice3A_609 = vector.extract_strided_slice %all_reduce_population_count3A_608 {offsets = [0], sizes = [1], strides = [1]} : vector<16xi32> to vector<1xi32>
        %squeeze3A_610 = vector.extract %slice3A_609[0] : i32 from vector<1xi32>
        %add3A_611 = arith.addi %min3A_577, %squeeze3A_610 : i32
        %min3A_612 = arith.constant 752 : i32
        %min3A_613 = arith.minsi %add3A_611, %min3A_612 : i32
        %slice3A_614 = vector.extract_strided_slice %get3A_69 {offsets = [6], sizes = [1], strides = [1]} : vector<16xi32> to vector<1xi32>
        %squeeze3A_615 = vector.extract %slice3A_614[0] : i32 from vector<1xi32>
        %jit3A_616 = arith.constant 4 : i32
        %eq3A_617 = arith.constant 0 : i32
        %eq3A_618 = arith.cmpi eq, %jit3A_616, %eq3A_617 : i32
        %jit3A_619 = arith.constant 1 : i32
        %select_n3A_620 = arith.select %eq3A_618, %jit3A_619, %jit3A_616 : i32
        %rem3A_621 = arith.remsi %squeeze3A_615, %select_n3A_620 : i32
        %ne3A_622 = arith.constant 0 : i32
        %ne3A_623 = arith.cmpi ne, %rem3A_621, %ne3A_622 : i32
        %lt3A_624 = arith.constant 0 : i32
        %lt3A_625 = arith.cmpi slt, %rem3A_621, %lt3A_624 : i32
        %lt3A_626 = arith.constant 0 : i32
        %lt3A_627 = arith.cmpi slt, %select_n3A_620, %lt3A_626 : i32
        %ne3A_628 = arith.xori %lt3A_625, %lt3A_627 : i1
        %and3A_629 = arith.andi %ne3A_628, %ne3A_623 : i1
        %add3A_630 = arith.addi %rem3A_621, %select_n3A_620 : i32
        %select_n3A_631 = arith.select %and3A_629, %add3A_630, %rem3A_621 : i32
        %mul3A_632 = arith.constant 32 : i32
        %mul3A_633 = arith.muli %select_n3A_631, %mul3A_632 : i32
        %mul3A_634 = arith.constant 16 : i32
        %mul3A_635 = arith.muli %while3A_64, %mul3A_634 : i32
        %add3A_636 = arith.constant 6 : i32
        %add3A_637 = arith.addi %mul3A_635, %add3A_636 : i32
        %add3A_638 = arith.constant 0 : i32
        %add3A_639 = arith.addi %mul3A_633, %add3A_638 : i32
        %get3A_640 = arith.index_cast %add3A_637 : i32 to index
        %get3A_641 = arith.index_cast %add3A_639 : i32 to index
        %get3A_642 = tpu.vector_load %arg11[%get3A_640, %get3A_641] {strides = array<i32>} : memref<768x128xf32, #tpu.memory_space<vmem>>, vector<16xf32>,
        %mul3A_643 = arith.constant 32 : i32
        %mul3A_644 = arith.muli %squeeze3A_615, %mul3A_643 : i32
        %add3A_645 = arith.constant 0 : i32
        %add3A_646 = arith.addi %mul3A_644, %add3A_645 : i32
        %add3A_647 = vector.broadcast %add3A_646 : i32 to vector<16xi32>
        %add3A_648 = arith.addi %add3A_647, %iota3A : vector<16xi32>
        %ge3A_649 = arith.cmpf oge, %get3A_642, %get3A_12 : vector<16xf32>
        %jit3A_650 = arith.constant 0xFF800000 : f32
        %broadcast_in_dim3A_651 = vector.broadcast %jit3A_650 : f32 to vector<16xf32>
        %select_n3A_652 = arith.select %ge3A_649, %get3A_642, %broadcast_in_dim3A_651 : vector<16xi1>, vector<16xf32>
        %masked_sort3A_653 = arith.constant -2147483648 : i32
        %masked_sort3A_654 = vector.broadcast %masked_sort3A_653 : i32 to vector<16xi32>
        %masked_sort3A_655 = arith.xori %add3A_648, %masked_sort3A_654 : vector<16xi32>
        %masked_sort3A_656, %masked_sort3A_657, %masked_sort3A_658 = tpu.sort %masked_sort3A_655, %select_n3A_652 masked %ge3A_649 : (vector<16xi32>, vector<16xf32>, vector<16xi1>) -> (vector<16xi1>, vector<16xi32>, vector<16xf32>)
        %masked_sort3A_659 = arith.xori %masked_sort3A_657, %masked_sort3A_654 : vector<16xi32>
        %add3A_660 = vector.broadcast %min3A_613 : i32 to vector<16xi32>
        %add3A_661 = arith.addi %add3A_660, %iota3A : vector<16xi32>
        tpu.vector_store_idx %arg14[%add3A_661], %masked_sort3A_658 : memref<768xf32, #tpu.memory_space<vmem>>[vector<16xi32>], vector<16xf32>,
        %add3A_662 = vector.broadcast %min3A_613 : i32 to vector<16xi32>
        %add3A_663 = arith.addi %add3A_662, %iota3A : vector<16xi32>
        tpu.vector_store_idx %arg15[%add3A_663], %masked_sort3A_659 : memref<768xi32, #tpu.memory_space<vmem>>[vector<16xi32>], vector<16xi32>,
        %all_reduce_population_count3A_664 = tpu.all_reduce %ge3A_649 {dim = 0 : i64, kind = #tpu.reduction_kind<sum>} : vector<16xi1> -> vector<16xi32>
        %slice3A_665 = vector.extract_strided_slice %all_reduce_population_count3A_664 {offsets = [0], sizes = [1], strides = [1]} : vector<16xi32> to vector<1xi32>
        %squeeze3A_666 = vector.extract %slice3A_665[0] : i32 from vector<1xi32>
        %add3A_667 = arith.addi %min3A_613, %squeeze3A_666 : i32
        %min3A_668 = arith.constant 752 : i32
        %min3A_669 = arith.minsi %add3A_667, %min3A_668 : i32
        %mul3A_670 = arith.constant 16 : i32
        %mul3A_671 = arith.muli %while3A_64, %mul3A_670 : i32
        %add3A_672 = arith.constant 6 : i32
        %add3A_673 = arith.addi %mul3A_671, %add3A_672 : i32
        %add3A_674 = arith.constant 16 : i32
        %add3A_675 = arith.addi %mul3A_633, %add3A_674 : i32
        %get3A_676 = arith.index_cast %add3A_673 : i32 to index
        %get3A_677 = arith.index_cast %add3A_675 : i32 to index
        %get3A_678 = tpu.vector_load %arg11[%get3A_676, %get3A_677] {strides = array<i32>} : memref<768x128xf32, #tpu.memory_space<vmem>>, vector<16xf32>,
        %mul3A_679 = arith.constant 32 : i32
        %mul3A_680 = arith.muli %squeeze3A_615, %mul3A_679 : i32
        %add3A_681 = arith.constant 16 : i32
        %add3A_682 = arith.addi %mul3A_680, %add3A_681 : i32
        %add3A_683 = vector.broadcast %add3A_682 : i32 to vector<16xi32>
        %add3A_684 = arith.addi %add3A_683, %iota3A : vector<16xi32>
        %ge3A_685 = arith.cmpf oge, %get3A_678, %get3A_12 : vector<16xf32>
        %jit3A_686 = arith.constant 0xFF800000 : f32
        %broadcast_in_dim3A_687 = vector.broadcast %jit3A_686 : f32 to vector<16xf32>
        %select_n3A_688 = arith.select %ge3A_685, %get3A_678, %broadcast_in_dim3A_687 : vector<16xi1>, vector<16xf32>
        %masked_sort3A_689 = arith.constant -2147483648 : i32
        %masked_sort3A_690 = vector.broadcast %masked_sort3A_689 : i32 to vector<16xi32>
        %masked_sort3A_691 = arith.xori %add3A_684, %masked_sort3A_690 : vector<16xi32>
        %masked_sort3A_692, %masked_sort3A_693, %masked_sort3A_694 = tpu.sort %masked_sort3A_691, %select_n3A_688 masked %ge3A_685 : (vector<16xi32>, vector<16xf32>, vector<16xi1>) -> (vector<16xi1>, vector<16xi32>, vector<16xf32>)
        %masked_sort3A_695 = arith.xori %masked_sort3A_693, %masked_sort3A_690 : vector<16xi32>
        %add3A_696 = vector.broadcast %min3A_669 : i32 to vector<16xi32>
        %add3A_697 = arith.addi %add3A_696, %iota3A : vector<16xi32>
        tpu.vector_store_idx %arg14[%add3A_697], %masked_sort3A_694 : memref<768xf32, #tpu.memory_space<vmem>>[vector<16xi32>], vector<16xf32>,
        %add3A_698 = vector.broadcast %min3A_669 : i32 to vector<16xi32>
        %add3A_699 = arith.addi %add3A_698, %iota3A : vector<16xi32>
        tpu.vector_store_idx %arg15[%add3A_699], %masked_sort3A_695 : memref<768xi32, #tpu.memory_space<vmem>>[vector<16xi32>], vector<16xi32>,
        %all_reduce_population_count3A_700 = tpu.all_reduce %ge3A_685 {dim = 0 : i64, kind = #tpu.reduction_kind<sum>} : vector<16xi1> -> vector<16xi32>
        %slice3A_701 = vector.extract_strided_slice %all_reduce_population_count3A_700 {offsets = [0], sizes = [1], strides = [1]} : vector<16xi32> to vector<1xi32>
        %squeeze3A_702 = vector.extract %slice3A_701[0] : i32 from vector<1xi32>
        %add3A_703 = arith.addi %min3A_669, %squeeze3A_702 : i32
        %min3A_704 = arith.constant 752 : i32
        %min3A_705 = arith.minsi %add3A_703, %min3A_704 : i32
        %slice3A_706 = vector.extract_strided_slice %get3A_69 {offsets = [7], sizes = [1], strides = [1]} : vector<16xi32> to vector<1xi32>
        %squeeze3A_707 = vector.extract %slice3A_706[0] : i32 from vector<1xi32>
        %jit3A_708 = arith.constant 4 : i32
        %eq3A_709 = arith.constant 0 : i32
        %eq3A_710 = arith.cmpi eq, %jit3A_708, %eq3A_709 : i32
        %jit3A_711 = arith.constant 1 : i32
        %select_n3A_712 = arith.select %eq3A_710, %jit3A_711, %jit3A_708 : i32
        %rem3A_713 = arith.remsi %squeeze3A_707, %select_n3A_712 : i32
        %ne3A_714 = arith.constant 0 : i32
        %ne3A_715 = arith.cmpi ne, %rem3A_713, %ne3A_714 : i32
        %lt3A_716 = arith.constant 0 : i32
        %lt3A_717 = arith.cmpi slt, %rem3A_713, %lt3A_716 : i32
        %lt3A_718 = arith.constant 0 : i32
        %lt3A_719 = arith.cmpi slt, %select_n3A_712, %lt3A_718 : i32
        %ne3A_720 = arith.xori %lt3A_717, %lt3A_719 : i1
        %and3A_721 = arith.andi %ne3A_720, %ne3A_715 : i1
        %add3A_722 = arith.addi %rem3A_713, %select_n3A_712 : i32
        %select_n3A_723 = arith.select %and3A_721, %add3A_722, %rem3A_713 : i32
        %mul3A_724 = arith.constant 32 : i32
        %mul3A_725 = arith.muli %select_n3A_723, %mul3A_724 : i32
        %mul3A_726 = arith.constant 16 : i32
        %mul3A_727 = arith.muli %while3A_64, %mul3A_726 : i32
        %add3A_728 = arith.constant 7 : i32
        %add3A_729 = arith.addi %mul3A_727, %add3A_728 : i32
        %add3A_730 = arith.constant 0 : i32
        %add3A_731 = arith.addi %mul3A_725, %add3A_730 : i32
        %get3A_732 = arith.index_cast %add3A_729 : i32 to index
        %get3A_733 = arith.index_cast %add3A_731 : i32 to index
        %get3A_734 = tpu.vector_load %arg11[%get3A_732, %get3A_733] {strides = array<i32>} : memref<768x128xf32, #tpu.memory_space<vmem>>, vector<16xf32>,
        %mul3A_735 = arith.constant 32 : i32
        %mul3A_736 = arith.muli %squeeze3A_707, %mul3A_735 : i32
        %add3A_737 = arith.constant 0 : i32
        %add3A_738 = arith.addi %mul3A_736, %add3A_737 : i32
        %add3A_739 = vector.broadcast %add3A_738 : i32 to vector<16xi32>
        %add3A_740 = arith.addi %add3A_739, %iota3A : vector<16xi32>
        %ge3A_741 = arith.cmpf oge, %get3A_734, %get3A_12 : vector<16xf32>
        %jit3A_742 = arith.constant 0xFF800000 : f32
        %broadcast_in_dim3A_743 = vector.broadcast %jit3A_742 : f32 to vector<16xf32>
        %select_n3A_744 = arith.select %ge3A_741, %get3A_734, %broadcast_in_dim3A_743 : vector<16xi1>, vector<16xf32>
        %masked_sort3A_745 = arith.constant -2147483648 : i32
        %masked_sort3A_746 = vector.broadcast %masked_sort3A_745 : i32 to vector<16xi32>
        %masked_sort3A_747 = arith.xori %add3A_740, %masked_sort3A_746 : vector<16xi32>
        %masked_sort3A_748, %masked_sort3A_749, %masked_sort3A_750 = tpu.sort %masked_sort3A_747, %select_n3A_744 masked %ge3A_741 : (vector<16xi32>, vector<16xf32>, vector<16xi1>) -> (vector<16xi1>, vector<16xi32>, vector<16xf32>)
        %masked_sort3A_751 = arith.xori %masked_sort3A_749, %masked_sort3A_746 : vector<16xi32>
        %add3A_752 = vector.broadcast %min3A_705 : i32 to vector<16xi32>
        %add3A_753 = arith.addi %add3A_752, %iota3A : vector<16xi32>
        tpu.vector_store_idx %arg14[%add3A_753], %masked_sort3A_750 : memref<768xf32, #tpu.memory_space<vmem>>[vector<16xi32>], vector<16xf32>,
        %add3A_754 = vector.broadcast %min3A_705 : i32 to vector<16xi32>
        %add3A_755 = arith.addi %add3A_754, %iota3A : vector<16xi32>
        tpu.vector_store_idx %arg15[%add3A_755], %masked_sort3A_751 : memref<768xi32, #tpu.memory_space<vmem>>[vector<16xi32>], vector<16xi32>,
        %all_reduce_population_count3A_756 = tpu.all_reduce %ge3A_741 {dim = 0 : i64, kind = #tpu.reduction_kind<sum>} : vector<16xi1> -> vector<16xi32>
        %slice3A_757 = vector.extract_strided_slice %all_reduce_population_count3A_756 {offsets = [0], sizes = [1], strides = [1]} : vector<16xi32> to vector<1xi32>
        %squeeze3A_758 = vector.extract %slice3A_757[0] : i32 from vector<1xi32>
        %add3A_759 = arith.addi %min3A_705, %squeeze3A_758 : i32
        %min3A_760 = arith.constant 752 : i32
        %min3A_761 = arith.minsi %add3A_759, %min3A_760 : i32
        %mul3A_762 = arith.constant 16 : i32
        %mul3A_763 = arith.muli %while3A_64, %mul3A_762 : i32
        %add3A_764 = arith.constant 7 : i32
        %add3A_765 = arith.addi %mul3A_763, %add3A_764 : i32
        %add3A_766 = arith.constant 16 : i32
        %add3A_767 = arith.addi %mul3A_725, %add3A_766 : i32
        %get3A_768 = arith.index_cast %add3A_765 : i32 to index
        %get3A_769 = arith.index_cast %add3A_767 : i32 to index
        %get3A_770 = tpu.vector_load %arg11[%get3A_768, %get3A_769] {strides = array<i32>} : memref<768x128xf32, #tpu.memory_space<vmem>>, vector<16xf32>,
        %mul3A_771 = arith.constant 32 : i32
        %mul3A_772 = arith.muli %squeeze3A_707, %mul3A_771 : i32
        %add3A_773 = arith.constant 16 : i32
        %add3A_774 = arith.addi %mul3A_772, %add3A_773 : i32
        %add3A_775 = vector.broadcast %add3A_774 : i32 to vector<16xi32>
        %add3A_776 = arith.addi %add3A_775, %iota3A : vector<16xi32>
        %ge3A_777 = arith.cmpf oge, %get3A_770, %get3A_12 : vector<16xf32>
        %jit3A_778 = arith.constant 0xFF800000 : f32
        %broadcast_in_dim3A_779 = vector.broadcast %jit3A_778 : f32 to vector<16xf32>
        %select_n3A_780 = arith.select %ge3A_777, %get3A_770, %broadcast_in_dim3A_779 : vector<16xi1>, vector<16xf32>
        %masked_sort3A_781 = arith.constant -2147483648 : i32
        %masked_sort3A_782 = vector.broadcast %masked_sort3A_781 : i32 to vector<16xi32>
        %masked_sort3A_783 = arith.xori %add3A_776, %masked_sort3A_782 : vector<16xi32>
        %masked_sort3A_784, %masked_sort3A_785, %masked_sort3A_786 = tpu.sort %masked_sort3A_783, %select_n3A_780 masked %ge3A_777 : (vector<16xi32>, vector<16xf32>, vector<16xi1>) -> (vector<16xi1>, vector<16xi32>, vector<16xf32>)
        %masked_sort3A_787 = arith.xori %masked_sort3A_785, %masked_sort3A_782 : vector<16xi32>
        %add3A_788 = vector.broadcast %min3A_761 : i32 to vector<16xi32>
        %add3A_789 = arith.addi %add3A_788, %iota3A : vector<16xi32>
        tpu.vector_store_idx %arg14[%add3A_789], %masked_sort3A_786 : memref<768xf32, #tpu.memory_space<vmem>>[vector<16xi32>], vector<16xf32>,
        %add3A_790 = vector.broadcast %min3A_761 : i32 to vector<16xi32>
        %add3A_791 = arith.addi %add3A_790, %iota3A : vector<16xi32>
        tpu.vector_store_idx %arg15[%add3A_791], %masked_sort3A_787 : memref<768xi32, #tpu.memory_space<vmem>>[vector<16xi32>], vector<16xi32>,
        %all_reduce_population_count3A_792 = tpu.all_reduce %ge3A_777 {dim = 0 : i64, kind = #tpu.reduction_kind<sum>} : vector<16xi1> -> vector<16xi32>
        %slice3A_793 = vector.extract_strided_slice %all_reduce_population_count3A_792 {offsets = [0], sizes = [1], strides = [1]} : vector<16xi32> to vector<1xi32>
        %squeeze3A_794 = vector.extract %slice3A_793[0] : i32 from vector<1xi32>
        %add3A_795 = arith.addi %min3A_761, %squeeze3A_794 : i32
        %min3A_796 = arith.constant 752 : i32
        %min3A_797 = arith.minsi %add3A_795, %min3A_796 : i32
        %slice3A_798 = vector.extract_strided_slice %get3A_69 {offsets = [8], sizes = [1], strides = [1]} : vector<16xi32> to vector<1xi32>
        %squeeze3A_799 = vector.extract %slice3A_798[0] : i32 from vector<1xi32>
        %jit3A_800 = arith.constant 4 : i32
        %eq3A_801 = arith.constant 0 : i32
        %eq3A_802 = arith.cmpi eq, %jit3A_800, %eq3A_801 : i32
        %jit3A_803 = arith.constant 1 : i32
        %select_n3A_804 = arith.select %eq3A_802, %jit3A_803, %jit3A_800 : i32
        %rem3A_805 = arith.remsi %squeeze3A_799, %select_n3A_804 : i32
        %ne3A_806 = arith.constant 0 : i32
        %ne3A_807 = arith.cmpi ne, %rem3A_805, %ne3A_806 : i32
        %lt3A_808 = arith.constant 0 : i32
        %lt3A_809 = arith.cmpi slt, %rem3A_805, %lt3A_808 : i32
        %lt3A_810 = arith.constant 0 : i32
        %lt3A_811 = arith.cmpi slt, %select_n3A_804, %lt3A_810 : i32
        %ne3A_812 = arith.xori %lt3A_809, %lt3A_811 : i1
        %and3A_813 = arith.andi %ne3A_812, %ne3A_807 : i1
        %add3A_814 = arith.addi %rem3A_805, %select_n3A_804 : i32
        %select_n3A_815 = arith.select %and3A_813, %add3A_814, %rem3A_805 : i32
        %mul3A_816 = arith.constant 32 : i32
        %mul3A_817 = arith.muli %select_n3A_815, %mul3A_816 : i32
        %mul3A_818 = arith.constant 16 : i32
        %mul3A_819 = arith.muli %while3A_64, %mul3A_818 : i32
        %add3A_820 = arith.constant 8 : i32
        %add3A_821 = arith.addi %mul3A_819, %add3A_820 : i32
        %add3A_822 = arith.constant 0 : i32
        %add3A_823 = arith.addi %mul3A_817, %add3A_822 : i32
        %get3A_824 = arith.index_cast %add3A_821 : i32 to index
        %get3A_825 = arith.index_cast %add3A_823 : i32 to index
        %get3A_826 = tpu.vector_load %arg11[%get3A_824, %get3A_825] {strides = array<i32>} : memref<768x128xf32, #tpu.memory_space<vmem>>, vector<16xf32>,
        %mul3A_827 = arith.constant 32 : i32
        %mul3A_828 = arith.muli %squeeze3A_799, %mul3A_827 : i32
        %add3A_829 = arith.constant 0 : i32
        %add3A_830 = arith.addi %mul3A_828, %add3A_829 : i32
        %add3A_831 = vector.broadcast %add3A_830 : i32 to vector<16xi32>
        %add3A_832 = arith.addi %add3A_831, %iota3A : vector<16xi32>
        %ge3A_833 = arith.cmpf oge, %get3A_826, %get3A_12 : vector<16xf32>
        %jit3A_834 = arith.constant 0xFF800000 : f32
        %broadcast_in_dim3A_835 = vector.broadcast %jit3A_834 : f32 to vector<16xf32>
        %select_n3A_836 = arith.select %ge3A_833, %get3A_826, %broadcast_in_dim3A_835 : vector<16xi1>, vector<16xf32>
        %masked_sort3A_837 = arith.constant -2147483648 : i32
        %masked_sort3A_838 = vector.broadcast %masked_sort3A_837 : i32 to vector<16xi32>
        %masked_sort3A_839 = arith.xori %add3A_832, %masked_sort3A_838 : vector<16xi32>
        %masked_sort3A_840, %masked_sort3A_841, %masked_sort3A_842 = tpu.sort %masked_sort3A_839, %select_n3A_836 masked %ge3A_833 : (vector<16xi32>, vector<16xf32>, vector<16xi1>) -> (vector<16xi1>, vector<16xi32>, vector<16xf32>)
        %masked_sort3A_843 = arith.xori %masked_sort3A_841, %masked_sort3A_838 : vector<16xi32>
        %add3A_844 = vector.broadcast %min3A_797 : i32 to vector<16xi32>
        %add3A_845 = arith.addi %add3A_844, %iota3A : vector<16xi32>
        tpu.vector_store_idx %arg14[%add3A_845], %masked_sort3A_842 : memref<768xf32, #tpu.memory_space<vmem>>[vector<16xi32>], vector<16xf32>,
        %add3A_846 = vector.broadcast %min3A_797 : i32 to vector<16xi32>
        %add3A_847 = arith.addi %add3A_846, %iota3A : vector<16xi32>
        tpu.vector_store_idx %arg15[%add3A_847], %masked_sort3A_843 : memref<768xi32, #tpu.memory_space<vmem>>[vector<16xi32>], vector<16xi32>,
        %all_reduce_population_count3A_848 = tpu.all_reduce %ge3A_833 {dim = 0 : i64, kind = #tpu.reduction_kind<sum>} : vector<16xi1> -> vector<16xi32>
        %slice3A_849 = vector.extract_strided_slice %all_reduce_population_count3A_848 {offsets = [0], sizes = [1], strides = [1]} : vector<16xi32> to vector<1xi32>
        %squeeze3A_850 = vector.extract %slice3A_849[0] : i32 from vector<1xi32>
        %add3A_851 = arith.addi %min3A_797, %squeeze3A_850 : i32
        %min3A_852 = arith.constant 752 : i32
        %min3A_853 = arith.minsi %add3A_851, %min3A_852 : i32
        %mul3A_854 = arith.constant 16 : i32
        %mul3A_855 = arith.muli %while3A_64, %mul3A_854 : i32
        %add3A_856 = arith.constant 8 : i32
        %add3A_857 = arith.addi %mul3A_855, %add3A_856 : i32
        %add3A_858 = arith.constant 16 : i32
        %add3A_859 = arith.addi %mul3A_817, %add3A_858 : i32
        %get3A_860 = arith.index_cast %add3A_857 : i32 to index
        %get3A_861 = arith.index_cast %add3A_859 : i32 to index
        %get3A_862 = tpu.vector_load %arg11[%get3A_860, %get3A_861] {strides = array<i32>} : memref<768x128xf32, #tpu.memory_space<vmem>>, vector<16xf32>,
        %mul3A_863 = arith.constant 32 : i32
        %mul3A_864 = arith.muli %squeeze3A_799, %mul3A_863 : i32
        %add3A_865 = arith.constant 16 : i32
        %add3A_866 = arith.addi %mul3A_864, %add3A_865 : i32
        %add3A_867 = vector.broadcast %add3A_866 : i32 to vector<16xi32>
        %add3A_868 = arith.addi %add3A_867, %iota3A : vector<16xi32>
        %ge3A_869 = arith.cmpf oge, %get3A_862, %get3A_12 : vector<16xf32>
        %jit3A_870 = arith.constant 0xFF800000 : f32
        %broadcast_in_dim3A_871 = vector.broadcast %jit3A_870 : f32 to vector<16xf32>
        %select_n3A_872 = arith.select %ge3A_869, %get3A_862, %broadcast_in_dim3A_871 : vector<16xi1>, vector<16xf32>
        %masked_sort3A_873 = arith.constant -2147483648 : i32
        %masked_sort3A_874 = vector.broadcast %masked_sort3A_873 : i32 to vector<16xi32>
        %masked_sort3A_875 = arith.xori %add3A_868, %masked_sort3A_874 : vector<16xi32>
        %masked_sort3A_876, %masked_sort3A_877, %masked_sort3A_878 = tpu.sort %masked_sort3A_875, %select_n3A_872 masked %ge3A_869 : (vector<16xi32>, vector<16xf32>, vector<16xi1>) -> (vector<16xi1>, vector<16xi32>, vector<16xf32>)
        %masked_sort3A_879 = arith.xori %masked_sort3A_877, %masked_sort3A_874 : vector<16xi32>
        %add3A_880 = vector.broadcast %min3A_853 : i32 to vector<16xi32>
        %add3A_881 = arith.addi %add3A_880, %iota3A : vector<16xi32>
        tpu.vector_store_idx %arg14[%add3A_881], %masked_sort3A_878 : memref<768xf32, #tpu.memory_space<vmem>>[vector<16xi32>], vector<16xf32>,
        %add3A_882 = vector.broadcast %min3A_853 : i32 to vector<16xi32>
        %add3A_883 = arith.addi %add3A_882, %iota3A : vector<16xi32>
        tpu.vector_store_idx %arg15[%add3A_883], %masked_sort3A_879 : memref<768xi32, #tpu.memory_space<vmem>>[vector<16xi32>], vector<16xi32>,
        %all_reduce_population_count3A_884 = tpu.all_reduce %ge3A_869 {dim = 0 : i64, kind = #tpu.reduction_kind<sum>} : vector<16xi1> -> vector<16xi32>
        %slice3A_885 = vector.extract_strided_slice %all_reduce_population_count3A_884 {offsets = [0], sizes = [1], strides = [1]} : vector<16xi32> to vector<1xi32>
        %squeeze3A_886 = vector.extract %slice3A_885[0] : i32 from vector<1xi32>
        %add3A_887 = arith.addi %min3A_853, %squeeze3A_886 : i32
        %min3A_888 = arith.constant 752 : i32
        %min3A_889 = arith.minsi %add3A_887, %min3A_888 : i32
        %slice3A_890 = vector.extract_strided_slice %get3A_69 {offsets = [9], sizes = [1], strides = [1]} : vector<16xi32> to vector<1xi32>
        %squeeze3A_891 = vector.extract %slice3A_890[0] : i32 from vector<1xi32>
        %jit3A_892 = arith.constant 4 : i32
        %eq3A_893 = arith.constant 0 : i32
        %eq3A_894 = arith.cmpi eq, %jit3A_892, %eq3A_893 : i32
        %jit3A_895 = arith.constant 1 : i32
        %select_n3A_896 = arith.select %eq3A_894, %jit3A_895, %jit3A_892 : i32
        %rem3A_897 = arith.remsi %squeeze3A_891, %select_n3A_896 : i32
        %ne3A_898 = arith.constant 0 : i32
        %ne3A_899 = arith.cmpi ne, %rem3A_897, %ne3A_898 : i32
        %lt3A_900 = arith.constant 0 : i32
        %lt3A_901 = arith.cmpi slt, %rem3A_897, %lt3A_900 : i32
        %lt3A_902 = arith.constant 0 : i32
        %lt3A_903 = arith.cmpi slt, %select_n3A_896, %lt3A_902 : i32
        %ne3A_904 = arith.xori %lt3A_901, %lt3A_903 : i1
        %and3A_905 = arith.andi %ne3A_904, %ne3A_899 : i1
        %add3A_906 = arith.addi %rem3A_897, %select_n3A_896 : i32
        %select_n3A_907 = arith.select %and3A_905, %add3A_906, %rem3A_897 : i32
        %mul3A_908 = arith.constant 32 : i32
        %mul3A_909 = arith.muli %select_n3A_907, %mul3A_908 : i32
        %mul3A_910 = arith.constant 16 : i32
        %mul3A_911 = arith.muli %while3A_64, %mul3A_910 : i32
        %add3A_912 = arith.constant 9 : i32
        %add3A_913 = arith.addi %mul3A_911, %add3A_912 : i32
        %add3A_914 = arith.constant 0 : i32
        %add3A_915 = arith.addi %mul3A_909, %add3A_914 : i32
        %get3A_916 = arith.index_cast %add3A_913 : i32 to index
        %get3A_917 = arith.index_cast %add3A_915 : i32 to index
        %get3A_918 = tpu.vector_load %arg11[%get3A_916, %get3A_917] {strides = array<i32>} : memref<768x128xf32, #tpu.memory_space<vmem>>, vector<16xf32>,
        %mul3A_919 = arith.constant 32 : i32
        %mul3A_920 = arith.muli %squeeze3A_891, %mul3A_919 : i32
        %add3A_921 = arith.constant 0 : i32
        %add3A_922 = arith.addi %mul3A_920, %add3A_921 : i32
        %add3A_923 = vector.broadcast %add3A_922 : i32 to vector<16xi32>
        %add3A_924 = arith.addi %add3A_923, %iota3A : vector<16xi32>
        %ge3A_925 = arith.cmpf oge, %get3A_918, %get3A_12 : vector<16xf32>
        %jit3A_926 = arith.constant 0xFF800000 : f32
        %broadcast_in_dim3A_927 = vector.broadcast %jit3A_926 : f32 to vector<16xf32>
        %select_n3A_928 = arith.select %ge3A_925, %get3A_918, %broadcast_in_dim3A_927 : vector<16xi1>, vector<16xf32>
        %masked_sort3A_929 = arith.constant -2147483648 : i32
        %masked_sort3A_930 = vector.broadcast %masked_sort3A_929 : i32 to vector<16xi32>
        %masked_sort3A_931 = arith.xori %add3A_924, %masked_sort3A_930 : vector<16xi32>
        %masked_sort3A_932, %masked_sort3A_933, %masked_sort3A_934 = tpu.sort %masked_sort3A_931, %select_n3A_928 masked %ge3A_925 : (vector<16xi32>, vector<16xf32>, vector<16xi1>) -> (vector<16xi1>, vector<16xi32>, vector<16xf32>)
        %masked_sort3A_935 = arith.xori %masked_sort3A_933, %masked_sort3A_930 : vector<16xi32>
        %add3A_936 = vector.broadcast %min3A_889 : i32 to vector<16xi32>
        %add3A_937 = arith.addi %add3A_936, %iota3A : vector<16xi32>
        tpu.vector_store_idx %arg14[%add3A_937], %masked_sort3A_934 : memref<768xf32, #tpu.memory_space<vmem>>[vector<16xi32>], vector<16xf32>,
        %add3A_938 = vector.broadcast %min3A_889 : i32 to vector<16xi32>
        %add3A_939 = arith.addi %add3A_938, %iota3A : vector<16xi32>
        tpu.vector_store_idx %arg15[%add3A_939], %masked_sort3A_935 : memref<768xi32, #tpu.memory_space<vmem>>[vector<16xi32>], vector<16xi32>,
        %all_reduce_population_count3A_940 = tpu.all_reduce %ge3A_925 {dim = 0 : i64, kind = #tpu.reduction_kind<sum>} : vector<16xi1> -> vector<16xi32>
        %slice3A_941 = vector.extract_strided_slice %all_reduce_population_count3A_940 {offsets = [0], sizes = [1], strides = [1]} : vector<16xi32> to vector<1xi32>
        %squeeze3A_942 = vector.extract %slice3A_941[0] : i32 from vector<1xi32>
        %add3A_943 = arith.addi %min3A_889, %squeeze3A_942 : i32
        %min3A_944 = arith.constant 752 : i32
        %min3A_945 = arith.minsi %add3A_943, %min3A_944 : i32
        %mul3A_946 = arith.constant 16 : i32
        %mul3A_947 = arith.muli %while3A_64, %mul3A_946 : i32
        %add3A_948 = arith.constant 9 : i32
        %add3A_949 = arith.addi %mul3A_947, %add3A_948 : i32
        %add3A_950 = arith.constant 16 : i32
        %add3A_951 = arith.addi %mul3A_909, %add3A_950 : i32
        %get3A_952 = arith.index_cast %add3A_949 : i32 to index
        %get3A_953 = arith.index_cast %add3A_951 : i32 to index
        %get3A_954 = tpu.vector_load %arg11[%get3A_952, %get3A_953] {strides = array<i32>} : memref<768x128xf32, #tpu.memory_space<vmem>>, vector<16xf32>,
        %mul3A_955 = arith.constant 32 : i32
        %mul3A_956 = arith.muli %squeeze3A_891, %mul3A_955 : i32
        %add3A_957 = arith.constant 16 : i32
        %add3A_958 = arith.addi %mul3A_956, %add3A_957 : i32
        %add3A_959 = vector.broadcast %add3A_958 : i32 to vector<16xi32>
        %add3A_960 = arith.addi %add3A_959, %iota3A : vector<16xi32>
        %ge3A_961 = arith.cmpf oge, %get3A_954, %get3A_12 : vector<16xf32>
        %jit3A_962 = arith.constant 0xFF800000 : f32
        %broadcast_in_dim3A_963 = vector.broadcast %jit3A_962 : f32 to vector<16xf32>
        %select_n3A_964 = arith.select %ge3A_961, %get3A_954, %broadcast_in_dim3A_963 : vector<16xi1>, vector<16xf32>
        %masked_sort3A_965 = arith.constant -2147483648 : i32
        %masked_sort3A_966 = vector.broadcast %masked_sort3A_965 : i32 to vector<16xi32>
        %masked_sort3A_967 = arith.xori %add3A_960, %masked_sort3A_966 : vector<16xi32>
        %masked_sort3A_968, %masked_sort3A_969, %masked_sort3A_970 = tpu.sort %masked_sort3A_967, %select_n3A_964 masked %ge3A_961 : (vector<16xi32>, vector<16xf32>, vector<16xi1>) -> (vector<16xi1>, vector<16xi32>, vector<16xf32>)
        %masked_sort3A_971 = arith.xori %masked_sort3A_969, %masked_sort3A_966 : vector<16xi32>
        %add3A_972 = vector.broadcast %min3A_945 : i32 to vector<16xi32>
        %add3A_973 = arith.addi %add3A_972, %iota3A : vector<16xi32>
        tpu.vector_store_idx %arg14[%add3A_973], %masked_sort3A_970 : memref<768xf32, #tpu.memory_space<vmem>>[vector<16xi32>], vector<16xf32>,
        %add3A_974 = vector.broadcast %min3A_945 : i32 to vector<16xi32>
        %add3A_975 = arith.addi %add3A_974, %iota3A : vector<16xi32>
        tpu.vector_store_idx %arg15[%add3A_975], %masked_sort3A_971 : memref<768xi32, #tpu.memory_space<vmem>>[vector<16xi32>], vector<16xi32>,
        %all_reduce_population_count3A_976 = tpu.all_reduce %ge3A_961 {dim = 0 : i64, kind = #tpu.reduction_kind<sum>} : vector<16xi1> -> vector<16xi32>
        %slice3A_977 = vector.extract_strided_slice %all_reduce_population_count3A_976 {offsets = [0], sizes = [1], strides = [1]} : vector<16xi32> to vector<1xi32>
        %squeeze3A_978 = vector.extract %slice3A_977[0] : i32 from vector<1xi32>
        %add3A_979 = arith.addi %min3A_945, %squeeze3A_978 : i32
        %min3A_980 = arith.constant 752 : i32
        %min3A_981 = arith.minsi %add3A_979, %min3A_980 : i32
        %slice3A_982 = vector.extract_strided_slice %get3A_69 {offsets = [10], sizes = [1], strides = [1]} : vector<16xi32> to vector<1xi32>
        %squeeze3A_983 = vector.extract %slice3A_982[0] : i32 from vector<1xi32>
        %jit3A_984 = arith.constant 4 : i32
        %eq3A_985 = arith.constant 0 : i32
        %eq3A_986 = arith.cmpi eq, %jit3A_984, %eq3A_985 : i32
        %jit3A_987 = arith.constant 1 : i32
        %select_n3A_988 = arith.select %eq3A_986, %jit3A_987, %jit3A_984 : i32
        %rem3A_989 = arith.remsi %squeeze3A_983, %select_n3A_988 : i32
        %ne3A_990 = arith.constant 0 : i32
        %ne3A_991 = arith.cmpi ne, %rem3A_989, %ne3A_990 : i32
        %lt3A_992 = arith.constant 0 : i32
        %lt3A_993 = arith.cmpi slt, %rem3A_989, %lt3A_992 : i32
        %lt3A_994 = arith.constant 0 : i32
        %lt3A_995 = arith.cmpi slt, %select_n3A_988, %lt3A_994 : i32
        %ne3A_996 = arith.xori %lt3A_993, %lt3A_995 : i1
        %and3A_997 = arith.andi %ne3A_996, %ne3A_991 : i1
        %add3A_998 = arith.addi %rem3A_989, %select_n3A_988 : i32
        %select_n3A_999 = arith.select %and3A_997, %add3A_998, %rem3A_989 : i32
        %mul3A_1000 = arith.constant 32 : i32
        %mul3A_1001 = arith.muli %select_n3A_999, %mul3A_1000 : i32
        %mul3A_1002 = arith.constant 16 : i32
        %mul3A_1003 = arith.muli %while3A_64, %mul3A_1002 : i32
        %add3A_1004 = arith.constant 10 : i32
        %add3A_1005 = arith.addi %mul3A_1003, %add3A_1004 : i32
        %add3A_1006 = arith.constant 0 : i32
        %add3A_1007 = arith.addi %mul3A_1001, %add3A_1006 : i32
        %get3A_1008 = arith.index_cast %add3A_1005 : i32 to index
        %get3A_1009 = arith.index_cast %add3A_1007 : i32 to index
        %get3A_1010 = tpu.vector_load %arg11[%get3A_1008, %get3A_1009] {strides = array<i32>} : memref<768x128xf32, #tpu.memory_space<vmem>>, vector<16xf32>,
        %mul3A_1011 = arith.constant 32 : i32
        %mul3A_1012 = arith.muli %squeeze3A_983, %mul3A_1011 : i32
        %add3A_1013 = arith.constant 0 : i32
        %add3A_1014 = arith.addi %mul3A_1012, %add3A_1013 : i32
        %add3A_1015 = vector.broadcast %add3A_1014 : i32 to vector<16xi32>
        %add3A_1016 = arith.addi %add3A_1015, %iota3A : vector<16xi32>
        %ge3A_1017 = arith.cmpf oge, %get3A_1010, %get3A_12 : vector<16xf32>
        %jit3A_1018 = arith.constant 0xFF800000 : f32
        %broadcast_in_dim3A_1019 = vector.broadcast %jit3A_1018 : f32 to vector<16xf32>
        %select_n3A_1020 = arith.select %ge3A_1017, %get3A_1010, %broadcast_in_dim3A_1019 : vector<16xi1>, vector<16xf32>
        %masked_sort3A_1021 = arith.constant -2147483648 : i32
        %masked_sort3A_1022 = vector.broadcast %masked_sort3A_1021 : i32 to vector<16xi32>
        %masked_sort3A_1023 = arith.xori %add3A_1016, %masked_sort3A_1022 : vector<16xi32>
        %masked_sort3A_1024, %masked_sort3A_1025, %masked_sort3A_1026 = tpu.sort %masked_sort3A_1023, %select_n3A_1020 masked %ge3A_1017 : (vector<16xi32>, vector<16xf32>, vector<16xi1>) -> (vector<16xi1>, vector<16xi32>, vector<16xf32>)
        %masked_sort3A_1027 = arith.xori %masked_sort3A_1025, %masked_sort3A_1022 : vector<16xi32>
        %add3A_1028 = vector.broadcast %min3A_981 : i32 to vector<16xi32>
        %add3A_1029 = arith.addi %add3A_1028, %iota3A : vector<16xi32>
        tpu.vector_store_idx %arg14[%add3A_1029], %masked_sort3A_1026 : memref<768xf32, #tpu.memory_space<vmem>>[vector<16xi32>], vector<16xf32>,
        %add3A_1030 = vector.broadcast %min3A_981 : i32 to vector<16xi32>
        %add3A_1031 = arith.addi %add3A_1030, %iota3A : vector<16xi32>
        tpu.vector_store_idx %arg15[%add3A_1031], %masked_sort3A_1027 : memref<768xi32, #tpu.memory_space<vmem>>[vector<16xi32>], vector<16xi32>,
        %all_reduce_population_count3A_1032 = tpu.all_reduce %ge3A_1017 {dim = 0 : i64, kind = #tpu.reduction_kind<sum>} : vector<16xi1> -> vector<16xi32>
        %slice3A_1033 = vector.extract_strided_slice %all_reduce_population_count3A_1032 {offsets = [0], sizes = [1], strides = [1]} : vector<16xi32> to vector<1xi32>
        %squeeze3A_1034 = vector.extract %slice3A_1033[0] : i32 from vector<1xi32>
        %add3A_1035 = arith.addi %min3A_981, %squeeze3A_1034 : i32
        %min3A_1036 = arith.constant 752 : i32
        %min3A_1037 = arith.minsi %add3A_1035, %min3A_1036 : i32
        %mul3A_1038 = arith.constant 16 : i32
        %mul3A_1039 = arith.muli %while3A_64, %mul3A_1038 : i32
        %add3A_1040 = arith.constant 10 : i32
        %add3A_1041 = arith.addi %mul3A_1039, %add3A_1040 : i32
        %add3A_1042 = arith.constant 16 : i32
        %add3A_1043 = arith.addi %mul3A_1001, %add3A_1042 : i32
        %get3A_1044 = arith.index_cast %add3A_1041 : i32 to index
        %get3A_1045 = arith.index_cast %add3A_1043 : i32 to index
        %get3A_1046 = tpu.vector_load %arg11[%get3A_1044, %get3A_1045] {strides = array<i32>} : memref<768x128xf32, #tpu.memory_space<vmem>>, vector<16xf32>,
        %mul3A_1047 = arith.constant 32 : i32
        %mul3A_1048 = arith.muli %squeeze3A_983, %mul3A_1047 : i32
        %add3A_1049 = arith.constant 16 : i32
        %add3A_1050 = arith.addi %mul3A_1048, %add3A_1049 : i32
        %add3A_1051 = vector.broadcast %add3A_1050 : i32 to vector<16xi32>
        %add3A_1052 = arith.addi %add3A_1051, %iota3A : vector<16xi32>
        %ge3A_1053 = arith.cmpf oge, %get3A_1046, %get3A_12 : vector<16xf32>
        %jit3A_1054 = arith.constant 0xFF800000 : f32
        %broadcast_in_dim3A_1055 = vector.broadcast %jit3A_1054 : f32 to vector<16xf32>
        %select_n3A_1056 = arith.select %ge3A_1053, %get3A_1046, %broadcast_in_dim3A_1055 : vector<16xi1>, vector<16xf32>
        %masked_sort3A_1057 = arith.constant -2147483648 : i32
        %masked_sort3A_1058 = vector.broadcast %masked_sort3A_1057 : i32 to vector<16xi32>
        %masked_sort3A_1059 = arith.xori %add3A_1052, %masked_sort3A_1058 : vector<16xi32>
        %masked_sort3A_1060, %masked_sort3A_1061, %masked_sort3A_1062 = tpu.sort %masked_sort3A_1059, %select_n3A_1056 masked %ge3A_1053 : (vector<16xi32>, vector<16xf32>, vector<16xi1>) -> (vector<16xi1>, vector<16xi32>, vector<16xf32>)
        %masked_sort3A_1063 = arith.xori %masked_sort3A_1061, %masked_sort3A_1058 : vector<16xi32>
        %add3A_1064 = vector.broadcast %min3A_1037 : i32 to vector<16xi32>
        %add3A_1065 = arith.addi %add3A_1064, %iota3A : vector<16xi32>
        tpu.vector_store_idx %arg14[%add3A_1065], %masked_sort3A_1062 : memref<768xf32, #tpu.memory_space<vmem>>[vector<16xi32>], vector<16xf32>,
        %add3A_1066 = vector.broadcast %min3A_1037 : i32 to vector<16xi32>
        %add3A_1067 = arith.addi %add3A_1066, %iota3A : vector<16xi32>
        tpu.vector_store_idx %arg15[%add3A_1067], %masked_sort3A_1063 : memref<768xi32, #tpu.memory_space<vmem>>[vector<16xi32>], vector<16xi32>,
        %all_reduce_population_count3A_1068 = tpu.all_reduce %ge3A_1053 {dim = 0 : i64, kind = #tpu.reduction_kind<sum>} : vector<16xi1> -> vector<16xi32>
        %slice3A_1069 = vector.extract_strided_slice %all_reduce_population_count3A_1068 {offsets = [0], sizes = [1], strides = [1]} : vector<16xi32> to vector<1xi32>
        %squeeze3A_1070 = vector.extract %slice3A_1069[0] : i32 from vector<1xi32>
        %add3A_1071 = arith.addi %min3A_1037, %squeeze3A_1070 : i32
        %min3A_1072 = arith.constant 752 : i32
        %min3A_1073 = arith.minsi %add3A_1071, %min3A_1072 : i32
        %slice3A_1074 = vector.extract_strided_slice %get3A_69 {offsets = [11], sizes = [1], strides = [1]} : vector<16xi32> to vector<1xi32>
        %squeeze3A_1075 = vector.extract %slice3A_1074[0] : i32 from vector<1xi32>
        %jit3A_1076 = arith.constant 4 : i32
        %eq3A_1077 = arith.constant 0 : i32
        %eq3A_1078 = arith.cmpi eq, %jit3A_1076, %eq3A_1077 : i32
        %jit3A_1079 = arith.constant 1 : i32
        %select_n3A_1080 = arith.select %eq3A_1078, %jit3A_1079, %jit3A_1076 : i32
        %rem3A_1081 = arith.remsi %squeeze3A_1075, %select_n3A_1080 : i32
        %ne3A_1082 = arith.constant 0 : i32
        %ne3A_1083 = arith.cmpi ne, %rem3A_1081, %ne3A_1082 : i32
        %lt3A_1084 = arith.constant 0 : i32
        %lt3A_1085 = arith.cmpi slt, %rem3A_1081, %lt3A_1084 : i32
        %lt3A_1086 = arith.constant 0 : i32
        %lt3A_1087 = arith.cmpi slt, %select_n3A_1080, %lt3A_1086 : i32
        %ne3A_1088 = arith.xori %lt3A_1085, %lt3A_1087 : i1
        %and3A_1089 = arith.andi %ne3A_1088, %ne3A_1083 : i1
        %add3A_1090 = arith.addi %rem3A_1081, %select_n3A_1080 : i32
        %select_n3A_1091 = arith.select %and3A_1089, %add3A_1090, %rem3A_1081 : i32
        %mul3A_1092 = arith.constant 32 : i32
        %mul3A_1093 = arith.muli %select_n3A_1091, %mul3A_1092 : i32
        %mul3A_1094 = arith.constant 16 : i32
        %mul3A_1095 = arith.muli %while3A_64, %mul3A_1094 : i32
        %add3A_1096 = arith.constant 11 : i32
        %add3A_1097 = arith.addi %mul3A_1095, %add3A_1096 : i32
        %add3A_1098 = arith.constant 0 : i32
        %add3A_1099 = arith.addi %mul3A_1093, %add3A_1098 : i32
        %get3A_1100 = arith.index_cast %add3A_1097 : i32 to index
        %get3A_1101 = arith.index_cast %add3A_1099 : i32 to index
        %get3A_1102 = tpu.vector_load %arg11[%get3A_1100, %get3A_1101] {strides = array<i32>} : memref<768x128xf32, #tpu.memory_space<vmem>>, vector<16xf32>,
        %mul3A_1103 = arith.constant 32 : i32
        %mul3A_1104 = arith.muli %squeeze3A_1075, %mul3A_1103 : i32
        %add3A_1105 = arith.constant 0 : i32
        %add3A_1106 = arith.addi %mul3A_1104, %add3A_1105 : i32
        %add3A_1107 = vector.broadcast %add3A_1106 : i32 to vector<16xi32>
        %add3A_1108 = arith.addi %add3A_1107, %iota3A : vector<16xi32>
        %ge3A_1109 = arith.cmpf oge, %get3A_1102, %get3A_12 : vector<16xf32>
        %jit3A_1110 = arith.constant 0xFF800000 : f32
        %broadcast_in_dim3A_1111 = vector.broadcast %jit3A_1110 : f32 to vector<16xf32>
        %select_n3A_1112 = arith.select %ge3A_1109, %get3A_1102, %broadcast_in_dim3A_1111 : vector<16xi1>, vector<16xf32>
        %masked_sort3A_1113 = arith.constant -2147483648 : i32
        %masked_sort3A_1114 = vector.broadcast %masked_sort3A_1113 : i32 to vector<16xi32>
        %masked_sort3A_1115 = arith.xori %add3A_1108, %masked_sort3A_1114 : vector<16xi32>
        %masked_sort3A_1116, %masked_sort3A_1117, %masked_sort3A_1118 = tpu.sort %masked_sort3A_1115, %select_n3A_1112 masked %ge3A_1109 : (vector<16xi32>, vector<16xf32>, vector<16xi1>) -> (vector<16xi1>, vector<16xi32>, vector<16xf32>)
        %masked_sort3A_1119 = arith.xori %masked_sort3A_1117, %masked_sort3A_1114 : vector<16xi32>
        %add3A_1120 = vector.broadcast %min3A_1073 : i32 to vector<16xi32>
        %add3A_1121 = arith.addi %add3A_1120, %iota3A : vector<16xi32>
        tpu.vector_store_idx %arg14[%add3A_1121], %masked_sort3A_1118 : memref<768xf32, #tpu.memory_space<vmem>>[vector<16xi32>], vector<16xf32>,
        %add3A_1122 = vector.broadcast %min3A_1073 : i32 to vector<16xi32>
        %add3A_1123 = arith.addi %add3A_1122, %iota3A : vector<16xi32>
        tpu.vector_store_idx %arg15[%add3A_1123], %masked_sort3A_1119 : memref<768xi32, #tpu.memory_space<vmem>>[vector<16xi32>], vector<16xi32>,
        %all_reduce_population_count3A_1124 = tpu.all_reduce %ge3A_1109 {dim = 0 : i64, kind = #tpu.reduction_kind<sum>} : vector<16xi1> -> vector<16xi32>
        %slice3A_1125 = vector.extract_strided_slice %all_reduce_population_count3A_1124 {offsets = [0], sizes = [1], strides = [1]} : vector<16xi32> to vector<1xi32>
        %squeeze3A_1126 = vector.extract %slice3A_1125[0] : i32 from vector<1xi32>
        %add3A_1127 = arith.addi %min3A_1073, %squeeze3A_1126 : i32
        %min3A_1128 = arith.constant 752 : i32
        %min3A_1129 = arith.minsi %add3A_1127, %min3A_1128 : i32
        %mul3A_1130 = arith.constant 16 : i32
        %mul3A_1131 = arith.muli %while3A_64, %mul3A_1130 : i32
        %add3A_1132 = arith.constant 11 : i32
        %add3A_1133 = arith.addi %mul3A_1131, %add3A_1132 : i32
        %add3A_1134 = arith.constant 16 : i32
        %add3A_1135 = arith.addi %mul3A_1093, %add3A_1134 : i32
        %get3A_1136 = arith.index_cast %add3A_1133 : i32 to index
        %get3A_1137 = arith.index_cast %add3A_1135 : i32 to index
        %get3A_1138 = tpu.vector_load %arg11[%get3A_1136, %get3A_1137] {strides = array<i32>} : memref<768x128xf32, #tpu.memory_space<vmem>>, vector<16xf32>,
        %mul3A_1139 = arith.constant 32 : i32
        %mul3A_1140 = arith.muli %squeeze3A_1075, %mul3A_1139 : i32
        %add3A_1141 = arith.constant 16 : i32
        %add3A_1142 = arith.addi %mul3A_1140, %add3A_1141 : i32
        %add3A_1143 = vector.broadcast %add3A_1142 : i32 to vector<16xi32>
        %add3A_1144 = arith.addi %add3A_1143, %iota3A : vector<16xi32>
        %ge3A_1145 = arith.cmpf oge, %get3A_1138, %get3A_12 : vector<16xf32>
        %jit3A_1146 = arith.constant 0xFF800000 : f32
        %broadcast_in_dim3A_1147 = vector.broadcast %jit3A_1146 : f32 to vector<16xf32>
        %select_n3A_1148 = arith.select %ge3A_1145, %get3A_1138, %broadcast_in_dim3A_1147 : vector<16xi1>, vector<16xf32>
        %masked_sort3A_1149 = arith.constant -2147483648 : i32
        %masked_sort3A_1150 = vector.broadcast %masked_sort3A_1149 : i32 to vector<16xi32>
        %masked_sort3A_1151 = arith.xori %add3A_1144, %masked_sort3A_1150 : vector<16xi32>
        %masked_sort3A_1152, %masked_sort3A_1153, %masked_sort3A_1154 = tpu.sort %masked_sort3A_1151, %select_n3A_1148 masked %ge3A_1145 : (vector<16xi32>, vector<16xf32>, vector<16xi1>) -> (vector<16xi1>, vector<16xi32>, vector<16xf32>)
        %masked_sort3A_1155 = arith.xori %masked_sort3A_1153, %masked_sort3A_1150 : vector<16xi32>
        %add3A_1156 = vector.broadcast %min3A_1129 : i32 to vector<16xi32>
        %add3A_1157 = arith.addi %add3A_1156, %iota3A : vector<16xi32>
        tpu.vector_store_idx %arg14[%add3A_1157], %masked_sort3A_1154 : memref<768xf32, #tpu.memory_space<vmem>>[vector<16xi32>], vector<16xf32>,
        %add3A_1158 = vector.broadcast %min3A_1129 : i32 to vector<16xi32>
        %add3A_1159 = arith.addi %add3A_1158, %iota3A : vector<16xi32>
        tpu.vector_store_idx %arg15[%add3A_1159], %masked_sort3A_1155 : memref<768xi32, #tpu.memory_space<vmem>>[vector<16xi32>], vector<16xi32>,
        %all_reduce_population_count3A_1160 = tpu.all_reduce %ge3A_1145 {dim = 0 : i64, kind = #tpu.reduction_kind<sum>} : vector<16xi1> -> vector<16xi32>
        %slice3A_1161 = vector.extract_strided_slice %all_reduce_population_count3A_1160 {offsets = [0], sizes = [1], strides = [1]} : vector<16xi32> to vector<1xi32>
        %squeeze3A_1162 = vector.extract %slice3A_1161[0] : i32 from vector<1xi32>
        %add3A_1163 = arith.addi %min3A_1129, %squeeze3A_1162 : i32
        %min3A_1164 = arith.constant 752 : i32
        %min3A_1165 = arith.minsi %add3A_1163, %min3A_1164 : i32
        %slice3A_1166 = vector.extract_strided_slice %get3A_69 {offsets = [12], sizes = [1], strides = [1]} : vector<16xi32> to vector<1xi32>
        %squeeze3A_1167 = vector.extract %slice3A_1166[0] : i32 from vector<1xi32>
        %jit3A_1168 = arith.constant 4 : i32
        %eq3A_1169 = arith.constant 0 : i32
        %eq3A_1170 = arith.cmpi eq, %jit3A_1168, %eq3A_1169 : i32
        %jit3A_1171 = arith.constant 1 : i32
        %select_n3A_1172 = arith.select %eq3A_1170, %jit3A_1171, %jit3A_1168 : i32
        %rem3A_1173 = arith.remsi %squeeze3A_1167, %select_n3A_1172 : i32
        %ne3A_1174 = arith.constant 0 : i32
        %ne3A_1175 = arith.cmpi ne, %rem3A_1173, %ne3A_1174 : i32
        %lt3A_1176 = arith.constant 0 : i32
        %lt3A_1177 = arith.cmpi slt, %rem3A_1173, %lt3A_1176 : i32
        %lt3A_1178 = arith.constant 0 : i32
        %lt3A_1179 = arith.cmpi slt, %select_n3A_1172, %lt3A_1178 : i32
        %ne3A_1180 = arith.xori %lt3A_1177, %lt3A_1179 : i1
        %and3A_1181 = arith.andi %ne3A_1180, %ne3A_1175 : i1
        %add3A_1182 = arith.addi %rem3A_1173, %select_n3A_1172 : i32
        %select_n3A_1183 = arith.select %and3A_1181, %add3A_1182, %rem3A_1173 : i32
        %mul3A_1184 = arith.constant 32 : i32
        %mul3A_1185 = arith.muli %select_n3A_1183, %mul3A_1184 : i32
        %mul3A_1186 = arith.constant 16 : i32
        %mul3A_1187 = arith.muli %while3A_64, %mul3A_1186 : i32
        %add3A_1188 = arith.constant 12 : i32
        %add3A_1189 = arith.addi %mul3A_1187, %add3A_1188 : i32
        %add3A_1190 = arith.constant 0 : i32
        %add3A_1191 = arith.addi %mul3A_1185, %add3A_1190 : i32
        %get3A_1192 = arith.index_cast %add3A_1189 : i32 to index
        %get3A_1193 = arith.index_cast %add3A_1191 : i32 to index
        %get3A_1194 = tpu.vector_load %arg11[%get3A_1192, %get3A_1193] {strides = array<i32>} : memref<768x128xf32, #tpu.memory_space<vmem>>, vector<16xf32>,
        %mul3A_1195 = arith.constant 32 : i32
        %mul3A_1196 = arith.muli %squeeze3A_1167, %mul3A_1195 : i32
        %add3A_1197 = arith.constant 0 : i32
        %add3A_1198 = arith.addi %mul3A_1196, %add3A_1197 : i32
        %add3A_1199 = vector.broadcast %add3A_1198 : i32 to vector<16xi32>
        %add3A_1200 = arith.addi %add3A_1199, %iota3A : vector<16xi32>
        %ge3A_1201 = arith.cmpf oge, %get3A_1194, %get3A_12 : vector<16xf32>
        %jit3A_1202 = arith.constant 0xFF800000 : f32
        %broadcast_in_dim3A_1203 = vector.broadcast %jit3A_1202 : f32 to vector<16xf32>
        %select_n3A_1204 = arith.select %ge3A_1201, %get3A_1194, %broadcast_in_dim3A_1203 : vector<16xi1>, vector<16xf32>
        %masked_sort3A_1205 = arith.constant -2147483648 : i32
        %masked_sort3A_1206 = vector.broadcast %masked_sort3A_1205 : i32 to vector<16xi32>
        %masked_sort3A_1207 = arith.xori %add3A_1200, %masked_sort3A_1206 : vector<16xi32>
        %masked_sort3A_1208, %masked_sort3A_1209, %masked_sort3A_1210 = tpu.sort %masked_sort3A_1207, %select_n3A_1204 masked %ge3A_1201 : (vector<16xi32>, vector<16xf32>, vector<16xi1>) -> (vector<16xi1>, vector<16xi32>, vector<16xf32>)
        %masked_sort3A_1211 = arith.xori %masked_sort3A_1209, %masked_sort3A_1206 : vector<16xi32>
        %add3A_1212 = vector.broadcast %min3A_1165 : i32 to vector<16xi32>
        %add3A_1213 = arith.addi %add3A_1212, %iota3A : vector<16xi32>
        tpu.vector_store_idx %arg14[%add3A_1213], %masked_sort3A_1210 : memref<768xf32, #tpu.memory_space<vmem>>[vector<16xi32>], vector<16xf32>,
        %add3A_1214 = vector.broadcast %min3A_1165 : i32 to vector<16xi32>
        %add3A_1215 = arith.addi %add3A_1214, %iota3A : vector<16xi32>
        tpu.vector_store_idx %arg15[%add3A_1215], %masked_sort3A_1211 : memref<768xi32, #tpu.memory_space<vmem>>[vector<16xi32>], vector<16xi32>,
        %all_reduce_population_count3A_1216 = tpu.all_reduce %ge3A_1201 {dim = 0 : i64, kind = #tpu.reduction_kind<sum>} : vector<16xi1> -> vector<16xi32>
        %slice3A_1217 = vector.extract_strided_slice %all_reduce_population_count3A_1216 {offsets = [0], sizes = [1], strides = [1]} : vector<16xi32> to vector<1xi32>
        %squeeze3A_1218 = vector.extract %slice3A_1217[0] : i32 from vector<1xi32>
        %add3A_1219 = arith.addi %min3A_1165, %squeeze3A_1218 : i32
        %min3A_1220 = arith.constant 752 : i32
        %min3A_1221 = arith.minsi %add3A_1219, %min3A_1220 : i32
        %mul3A_1222 = arith.constant 16 : i32
        %mul3A_1223 = arith.muli %while3A_64, %mul3A_1222 : i32
        %add3A_1224 = arith.constant 12 : i32
        %add3A_1225 = arith.addi %mul3A_1223, %add3A_1224 : i32
        %add3A_1226 = arith.constant 16 : i32
        %add3A_1227 = arith.addi %mul3A_1185, %add3A_1226 : i32
        %get3A_1228 = arith.index_cast %add3A_1225 : i32 to index
        %get3A_1229 = arith.index_cast %add3A_1227 : i32 to index
        %get3A_1230 = tpu.vector_load %arg11[%get3A_1228, %get3A_1229] {strides = array<i32>} : memref<768x128xf32, #tpu.memory_space<vmem>>, vector<16xf32>,
        %mul3A_1231 = arith.constant 32 : i32
        %mul3A_1232 = arith.muli %squeeze3A_1167, %mul3A_1231 : i32
        %add3A_1233 = arith.constant 16 : i32
        %add3A_1234 = arith.addi %mul3A_1232, %add3A_1233 : i32
        %add3A_1235 = vector.broadcast %add3A_1234 : i32 to vector<16xi32>
        %add3A_1236 = arith.addi %add3A_1235, %iota3A : vector<16xi32>
        %ge3A_1237 = arith.cmpf oge, %get3A_1230, %get3A_12 : vector<16xf32>
        %jit3A_1238 = arith.constant 0xFF800000 : f32
        %broadcast_in_dim3A_1239 = vector.broadcast %jit3A_1238 : f32 to vector<16xf32>
        %select_n3A_1240 = arith.select %ge3A_1237, %get3A_1230, %broadcast_in_dim3A_1239 : vector<16xi1>, vector<16xf32>
        %masked_sort3A_1241 = arith.constant -2147483648 : i32
        %masked_sort3A_1242 = vector.broadcast %masked_sort3A_1241 : i32 to vector<16xi32>
        %masked_sort3A_1243 = arith.xori %add3A_1236, %masked_sort3A_1242 : vector<16xi32>
        %masked_sort3A_1244, %masked_sort3A_1245, %masked_sort3A_1246 = tpu.sort %masked_sort3A_1243, %select_n3A_1240 masked %ge3A_1237 : (vector<16xi32>, vector<16xf32>, vector<16xi1>) -> (vector<16xi1>, vector<16xi32>, vector<16xf32>)
        %masked_sort3A_1247 = arith.xori %masked_sort3A_1245, %masked_sort3A_1242 : vector<16xi32>
        %add3A_1248 = vector.broadcast %min3A_1221 : i32 to vector<16xi32>
        %add3A_1249 = arith.addi %add3A_1248, %iota3A : vector<16xi32>
        tpu.vector_store_idx %arg14[%add3A_1249], %masked_sort3A_1246 : memref<768xf32, #tpu.memory_space<vmem>>[vector<16xi32>], vector<16xf32>,
        %add3A_1250 = vector.broadcast %min3A_1221 : i32 to vector<16xi32>
        %add3A_1251 = arith.addi %add3A_1250, %iota3A : vector<16xi32>
        tpu.vector_store_idx %arg15[%add3A_1251], %masked_sort3A_1247 : memref<768xi32, #tpu.memory_space<vmem>>[vector<16xi32>], vector<16xi32>,
        %all_reduce_population_count3A_1252 = tpu.all_reduce %ge3A_1237 {dim = 0 : i64, kind = #tpu.reduction_kind<sum>} : vector<16xi1> -> vector<16xi32>
        %slice3A_1253 = vector.extract_strided_slice %all_reduce_population_count3A_1252 {offsets = [0], sizes = [1], strides = [1]} : vector<16xi32> to vector<1xi32>
        %squeeze3A_1254 = vector.extract %slice3A_1253[0] : i32 from vector<1xi32>
        %add3A_1255 = arith.addi %min3A_1221, %squeeze3A_1254 : i32
        %min3A_1256 = arith.constant 752 : i32
        %min3A_1257 = arith.minsi %add3A_1255, %min3A_1256 : i32
        %slice3A_1258 = vector.extract_strided_slice %get3A_69 {offsets = [13], sizes = [1], strides = [1]} : vector<16xi32> to vector<1xi32>
        %squeeze3A_1259 = vector.extract %slice3A_1258[0] : i32 from vector<1xi32>
        %jit3A_1260 = arith.constant 4 : i32
        %eq3A_1261 = arith.constant 0 : i32
        %eq3A_1262 = arith.cmpi eq, %jit3A_1260, %eq3A_1261 : i32
        %jit3A_1263 = arith.constant 1 : i32
        %select_n3A_1264 = arith.select %eq3A_1262, %jit3A_1263, %jit3A_1260 : i32
        %rem3A_1265 = arith.remsi %squeeze3A_1259, %select_n3A_1264 : i32
        %ne3A_1266 = arith.constant 0 : i32
        %ne3A_1267 = arith.cmpi ne, %rem3A_1265, %ne3A_1266 : i32
        %lt3A_1268 = arith.constant 0 : i32
        %lt3A_1269 = arith.cmpi slt, %rem3A_1265, %lt3A_1268 : i32
        %lt3A_1270 = arith.constant 0 : i32
        %lt3A_1271 = arith.cmpi slt, %select_n3A_1264, %lt3A_1270 : i32
        %ne3A_1272 = arith.xori %lt3A_1269, %lt3A_1271 : i1
        %and3A_1273 = arith.andi %ne3A_1272, %ne3A_1267 : i1
        %add3A_1274 = arith.addi %rem3A_1265, %select_n3A_1264 : i32
        %select_n3A_1275 = arith.select %and3A_1273, %add3A_1274, %rem3A_1265 : i32
        %mul3A_1276 = arith.constant 32 : i32
        %mul3A_1277 = arith.muli %select_n3A_1275, %mul3A_1276 : i32
        %mul3A_1278 = arith.constant 16 : i32
        %mul3A_1279 = arith.muli %while3A_64, %mul3A_1278 : i32
        %add3A_1280 = arith.constant 13 : i32
        %add3A_1281 = arith.addi %mul3A_1279, %add3A_1280 : i32
        %add3A_1282 = arith.constant 0 : i32
        %add3A_1283 = arith.addi %mul3A_1277, %add3A_1282 : i32
        %get3A_1284 = arith.index_cast %add3A_1281 : i32 to index
        %get3A_1285 = arith.index_cast %add3A_1283 : i32 to index
        %get3A_1286 = tpu.vector_load %arg11[%get3A_1284, %get3A_1285] {strides = array<i32>} : memref<768x128xf32, #tpu.memory_space<vmem>>, vector<16xf32>,
        %mul3A_1287 = arith.constant 32 : i32
        %mul3A_1288 = arith.muli %squeeze3A_1259, %mul3A_1287 : i32
        %add3A_1289 = arith.constant 0 : i32
        %add3A_1290 = arith.addi %mul3A_1288, %add3A_1289 : i32
        %add3A_1291 = vector.broadcast %add3A_1290 : i32 to vector<16xi32>
        %add3A_1292 = arith.addi %add3A_1291, %iota3A : vector<16xi32>
        %ge3A_1293 = arith.cmpf oge, %get3A_1286, %get3A_12 : vector<16xf32>
        %jit3A_1294 = arith.constant 0xFF800000 : f32
        %broadcast_in_dim3A_1295 = vector.broadcast %jit3A_1294 : f32 to vector<16xf32>
        %select_n3A_1296 = arith.select %ge3A_1293, %get3A_1286, %broadcast_in_dim3A_1295 : vector<16xi1>, vector<16xf32>
        %masked_sort3A_1297 = arith.constant -2147483648 : i32
        %masked_sort3A_1298 = vector.broadcast %masked_sort3A_1297 : i32 to vector<16xi32>
        %masked_sort3A_1299 = arith.xori %add3A_1292, %masked_sort3A_1298 : vector<16xi32>
        %masked_sort3A_1300, %masked_sort3A_1301, %masked_sort3A_1302 = tpu.sort %masked_sort3A_1299, %select_n3A_1296 masked %ge3A_1293 : (vector<16xi32>, vector<16xf32>, vector<16xi1>) -> (vector<16xi1>, vector<16xi32>, vector<16xf32>)
        %masked_sort3A_1303 = arith.xori %masked_sort3A_1301, %masked_sort3A_1298 : vector<16xi32>
        %add3A_1304 = vector.broadcast %min3A_1257 : i32 to vector<16xi32>
        %add3A_1305 = arith.addi %add3A_1304, %iota3A : vector<16xi32>
        tpu.vector_store_idx %arg14[%add3A_1305], %masked_sort3A_1302 : memref<768xf32, #tpu.memory_space<vmem>>[vector<16xi32>], vector<16xf32>,
        %add3A_1306 = vector.broadcast %min3A_1257 : i32 to vector<16xi32>
        %add3A_1307 = arith.addi %add3A_1306, %iota3A : vector<16xi32>
        tpu.vector_store_idx %arg15[%add3A_1307], %masked_sort3A_1303 : memref<768xi32, #tpu.memory_space<vmem>>[vector<16xi32>], vector<16xi32>,
        %all_reduce_population_count3A_1308 = tpu.all_reduce %ge3A_1293 {dim = 0 : i64, kind = #tpu.reduction_kind<sum>} : vector<16xi1> -> vector<16xi32>
        %slice3A_1309 = vector.extract_strided_slice %all_reduce_population_count3A_1308 {offsets = [0], sizes = [1], strides = [1]} : vector<16xi32> to vector<1xi32>
        %squeeze3A_1310 = vector.extract %slice3A_1309[0] : i32 from vector<1xi32>
        %add3A_1311 = arith.addi %min3A_1257, %squeeze3A_1310 : i32
        %min3A_1312 = arith.constant 752 : i32
        %min3A_1313 = arith.minsi %add3A_1311, %min3A_1312 : i32
        %mul3A_1314 = arith.constant 16 : i32
        %mul3A_1315 = arith.muli %while3A_64, %mul3A_1314 : i32
        %add3A_1316 = arith.constant 13 : i32
        %add3A_1317 = arith.addi %mul3A_1315, %add3A_1316 : i32
        %add3A_1318 = arith.constant 16 : i32
        %add3A_1319 = arith.addi %mul3A_1277, %add3A_1318 : i32
        %get3A_1320 = arith.index_cast %add3A_1317 : i32 to index
        %get3A_1321 = arith.index_cast %add3A_1319 : i32 to index
        %get3A_1322 = tpu.vector_load %arg11[%get3A_1320, %get3A_1321] {strides = array<i32>} : memref<768x128xf32, #tpu.memory_space<vmem>>, vector<16xf32>,
        %mul3A_1323 = arith.constant 32 : i32
        %mul3A_1324 = arith.muli %squeeze3A_1259, %mul3A_1323 : i32
        %add3A_1325 = arith.constant 16 : i32
        %add3A_1326 = arith.addi %mul3A_1324, %add3A_1325 : i32
        %add3A_1327 = vector.broadcast %add3A_1326 : i32 to vector<16xi32>
        %add3A_1328 = arith.addi %add3A_1327, %iota3A : vector<16xi32>
        %ge3A_1329 = arith.cmpf oge, %get3A_1322, %get3A_12 : vector<16xf32>
        %jit3A_1330 = arith.constant 0xFF800000 : f32
        %broadcast_in_dim3A_1331 = vector.broadcast %jit3A_1330 : f32 to vector<16xf32>
        %select_n3A_1332 = arith.select %ge3A_1329, %get3A_1322, %broadcast_in_dim3A_1331 : vector<16xi1>, vector<16xf32>
        %masked_sort3A_1333 = arith.constant -2147483648 : i32
        %masked_sort3A_1334 = vector.broadcast %masked_sort3A_1333 : i32 to vector<16xi32>
        %masked_sort3A_1335 = arith.xori %add3A_1328, %masked_sort3A_1334 : vector<16xi32>
        %masked_sort3A_1336, %masked_sort3A_1337, %masked_sort3A_1338 = tpu.sort %masked_sort3A_1335, %select_n3A_1332 masked %ge3A_1329 : (vector<16xi32>, vector<16xf32>, vector<16xi1>) -> (vector<16xi1>, vector<16xi32>, vector<16xf32>)
        %masked_sort3A_1339 = arith.xori %masked_sort3A_1337, %masked_sort3A_1334 : vector<16xi32>
        %add3A_1340 = vector.broadcast %min3A_1313 : i32 to vector<16xi32>
        %add3A_1341 = arith.addi %add3A_1340, %iota3A : vector<16xi32>
        tpu.vector_store_idx %arg14[%add3A_1341], %masked_sort3A_1338 : memref<768xf32, #tpu.memory_space<vmem>>[vector<16xi32>], vector<16xf32>,
        %add3A_1342 = vector.broadcast %min3A_1313 : i32 to vector<16xi32>
        %add3A_1343 = arith.addi %add3A_1342, %iota3A : vector<16xi32>
        tpu.vector_store_idx %arg15[%add3A_1343], %masked_sort3A_1339 : memref<768xi32, #tpu.memory_space<vmem>>[vector<16xi32>], vector<16xi32>,
        %all_reduce_population_count3A_1344 = tpu.all_reduce %ge3A_1329 {dim = 0 : i64, kind = #tpu.reduction_kind<sum>} : vector<16xi1> -> vector<16xi32>
        %slice3A_1345 = vector.extract_strided_slice %all_reduce_population_count3A_1344 {offsets = [0], sizes = [1], strides = [1]} : vector<16xi32> to vector<1xi32>
        %squeeze3A_1346 = vector.extract %slice3A_1345[0] : i32 from vector<1xi32>
        %add3A_1347 = arith.addi %min3A_1313, %squeeze3A_1346 : i32
        %min3A_1348 = arith.constant 752 : i32
        %min3A_1349 = arith.minsi %add3A_1347, %min3A_1348 : i32
        %slice3A_1350 = vector.extract_strided_slice %get3A_69 {offsets = [14], sizes = [1], strides = [1]} : vector<16xi32> to vector<1xi32>
        %squeeze3A_1351 = vector.extract %slice3A_1350[0] : i32 from vector<1xi32>
        %jit3A_1352 = arith.constant 4 : i32
        %eq3A_1353 = arith.constant 0 : i32
        %eq3A_1354 = arith.cmpi eq, %jit3A_1352, %eq3A_1353 : i32
        %jit3A_1355 = arith.constant 1 : i32
        %select_n3A_1356 = arith.select %eq3A_1354, %jit3A_1355, %jit3A_1352 : i32
        %rem3A_1357 = arith.remsi %squeeze3A_1351, %select_n3A_1356 : i32
        %ne3A_1358 = arith.constant 0 : i32
        %ne3A_1359 = arith.cmpi ne, %rem3A_1357, %ne3A_1358 : i32
        %lt3A_1360 = arith.constant 0 : i32
        %lt3A_1361 = arith.cmpi slt, %rem3A_1357, %lt3A_1360 : i32
        %lt3A_1362 = arith.constant 0 : i32
        %lt3A_1363 = arith.cmpi slt, %select_n3A_1356, %lt3A_1362 : i32
        %ne3A_1364 = arith.xori %lt3A_1361, %lt3A_1363 : i1
        %and3A_1365 = arith.andi %ne3A_1364, %ne3A_1359 : i1
        %add3A_1366 = arith.addi %rem3A_1357, %select_n3A_1356 : i32
        %select_n3A_1367 = arith.select %and3A_1365, %add3A_1366, %rem3A_1357 : i32
        %mul3A_1368 = arith.constant 32 : i32
        %mul3A_1369 = arith.muli %select_n3A_1367, %mul3A_1368 : i32
        %mul3A_1370 = arith.constant 16 : i32
        %mul3A_1371 = arith.muli %while3A_64, %mul3A_1370 : i32
        %add3A_1372 = arith.constant 14 : i32
        %add3A_1373 = arith.addi %mul3A_1371, %add3A_1372 : i32
        %add3A_1374 = arith.constant 0 : i32
        %add3A_1375 = arith.addi %mul3A_1369, %add3A_1374 : i32
        %get3A_1376 = arith.index_cast %add3A_1373 : i32 to index
        %get3A_1377 = arith.index_cast %add3A_1375 : i32 to index
        %get3A_1378 = tpu.vector_load %arg11[%get3A_1376, %get3A_1377] {strides = array<i32>} : memref<768x128xf32, #tpu.memory_space<vmem>>, vector<16xf32>,
        %mul3A_1379 = arith.constant 32 : i32
        %mul3A_1380 = arith.muli %squeeze3A_1351, %mul3A_1379 : i32
        %add3A_1381 = arith.constant 0 : i32
        %add3A_1382 = arith.addi %mul3A_1380, %add3A_1381 : i32
        %add3A_1383 = vector.broadcast %add3A_1382 : i32 to vector<16xi32>
        %add3A_1384 = arith.addi %add3A_1383, %iota3A : vector<16xi32>
        %ge3A_1385 = arith.cmpf oge, %get3A_1378, %get3A_12 : vector<16xf32>
        %jit3A_1386 = arith.constant 0xFF800000 : f32
        %broadcast_in_dim3A_1387 = vector.broadcast %jit3A_1386 : f32 to vector<16xf32>
        %select_n3A_1388 = arith.select %ge3A_1385, %get3A_1378, %broadcast_in_dim3A_1387 : vector<16xi1>, vector<16xf32>
        %masked_sort3A_1389 = arith.constant -2147483648 : i32
        %masked_sort3A_1390 = vector.broadcast %masked_sort3A_1389 : i32 to vector<16xi32>
        %masked_sort3A_1391 = arith.xori %add3A_1384, %masked_sort3A_1390 : vector<16xi32>
        %masked_sort3A_1392, %masked_sort3A_1393, %masked_sort3A_1394 = tpu.sort %masked_sort3A_1391, %select_n3A_1388 masked %ge3A_1385 : (vector<16xi32>, vector<16xf32>, vector<16xi1>) -> (vector<16xi1>, vector<16xi32>, vector<16xf32>)
        %masked_sort3A_1395 = arith.xori %masked_sort3A_1393, %masked_sort3A_1390 : vector<16xi32>
        %add3A_1396 = vector.broadcast %min3A_1349 : i32 to vector<16xi32>
        %add3A_1397 = arith.addi %add3A_1396, %iota3A : vector<16xi32>
        tpu.vector_store_idx %arg14[%add3A_1397], %masked_sort3A_1394 : memref<768xf32, #tpu.memory_space<vmem>>[vector<16xi32>], vector<16xf32>,
        %add3A_1398 = vector.broadcast %min3A_1349 : i32 to vector<16xi32>
        %add3A_1399 = arith.addi %add3A_1398, %iota3A : vector<16xi32>
        tpu.vector_store_idx %arg15[%add3A_1399], %masked_sort3A_1395 : memref<768xi32, #tpu.memory_space<vmem>>[vector<16xi32>], vector<16xi32>,
        %all_reduce_population_count3A_1400 = tpu.all_reduce %ge3A_1385 {dim = 0 : i64, kind = #tpu.reduction_kind<sum>} : vector<16xi1> -> vector<16xi32>
        %slice3A_1401 = vector.extract_strided_slice %all_reduce_population_count3A_1400 {offsets = [0], sizes = [1], strides = [1]} : vector<16xi32> to vector<1xi32>
        %squeeze3A_1402 = vector.extract %slice3A_1401[0] : i32 from vector<1xi32>
        %add3A_1403 = arith.addi %min3A_1349, %squeeze3A_1402 : i32
        %min3A_1404 = arith.constant 752 : i32
        %min3A_1405 = arith.minsi %add3A_1403, %min3A_1404 : i32
        %mul3A_1406 = arith.constant 16 : i32
        %mul3A_1407 = arith.muli %while3A_64, %mul3A_1406 : i32
        %add3A_1408 = arith.constant 14 : i32
        %add3A_1409 = arith.addi %mul3A_1407, %add3A_1408 : i32
        %add3A_1410 = arith.constant 16 : i32
        %add3A_1411 = arith.addi %mul3A_1369, %add3A_1410 : i32
        %get3A_1412 = arith.index_cast %add3A_1409 : i32 to index
        %get3A_1413 = arith.index_cast %add3A_1411 : i32 to index
        %get3A_1414 = tpu.vector_load %arg11[%get3A_1412, %get3A_1413] {strides = array<i32>} : memref<768x128xf32, #tpu.memory_space<vmem>>, vector<16xf32>,
        %mul3A_1415 = arith.constant 32 : i32
        %mul3A_1416 = arith.muli %squeeze3A_1351, %mul3A_1415 : i32
        %add3A_1417 = arith.constant 16 : i32
        %add3A_1418 = arith.addi %mul3A_1416, %add3A_1417 : i32
        %add3A_1419 = vector.broadcast %add3A_1418 : i32 to vector<16xi32>
        %add3A_1420 = arith.addi %add3A_1419, %iota3A : vector<16xi32>
        %ge3A_1421 = arith.cmpf oge, %get3A_1414, %get3A_12 : vector<16xf32>
        %jit3A_1422 = arith.constant 0xFF800000 : f32
        %broadcast_in_dim3A_1423 = vector.broadcast %jit3A_1422 : f32 to vector<16xf32>
        %select_n3A_1424 = arith.select %ge3A_1421, %get3A_1414, %broadcast_in_dim3A_1423 : vector<16xi1>, vector<16xf32>
        %masked_sort3A_1425 = arith.constant -2147483648 : i32
        %masked_sort3A_1426 = vector.broadcast %masked_sort3A_1425 : i32 to vector<16xi32>
        %masked_sort3A_1427 = arith.xori %add3A_1420, %masked_sort3A_1426 : vector<16xi32>
        %masked_sort3A_1428, %masked_sort3A_1429, %masked_sort3A_1430 = tpu.sort %masked_sort3A_1427, %select_n3A_1424 masked %ge3A_1421 : (vector<16xi32>, vector<16xf32>, vector<16xi1>) -> (vector<16xi1>, vector<16xi32>, vector<16xf32>)
        %masked_sort3A_1431 = arith.xori %masked_sort3A_1429, %masked_sort3A_1426 : vector<16xi32>
        %add3A_1432 = vector.broadcast %min3A_1405 : i32 to vector<16xi32>
        %add3A_1433 = arith.addi %add3A_1432, %iota3A : vector<16xi32>
        tpu.vector_store_idx %arg14[%add3A_1433], %masked_sort3A_1430 : memref<768xf32, #tpu.memory_space<vmem>>[vector<16xi32>], vector<16xf32>,
        %add3A_1434 = vector.broadcast %min3A_1405 : i32 to vector<16xi32>
        %add3A_1435 = arith.addi %add3A_1434, %iota3A : vector<16xi32>
        tpu.vector_store_idx %arg15[%add3A_1435], %masked_sort3A_1431 : memref<768xi32, #tpu.memory_space<vmem>>[vector<16xi32>], vector<16xi32>,
        %all_reduce_population_count3A_1436 = tpu.all_reduce %ge3A_1421 {dim = 0 : i64, kind = #tpu.reduction_kind<sum>} : vector<16xi1> -> vector<16xi32>
        %slice3A_1437 = vector.extract_strided_slice %all_reduce_population_count3A_1436 {offsets = [0], sizes = [1], strides = [1]} : vector<16xi32> to vector<1xi32>
        %squeeze3A_1438 = vector.extract %slice3A_1437[0] : i32 from vector<1xi32>
        %add3A_1439 = arith.addi %min3A_1405, %squeeze3A_1438 : i32
        %min3A_1440 = arith.constant 752 : i32
        %min3A_1441 = arith.minsi %add3A_1439, %min3A_1440 : i32
        %slice3A_1442 = vector.extract_strided_slice %get3A_69 {offsets = [15], sizes = [1], strides = [1]} : vector<16xi32> to vector<1xi32>
        %squeeze3A_1443 = vector.extract %slice3A_1442[0] : i32 from vector<1xi32>
        %jit3A_1444 = arith.constant 4 : i32
        %eq3A_1445 = arith.constant 0 : i32
        %eq3A_1446 = arith.cmpi eq, %jit3A_1444, %eq3A_1445 : i32
        %jit3A_1447 = arith.constant 1 : i32
        %select_n3A_1448 = arith.select %eq3A_1446, %jit3A_1447, %jit3A_1444 : i32
        %rem3A_1449 = arith.remsi %squeeze3A_1443, %select_n3A_1448 : i32
        %ne3A_1450 = arith.constant 0 : i32
        %ne3A_1451 = arith.cmpi ne, %rem3A_1449, %ne3A_1450 : i32
        %lt3A_1452 = arith.constant 0 : i32
        %lt3A_1453 = arith.cmpi slt, %rem3A_1449, %lt3A_1452 : i32
        %lt3A_1454 = arith.constant 0 : i32
        %lt3A_1455 = arith.cmpi slt, %select_n3A_1448, %lt3A_1454 : i32
        %ne3A_1456 = arith.xori %lt3A_1453, %lt3A_1455 : i1
        %and3A_1457 = arith.andi %ne3A_1456, %ne3A_1451 : i1
        %add3A_1458 = arith.addi %rem3A_1449, %select_n3A_1448 : i32
        %select_n3A_1459 = arith.select %and3A_1457, %add3A_1458, %rem3A_1449 : i32
        %mul3A_1460 = arith.constant 32 : i32
        %mul3A_1461 = arith.muli %select_n3A_1459, %mul3A_1460 : i32
        %mul3A_1462 = arith.constant 16 : i32
        %mul3A_1463 = arith.muli %while3A_64, %mul3A_1462 : i32
        %add3A_1464 = arith.constant 15 : i32
        %add3A_1465 = arith.addi %mul3A_1463, %add3A_1464 : i32
        %add3A_1466 = arith.constant 0 : i32
        %add3A_1467 = arith.addi %mul3A_1461, %add3A_1466 : i32
        %get3A_1468 = arith.index_cast %add3A_1465 : i32 to index
        %get3A_1469 = arith.index_cast %add3A_1467 : i32 to index
        %get3A_1470 = tpu.vector_load %arg11[%get3A_1468, %get3A_1469] {strides = array<i32>} : memref<768x128xf32, #tpu.memory_space<vmem>>, vector<16xf32>,
        %mul3A_1471 = arith.constant 32 : i32
        %mul3A_1472 = arith.muli %squeeze3A_1443, %mul3A_1471 : i32
        %add3A_1473 = arith.constant 0 : i32
        %add3A_1474 = arith.addi %mul3A_1472, %add3A_1473 : i32
        %add3A_1475 = vector.broadcast %add3A_1474 : i32 to vector<16xi32>
        %add3A_1476 = arith.addi %add3A_1475, %iota3A : vector<16xi32>
        %ge3A_1477 = arith.cmpf oge, %get3A_1470, %get3A_12 : vector<16xf32>
        %jit3A_1478 = arith.constant 0xFF800000 : f32
        %broadcast_in_dim3A_1479 = vector.broadcast %jit3A_1478 : f32 to vector<16xf32>
        %select_n3A_1480 = arith.select %ge3A_1477, %get3A_1470, %broadcast_in_dim3A_1479 : vector<16xi1>, vector<16xf32>
        %masked_sort3A_1481 = arith.constant -2147483648 : i32
        %masked_sort3A_1482 = vector.broadcast %masked_sort3A_1481 : i32 to vector<16xi32>
        %masked_sort3A_1483 = arith.xori %add3A_1476, %masked_sort3A_1482 : vector<16xi32>
        %masked_sort3A_1484, %masked_sort3A_1485, %masked_sort3A_1486 = tpu.sort %masked_sort3A_1483, %select_n3A_1480 masked %ge3A_1477 : (vector<16xi32>, vector<16xf32>, vector<16xi1>) -> (vector<16xi1>, vector<16xi32>, vector<16xf32>)
        %masked_sort3A_1487 = arith.xori %masked_sort3A_1485, %masked_sort3A_1482 : vector<16xi32>
        %add3A_1488 = vector.broadcast %min3A_1441 : i32 to vector<16xi32>
        %add3A_1489 = arith.addi %add3A_1488, %iota3A : vector<16xi32>
        tpu.vector_store_idx %arg14[%add3A_1489], %masked_sort3A_1486 : memref<768xf32, #tpu.memory_space<vmem>>[vector<16xi32>], vector<16xf32>,
        %add3A_1490 = vector.broadcast %min3A_1441 : i32 to vector<16xi32>
        %add3A_1491 = arith.addi %add3A_1490, %iota3A : vector<16xi32>
        tpu.vector_store_idx %arg15[%add3A_1491], %masked_sort3A_1487 : memref<768xi32, #tpu.memory_space<vmem>>[vector<16xi32>], vector<16xi32>,
        %all_reduce_population_count3A_1492 = tpu.all_reduce %ge3A_1477 {dim = 0 : i64, kind = #tpu.reduction_kind<sum>} : vector<16xi1> -> vector<16xi32>
        %slice3A_1493 = vector.extract_strided_slice %all_reduce_population_count3A_1492 {offsets = [0], sizes = [1], strides = [1]} : vector<16xi32> to vector<1xi32>
        %squeeze3A_1494 = vector.extract %slice3A_1493[0] : i32 from vector<1xi32>
        %add3A_1495 = arith.addi %min3A_1441, %squeeze3A_1494 : i32
        %min3A_1496 = arith.constant 752 : i32
        %min3A_1497 = arith.minsi %add3A_1495, %min3A_1496 : i32
        %mul3A_1498 = arith.constant 16 : i32
        %mul3A_1499 = arith.muli %while3A_64, %mul3A_1498 : i32
        %add3A_1500 = arith.constant 15 : i32
        %add3A_1501 = arith.addi %mul3A_1499, %add3A_1500 : i32
        %add3A_1502 = arith.constant 16 : i32
        %add3A_1503 = arith.addi %mul3A_1461, %add3A_1502 : i32
        %get3A_1504 = arith.index_cast %add3A_1501 : i32 to index
        %get3A_1505 = arith.index_cast %add3A_1503 : i32 to index
        %get3A_1506 = tpu.vector_load %arg11[%get3A_1504, %get3A_1505] {strides = array<i32>} : memref<768x128xf32, #tpu.memory_space<vmem>>, vector<16xf32>,
        %mul3A_1507 = arith.constant 32 : i32
        %mul3A_1508 = arith.muli %squeeze3A_1443, %mul3A_1507 : i32
        %add3A_1509 = arith.constant 16 : i32
        %add3A_1510 = arith.addi %mul3A_1508, %add3A_1509 : i32
        %add3A_1511 = vector.broadcast %add3A_1510 : i32 to vector<16xi32>
        %add3A_1512 = arith.addi %add3A_1511, %iota3A : vector<16xi32>
        %ge3A_1513 = arith.cmpf oge, %get3A_1506, %get3A_12 : vector<16xf32>
        %jit3A_1514 = arith.constant 0xFF800000 : f32
        %broadcast_in_dim3A_1515 = vector.broadcast %jit3A_1514 : f32 to vector<16xf32>
        %select_n3A_1516 = arith.select %ge3A_1513, %get3A_1506, %broadcast_in_dim3A_1515 : vector<16xi1>, vector<16xf32>
        %masked_sort3A_1517 = arith.constant -2147483648 : i32
        %masked_sort3A_1518 = vector.broadcast %masked_sort3A_1517 : i32 to vector<16xi32>
        %masked_sort3A_1519 = arith.xori %add3A_1512, %masked_sort3A_1518 : vector<16xi32>
        %masked_sort3A_1520, %masked_sort3A_1521, %masked_sort3A_1522 = tpu.sort %masked_sort3A_1519, %select_n3A_1516 masked %ge3A_1513 : (vector<16xi32>, vector<16xf32>, vector<16xi1>) -> (vector<16xi1>, vector<16xi32>, vector<16xf32>)
        %masked_sort3A_1523 = arith.xori %masked_sort3A_1521, %masked_sort3A_1518 : vector<16xi32>
        %add3A_1524 = vector.broadcast %min3A_1497 : i32 to vector<16xi32>
        %add3A_1525 = arith.addi %add3A_1524, %iota3A : vector<16xi32>
        tpu.vector_store_idx %arg14[%add3A_1525], %masked_sort3A_1522 : memref<768xf32, #tpu.memory_space<vmem>>[vector<16xi32>], vector<16xf32>,
        %add3A_1526 = vector.broadcast %min3A_1497 : i32 to vector<16xi32>
        %add3A_1527 = arith.addi %add3A_1526, %iota3A : vector<16xi32>
        tpu.vector_store_idx %arg15[%add3A_1527], %masked_sort3A_1523 : memref<768xi32, #tpu.memory_space<vmem>>[vector<16xi32>], vector<16xi32>,
        %all_reduce_population_count3A_1528 = tpu.all_reduce %ge3A_1513 {dim = 0 : i64, kind = #tpu.reduction_kind<sum>} : vector<16xi1> -> vector<16xi32>
        %slice3A_1529 = vector.extract_strided_slice %all_reduce_population_count3A_1528 {offsets = [0], sizes = [1], strides = [1]} : vector<16xi32> to vector<1xi32>
        %squeeze3A_1530 = vector.extract %slice3A_1529[0] : i32 from vector<1xi32>
        %add3A_1531 = arith.addi %min3A_1497, %squeeze3A_1530 : i32
        %min3A_1532 = arith.constant 752 : i32
        %min3A_1533 = arith.minsi %add3A_1531, %min3A_1532 : i32
        scf.yield %min3A_1533 : i32
      }
      %while3A_61 = arith.constant 1 : i32
      %while3A_62 = scf.for %while3A_64 = %while3A_58 to %while3A_54 step %while3A_61 iter_args(%while3A_65 = %while3A_60) -> (i32)  : i32 {
        %mul3A_66 = arith.constant 16 : i32
        %mul3A_67 = arith.muli %while3A_64, %mul3A_66 : i32
        %get3A_68 = arith.index_cast %mul3A_67 : i32 to index
        %get3A_69 = tpu.vector_load %arg9[%get3A_68] {strides = array<i32>} : memref<784xi32, #tpu.memory_space<vmem>>, vector<16xi32>,
        %slice3A = vector.extract_strided_slice %get3A_69 {offsets = [0], sizes = [1], strides = [1]} : vector<16xi32> to vector<1xi32>
        %squeeze3A = vector.extract %slice3A[0] : i32 from vector<1xi32>
        %jit3A_70 = arith.constant 4 : i32
        %eq3A = arith.constant 0 : i32
        %eq3A_71 = arith.cmpi eq, %jit3A_70, %eq3A : i32
        %jit3A_72 = arith.constant 1 : i32
        %select_n3A_73 = arith.select %eq3A_71, %jit3A_72, %jit3A_70 : i32
        %rem3A_74 = arith.remsi %squeeze3A, %select_n3A_73 : i32
        %ne3A_75 = arith.constant 0 : i32
        %ne3A_76 = arith.cmpi ne, %rem3A_74, %ne3A_75 : i32
        %lt3A = arith.constant 0 : i32
        %lt3A_77 = arith.cmpi slt, %rem3A_74, %lt3A : i32
        %lt3A_78 = arith.constant 0 : i32
        %lt3A_79 = arith.cmpi slt, %select_n3A_73, %lt3A_78 : i32
        %ne3A_80 = arith.xori %lt3A_77, %lt3A_79 : i1
        %and3A_81 = arith.andi %ne3A_80, %ne3A_76 : i1
        %add3A_82 = arith.addi %rem3A_74, %select_n3A_73 : i32
        %select_n3A_83 = arith.select %and3A_81, %add3A_82, %rem3A_74 : i32
        %mul3A_84 = arith.constant 32 : i32
        %mul3A_85 = arith.muli %select_n3A_83, %mul3A_84 : i32
        %mul3A_86 = arith.constant 16 : i32
        %mul3A_87 = arith.muli %while3A_64, %mul3A_86 : i32
        %add3A_88 = arith.constant 0 : i32
        %add3A_89 = arith.addi %mul3A_87, %add3A_88 : i32
        %add3A_90 = arith.constant 0 : i32
        %add3A_91 = arith.addi %mul3A_85, %add3A_90 : i32
        %get3A_92 = arith.index_cast %add3A_89 : i32 to index
        %get3A_93 = arith.index_cast %add3A_91 : i32 to index
        %get3A_94 = tpu.vector_load %arg11[%get3A_92, %get3A_93] {strides = array<i32>} : memref<768x128xf32, #tpu.memory_space<vmem>>, vector<16xf32>,
        %mul3A_95 = arith.constant 32 : i32
        %mul3A_96 = arith.muli %squeeze3A, %mul3A_95 : i32
        %add3A_97 = arith.constant 0 : i32
        %add3A_98 = arith.addi %mul3A_96, %add3A_97 : i32
        %add3A_99 = vector.broadcast %add3A_98 : i32 to vector<16xi32>
        %add3A_100 = arith.addi %add3A_99, %iota3A : vector<16xi32>
        %ge3A = arith.cmpf oge, %get3A_94, %get3A_12 : vector<16xf32>
        %jit3A_101 = arith.constant 0xFF800000 : f32
        %broadcast_in_dim3A = vector.broadcast %jit3A_101 : f32 to vector<16xf32>
        %select_n3A_102 = arith.select %ge3A, %get3A_94, %broadcast_in_dim3A : vector<16xi1>, vector<16xf32>
        %masked_sort3A = arith.constant -2147483648 : i32
        %masked_sort3A_103 = vector.broadcast %masked_sort3A : i32 to vector<16xi32>
        %masked_sort3A_104 = arith.xori %add3A_100, %masked_sort3A_103 : vector<16xi32>
        %masked_sort3A_105, %masked_sort3A_106, %masked_sort3A_107 = tpu.sort %masked_sort3A_104, %select_n3A_102 masked %ge3A : (vector<16xi32>, vector<16xf32>, vector<16xi1>) -> (vector<16xi1>, vector<16xi32>, vector<16xf32>)
        %masked_sort3A_108 = arith.xori %masked_sort3A_106, %masked_sort3A_103 : vector<16xi32>
        %add3A_109 = vector.broadcast %while3A_65 : i32 to vector<16xi32>
        %add3A_110 = arith.addi %add3A_109, %iota3A : vector<16xi32>
        tpu.vector_store_idx %arg14[%add3A_110], %masked_sort3A_107 : memref<768xf32, #tpu.memory_space<vmem>>[vector<16xi32>], vector<16xf32>,
        %add3A_111 = vector.broadcast %while3A_65 : i32 to vector<16xi32>
        %add3A_112 = arith.addi %add3A_111, %iota3A : vector<16xi32>
        tpu.vector_store_idx %arg15[%add3A_112], %masked_sort3A_108 : memref<768xi32, #tpu.memory_space<vmem>>[vector<16xi32>], vector<16xi32>,
        %all_reduce_population_count3A = tpu.all_reduce %ge3A {dim = 0 : i64, kind = #tpu.reduction_kind<sum>} : vector<16xi1> -> vector<16xi32>
        %slice3A_113 = vector.extract_strided_slice %all_reduce_population_count3A {offsets = [0], sizes = [1], strides = [1]} : vector<16xi32> to vector<1xi32>
        %squeeze3A_114 = vector.extract %slice3A_113[0] : i32 from vector<1xi32>
        %add3A_115 = arith.addi %while3A_65, %squeeze3A_114 : i32
        %min3A_116 = arith.constant 752 : i32
        %min3A_117 = arith.minsi %add3A_115, %min3A_116 : i32
        %mul3A_118 = arith.constant 16 : i32
        %mul3A_119 = arith.muli %while3A_64, %mul3A_118 : i32
        %add3A_120 = arith.constant 0 : i32
        %add3A_121 = arith.addi %mul3A_119, %add3A_120 : i32
        %add3A_122 = arith.constant 16 : i32
        %add3A_123 = arith.addi %mul3A_85, %add3A_122 : i32
        %get3A_124 = arith.index_cast %add3A_121 : i32 to index
        %get3A_125 = arith.index_cast %add3A_123 : i32 to index
        %get3A_126 = tpu.vector_load %arg11[%get3A_124, %get3A_125] {strides = array<i32>} : memref<768x128xf32, #tpu.memory_space<vmem>>, vector<16xf32>,
        %mul3A_127 = arith.constant 32 : i32
        %mul3A_128 = arith.muli %squeeze3A, %mul3A_127 : i32
        %add3A_129 = arith.constant 16 : i32
        %add3A_130 = arith.addi %mul3A_128, %add3A_129 : i32
        %add3A_131 = vector.broadcast %add3A_130 : i32 to vector<16xi32>
        %add3A_132 = arith.addi %add3A_131, %iota3A : vector<16xi32>
        %ge3A_133 = arith.cmpf oge, %get3A_126, %get3A_12 : vector<16xf32>
        %jit3A_134 = arith.constant 0xFF800000 : f32
        %broadcast_in_dim3A_135 = vector.broadcast %jit3A_134 : f32 to vector<16xf32>
        %select_n3A_136 = arith.select %ge3A_133, %get3A_126, %broadcast_in_dim3A_135 : vector<16xi1>, vector<16xf32>
        %masked_sort3A_137 = arith.constant -2147483648 : i32
        %masked_sort3A_138 = vector.broadcast %masked_sort3A_137 : i32 to vector<16xi32>
        %masked_sort3A_139 = arith.xori %add3A_132, %masked_sort3A_138 : vector<16xi32>
        %masked_sort3A_140, %masked_sort3A_141, %masked_sort3A_142 = tpu.sort %masked_sort3A_139, %select_n3A_136 masked %ge3A_133 : (vector<16xi32>, vector<16xf32>, vector<16xi1>) -> (vector<16xi1>, vector<16xi32>, vector<16xf32>)
        %masked_sort3A_143 = arith.xori %masked_sort3A_141, %masked_sort3A_138 : vector<16xi32>
        %add3A_144 = vector.broadcast %min3A_117 : i32 to vector<16xi32>
        %add3A_145 = arith.addi %add3A_144, %iota3A : vector<16xi32>
        tpu.vector_store_idx %arg14[%add3A_145], %masked_sort3A_142 : memref<768xf32, #tpu.memory_space<vmem>>[vector<16xi32>], vector<16xf32>,
        %add3A_146 = vector.broadcast %min3A_117 : i32 to vector<16xi32>
        %add3A_147 = arith.addi %add3A_146, %iota3A : vector<16xi32>
        tpu.vector_store_idx %arg15[%add3A_147], %masked_sort3A_143 : memref<768xi32, #tpu.memory_space<vmem>>[vector<16xi32>], vector<16xi32>,
        %all_reduce_population_count3A_148 = tpu.all_reduce %ge3A_133 {dim = 0 : i64, kind = #tpu.reduction_kind<sum>} : vector<16xi1> -> vector<16xi32>
        %slice3A_149 = vector.extract_strided_slice %all_reduce_population_count3A_148 {offsets = [0], sizes = [1], strides = [1]} : vector<16xi32> to vector<1xi32>
        %squeeze3A_150 = vector.extract %slice3A_149[0] : i32 from vector<1xi32>
        %add3A_151 = arith.addi %min3A_117, %squeeze3A_150 : i32
        %min3A_152 = arith.constant 752 : i32
        %min3A_153 = arith.minsi %add3A_151, %min3A_152 : i32
        %slice3A_154 = vector.extract_strided_slice %get3A_69 {offsets = [1], sizes = [1], strides = [1]} : vector<16xi32> to vector<1xi32>
        %squeeze3A_155 = vector.extract %slice3A_154[0] : i32 from vector<1xi32>
        %jit3A_156 = arith.constant 4 : i32
        %eq3A_157 = arith.constant 0 : i32
        %eq3A_158 = arith.cmpi eq, %jit3A_156, %eq3A_157 : i32
        %jit3A_159 = arith.constant 1 : i32
        %select_n3A_160 = arith.select %eq3A_158, %jit3A_159, %jit3A_156 : i32
        %rem3A_161 = arith.remsi %squeeze3A_155, %select_n3A_160 : i32
        %ne3A_162 = arith.constant 0 : i32
        %ne3A_163 = arith.cmpi ne, %rem3A_161, %ne3A_162 : i32
        %lt3A_164 = arith.constant 0 : i32
        %lt3A_165 = arith.cmpi slt, %rem3A_161, %lt3A_164 : i32
        %lt3A_166 = arith.constant 0 : i32
        %lt3A_167 = arith.cmpi slt, %select_n3A_160, %lt3A_166 : i32
        %ne3A_168 = arith.xori %lt3A_165, %lt3A_167 : i1
        %and3A_169 = arith.andi %ne3A_168, %ne3A_163 : i1
        %add3A_170 = arith.addi %rem3A_161, %select_n3A_160 : i32
        %select_n3A_171 = arith.select %and3A_169, %add3A_170, %rem3A_161 : i32
        %mul3A_172 = arith.constant 32 : i32
        %mul3A_173 = arith.muli %select_n3A_171, %mul3A_172 : i32
        %mul3A_174 = arith.constant 16 : i32
        %mul3A_175 = arith.muli %while3A_64, %mul3A_174 : i32
        %add3A_176 = arith.constant 1 : i32
        %add3A_177 = arith.addi %mul3A_175, %add3A_176 : i32
        %add3A_178 = arith.constant 0 : i32
        %add3A_179 = arith.addi %mul3A_173, %add3A_178 : i32
        %get3A_180 = arith.index_cast %add3A_177 : i32 to index
        %get3A_181 = arith.index_cast %add3A_179 : i32 to index
        %get3A_182 = tpu.vector_load %arg11[%get3A_180, %get3A_181] {strides = array<i32>} : memref<768x128xf32, #tpu.memory_space<vmem>>, vector<16xf32>,
        %mul3A_183 = arith.constant 32 : i32
        %mul3A_184 = arith.muli %squeeze3A_155, %mul3A_183 : i32
        %add3A_185 = arith.constant 0 : i32
        %add3A_186 = arith.addi %mul3A_184, %add3A_185 : i32
        %add3A_187 = vector.broadcast %add3A_186 : i32 to vector<16xi32>
        %add3A_188 = arith.addi %add3A_187, %iota3A : vector<16xi32>
        %ge3A_189 = arith.cmpf oge, %get3A_182, %get3A_12 : vector<16xf32>
        %jit3A_190 = arith.constant 0xFF800000 : f32
        %broadcast_in_dim3A_191 = vector.broadcast %jit3A_190 : f32 to vector<16xf32>
        %select_n3A_192 = arith.select %ge3A_189, %get3A_182, %broadcast_in_dim3A_191 : vector<16xi1>, vector<16xf32>
        %masked_sort3A_193 = arith.constant -2147483648 : i32
        %masked_sort3A_194 = vector.broadcast %masked_sort3A_193 : i32 to vector<16xi32>
        %masked_sort3A_195 = arith.xori %add3A_188, %masked_sort3A_194 : vector<16xi32>
        %masked_sort3A_196, %masked_sort3A_197, %masked_sort3A_198 = tpu.sort %masked_sort3A_195, %select_n3A_192 masked %ge3A_189 : (vector<16xi32>, vector<16xf32>, vector<16xi1>) -> (vector<16xi1>, vector<16xi32>, vector<16xf32>)
        %masked_sort3A_199 = arith.xori %masked_sort3A_197, %masked_sort3A_194 : vector<16xi32>
        %add3A_200 = vector.broadcast %min3A_153 : i32 to vector<16xi32>
        %add3A_201 = arith.addi %add3A_200, %iota3A : vector<16xi32>
        tpu.vector_store_idx %arg14[%add3A_201], %masked_sort3A_198 : memref<768xf32, #tpu.memory_space<vmem>>[vector<16xi32>], vector<16xf32>,
        %add3A_202 = vector.broadcast %min3A_153 : i32 to vector<16xi32>
        %add3A_203 = arith.addi %add3A_202, %iota3A : vector<16xi32>
        tpu.vector_store_idx %arg15[%add3A_203], %masked_sort3A_199 : memref<768xi32, #tpu.memory_space<vmem>>[vector<16xi32>], vector<16xi32>,
        %all_reduce_population_count3A_204 = tpu.all_reduce %ge3A_189 {dim = 0 : i64, kind = #tpu.reduction_kind<sum>} : vector<16xi1> -> vector<16xi32>
        %slice3A_205 = vector.extract_strided_slice %all_reduce_population_count3A_204 {offsets = [0], sizes = [1], strides = [1]} : vector<16xi32> to vector<1xi32>
        %squeeze3A_206 = vector.extract %slice3A_205[0] : i32 from vector<1xi32>
        %add3A_207 = arith.addi %min3A_153, %squeeze3A_206 : i32
        %min3A_208 = arith.constant 752 : i32
        %min3A_209 = arith.minsi %add3A_207, %min3A_208 : i32
        %mul3A_210 = arith.constant 16 : i32
        %mul3A_211 = arith.muli %while3A_64, %mul3A_210 : i32
        %add3A_212 = arith.constant 1 : i32
        %add3A_213 = arith.addi %mul3A_211, %add3A_212 : i32
        %add3A_214 = arith.constant 16 : i32
        %add3A_215 = arith.addi %mul3A_173, %add3A_214 : i32
        %get3A_216 = arith.index_cast %add3A_213 : i32 to index
        %get3A_217 = arith.index_cast %add3A_215 : i32 to index
        %get3A_218 = tpu.vector_load %arg11[%get3A_216, %get3A_217] {strides = array<i32>} : memref<768x128xf32, #tpu.memory_space<vmem>>, vector<16xf32>,
        %mul3A_219 = arith.constant 32 : i32
        %mul3A_220 = arith.muli %squeeze3A_155, %mul3A_219 : i32
        %add3A_221 = arith.constant 16 : i32
        %add3A_222 = arith.addi %mul3A_220, %add3A_221 : i32
        %add3A_223 = vector.broadcast %add3A_222 : i32 to vector<16xi32>
        %add3A_224 = arith.addi %add3A_223, %iota3A : vector<16xi32>
        %ge3A_225 = arith.cmpf oge, %get3A_218, %get3A_12 : vector<16xf32>
        %jit3A_226 = arith.constant 0xFF800000 : f32
        %broadcast_in_dim3A_227 = vector.broadcast %jit3A_226 : f32 to vector<16xf32>
        %select_n3A_228 = arith.select %ge3A_225, %get3A_218, %broadcast_in_dim3A_227 : vector<16xi1>, vector<16xf32>
        %masked_sort3A_229 = arith.constant -2147483648 : i32
        %masked_sort3A_230 = vector.broadcast %masked_sort3A_229 : i32 to vector<16xi32>
        %masked_sort3A_231 = arith.xori %add3A_224, %masked_sort3A_230 : vector<16xi32>
        %masked_sort3A_232, %masked_sort3A_233, %masked_sort3A_234 = tpu.sort %masked_sort3A_231, %select_n3A_228 masked %ge3A_225 : (vector<16xi32>, vector<16xf32>, vector<16xi1>) -> (vector<16xi1>, vector<16xi32>, vector<16xf32>)
        %masked_sort3A_235 = arith.xori %masked_sort3A_233, %masked_sort3A_230 : vector<16xi32>
        %add3A_236 = vector.broadcast %min3A_209 : i32 to vector<16xi32>
        %add3A_237 = arith.addi %add3A_236, %iota3A : vector<16xi32>
        tpu.vector_store_idx %arg14[%add3A_237], %masked_sort3A_234 : memref<768xf32, #tpu.memory_space<vmem>>[vector<16xi32>], vector<16xf32>,
        %add3A_238 = vector.broadcast %min3A_209 : i32 to vector<16xi32>
        %add3A_239 = arith.addi %add3A_238, %iota3A : vector<16xi32>
        tpu.vector_store_idx %arg15[%add3A_239], %masked_sort3A_235 : memref<768xi32, #tpu.memory_space<vmem>>[vector<16xi32>], vector<16xi32>,
        %all_reduce_population_count3A_240 = tpu.all_reduce %ge3A_225 {dim = 0 : i64, kind = #tpu.reduction_kind<sum>} : vector<16xi1> -> vector<16xi32>
        %slice3A_241 = vector.extract_strided_slice %all_reduce_population_count3A_240 {offsets = [0], sizes = [1], strides = [1]} : vector<16xi32> to vector<1xi32>
        %squeeze3A_242 = vector.extract %slice3A_241[0] : i32 from vector<1xi32>
        %add3A_243 = arith.addi %min3A_209, %squeeze3A_242 : i32
        %min3A_244 = arith.constant 752 : i32
        %min3A_245 = arith.minsi %add3A_243, %min3A_244 : i32
        %slice3A_246 = vector.extract_strided_slice %get3A_69 {offsets = [2], sizes = [1], strides = [1]} : vector<16xi32> to vector<1xi32>
        %squeeze3A_247 = vector.extract %slice3A_246[0] : i32 from vector<1xi32>
        %jit3A_248 = arith.constant 4 : i32
        %eq3A_249 = arith.constant 0 : i32
        %eq3A_250 = arith.cmpi eq, %jit3A_248, %eq3A_249 : i32
        %jit3A_251 = arith.constant 1 : i32
        %select_n3A_252 = arith.select %eq3A_250, %jit3A_251, %jit3A_248 : i32
        %rem3A_253 = arith.remsi %squeeze3A_247, %select_n3A_252 : i32
        %ne3A_254 = arith.constant 0 : i32
        %ne3A_255 = arith.cmpi ne, %rem3A_253, %ne3A_254 : i32
        %lt3A_256 = arith.constant 0 : i32
        %lt3A_257 = arith.cmpi slt, %rem3A_253, %lt3A_256 : i32
        %lt3A_258 = arith.constant 0 : i32
        %lt3A_259 = arith.cmpi slt, %select_n3A_252, %lt3A_258 : i32
        %ne3A_260 = arith.xori %lt3A_257, %lt3A_259 : i1
        %and3A_261 = arith.andi %ne3A_260, %ne3A_255 : i1
        %add3A_262 = arith.addi %rem3A_253, %select_n3A_252 : i32
        %select_n3A_263 = arith.select %and3A_261, %add3A_262, %rem3A_253 : i32
        %mul3A_264 = arith.constant 32 : i32
        %mul3A_265 = arith.muli %select_n3A_263, %mul3A_264 : i32
        %mul3A_266 = arith.constant 16 : i32
        %mul3A_267 = arith.muli %while3A_64, %mul3A_266 : i32
        %add3A_268 = arith.constant 2 : i32
        %add3A_269 = arith.addi %mul3A_267, %add3A_268 : i32
        %add3A_270 = arith.constant 0 : i32
        %add3A_271 = arith.addi %mul3A_265, %add3A_270 : i32
        %get3A_272 = arith.index_cast %add3A_269 : i32 to index
        %get3A_273 = arith.index_cast %add3A_271 : i32 to index
        %get3A_274 = tpu.vector_load %arg11[%get3A_272, %get3A_273] {strides = array<i32>} : memref<768x128xf32, #tpu.memory_space<vmem>>, vector<16xf32>,
        %mul3A_275 = arith.constant 32 : i32
        %mul3A_276 = arith.muli %squeeze3A_247, %mul3A_275 : i32
        %add3A_277 = arith.constant 0 : i32
        %add3A_278 = arith.addi %mul3A_276, %add3A_277 : i32
        %add3A_279 = vector.broadcast %add3A_278 : i32 to vector<16xi32>
        %add3A_280 = arith.addi %add3A_279, %iota3A : vector<16xi32>
        %ge3A_281 = arith.cmpf oge, %get3A_274, %get3A_12 : vector<16xf32>
        %jit3A_282 = arith.constant 0xFF800000 : f32
        %broadcast_in_dim3A_283 = vector.broadcast %jit3A_282 : f32 to vector<16xf32>
        %select_n3A_284 = arith.select %ge3A_281, %get3A_274, %broadcast_in_dim3A_283 : vector<16xi1>, vector<16xf32>
        %masked_sort3A_285 = arith.constant -2147483648 : i32
        %masked_sort3A_286 = vector.broadcast %masked_sort3A_285 : i32 to vector<16xi32>
        %masked_sort3A_287 = arith.xori %add3A_280, %masked_sort3A_286 : vector<16xi32>
        %masked_sort3A_288, %masked_sort3A_289, %masked_sort3A_290 = tpu.sort %masked_sort3A_287, %select_n3A_284 masked %ge3A_281 : (vector<16xi32>, vector<16xf32>, vector<16xi1>) -> (vector<16xi1>, vector<16xi32>, vector<16xf32>)
        %masked_sort3A_291 = arith.xori %masked_sort3A_289, %masked_sort3A_286 : vector<16xi32>
        %add3A_292 = vector.broadcast %min3A_245 : i32 to vector<16xi32>
        %add3A_293 = arith.addi %add3A_292, %iota3A : vector<16xi32>
        tpu.vector_store_idx %arg14[%add3A_293], %masked_sort3A_290 : memref<768xf32, #tpu.memory_space<vmem>>[vector<16xi32>], vector<16xf32>,
        %add3A_294 = vector.broadcast %min3A_245 : i32 to vector<16xi32>
        %add3A_295 = arith.addi %add3A_294, %iota3A : vector<16xi32>
        tpu.vector_store_idx %arg15[%add3A_295], %masked_sort3A_291 : memref<768xi32, #tpu.memory_space<vmem>>[vector<16xi32>], vector<16xi32>,
        %all_reduce_population_count3A_296 = tpu.all_reduce %ge3A_281 {dim = 0 : i64, kind = #tpu.reduction_kind<sum>} : vector<16xi1> -> vector<16xi32>
        %slice3A_297 = vector.extract_strided_slice %all_reduce_population_count3A_296 {offsets = [0], sizes = [1], strides = [1]} : vector<16xi32> to vector<1xi32>
        %squeeze3A_298 = vector.extract %slice3A_297[0] : i32 from vector<1xi32>
        %add3A_299 = arith.addi %min3A_245, %squeeze3A_298 : i32
        %min3A_300 = arith.constant 752 : i32
        %min3A_301 = arith.minsi %add3A_299, %min3A_300 : i32
        %mul3A_302 = arith.constant 16 : i32
        %mul3A_303 = arith.muli %while3A_64, %mul3A_302 : i32
        %add3A_304 = arith.constant 2 : i32
        %add3A_305 = arith.addi %mul3A_303, %add3A_304 : i32
        %add3A_306 = arith.constant 16 : i32
        %add3A_307 = arith.addi %mul3A_265, %add3A_306 : i32
        %get3A_308 = arith.index_cast %add3A_305 : i32 to index
        %get3A_309 = arith.index_cast %add3A_307 : i32 to index
        %get3A_310 = tpu.vector_load %arg11[%get3A_308, %get3A_309] {strides = array<i32>} : memref<768x128xf32, #tpu.memory_space<vmem>>, vector<16xf32>,
        %mul3A_311 = arith.constant 32 : i32
        %mul3A_312 = arith.muli %squeeze3A_247, %mul3A_311 : i32
        %add3A_313 = arith.constant 16 : i32
        %add3A_314 = arith.addi %mul3A_312, %add3A_313 : i32
        %add3A_315 = vector.broadcast %add3A_314 : i32 to vector<16xi32>
        %add3A_316 = arith.addi %add3A_315, %iota3A : vector<16xi32>
        %ge3A_317 = arith.cmpf oge, %get3A_310, %get3A_12 : vector<16xf32>
        %jit3A_318 = arith.constant 0xFF800000 : f32
        %broadcast_in_dim3A_319 = vector.broadcast %jit3A_318 : f32 to vector<16xf32>
        %select_n3A_320 = arith.select %ge3A_317, %get3A_310, %broadcast_in_dim3A_319 : vector<16xi1>, vector<16xf32>
        %masked_sort3A_321 = arith.constant -2147483648 : i32
        %masked_sort3A_322 = vector.broadcast %masked_sort3A_321 : i32 to vector<16xi32>
        %masked_sort3A_323 = arith.xori %add3A_316, %masked_sort3A_322 : vector<16xi32>
        %masked_sort3A_324, %masked_sort3A_325, %masked_sort3A_326 = tpu.sort %masked_sort3A_323, %select_n3A_320 masked %ge3A_317 : (vector<16xi32>, vector<16xf32>, vector<16xi1>) -> (vector<16xi1>, vector<16xi32>, vector<16xf32>)
        %masked_sort3A_327 = arith.xori %masked_sort3A_325, %masked_sort3A_322 : vector<16xi32>
        %add3A_328 = vector.broadcast %min3A_301 : i32 to vector<16xi32>
        %add3A_329 = arith.addi %add3A_328, %iota3A : vector<16xi32>
        tpu.vector_store_idx %arg14[%add3A_329], %masked_sort3A_326 : memref<768xf32, #tpu.memory_space<vmem>>[vector<16xi32>], vector<16xf32>,
        %add3A_330 = vector.broadcast %min3A_301 : i32 to vector<16xi32>
        %add3A_331 = arith.addi %add3A_330, %iota3A : vector<16xi32>
        tpu.vector_store_idx %arg15[%add3A_331], %masked_sort3A_327 : memref<768xi32, #tpu.memory_space<vmem>>[vector<16xi32>], vector<16xi32>,
        %all_reduce_population_count3A_332 = tpu.all_reduce %ge3A_317 {dim = 0 : i64, kind = #tpu.reduction_kind<sum>} : vector<16xi1> -> vector<16xi32>
        %slice3A_333 = vector.extract_strided_slice %all_reduce_population_count3A_332 {offsets = [0], sizes = [1], strides = [1]} : vector<16xi32> to vector<1xi32>
        %squeeze3A_334 = vector.extract %slice3A_333[0] : i32 from vector<1xi32>
        %add3A_335 = arith.addi %min3A_301, %squeeze3A_334 : i32
        %min3A_336 = arith.constant 752 : i32
        %min3A_337 = arith.minsi %add3A_335, %min3A_336 : i32
        %slice3A_338 = vector.extract_strided_slice %get3A_69 {offsets = [3], sizes = [1], strides = [1]} : vector<16xi32> to vector<1xi32>
        %squeeze3A_339 = vector.extract %slice3A_338[0] : i32 from vector<1xi32>
        %jit3A_340 = arith.constant 4 : i32
        %eq3A_341 = arith.constant 0 : i32
        %eq3A_342 = arith.cmpi eq, %jit3A_340, %eq3A_341 : i32
        %jit3A_343 = arith.constant 1 : i32
        %select_n3A_344 = arith.select %eq3A_342, %jit3A_343, %jit3A_340 : i32
        %rem3A_345 = arith.remsi %squeeze3A_339, %select_n3A_344 : i32
        %ne3A_346 = arith.constant 0 : i32
        %ne3A_347 = arith.cmpi ne, %rem3A_345, %ne3A_346 : i32
        %lt3A_348 = arith.constant 0 : i32
        %lt3A_349 = arith.cmpi slt, %rem3A_345, %lt3A_348 : i32
        %lt3A_350 = arith.constant 0 : i32
        %lt3A_351 = arith.cmpi slt, %select_n3A_344, %lt3A_350 : i32
        %ne3A_352 = arith.xori %lt3A_349, %lt3A_351 : i1
        %and3A_353 = arith.andi %ne3A_352, %ne3A_347 : i1
        %add3A_354 = arith.addi %rem3A_345, %select_n3A_344 : i32
        %select_n3A_355 = arith.select %and3A_353, %add3A_354, %rem3A_345 : i32
        %mul3A_356 = arith.constant 32 : i32
        %mul3A_357 = arith.muli %select_n3A_355, %mul3A_356 : i32
        %mul3A_358 = arith.constant 16 : i32
        %mul3A_359 = arith.muli %while3A_64, %mul3A_358 : i32
        %add3A_360 = arith.constant 3 : i32
        %add3A_361 = arith.addi %mul3A_359, %add3A_360 : i32
        %add3A_362 = arith.constant 0 : i32
        %add3A_363 = arith.addi %mul3A_357, %add3A_362 : i32
        %get3A_364 = arith.index_cast %add3A_361 : i32 to index
        %get3A_365 = arith.index_cast %add3A_363 : i32 to index
        %get3A_366 = tpu.vector_load %arg11[%get3A_364, %get3A_365] {strides = array<i32>} : memref<768x128xf32, #tpu.memory_space<vmem>>, vector<16xf32>,
        %mul3A_367 = arith.constant 32 : i32
        %mul3A_368 = arith.muli %squeeze3A_339, %mul3A_367 : i32
        %add3A_369 = arith.constant 0 : i32
        %add3A_370 = arith.addi %mul3A_368, %add3A_369 : i32
        %add3A_371 = vector.broadcast %add3A_370 : i32 to vector<16xi32>
        %add3A_372 = arith.addi %add3A_371, %iota3A : vector<16xi32>
        %ge3A_373 = arith.cmpf oge, %get3A_366, %get3A_12 : vector<16xf32>
        %jit3A_374 = arith.constant 0xFF800000 : f32
        %broadcast_in_dim3A_375 = vector.broadcast %jit3A_374 : f32 to vector<16xf32>
        %select_n3A_376 = arith.select %ge3A_373, %get3A_366, %broadcast_in_dim3A_375 : vector<16xi1>, vector<16xf32>
        %masked_sort3A_377 = arith.constant -2147483648 : i32
        %masked_sort3A_378 = vector.broadcast %masked_sort3A_377 : i32 to vector<16xi32>
        %masked_sort3A_379 = arith.xori %add3A_372, %masked_sort3A_378 : vector<16xi32>
        %masked_sort3A_380, %masked_sort3A_381, %masked_sort3A_382 = tpu.sort %masked_sort3A_379, %select_n3A_376 masked %ge3A_373 : (vector<16xi32>, vector<16xf32>, vector<16xi1>) -> (vector<16xi1>, vector<16xi32>, vector<16xf32>)
        %masked_sort3A_383 = arith.xori %masked_sort3A_381, %masked_sort3A_378 : vector<16xi32>
        %add3A_384 = vector.broadcast %min3A_337 : i32 to vector<16xi32>
        %add3A_385 = arith.addi %add3A_384, %iota3A : vector<16xi32>
        tpu.vector_store_idx %arg14[%add3A_385], %masked_sort3A_382 : memref<768xf32, #tpu.memory_space<vmem>>[vector<16xi32>], vector<16xf32>,
        %add3A_386 = vector.broadcast %min3A_337 : i32 to vector<16xi32>
        %add3A_387 = arith.addi %add3A_386, %iota3A : vector<16xi32>
        tpu.vector_store_idx %arg15[%add3A_387], %masked_sort3A_383 : memref<768xi32, #tpu.memory_space<vmem>>[vector<16xi32>], vector<16xi32>,
        %all_reduce_population_count3A_388 = tpu.all_reduce %ge3A_373 {dim = 0 : i64, kind = #tpu.reduction_kind<sum>} : vector<16xi1> -> vector<16xi32>
        %slice3A_389 = vector.extract_strided_slice %all_reduce_population_count3A_388 {offsets = [0], sizes = [1], strides = [1]} : vector<16xi32> to vector<1xi32>
        %squeeze3A_390 = vector.extract %slice3A_389[0] : i32 from vector<1xi32>
        %add3A_391 = arith.addi %min3A_337, %squeeze3A_390 : i32
        %min3A_392 = arith.constant 752 : i32
        %min3A_393 = arith.minsi %add3A_391, %min3A_392 : i32
        %mul3A_394 = arith.constant 16 : i32
        %mul3A_395 = arith.muli %while3A_64, %mul3A_394 : i32
        %add3A_396 = arith.constant 3 : i32
        %add3A_397 = arith.addi %mul3A_395, %add3A_396 : i32
        %add3A_398 = arith.constant 16 : i32
        %add3A_399 = arith.addi %mul3A_357, %add3A_398 : i32
        %get3A_400 = arith.index_cast %add3A_397 : i32 to index
        %get3A_401 = arith.index_cast %add3A_399 : i32 to index
        %get3A_402 = tpu.vector_load %arg11[%get3A_400, %get3A_401] {strides = array<i32>} : memref<768x128xf32, #tpu.memory_space<vmem>>, vector<16xf32>,
        %mul3A_403 = arith.constant 32 : i32
        %mul3A_404 = arith.muli %squeeze3A_339, %mul3A_403 : i32
        %add3A_405 = arith.constant 16 : i32
        %add3A_406 = arith.addi %mul3A_404, %add3A_405 : i32
        %add3A_407 = vector.broadcast %add3A_406 : i32 to vector<16xi32>
        %add3A_408 = arith.addi %add3A_407, %iota3A : vector<16xi32>
        %ge3A_409 = arith.cmpf oge, %get3A_402, %get3A_12 : vector<16xf32>
        %jit3A_410 = arith.constant 0xFF800000 : f32
        %broadcast_in_dim3A_411 = vector.broadcast %jit3A_410 : f32 to vector<16xf32>
        %select_n3A_412 = arith.select %ge3A_409, %get3A_402, %broadcast_in_dim3A_411 : vector<16xi1>, vector<16xf32>
        %masked_sort3A_413 = arith.constant -2147483648 : i32
        %masked_sort3A_414 = vector.broadcast %masked_sort3A_413 : i32 to vector<16xi32>
        %masked_sort3A_415 = arith.xori %add3A_408, %masked_sort3A_414 : vector<16xi32>
        %masked_sort3A_416, %masked_sort3A_417, %masked_sort3A_418 = tpu.sort %masked_sort3A_415, %select_n3A_412 masked %ge3A_409 : (vector<16xi32>, vector<16xf32>, vector<16xi1>) -> (vector<16xi1>, vector<16xi32>, vector<16xf32>)
        %masked_sort3A_419 = arith.xori %masked_sort3A_417, %masked_sort3A_414 : vector<16xi32>
        %add3A_420 = vector.broadcast %min3A_393 : i32 to vector<16xi32>
        %add3A_421 = arith.addi %add3A_420, %iota3A : vector<16xi32>
        tpu.vector_store_idx %arg14[%add3A_421], %masked_sort3A_418 : memref<768xf32, #tpu.memory_space<vmem>>[vector<16xi32>], vector<16xf32>,
        %add3A_422 = vector.broadcast %min3A_393 : i32 to vector<16xi32>
        %add3A_423 = arith.addi %add3A_422, %iota3A : vector<16xi32>
        tpu.vector_store_idx %arg15[%add3A_423], %masked_sort3A_419 : memref<768xi32, #tpu.memory_space<vmem>>[vector<16xi32>], vector<16xi32>,
        %all_reduce_population_count3A_424 = tpu.all_reduce %ge3A_409 {dim = 0 : i64, kind = #tpu.reduction_kind<sum>} : vector<16xi1> -> vector<16xi32>
        %slice3A_425 = vector.extract_strided_slice %all_reduce_population_count3A_424 {offsets = [0], sizes = [1], strides = [1]} : vector<16xi32> to vector<1xi32>
        %squeeze3A_426 = vector.extract %slice3A_425[0] : i32 from vector<1xi32>
        %add3A_427 = arith.addi %min3A_393, %squeeze3A_426 : i32
        %min3A_428 = arith.constant 752 : i32
        %min3A_429 = arith.minsi %add3A_427, %min3A_428 : i32
        %slice3A_430 = vector.extract_strided_slice %get3A_69 {offsets = [4], sizes = [1], strides = [1]} : vector<16xi32> to vector<1xi32>
        %squeeze3A_431 = vector.extract %slice3A_430[0] : i32 from vector<1xi32>
        %jit3A_432 = arith.constant 4 : i32
        %eq3A_433 = arith.constant 0 : i32
        %eq3A_434 = arith.cmpi eq, %jit3A_432, %eq3A_433 : i32
        %jit3A_435 = arith.constant 1 : i32
        %select_n3A_436 = arith.select %eq3A_434, %jit3A_435, %jit3A_432 : i32
        %rem3A_437 = arith.remsi %squeeze3A_431, %select_n3A_436 : i32
        %ne3A_438 = arith.constant 0 : i32
        %ne3A_439 = arith.cmpi ne, %rem3A_437, %ne3A_438 : i32
        %lt3A_440 = arith.constant 0 : i32
        %lt3A_441 = arith.cmpi slt, %rem3A_437, %lt3A_440 : i32
        %lt3A_442 = arith.constant 0 : i32
        %lt3A_443 = arith.cmpi slt, %select_n3A_436, %lt3A_442 : i32
        %ne3A_444 = arith.xori %lt3A_441, %lt3A_443 : i1
        %and3A_445 = arith.andi %ne3A_444, %ne3A_439 : i1
        %add3A_446 = arith.addi %rem3A_437, %select_n3A_436 : i32
        %select_n3A_447 = arith.select %and3A_445, %add3A_446, %rem3A_437 : i32
        %mul3A_448 = arith.constant 32 : i32
        %mul3A_449 = arith.muli %select_n3A_447, %mul3A_448 : i32
        %mul3A_450 = arith.constant 16 : i32
        %mul3A_451 = arith.muli %while3A_64, %mul3A_450 : i32
        %add3A_452 = arith.constant 4 : i32
        %add3A_453 = arith.addi %mul3A_451, %add3A_452 : i32
        %add3A_454 = arith.constant 0 : i32
        %add3A_455 = arith.addi %mul3A_449, %add3A_454 : i32
        %get3A_456 = arith.index_cast %add3A_453 : i32 to index
        %get3A_457 = arith.index_cast %add3A_455 : i32 to index
        %get3A_458 = tpu.vector_load %arg11[%get3A_456, %get3A_457] {strides = array<i32>} : memref<768x128xf32, #tpu.memory_space<vmem>>, vector<16xf32>,
        %mul3A_459 = arith.constant 32 : i32
        %mul3A_460 = arith.muli %squeeze3A_431, %mul3A_459 : i32
        %add3A_461 = arith.constant 0 : i32
        %add3A_462 = arith.addi %mul3A_460, %add3A_461 : i32
        %add3A_463 = vector.broadcast %add3A_462 : i32 to vector<16xi32>
        %add3A_464 = arith.addi %add3A_463, %iota3A : vector<16xi32>
        %ge3A_465 = arith.cmpf oge, %get3A_458, %get3A_12 : vector<16xf32>
        %jit3A_466 = arith.constant 0xFF800000 : f32
        %broadcast_in_dim3A_467 = vector.broadcast %jit3A_466 : f32 to vector<16xf32>
        %select_n3A_468 = arith.select %ge3A_465, %get3A_458, %broadcast_in_dim3A_467 : vector<16xi1>, vector<16xf32>
        %masked_sort3A_469 = arith.constant -2147483648 : i32
        %masked_sort3A_470 = vector.broadcast %masked_sort3A_469 : i32 to vector<16xi32>
        %masked_sort3A_471 = arith.xori %add3A_464, %masked_sort3A_470 : vector<16xi32>
        %masked_sort3A_472, %masked_sort3A_473, %masked_sort3A_474 = tpu.sort %masked_sort3A_471, %select_n3A_468 masked %ge3A_465 : (vector<16xi32>, vector<16xf32>, vector<16xi1>) -> (vector<16xi1>, vector<16xi32>, vector<16xf32>)
        %masked_sort3A_475 = arith.xori %masked_sort3A_473, %masked_sort3A_470 : vector<16xi32>
        %add3A_476 = vector.broadcast %min3A_429 : i32 to vector<16xi32>
        %add3A_477 = arith.addi %add3A_476, %iota3A : vector<16xi32>
        tpu.vector_store_idx %arg14[%add3A_477], %masked_sort3A_474 : memref<768xf32, #tpu.memory_space<vmem>>[vector<16xi32>], vector<16xf32>,
        %add3A_478 = vector.broadcast %min3A_429 : i32 to vector<16xi32>
        %add3A_479 = arith.addi %add3A_478, %iota3A : vector<16xi32>
        tpu.vector_store_idx %arg15[%add3A_479], %masked_sort3A_475 : memref<768xi32, #tpu.memory_space<vmem>>[vector<16xi32>], vector<16xi32>,
        %all_reduce_population_count3A_480 = tpu.all_reduce %ge3A_465 {dim = 0 : i64, kind = #tpu.reduction_kind<sum>} : vector<16xi1> -> vector<16xi32>
        %slice3A_481 = vector.extract_strided_slice %all_reduce_population_count3A_480 {offsets = [0], sizes = [1], strides = [1]} : vector<16xi32> to vector<1xi32>
        %squeeze3A_482 = vector.extract %slice3A_481[0] : i32 from vector<1xi32>
        %add3A_483 = arith.addi %min3A_429, %squeeze3A_482 : i32
        %min3A_484 = arith.constant 752 : i32
        %min3A_485 = arith.minsi %add3A_483, %min3A_484 : i32
        %mul3A_486 = arith.constant 16 : i32
        %mul3A_487 = arith.muli %while3A_64, %mul3A_486 : i32
        %add3A_488 = arith.constant 4 : i32
        %add3A_489 = arith.addi %mul3A_487, %add3A_488 : i32
        %add3A_490 = arith.constant 16 : i32
        %add3A_491 = arith.addi %mul3A_449, %add3A_490 : i32
        %get3A_492 = arith.index_cast %add3A_489 : i32 to index
        %get3A_493 = arith.index_cast %add3A_491 : i32 to index
        %get3A_494 = tpu.vector_load %arg11[%get3A_492, %get3A_493] {strides = array<i32>} : memref<768x128xf32, #tpu.memory_space<vmem>>, vector<16xf32>,
        %mul3A_495 = arith.constant 32 : i32
        %mul3A_496 = arith.muli %squeeze3A_431, %mul3A_495 : i32
        %add3A_497 = arith.constant 16 : i32
        %add3A_498 = arith.addi %mul3A_496, %add3A_497 : i32
        %add3A_499 = vector.broadcast %add3A_498 : i32 to vector<16xi32>
        %add3A_500 = arith.addi %add3A_499, %iota3A : vector<16xi32>
        %ge3A_501 = arith.cmpf oge, %get3A_494, %get3A_12 : vector<16xf32>
        %jit3A_502 = arith.constant 0xFF800000 : f32
        %broadcast_in_dim3A_503 = vector.broadcast %jit3A_502 : f32 to vector<16xf32>
        %select_n3A_504 = arith.select %ge3A_501, %get3A_494, %broadcast_in_dim3A_503 : vector<16xi1>, vector<16xf32>
        %masked_sort3A_505 = arith.constant -2147483648 : i32
        %masked_sort3A_506 = vector.broadcast %masked_sort3A_505 : i32 to vector<16xi32>
        %masked_sort3A_507 = arith.xori %add3A_500, %masked_sort3A_506 : vector<16xi32>
        %masked_sort3A_508, %masked_sort3A_509, %masked_sort3A_510 = tpu.sort %masked_sort3A_507, %select_n3A_504 masked %ge3A_501 : (vector<16xi32>, vector<16xf32>, vector<16xi1>) -> (vector<16xi1>, vector<16xi32>, vector<16xf32>)
        %masked_sort3A_511 = arith.xori %masked_sort3A_509, %masked_sort3A_506 : vector<16xi32>
        %add3A_512 = vector.broadcast %min3A_485 : i32 to vector<16xi32>
        %add3A_513 = arith.addi %add3A_512, %iota3A : vector<16xi32>
        tpu.vector_store_idx %arg14[%add3A_513], %masked_sort3A_510 : memref<768xf32, #tpu.memory_space<vmem>>[vector<16xi32>], vector<16xf32>,
        %add3A_514 = vector.broadcast %min3A_485 : i32 to vector<16xi32>
        %add3A_515 = arith.addi %add3A_514, %iota3A : vector<16xi32>
        tpu.vector_store_idx %arg15[%add3A_515], %masked_sort3A_511 : memref<768xi32, #tpu.memory_space<vmem>>[vector<16xi32>], vector<16xi32>,
        %all_reduce_population_count3A_516 = tpu.all_reduce %ge3A_501 {dim = 0 : i64, kind = #tpu.reduction_kind<sum>} : vector<16xi1> -> vector<16xi32>
        %slice3A_517 = vector.extract_strided_slice %all_reduce_population_count3A_516 {offsets = [0], sizes = [1], strides = [1]} : vector<16xi32> to vector<1xi32>
        %squeeze3A_518 = vector.extract %slice3A_517[0] : i32 from vector<1xi32>
        %add3A_519 = arith.addi %min3A_485, %squeeze3A_518 : i32
        %min3A_520 = arith.constant 752 : i32
        %min3A_521 = arith.minsi %add3A_519, %min3A_520 : i32
        %slice3A_522 = vector.extract_strided_slice %get3A_69 {offsets = [5], sizes = [1], strides = [1]} : vector<16xi32> to vector<1xi32>
        %squeeze3A_523 = vector.extract %slice3A_522[0] : i32 from vector<1xi32>
        %jit3A_524 = arith.constant 4 : i32
        %eq3A_525 = arith.constant 0 : i32
        %eq3A_526 = arith.cmpi eq, %jit3A_524, %eq3A_525 : i32
        %jit3A_527 = arith.constant 1 : i32
        %select_n3A_528 = arith.select %eq3A_526, %jit3A_527, %jit3A_524 : i32
        %rem3A_529 = arith.remsi %squeeze3A_523, %select_n3A_528 : i32
        %ne3A_530 = arith.constant 0 : i32
        %ne3A_531 = arith.cmpi ne, %rem3A_529, %ne3A_530 : i32
        %lt3A_532 = arith.constant 0 : i32
        %lt3A_533 = arith.cmpi slt, %rem3A_529, %lt3A_532 : i32
        %lt3A_534 = arith.constant 0 : i32
        %lt3A_535 = arith.cmpi slt, %select_n3A_528, %lt3A_534 : i32
        %ne3A_536 = arith.xori %lt3A_533, %lt3A_535 : i1
        %and3A_537 = arith.andi %ne3A_536, %ne3A_531 : i1
        %add3A_538 = arith.addi %rem3A_529, %select_n3A_528 : i32
        %select_n3A_539 = arith.select %and3A_537, %add3A_538, %rem3A_529 : i32
        %mul3A_540 = arith.constant 32 : i32
        %mul3A_541 = arith.muli %select_n3A_539, %mul3A_540 : i32
        %mul3A_542 = arith.constant 16 : i32
        %mul3A_543 = arith.muli %while3A_64, %mul3A_542 : i32
        %add3A_544 = arith.constant 5 : i32
        %add3A_545 = arith.addi %mul3A_543, %add3A_544 : i32
        %add3A_546 = arith.constant 0 : i32
        %add3A_547 = arith.addi %mul3A_541, %add3A_546 : i32
        %get3A_548 = arith.index_cast %add3A_545 : i32 to index
        %get3A_549 = arith.index_cast %add3A_547 : i32 to index
        %get3A_550 = tpu.vector_load %arg11[%get3A_548, %get3A_549] {strides = array<i32>} : memref<768x128xf32, #tpu.memory_space<vmem>>, vector<16xf32>,
        %mul3A_551 = arith.constant 32 : i32
        %mul3A_552 = arith.muli %squeeze3A_523, %mul3A_551 : i32
        %add3A_553 = arith.constant 0 : i32
        %add3A_554 = arith.addi %mul3A_552, %add3A_553 : i32
        %add3A_555 = vector.broadcast %add3A_554 : i32 to vector<16xi32>
        %add3A_556 = arith.addi %add3A_555, %iota3A : vector<16xi32>
        %ge3A_557 = arith.cmpf oge, %get3A_550, %get3A_12 : vector<16xf32>
        %jit3A_558 = arith.constant 0xFF800000 : f32
        %broadcast_in_dim3A_559 = vector.broadcast %jit3A_558 : f32 to vector<16xf32>
        %select_n3A_560 = arith.select %ge3A_557, %get3A_550, %broadcast_in_dim3A_559 : vector<16xi1>, vector<16xf32>
        %masked_sort3A_561 = arith.constant -2147483648 : i32
        %masked_sort3A_562 = vector.broadcast %masked_sort3A_561 : i32 to vector<16xi32>
        %masked_sort3A_563 = arith.xori %add3A_556, %masked_sort3A_562 : vector<16xi32>
        %masked_sort3A_564, %masked_sort3A_565, %masked_sort3A_566 = tpu.sort %masked_sort3A_563, %select_n3A_560 masked %ge3A_557 : (vector<16xi32>, vector<16xf32>, vector<16xi1>) -> (vector<16xi1>, vector<16xi32>, vector<16xf32>)
        %masked_sort3A_567 = arith.xori %masked_sort3A_565, %masked_sort3A_562 : vector<16xi32>
        %add3A_568 = vector.broadcast %min3A_521 : i32 to vector<16xi32>
        %add3A_569 = arith.addi %add3A_568, %iota3A : vector<16xi32>
        tpu.vector_store_idx %arg14[%add3A_569], %masked_sort3A_566 : memref<768xf32, #tpu.memory_space<vmem>>[vector<16xi32>], vector<16xf32>,
        %add3A_570 = vector.broadcast %min3A_521 : i32 to vector<16xi32>
        %add3A_571 = arith.addi %add3A_570, %iota3A : vector<16xi32>
        tpu.vector_store_idx %arg15[%add3A_571], %masked_sort3A_567 : memref<768xi32, #tpu.memory_space<vmem>>[vector<16xi32>], vector<16xi32>,
        %all_reduce_population_count3A_572 = tpu.all_reduce %ge3A_557 {dim = 0 : i64, kind = #tpu.reduction_kind<sum>} : vector<16xi1> -> vector<16xi32>
        %slice3A_573 = vector.extract_strided_slice %all_reduce_population_count3A_572 {offsets = [0], sizes = [1], strides = [1]} : vector<16xi32> to vector<1xi32>
        %squeeze3A_574 = vector.extract %slice3A_573[0] : i32 from vector<1xi32>
        %add3A_575 = arith.addi %min3A_521, %squeeze3A_574 : i32
        %min3A_576 = arith.constant 752 : i32
        %min3A_577 = arith.minsi %add3A_575, %min3A_576 : i32
        %mul3A_578 = arith.constant 16 : i32
        %mul3A_579 = arith.muli %while3A_64, %mul3A_578 : i32
        %add3A_580 = arith.constant 5 : i32
        %add3A_581 = arith.addi %mul3A_579, %add3A_580 : i32
        %add3A_582 = arith.constant 16 : i32
        %add3A_583 = arith.addi %mul3A_541, %add3A_582 : i32
        %get3A_584 = arith.index_cast %add3A_581 : i32 to index
        %get3A_585 = arith.index_cast %add3A_583 : i32 to index
        %get3A_586 = tpu.vector_load %arg11[%get3A_584, %get3A_585] {strides = array<i32>} : memref<768x128xf32, #tpu.memory_space<vmem>>, vector<16xf32>,
        %mul3A_587 = arith.constant 32 : i32
        %mul3A_588 = arith.muli %squeeze3A_523, %mul3A_587 : i32
        %add3A_589 = arith.constant 16 : i32
        %add3A_590 = arith.addi %mul3A_588, %add3A_589 : i32
        %add3A_591 = vector.broadcast %add3A_590 : i32 to vector<16xi32>
        %add3A_592 = arith.addi %add3A_591, %iota3A : vector<16xi32>
        %ge3A_593 = arith.cmpf oge, %get3A_586, %get3A_12 : vector<16xf32>
        %jit3A_594 = arith.constant 0xFF800000 : f32
        %broadcast_in_dim3A_595 = vector.broadcast %jit3A_594 : f32 to vector<16xf32>
        %select_n3A_596 = arith.select %ge3A_593, %get3A_586, %broadcast_in_dim3A_595 : vector<16xi1>, vector<16xf32>
        %masked_sort3A_597 = arith.constant -2147483648 : i32
        %masked_sort3A_598 = vector.broadcast %masked_sort3A_597 : i32 to vector<16xi32>
        %masked_sort3A_599 = arith.xori %add3A_592, %masked_sort3A_598 : vector<16xi32>
        %masked_sort3A_600, %masked_sort3A_601, %masked_sort3A_602 = tpu.sort %masked_sort3A_599, %select_n3A_596 masked %ge3A_593 : (vector<16xi32>, vector<16xf32>, vector<16xi1>) -> (vector<16xi1>, vector<16xi32>, vector<16xf32>)
        %masked_sort3A_603 = arith.xori %masked_sort3A_601, %masked_sort3A_598 : vector<16xi32>
        %add3A_604 = vector.broadcast %min3A_577 : i32 to vector<16xi32>
        %add3A_605 = arith.addi %add3A_604, %iota3A : vector<16xi32>
        tpu.vector_store_idx %arg14[%add3A_605], %masked_sort3A_602 : memref<768xf32, #tpu.memory_space<vmem>>[vector<16xi32>], vector<16xf32>,
        %add3A_606 = vector.broadcast %min3A_577 : i32 to vector<16xi32>
        %add3A_607 = arith.addi %add3A_606, %iota3A : vector<16xi32>
        tpu.vector_store_idx %arg15[%add3A_607], %masked_sort3A_603 : memref<768xi32, #tpu.memory_space<vmem>>[vector<16xi32>], vector<16xi32>,
        %all_reduce_population_count3A_608 = tpu.all_reduce %ge3A_593 {dim = 0 : i64, kind = #tpu.reduction_kind<sum>} : vector<16xi1> -> vector<16xi32>
        %slice3A_609 = vector.extract_strided_slice %all_reduce_population_count3A_608 {offsets = [0], sizes = [1], strides = [1]} : vector<16xi32> to vector<1xi32>
        %squeeze3A_610 = vector.extract %slice3A_609[0] : i32 from vector<1xi32>
        %add3A_611 = arith.addi %min3A_577, %squeeze3A_610 : i32
        %min3A_612 = arith.constant 752 : i32
        %min3A_613 = arith.minsi %add3A_611, %min3A_612 : i32
        %slice3A_614 = vector.extract_strided_slice %get3A_69 {offsets = [6], sizes = [1], strides = [1]} : vector<16xi32> to vector<1xi32>
        %squeeze3A_615 = vector.extract %slice3A_614[0] : i32 from vector<1xi32>
        %jit3A_616 = arith.constant 4 : i32
        %eq3A_617 = arith.constant 0 : i32
        %eq3A_618 = arith.cmpi eq, %jit3A_616, %eq3A_617 : i32
        %jit3A_619 = arith.constant 1 : i32
        %select_n3A_620 = arith.select %eq3A_618, %jit3A_619, %jit3A_616 : i32
        %rem3A_621 = arith.remsi %squeeze3A_615, %select_n3A_620 : i32
        %ne3A_622 = arith.constant 0 : i32
        %ne3A_623 = arith.cmpi ne, %rem3A_621, %ne3A_622 : i32
        %lt3A_624 = arith.constant 0 : i32
        %lt3A_625 = arith.cmpi slt, %rem3A_621, %lt3A_624 : i32
        %lt3A_626 = arith.constant 0 : i32
        %lt3A_627 = arith.cmpi slt, %select_n3A_620, %lt3A_626 : i32
        %ne3A_628 = arith.xori %lt3A_625, %lt3A_627 : i1
        %and3A_629 = arith.andi %ne3A_628, %ne3A_623 : i1
        %add3A_630 = arith.addi %rem3A_621, %select_n3A_620 : i32
        %select_n3A_631 = arith.select %and3A_629, %add3A_630, %rem3A_621 : i32
        %mul3A_632 = arith.constant 32 : i32
        %mul3A_633 = arith.muli %select_n3A_631, %mul3A_632 : i32
        %mul3A_634 = arith.constant 16 : i32
        %mul3A_635 = arith.muli %while3A_64, %mul3A_634 : i32
        %add3A_636 = arith.constant 6 : i32
        %add3A_637 = arith.addi %mul3A_635, %add3A_636 : i32
        %add3A_638 = arith.constant 0 : i32
        %add3A_639 = arith.addi %mul3A_633, %add3A_638 : i32
        %get3A_640 = arith.index_cast %add3A_637 : i32 to index
        %get3A_641 = arith.index_cast %add3A_639 : i32 to index
        %get3A_642 = tpu.vector_load %arg11[%get3A_640, %get3A_641] {strides = array<i32>} : memref<768x128xf32, #tpu.memory_space<vmem>>, vector<16xf32>,
        %mul3A_643 = arith.constant 32 : i32
        %mul3A_644 = arith.muli %squeeze3A_615, %mul3A_643 : i32
        %add3A_645 = arith.constant 0 : i32
        %add3A_646 = arith.addi %mul3A_644, %add3A_645 : i32
        %add3A_647 = vector.broadcast %add3A_646 : i32 to vector<16xi32>
        %add3A_648 = arith.addi %add3A_647, %iota3A : vector<16xi32>
        %ge3A_649 = arith.cmpf oge, %get3A_642, %get3A_12 : vector<16xf32>
        %jit3A_650 = arith.constant 0xFF800000 : f32
        %broadcast_in_dim3A_651 = vector.broadcast %jit3A_650 : f32 to vector<16xf32>
        %select_n3A_652 = arith.select %ge3A_649, %get3A_642, %broadcast_in_dim3A_651 : vector<16xi1>, vector<16xf32>
        %masked_sort3A_653 = arith.constant -2147483648 : i32
        %masked_sort3A_654 = vector.broadcast %masked_sort3A_653 : i32 to vector<16xi32>
        %masked_sort3A_655 = arith.xori %add3A_648, %masked_sort3A_654 : vector<16xi32>
        %masked_sort3A_656, %masked_sort3A_657, %masked_sort3A_658 = tpu.sort %masked_sort3A_655, %select_n3A_652 masked %ge3A_649 : (vector<16xi32>, vector<16xf32>, vector<16xi1>) -> (vector<16xi1>, vector<16xi32>, vector<16xf32>)
        %masked_sort3A_659 = arith.xori %masked_sort3A_657, %masked_sort3A_654 : vector<16xi32>
        %add3A_660 = vector.broadcast %min3A_613 : i32 to vector<16xi32>
        %add3A_661 = arith.addi %add3A_660, %iota3A : vector<16xi32>
        tpu.vector_store_idx %arg14[%add3A_661], %masked_sort3A_658 : memref<768xf32, #tpu.memory_space<vmem>>[vector<16xi32>], vector<16xf32>,
        %add3A_662 = vector.broadcast %min3A_613 : i32 to vector<16xi32>
        %add3A_663 = arith.addi %add3A_662, %iota3A : vector<16xi32>
        tpu.vector_store_idx %arg15[%add3A_663], %masked_sort3A_659 : memref<768xi32, #tpu.memory_space<vmem>>[vector<16xi32>], vector<16xi32>,
        %all_reduce_population_count3A_664 = tpu.all_reduce %ge3A_649 {dim = 0 : i64, kind = #tpu.reduction_kind<sum>} : vector<16xi1> -> vector<16xi32>
        %slice3A_665 = vector.extract_strided_slice %all_reduce_population_count3A_664 {offsets = [0], sizes = [1], strides = [1]} : vector<16xi32> to vector<1xi32>
        %squeeze3A_666 = vector.extract %slice3A_665[0] : i32 from vector<1xi32>
        %add3A_667 = arith.addi %min3A_613, %squeeze3A_666 : i32
        %min3A_668 = arith.constant 752 : i32
        %min3A_669 = arith.minsi %add3A_667, %min3A_668 : i32
        %mul3A_670 = arith.constant 16 : i32
        %mul3A_671 = arith.muli %while3A_64, %mul3A_670 : i32
        %add3A_672 = arith.constant 6 : i32
        %add3A_673 = arith.addi %mul3A_671, %add3A_672 : i32
        %add3A_674 = arith.constant 16 : i32
        %add3A_675 = arith.addi %mul3A_633, %add3A_674 : i32
        %get3A_676 = arith.index_cast %add3A_673 : i32 to index
        %get3A_677 = arith.index_cast %add3A_675 : i32 to index
        %get3A_678 = tpu.vector_load %arg11[%get3A_676, %get3A_677] {strides = array<i32>} : memref<768x128xf32, #tpu.memory_space<vmem>>, vector<16xf32>,
        %mul3A_679 = arith.constant 32 : i32
        %mul3A_680 = arith.muli %squeeze3A_615, %mul3A_679 : i32
        %add3A_681 = arith.constant 16 : i32
        %add3A_682 = arith.addi %mul3A_680, %add3A_681 : i32
        %add3A_683 = vector.broadcast %add3A_682 : i32 to vector<16xi32>
        %add3A_684 = arith.addi %add3A_683, %iota3A : vector<16xi32>
        %ge3A_685 = arith.cmpf oge, %get3A_678, %get3A_12 : vector<16xf32>
        %jit3A_686 = arith.constant 0xFF800000 : f32
        %broadcast_in_dim3A_687 = vector.broadcast %jit3A_686 : f32 to vector<16xf32>
        %select_n3A_688 = arith.select %ge3A_685, %get3A_678, %broadcast_in_dim3A_687 : vector<16xi1>, vector<16xf32>
        %masked_sort3A_689 = arith.constant -2147483648 : i32
        %masked_sort3A_690 = vector.broadcast %masked_sort3A_689 : i32 to vector<16xi32>
        %masked_sort3A_691 = arith.xori %add3A_684, %masked_sort3A_690 : vector<16xi32>
        %masked_sort3A_692, %masked_sort3A_693, %masked_sort3A_694 = tpu.sort %masked_sort3A_691, %select_n3A_688 masked %ge3A_685 : (vector<16xi32>, vector<16xf32>, vector<16xi1>) -> (vector<16xi1>, vector<16xi32>, vector<16xf32>)
        %masked_sort3A_695 = arith.xori %masked_sort3A_693, %masked_sort3A_690 : vector<16xi32>
        %add3A_696 = vector.broadcast %min3A_669 : i32 to vector<16xi32>
        %add3A_697 = arith.addi %add3A_696, %iota3A : vector<16xi32>
        tpu.vector_store_idx %arg14[%add3A_697], %masked_sort3A_694 : memref<768xf32, #tpu.memory_space<vmem>>[vector<16xi32>], vector<16xf32>,
        %add3A_698 = vector.broadcast %min3A_669 : i32 to vector<16xi32>
        %add3A_699 = arith.addi %add3A_698, %iota3A : vector<16xi32>
        tpu.vector_store_idx %arg15[%add3A_699], %masked_sort3A_695 : memref<768xi32, #tpu.memory_space<vmem>>[vector<16xi32>], vector<16xi32>,
        %all_reduce_population_count3A_700 = tpu.all_reduce %ge3A_685 {dim = 0 : i64, kind = #tpu.reduction_kind<sum>} : vector<16xi1> -> vector<16xi32>
        %slice3A_701 = vector.extract_strided_slice %all_reduce_population_count3A_700 {offsets = [0], sizes = [1], strides = [1]} : vector<16xi32> to vector<1xi32>
        %squeeze3A_702 = vector.extract %slice3A_701[0] : i32 from vector<1xi32>
        %add3A_703 = arith.addi %min3A_669, %squeeze3A_702 : i32
        %min3A_704 = arith.constant 752 : i32
        %min3A_705 = arith.minsi %add3A_703, %min3A_704 : i32
        %slice3A_706 = vector.extract_strided_slice %get3A_69 {offsets = [7], sizes = [1], strides = [1]} : vector<16xi32> to vector<1xi32>
        %squeeze3A_707 = vector.extract %slice3A_706[0] : i32 from vector<1xi32>
        %jit3A_708 = arith.constant 4 : i32
        %eq3A_709 = arith.constant 0 : i32
        %eq3A_710 = arith.cmpi eq, %jit3A_708, %eq3A_709 : i32
        %jit3A_711 = arith.constant 1 : i32
        %select_n3A_712 = arith.select %eq3A_710, %jit3A_711, %jit3A_708 : i32
        %rem3A_713 = arith.remsi %squeeze3A_707, %select_n3A_712 : i32
        %ne3A_714 = arith.constant 0 : i32
        %ne3A_715 = arith.cmpi ne, %rem3A_713, %ne3A_714 : i32
        %lt3A_716 = arith.constant 0 : i32
        %lt3A_717 = arith.cmpi slt, %rem3A_713, %lt3A_716 : i32
        %lt3A_718 = arith.constant 0 : i32
        %lt3A_719 = arith.cmpi slt, %select_n3A_712, %lt3A_718 : i32
        %ne3A_720 = arith.xori %lt3A_717, %lt3A_719 : i1
        %and3A_721 = arith.andi %ne3A_720, %ne3A_715 : i1
        %add3A_722 = arith.addi %rem3A_713, %select_n3A_712 : i32
        %select_n3A_723 = arith.select %and3A_721, %add3A_722, %rem3A_713 : i32
        %mul3A_724 = arith.constant 32 : i32
        %mul3A_725 = arith.muli %select_n3A_723, %mul3A_724 : i32
        %mul3A_726 = arith.constant 16 : i32
        %mul3A_727 = arith.muli %while3A_64, %mul3A_726 : i32
        %add3A_728 = arith.constant 7 : i32
        %add3A_729 = arith.addi %mul3A_727, %add3A_728 : i32
        %add3A_730 = arith.constant 0 : i32
        %add3A_731 = arith.addi %mul3A_725, %add3A_730 : i32
        %get3A_732 = arith.index_cast %add3A_729 : i32 to index
        %get3A_733 = arith.index_cast %add3A_731 : i32 to index
        %get3A_734 = tpu.vector_load %arg11[%get3A_732, %get3A_733] {strides = array<i32>} : memref<768x128xf32, #tpu.memory_space<vmem>>, vector<16xf32>,
        %mul3A_735 = arith.constant 32 : i32
        %mul3A_736 = arith.muli %squeeze3A_707, %mul3A_735 : i32
        %add3A_737 = arith.constant 0 : i32
        %add3A_738 = arith.addi %mul3A_736, %add3A_737 : i32
        %add3A_739 = vector.broadcast %add3A_738 : i32 to vector<16xi32>
        %add3A_740 = arith.addi %add3A_739, %iota3A : vector<16xi32>
        %ge3A_741 = arith.cmpf oge, %get3A_734, %get3A_12 : vector<16xf32>
        %jit3A_742 = arith.constant 0xFF800000 : f32
        %broadcast_in_dim3A_743 = vector.broadcast %jit3A_742 : f32 to vector<16xf32>
        %select_n3A_744 = arith.select %ge3A_741, %get3A_734, %broadcast_in_dim3A_743 : vector<16xi1>, vector<16xf32>
        %masked_sort3A_745 = arith.constant -2147483648 : i32
        %masked_sort3A_746 = vector.broadcast %masked_sort3A_745 : i32 to vector<16xi32>
        %masked_sort3A_747 = arith.xori %add3A_740, %masked_sort3A_746 : vector<16xi32>
        %masked_sort3A_748, %masked_sort3A_749, %masked_sort3A_750 = tpu.sort %masked_sort3A_747, %select_n3A_744 masked %ge3A_741 : (vector<16xi32>, vector<16xf32>, vector<16xi1>) -> (vector<16xi1>, vector<16xi32>, vector<16xf32>)
        %masked_sort3A_751 = arith.xori %masked_sort3A_749, %masked_sort3A_746 : vector<16xi32>
        %add3A_752 = vector.broadcast %min3A_705 : i32 to vector<16xi32>
        %add3A_753 = arith.addi %add3A_752, %iota3A : vector<16xi32>
        tpu.vector_store_idx %arg14[%add3A_753], %masked_sort3A_750 : memref<768xf32, #tpu.memory_space<vmem>>[vector<16xi32>], vector<16xf32>,
        %add3A_754 = vector.broadcast %min3A_705 : i32 to vector<16xi32>
        %add3A_755 = arith.addi %add3A_754, %iota3A : vector<16xi32>
        tpu.vector_store_idx %arg15[%add3A_755], %masked_sort3A_751 : memref<768xi32, #tpu.memory_space<vmem>>[vector<16xi32>], vector<16xi32>,
        %all_reduce_population_count3A_756 = tpu.all_reduce %ge3A_741 {dim = 0 : i64, kind = #tpu.reduction_kind<sum>} : vector<16xi1> -> vector<16xi32>
        %slice3A_757 = vector.extract_strided_slice %all_reduce_population_count3A_756 {offsets = [0], sizes = [1], strides = [1]} : vector<16xi32> to vector<1xi32>
        %squeeze3A_758 = vector.extract %slice3A_757[0] : i32 from vector<1xi32>
        %add3A_759 = arith.addi %min3A_705, %squeeze3A_758 : i32
        %min3A_760 = arith.constant 752 : i32
        %min3A_761 = arith.minsi %add3A_759, %min3A_760 : i32
        %mul3A_762 = arith.constant 16 : i32
        %mul3A_763 = arith.muli %while3A_64, %mul3A_762 : i32
        %add3A_764 = arith.constant 7 : i32
        %add3A_765 = arith.addi %mul3A_763, %add3A_764 : i32
        %add3A_766 = arith.constant 16 : i32
        %add3A_767 = arith.addi %mul3A_725, %add3A_766 : i32
        %get3A_768 = arith.index_cast %add3A_765 : i32 to index
        %get3A_769 = arith.index_cast %add3A_767 : i32 to index
        %get3A_770 = tpu.vector_load %arg11[%get3A_768, %get3A_769] {strides = array<i32>} : memref<768x128xf32, #tpu.memory_space<vmem>>, vector<16xf32>,
        %mul3A_771 = arith.constant 32 : i32
        %mul3A_772 = arith.muli %squeeze3A_707, %mul3A_771 : i32
        %add3A_773 = arith.constant 16 : i32
        %add3A_774 = arith.addi %mul3A_772, %add3A_773 : i32
        %add3A_775 = vector.broadcast %add3A_774 : i32 to vector<16xi32>
        %add3A_776 = arith.addi %add3A_775, %iota3A : vector<16xi32>
        %ge3A_777 = arith.cmpf oge, %get3A_770, %get3A_12 : vector<16xf32>
        %jit3A_778 = arith.constant 0xFF800000 : f32
        %broadcast_in_dim3A_779 = vector.broadcast %jit3A_778 : f32 to vector<16xf32>
        %select_n3A_780 = arith.select %ge3A_777, %get3A_770, %broadcast_in_dim3A_779 : vector<16xi1>, vector<16xf32>
        %masked_sort3A_781 = arith.constant -2147483648 : i32
        %masked_sort3A_782 = vector.broadcast %masked_sort3A_781 : i32 to vector<16xi32>
        %masked_sort3A_783 = arith.xori %add3A_776, %masked_sort3A_782 : vector<16xi32>
        %masked_sort3A_784, %masked_sort3A_785, %masked_sort3A_786 = tpu.sort %masked_sort3A_783, %select_n3A_780 masked %ge3A_777 : (vector<16xi32>, vector<16xf32>, vector<16xi1>) -> (vector<16xi1>, vector<16xi32>, vector<16xf32>)
        %masked_sort3A_787 = arith.xori %masked_sort3A_785, %masked_sort3A_782 : vector<16xi32>
        %add3A_788 = vector.broadcast %min3A_761 : i32 to vector<16xi32>
        %add3A_789 = arith.addi %add3A_788, %iota3A : vector<16xi32>
        tpu.vector_store_idx %arg14[%add3A_789], %masked_sort3A_786 : memref<768xf32, #tpu.memory_space<vmem>>[vector<16xi32>], vector<16xf32>,
        %add3A_790 = vector.broadcast %min3A_761 : i32 to vector<16xi32>
        %add3A_791 = arith.addi %add3A_790, %iota3A : vector<16xi32>
        tpu.vector_store_idx %arg15[%add3A_791], %masked_sort3A_787 : memref<768xi32, #tpu.memory_space<vmem>>[vector<16xi32>], vector<16xi32>,
        %all_reduce_population_count3A_792 = tpu.all_reduce %ge3A_777 {dim = 0 : i64, kind = #tpu.reduction_kind<sum>} : vector<16xi1> -> vector<16xi32>
        %slice3A_793 = vector.extract_strided_slice %all_reduce_population_count3A_792 {offsets = [0], sizes = [1], strides = [1]} : vector<16xi32> to vector<1xi32>
        %squeeze3A_794 = vector.extract %slice3A_793[0] : i32 from vector<1xi32>
        %add3A_795 = arith.addi %min3A_761, %squeeze3A_794 : i32
        %min3A_796 = arith.constant 752 : i32
        %min3A_797 = arith.minsi %add3A_795, %min3A_796 : i32
        %slice3A_798 = vector.extract_strided_slice %get3A_69 {offsets = [8], sizes = [1], strides = [1]} : vector<16xi32> to vector<1xi32>
        %squeeze3A_799 = vector.extract %slice3A_798[0] : i32 from vector<1xi32>
        %jit3A_800 = arith.constant 4 : i32
        %eq3A_801 = arith.constant 0 : i32
        %eq3A_802 = arith.cmpi eq, %jit3A_800, %eq3A_801 : i32
        %jit3A_803 = arith.constant 1 : i32
        %select_n3A_804 = arith.select %eq3A_802, %jit3A_803, %jit3A_800 : i32
        %rem3A_805 = arith.remsi %squeeze3A_799, %select_n3A_804 : i32
        %ne3A_806 = arith.constant 0 : i32
        %ne3A_807 = arith.cmpi ne, %rem3A_805, %ne3A_806 : i32
        %lt3A_808 = arith.constant 0 : i32
        %lt3A_809 = arith.cmpi slt, %rem3A_805, %lt3A_808 : i32
        %lt3A_810 = arith.constant 0 : i32
        %lt3A_811 = arith.cmpi slt, %select_n3A_804, %lt3A_810 : i32
        %ne3A_812 = arith.xori %lt3A_809, %lt3A_811 : i1
        %and3A_813 = arith.andi %ne3A_812, %ne3A_807 : i1
        %add3A_814 = arith.addi %rem3A_805, %select_n3A_804 : i32
        %select_n3A_815 = arith.select %and3A_813, %add3A_814, %rem3A_805 : i32
        %mul3A_816 = arith.constant 32 : i32
        %mul3A_817 = arith.muli %select_n3A_815, %mul3A_816 : i32
        %mul3A_818 = arith.constant 16 : i32
        %mul3A_819 = arith.muli %while3A_64, %mul3A_818 : i32
        %add3A_820 = arith.constant 8 : i32
        %add3A_821 = arith.addi %mul3A_819, %add3A_820 : i32
        %add3A_822 = arith.constant 0 : i32
        %add3A_823 = arith.addi %mul3A_817, %add3A_822 : i32
        %get3A_824 = arith.index_cast %add3A_821 : i32 to index
        %get3A_825 = arith.index_cast %add3A_823 : i32 to index
        %get3A_826 = tpu.vector_load %arg11[%get3A_824, %get3A_825] {strides = array<i32>} : memref<768x128xf32, #tpu.memory_space<vmem>>, vector<16xf32>,
        %mul3A_827 = arith.constant 32 : i32
        %mul3A_828 = arith.muli %squeeze3A_799, %mul3A_827 : i32
        %add3A_829 = arith.constant 0 : i32
        %add3A_830 = arith.addi %mul3A_828, %add3A_829 : i32
        %add3A_831 = vector.broadcast %add3A_830 : i32 to vector<16xi32>
        %add3A_832 = arith.addi %add3A_831, %iota3A : vector<16xi32>
        %ge3A_833 = arith.cmpf oge, %get3A_826, %get3A_12 : vector<16xf32>
        %jit3A_834 = arith.constant 0xFF800000 : f32
        %broadcast_in_dim3A_835 = vector.broadcast %jit3A_834 : f32 to vector<16xf32>
        %select_n3A_836 = arith.select %ge3A_833, %get3A_826, %broadcast_in_dim3A_835 : vector<16xi1>, vector<16xf32>
        %masked_sort3A_837 = arith.constant -2147483648 : i32
        %masked_sort3A_838 = vector.broadcast %masked_sort3A_837 : i32 to vector<16xi32>
        %masked_sort3A_839 = arith.xori %add3A_832, %masked_sort3A_838 : vector<16xi32>
        %masked_sort3A_840, %masked_sort3A_841, %masked_sort3A_842 = tpu.sort %masked_sort3A_839, %select_n3A_836 masked %ge3A_833 : (vector<16xi32>, vector<16xf32>, vector<16xi1>) -> (vector<16xi1>, vector<16xi32>, vector<16xf32>)
        %masked_sort3A_843 = arith.xori %masked_sort3A_841, %masked_sort3A_838 : vector<16xi32>
        %add3A_844 = vector.broadcast %min3A_797 : i32 to vector<16xi32>
        %add3A_845 = arith.addi %add3A_844, %iota3A : vector<16xi32>
        tpu.vector_store_idx %arg14[%add3A_845], %masked_sort3A_842 : memref<768xf32, #tpu.memory_space<vmem>>[vector<16xi32>], vector<16xf32>,
        %add3A_846 = vector.broadcast %min3A_797 : i32 to vector<16xi32>
        %add3A_847 = arith.addi %add3A_846, %iota3A : vector<16xi32>
        tpu.vector_store_idx %arg15[%add3A_847], %masked_sort3A_843 : memref<768xi32, #tpu.memory_space<vmem>>[vector<16xi32>], vector<16xi32>,
        %all_reduce_population_count3A_848 = tpu.all_reduce %ge3A_833 {dim = 0 : i64, kind = #tpu.reduction_kind<sum>} : vector<16xi1> -> vector<16xi32>
        %slice3A_849 = vector.extract_strided_slice %all_reduce_population_count3A_848 {offsets = [0], sizes = [1], strides = [1]} : vector<16xi32> to vector<1xi32>
        %squeeze3A_850 = vector.extract %slice3A_849[0] : i32 from vector<1xi32>
        %add3A_851 = arith.addi %min3A_797, %squeeze3A_850 : i32
        %min3A_852 = arith.constant 752 : i32
        %min3A_853 = arith.minsi %add3A_851, %min3A_852 : i32
        %mul3A_854 = arith.constant 16 : i32
        %mul3A_855 = arith.muli %while3A_64, %mul3A_854 : i32
        %add3A_856 = arith.constant 8 : i32
        %add3A_857 = arith.addi %mul3A_855, %add3A_856 : i32
        %add3A_858 = arith.constant 16 : i32
        %add3A_859 = arith.addi %mul3A_817, %add3A_858 : i32
        %get3A_860 = arith.index_cast %add3A_857 : i32 to index
        %get3A_861 = arith.index_cast %add3A_859 : i32 to index
        %get3A_862 = tpu.vector_load %arg11[%get3A_860, %get3A_861] {strides = array<i32>} : memref<768x128xf32, #tpu.memory_space<vmem>>, vector<16xf32>,
        %mul3A_863 = arith.constant 32 : i32
        %mul3A_864 = arith.muli %squeeze3A_799, %mul3A_863 : i32
        %add3A_865 = arith.constant 16 : i32
        %add3A_866 = arith.addi %mul3A_864, %add3A_865 : i32
        %add3A_867 = vector.broadcast %add3A_866 : i32 to vector<16xi32>
        %add3A_868 = arith.addi %add3A_867, %iota3A : vector<16xi32>
        %ge3A_869 = arith.cmpf oge, %get3A_862, %get3A_12 : vector<16xf32>
        %jit3A_870 = arith.constant 0xFF800000 : f32
        %broadcast_in_dim3A_871 = vector.broadcast %jit3A_870 : f32 to vector<16xf32>
        %select_n3A_872 = arith.select %ge3A_869, %get3A_862, %broadcast_in_dim3A_871 : vector<16xi1>, vector<16xf32>
        %masked_sort3A_873 = arith.constant -2147483648 : i32
        %masked_sort3A_874 = vector.broadcast %masked_sort3A_873 : i32 to vector<16xi32>
        %masked_sort3A_875 = arith.xori %add3A_868, %masked_sort3A_874 : vector<16xi32>
        %masked_sort3A_876, %masked_sort3A_877, %masked_sort3A_878 = tpu.sort %masked_sort3A_875, %select_n3A_872 masked %ge3A_869 : (vector<16xi32>, vector<16xf32>, vector<16xi1>) -> (vector<16xi1>, vector<16xi32>, vector<16xf32>)
        %masked_sort3A_879 = arith.xori %masked_sort3A_877, %masked_sort3A_874 : vector<16xi32>
        %add3A_880 = vector.broadcast %min3A_853 : i32 to vector<16xi32>
        %add3A_881 = arith.addi %add3A_880, %iota3A : vector<16xi32>
        tpu.vector_store_idx %arg14[%add3A_881], %masked_sort3A_878 : memref<768xf32, #tpu.memory_space<vmem>>[vector<16xi32>], vector<16xf32>,
        %add3A_882 = vector.broadcast %min3A_853 : i32 to vector<16xi32>
        %add3A_883 = arith.addi %add3A_882, %iota3A : vector<16xi32>
        tpu.vector_store_idx %arg15[%add3A_883], %masked_sort3A_879 : memref<768xi32, #tpu.memory_space<vmem>>[vector<16xi32>], vector<16xi32>,
        %all_reduce_population_count3A_884 = tpu.all_reduce %ge3A_869 {dim = 0 : i64, kind = #tpu.reduction_kind<sum>} : vector<16xi1> -> vector<16xi32>
        %slice3A_885 = vector.extract_strided_slice %all_reduce_population_count3A_884 {offsets = [0], sizes = [1], strides = [1]} : vector<16xi32> to vector<1xi32>
        %squeeze3A_886 = vector.extract %slice3A_885[0] : i32 from vector<1xi32>
        %add3A_887 = arith.addi %min3A_853, %squeeze3A_886 : i32
        %min3A_888 = arith.constant 752 : i32
        %min3A_889 = arith.minsi %add3A_887, %min3A_888 : i32
        %slice3A_890 = vector.extract_strided_slice %get3A_69 {offsets = [9], sizes = [1], strides = [1]} : vector<16xi32> to vector<1xi32>
        %squeeze3A_891 = vector.extract %slice3A_890[0] : i32 from vector<1xi32>
        %jit3A_892 = arith.constant 4 : i32
        %eq3A_893 = arith.constant 0 : i32
        %eq3A_894 = arith.cmpi eq, %jit3A_892, %eq3A_893 : i32
        %jit3A_895 = arith.constant 1 : i32
        %select_n3A_896 = arith.select %eq3A_894, %jit3A_895, %jit3A_892 : i32
        %rem3A_897 = arith.remsi %squeeze3A_891, %select_n3A_896 : i32
        %ne3A_898 = arith.constant 0 : i32
        %ne3A_899 = arith.cmpi ne, %rem3A_897, %ne3A_898 : i32
        %lt3A_900 = arith.constant 0 : i32
        %lt3A_901 = arith.cmpi slt, %rem3A_897, %lt3A_900 : i32
        %lt3A_902 = arith.constant 0 : i32
        %lt3A_903 = arith.cmpi slt, %select_n3A_896, %lt3A_902 : i32
        %ne3A_904 = arith.xori %lt3A_901, %lt3A_903 : i1
        %and3A_905 = arith.andi %ne3A_904, %ne3A_899 : i1
        %add3A_906 = arith.addi %rem3A_897, %select_n3A_896 : i32
        %select_n3A_907 = arith.select %and3A_905, %add3A_906, %rem3A_897 : i32
        %mul3A_908 = arith.constant 32 : i32
        %mul3A_909 = arith.muli %select_n3A_907, %mul3A_908 : i32
        %mul3A_910 = arith.constant 16 : i32
        %mul3A_911 = arith.muli %while3A_64, %mul3A_910 : i32
        %add3A_912 = arith.constant 9 : i32
        %add3A_913 = arith.addi %mul3A_911, %add3A_912 : i32
        %add3A_914 = arith.constant 0 : i32
        %add3A_915 = arith.addi %mul3A_909, %add3A_914 : i32
        %get3A_916 = arith.index_cast %add3A_913 : i32 to index
        %get3A_917 = arith.index_cast %add3A_915 : i32 to index
        %get3A_918 = tpu.vector_load %arg11[%get3A_916, %get3A_917] {strides = array<i32>} : memref<768x128xf32, #tpu.memory_space<vmem>>, vector<16xf32>,
        %mul3A_919 = arith.constant 32 : i32
        %mul3A_920 = arith.muli %squeeze3A_891, %mul3A_919 : i32
        %add3A_921 = arith.constant 0 : i32
        %add3A_922 = arith.addi %mul3A_920, %add3A_921 : i32
        %add3A_923 = vector.broadcast %add3A_922 : i32 to vector<16xi32>
        %add3A_924 = arith.addi %add3A_923, %iota3A : vector<16xi32>
        %ge3A_925 = arith.cmpf oge, %get3A_918, %get3A_12 : vector<16xf32>
        %jit3A_926 = arith.constant 0xFF800000 : f32
        %broadcast_in_dim3A_927 = vector.broadcast %jit3A_926 : f32 to vector<16xf32>
        %select_n3A_928 = arith.select %ge3A_925, %get3A_918, %broadcast_in_dim3A_927 : vector<16xi1>, vector<16xf32>
        %masked_sort3A_929 = arith.constant -2147483648 : i32
        %masked_sort3A_930 = vector.broadcast %masked_sort3A_929 : i32 to vector<16xi32>
        %masked_sort3A_931 = arith.xori %add3A_924, %masked_sort3A_930 : vector<16xi32>
        %masked_sort3A_932, %masked_sort3A_933, %masked_sort3A_934 = tpu.sort %masked_sort3A_931, %select_n3A_928 masked %ge3A_925 : (vector<16xi32>, vector<16xf32>, vector<16xi1>) -> (vector<16xi1>, vector<16xi32>, vector<16xf32>)
        %masked_sort3A_935 = arith.xori %masked_sort3A_933, %masked_sort3A_930 : vector<16xi32>
        %add3A_936 = vector.broadcast %min3A_889 : i32 to vector<16xi32>
        %add3A_937 = arith.addi %add3A_936, %iota3A : vector<16xi32>
        tpu.vector_store_idx %arg14[%add3A_937], %masked_sort3A_934 : memref<768xf32, #tpu.memory_space<vmem>>[vector<16xi32>], vector<16xf32>,
        %add3A_938 = vector.broadcast %min3A_889 : i32 to vector<16xi32>
        %add3A_939 = arith.addi %add3A_938, %iota3A : vector<16xi32>
        tpu.vector_store_idx %arg15[%add3A_939], %masked_sort3A_935 : memref<768xi32, #tpu.memory_space<vmem>>[vector<16xi32>], vector<16xi32>,
        %all_reduce_population_count3A_940 = tpu.all_reduce %ge3A_925 {dim = 0 : i64, kind = #tpu.reduction_kind<sum>} : vector<16xi1> -> vector<16xi32>
        %slice3A_941 = vector.extract_strided_slice %all_reduce_population_count3A_940 {offsets = [0], sizes = [1], strides = [1]} : vector<16xi32> to vector<1xi32>
        %squeeze3A_942 = vector.extract %slice3A_941[0] : i32 from vector<1xi32>
        %add3A_943 = arith.addi %min3A_889, %squeeze3A_942 : i32
        %min3A_944 = arith.constant 752 : i32
        %min3A_945 = arith.minsi %add3A_943, %min3A_944 : i32
        %mul3A_946 = arith.constant 16 : i32
        %mul3A_947 = arith.muli %while3A_64, %mul3A_946 : i32
        %add3A_948 = arith.constant 9 : i32
        %add3A_949 = arith.addi %mul3A_947, %add3A_948 : i32
        %add3A_950 = arith.constant 16 : i32
        %add3A_951 = arith.addi %mul3A_909, %add3A_950 : i32
        %get3A_952 = arith.index_cast %add3A_949 : i32 to index
        %get3A_953 = arith.index_cast %add3A_951 : i32 to index
        %get3A_954 = tpu.vector_load %arg11[%get3A_952, %get3A_953] {strides = array<i32>} : memref<768x128xf32, #tpu.memory_space<vmem>>, vector<16xf32>,
        %mul3A_955 = arith.constant 32 : i32
        %mul3A_956 = arith.muli %squeeze3A_891, %mul3A_955 : i32
        %add3A_957 = arith.constant 16 : i32
        %add3A_958 = arith.addi %mul3A_956, %add3A_957 : i32
        %add3A_959 = vector.broadcast %add3A_958 : i32 to vector<16xi32>
        %add3A_960 = arith.addi %add3A_959, %iota3A : vector<16xi32>
        %ge3A_961 = arith.cmpf oge, %get3A_954, %get3A_12 : vector<16xf32>
        %jit3A_962 = arith.constant 0xFF800000 : f32
        %broadcast_in_dim3A_963 = vector.broadcast %jit3A_962 : f32 to vector<16xf32>
        %select_n3A_964 = arith.select %ge3A_961, %get3A_954, %broadcast_in_dim3A_963 : vector<16xi1>, vector<16xf32>
        %masked_sort3A_965 = arith.constant -2147483648 : i32
        %masked_sort3A_966 = vector.broadcast %masked_sort3A_965 : i32 to vector<16xi32>
        %masked_sort3A_967 = arith.xori %add3A_960, %masked_sort3A_966 : vector<16xi32>
        %masked_sort3A_968, %masked_sort3A_969, %masked_sort3A_970 = tpu.sort %masked_sort3A_967, %select_n3A_964 masked %ge3A_961 : (vector<16xi32>, vector<16xf32>, vector<16xi1>) -> (vector<16xi1>, vector<16xi32>, vector<16xf32>)
        %masked_sort3A_971 = arith.xori %masked_sort3A_969, %masked_sort3A_966 : vector<16xi32>
        %add3A_972 = vector.broadcast %min3A_945 : i32 to vector<16xi32>
        %add3A_973 = arith.addi %add3A_972, %iota3A : vector<16xi32>
        tpu.vector_store_idx %arg14[%add3A_973], %masked_sort3A_970 : memref<768xf32, #tpu.memory_space<vmem>>[vector<16xi32>], vector<16xf32>,
        %add3A_974 = vector.broadcast %min3A_945 : i32 to vector<16xi32>
        %add3A_975 = arith.addi %add3A_974, %iota3A : vector<16xi32>
        tpu.vector_store_idx %arg15[%add3A_975], %masked_sort3A_971 : memref<768xi32, #tpu.memory_space<vmem>>[vector<16xi32>], vector<16xi32>,
        %all_reduce_population_count3A_976 = tpu.all_reduce %ge3A_961 {dim = 0 : i64, kind = #tpu.reduction_kind<sum>} : vector<16xi1> -> vector<16xi32>
        %slice3A_977 = vector.extract_strided_slice %all_reduce_population_count3A_976 {offsets = [0], sizes = [1], strides = [1]} : vector<16xi32> to vector<1xi32>
        %squeeze3A_978 = vector.extract %slice3A_977[0] : i32 from vector<1xi32>
        %add3A_979 = arith.addi %min3A_945, %squeeze3A_978 : i32
        %min3A_980 = arith.constant 752 : i32
        %min3A_981 = arith.minsi %add3A_979, %min3A_980 : i32
        %slice3A_982 = vector.extract_strided_slice %get3A_69 {offsets = [10], sizes = [1], strides = [1]} : vector<16xi32> to vector<1xi32>
        %squeeze3A_983 = vector.extract %slice3A_982[0] : i32 from vector<1xi32>
        %jit3A_984 = arith.constant 4 : i32
        %eq3A_985 = arith.constant 0 : i32
        %eq3A_986 = arith.cmpi eq, %jit3A_984, %eq3A_985 : i32
        %jit3A_987 = arith.constant 1 : i32
        %select_n3A_988 = arith.select %eq3A_986, %jit3A_987, %jit3A_984 : i32
        %rem3A_989 = arith.remsi %squeeze3A_983, %select_n3A_988 : i32
        %ne3A_990 = arith.constant 0 : i32
        %ne3A_991 = arith.cmpi ne, %rem3A_989, %ne3A_990 : i32
        %lt3A_992 = arith.constant 0 : i32
        %lt3A_993 = arith.cmpi slt, %rem3A_989, %lt3A_992 : i32
        %lt3A_994 = arith.constant 0 : i32
        %lt3A_995 = arith.cmpi slt, %select_n3A_988, %lt3A_994 : i32
        %ne3A_996 = arith.xori %lt3A_993, %lt3A_995 : i1
        %and3A_997 = arith.andi %ne3A_996, %ne3A_991 : i1
        %add3A_998 = arith.addi %rem3A_989, %select_n3A_988 : i32
        %select_n3A_999 = arith.select %and3A_997, %add3A_998, %rem3A_989 : i32
        %mul3A_1000 = arith.constant 32 : i32
        %mul3A_1001 = arith.muli %select_n3A_999, %mul3A_1000 : i32
        %mul3A_1002 = arith.constant 16 : i32
        %mul3A_1003 = arith.muli %while3A_64, %mul3A_1002 : i32
        %add3A_1004 = arith.constant 10 : i32
        %add3A_1005 = arith.addi %mul3A_1003, %add3A_1004 : i32
        %add3A_1006 = arith.constant 0 : i32
        %add3A_1007 = arith.addi %mul3A_1001, %add3A_1006 : i32
        %get3A_1008 = arith.index_cast %add3A_1005 : i32 to index
        %get3A_1009 = arith.index_cast %add3A_1007 : i32 to index
        %get3A_1010 = tpu.vector_load %arg11[%get3A_1008, %get3A_1009] {strides = array<i32>} : memref<768x128xf32, #tpu.memory_space<vmem>>, vector<16xf32>,
        %mul3A_1011 = arith.constant 32 : i32
        %mul3A_1012 = arith.muli %squeeze3A_983, %mul3A_1011 : i32
        %add3A_1013 = arith.constant 0 : i32
        %add3A_1014 = arith.addi %mul3A_1012, %add3A_1013 : i32
        %add3A_1015 = vector.broadcast %add3A_1014 : i32 to vector<16xi32>
        %add3A_1016 = arith.addi %add3A_1015, %iota3A : vector<16xi32>
        %ge3A_1017 = arith.cmpf oge, %get3A_1010, %get3A_12 : vector<16xf32>
        %jit3A_1018 = arith.constant 0xFF800000 : f32
        %broadcast_in_dim3A_1019 = vector.broadcast %jit3A_1018 : f32 to vector<16xf32>
        %select_n3A_1020 = arith.select %ge3A_1017, %get3A_1010, %broadcast_in_dim3A_1019 : vector<16xi1>, vector<16xf32>
        %masked_sort3A_1021 = arith.constant -2147483648 : i32
        %masked_sort3A_1022 = vector.broadcast %masked_sort3A_1021 : i32 to vector<16xi32>
        %masked_sort3A_1023 = arith.xori %add3A_1016, %masked_sort3A_1022 : vector<16xi32>
        %masked_sort3A_1024, %masked_sort3A_1025, %masked_sort3A_1026 = tpu.sort %masked_sort3A_1023, %select_n3A_1020 masked %ge3A_1017 : (vector<16xi32>, vector<16xf32>, vector<16xi1>) -> (vector<16xi1>, vector<16xi32>, vector<16xf32>)
        %masked_sort3A_1027 = arith.xori %masked_sort3A_1025, %masked_sort3A_1022 : vector<16xi32>
        %add3A_1028 = vector.broadcast %min3A_981 : i32 to vector<16xi32>
        %add3A_1029 = arith.addi %add3A_1028, %iota3A : vector<16xi32>
        tpu.vector_store_idx %arg14[%add3A_1029], %masked_sort3A_1026 : memref<768xf32, #tpu.memory_space<vmem>>[vector<16xi32>], vector<16xf32>,
        %add3A_1030 = vector.broadcast %min3A_981 : i32 to vector<16xi32>
        %add3A_1031 = arith.addi %add3A_1030, %iota3A : vector<16xi32>
        tpu.vector_store_idx %arg15[%add3A_1031], %masked_sort3A_1027 : memref<768xi32, #tpu.memory_space<vmem>>[vector<16xi32>], vector<16xi32>,
        %all_reduce_population_count3A_1032 = tpu.all_reduce %ge3A_1017 {dim = 0 : i64, kind = #tpu.reduction_kind<sum>} : vector<16xi1> -> vector<16xi32>
        %slice3A_1033 = vector.extract_strided_slice %all_reduce_population_count3A_1032 {offsets = [0], sizes = [1], strides = [1]} : vector<16xi32> to vector<1xi32>
        %squeeze3A_1034 = vector.extract %slice3A_1033[0] : i32 from vector<1xi32>
        %add3A_1035 = arith.addi %min3A_981, %squeeze3A_1034 : i32
        %min3A_1036 = arith.constant 752 : i32
        %min3A_1037 = arith.minsi %add3A_1035, %min3A_1036 : i32
        %mul3A_1038 = arith.constant 16 : i32
        %mul3A_1039 = arith.muli %while3A_64, %mul3A_1038 : i32
        %add3A_1040 = arith.constant 10 : i32
        %add3A_1041 = arith.addi %mul3A_1039, %add3A_1040 : i32
        %add3A_1042 = arith.constant 16 : i32
        %add3A_1043 = arith.addi %mul3A_1001, %add3A_1042 : i32
        %get3A_1044 = arith.index_cast %add3A_1041 : i32 to index
        %get3A_1045 = arith.index_cast %add3A_1043 : i32 to index
        %get3A_1046 = tpu.vector_load %arg11[%get3A_1044, %get3A_1045] {strides = array<i32>} : memref<768x128xf32, #tpu.memory_space<vmem>>, vector<16xf32>,
        %mul3A_1047 = arith.constant 32 : i32
        %mul3A_1048 = arith.muli %squeeze3A_983, %mul3A_1047 : i32
        %add3A_1049 = arith.constant 16 : i32
        %add3A_1050 = arith.addi %mul3A_1048, %add3A_1049 : i32
        %add3A_1051 = vector.broadcast %add3A_1050 : i32 to vector<16xi32>
        %add3A_1052 = arith.addi %add3A_1051, %iota3A : vector<16xi32>
        %ge3A_1053 = arith.cmpf oge, %get3A_1046, %get3A_12 : vector<16xf32>
        %jit3A_1054 = arith.constant 0xFF800000 : f32
        %broadcast_in_dim3A_1055 = vector.broadcast %jit3A_1054 : f32 to vector<16xf32>
        %select_n3A_1056 = arith.select %ge3A_1053, %get3A_1046, %broadcast_in_dim3A_1055 : vector<16xi1>, vector<16xf32>
        %masked_sort3A_1057 = arith.constant -2147483648 : i32
        %masked_sort3A_1058 = vector.broadcast %masked_sort3A_1057 : i32 to vector<16xi32>
        %masked_sort3A_1059 = arith.xori %add3A_1052, %masked_sort3A_1058 : vector<16xi32>
        %masked_sort3A_1060, %masked_sort3A_1061, %masked_sort3A_1062 = tpu.sort %masked_sort3A_1059, %select_n3A_1056 masked %ge3A_1053 : (vector<16xi32>, vector<16xf32>, vector<16xi1>) -> (vector<16xi1>, vector<16xi32>, vector<16xf32>)
        %masked_sort3A_1063 = arith.xori %masked_sort3A_1061, %masked_sort3A_1058 : vector<16xi32>
        %add3A_1064 = vector.broadcast %min3A_1037 : i32 to vector<16xi32>
        %add3A_1065 = arith.addi %add3A_1064, %iota3A : vector<16xi32>
        tpu.vector_store_idx %arg14[%add3A_1065], %masked_sort3A_1062 : memref<768xf32, #tpu.memory_space<vmem>>[vector<16xi32>], vector<16xf32>,
        %add3A_1066 = vector.broadcast %min3A_1037 : i32 to vector<16xi32>
        %add3A_1067 = arith.addi %add3A_1066, %iota3A : vector<16xi32>
        tpu.vector_store_idx %arg15[%add3A_1067], %masked_sort3A_1063 : memref<768xi32, #tpu.memory_space<vmem>>[vector<16xi32>], vector<16xi32>,
        %all_reduce_population_count3A_1068 = tpu.all_reduce %ge3A_1053 {dim = 0 : i64, kind = #tpu.reduction_kind<sum>} : vector<16xi1> -> vector<16xi32>
        %slice3A_1069 = vector.extract_strided_slice %all_reduce_population_count3A_1068 {offsets = [0], sizes = [1], strides = [1]} : vector<16xi32> to vector<1xi32>
        %squeeze3A_1070 = vector.extract %slice3A_1069[0] : i32 from vector<1xi32>
        %add3A_1071 = arith.addi %min3A_1037, %squeeze3A_1070 : i32
        %min3A_1072 = arith.constant 752 : i32
        %min3A_1073 = arith.minsi %add3A_1071, %min3A_1072 : i32
        %slice3A_1074 = vector.extract_strided_slice %get3A_69 {offsets = [11], sizes = [1], strides = [1]} : vector<16xi32> to vector<1xi32>
        %squeeze3A_1075 = vector.extract %slice3A_1074[0] : i32 from vector<1xi32>
        %jit3A_1076 = arith.constant 4 : i32
        %eq3A_1077 = arith.constant 0 : i32
        %eq3A_1078 = arith.cmpi eq, %jit3A_1076, %eq3A_1077 : i32
        %jit3A_1079 = arith.constant 1 : i32
        %select_n3A_1080 = arith.select %eq3A_1078, %jit3A_1079, %jit3A_1076 : i32
        %rem3A_1081 = arith.remsi %squeeze3A_1075, %select_n3A_1080 : i32
        %ne3A_1082 = arith.constant 0 : i32
        %ne3A_1083 = arith.cmpi ne, %rem3A_1081, %ne3A_1082 : i32
        %lt3A_1084 = arith.constant 0 : i32
        %lt3A_1085 = arith.cmpi slt, %rem3A_1081, %lt3A_1084 : i32
        %lt3A_1086 = arith.constant 0 : i32
        %lt3A_1087 = arith.cmpi slt, %select_n3A_1080, %lt3A_1086 : i32
        %ne3A_1088 = arith.xori %lt3A_1085, %lt3A_1087 : i1
        %and3A_1089 = arith.andi %ne3A_1088, %ne3A_1083 : i1
        %add3A_1090 = arith.addi %rem3A_1081, %select_n3A_1080 : i32
        %select_n3A_1091 = arith.select %and3A_1089, %add3A_1090, %rem3A_1081 : i32
        %mul3A_1092 = arith.constant 32 : i32
        %mul3A_1093 = arith.muli %select_n3A_1091, %mul3A_1092 : i32
        %mul3A_1094 = arith.constant 16 : i32
        %mul3A_1095 = arith.muli %while3A_64, %mul3A_1094 : i32
        %add3A_1096 = arith.constant 11 : i32
        %add3A_1097 = arith.addi %mul3A_1095, %add3A_1096 : i32
        %add3A_1098 = arith.constant 0 : i32
        %add3A_1099 = arith.addi %mul3A_1093, %add3A_1098 : i32
        %get3A_1100 = arith.index_cast %add3A_1097 : i32 to index
        %get3A_1101 = arith.index_cast %add3A_1099 : i32 to index
        %get3A_1102 = tpu.vector_load %arg11[%get3A_1100, %get3A_1101] {strides = array<i32>} : memref<768x128xf32, #tpu.memory_space<vmem>>, vector<16xf32>,
        %mul3A_1103 = arith.constant 32 : i32
        %mul3A_1104 = arith.muli %squeeze3A_1075, %mul3A_1103 : i32
        %add3A_1105 = arith.constant 0 : i32
        %add3A_1106 = arith.addi %mul3A_1104, %add3A_1105 : i32
        %add3A_1107 = vector.broadcast %add3A_1106 : i32 to vector<16xi32>
        %add3A_1108 = arith.addi %add3A_1107, %iota3A : vector<16xi32>
        %ge3A_1109 = arith.cmpf oge, %get3A_1102, %get3A_12 : vector<16xf32>
        %jit3A_1110 = arith.constant 0xFF800000 : f32
        %broadcast_in_dim3A_1111 = vector.broadcast %jit3A_1110 : f32 to vector<16xf32>
        %select_n3A_1112 = arith.select %ge3A_1109, %get3A_1102, %broadcast_in_dim3A_1111 : vector<16xi1>, vector<16xf32>
        %masked_sort3A_1113 = arith.constant -2147483648 : i32
        %masked_sort3A_1114 = vector.broadcast %masked_sort3A_1113 : i32 to vector<16xi32>
        %masked_sort3A_1115 = arith.xori %add3A_1108, %masked_sort3A_1114 : vector<16xi32>
        %masked_sort3A_1116, %masked_sort3A_1117, %masked_sort3A_1118 = tpu.sort %masked_sort3A_1115, %select_n3A_1112 masked %ge3A_1109 : (vector<16xi32>, vector<16xf32>, vector<16xi1>) -> (vector<16xi1>, vector<16xi32>, vector<16xf32>)
        %masked_sort3A_1119 = arith.xori %masked_sort3A_1117, %masked_sort3A_1114 : vector<16xi32>
        %add3A_1120 = vector.broadcast %min3A_1073 : i32 to vector<16xi32>
        %add3A_1121 = arith.addi %add3A_1120, %iota3A : vector<16xi32>
        tpu.vector_store_idx %arg14[%add3A_1121], %masked_sort3A_1118 : memref<768xf32, #tpu.memory_space<vmem>>[vector<16xi32>], vector<16xf32>,
        %add3A_1122 = vector.broadcast %min3A_1073 : i32 to vector<16xi32>
        %add3A_1123 = arith.addi %add3A_1122, %iota3A : vector<16xi32>
        tpu.vector_store_idx %arg15[%add3A_1123], %masked_sort3A_1119 : memref<768xi32, #tpu.memory_space<vmem>>[vector<16xi32>], vector<16xi32>,
        %all_reduce_population_count3A_1124 = tpu.all_reduce %ge3A_1109 {dim = 0 : i64, kind = #tpu.reduction_kind<sum>} : vector<16xi1> -> vector<16xi32>
        %slice3A_1125 = vector.extract_strided_slice %all_reduce_population_count3A_1124 {offsets = [0], sizes = [1], strides = [1]} : vector<16xi32> to vector<1xi32>
        %squeeze3A_1126 = vector.extract %slice3A_1125[0] : i32 from vector<1xi32>
        %add3A_1127 = arith.addi %min3A_1073, %squeeze3A_1126 : i32
        %min3A_1128 = arith.constant 752 : i32
        %min3A_1129 = arith.minsi %add3A_1127, %min3A_1128 : i32
        %mul3A_1130 = arith.constant 16 : i32
        %mul3A_1131 = arith.muli %while3A_64, %mul3A_1130 : i32
        %add3A_1132 = arith.constant 11 : i32
        %add3A_1133 = arith.addi %mul3A_1131, %add3A_1132 : i32
        %add3A_1134 = arith.constant 16 : i32
        %add3A_1135 = arith.addi %mul3A_1093, %add3A_1134 : i32
        %get3A_1136 = arith.index_cast %add3A_1133 : i32 to index
        %get3A_1137 = arith.index_cast %add3A_1135 : i32 to index
        %get3A_1138 = tpu.vector_load %arg11[%get3A_1136, %get3A_1137] {strides = array<i32>} : memref<768x128xf32, #tpu.memory_space<vmem>>, vector<16xf32>,
        %mul3A_1139 = arith.constant 32 : i32
        %mul3A_1140 = arith.muli %squeeze3A_1075, %mul3A_1139 : i32
        %add3A_1141 = arith.constant 16 : i32
        %add3A_1142 = arith.addi %mul3A_1140, %add3A_1141 : i32
        %add3A_1143 = vector.broadcast %add3A_1142 : i32 to vector<16xi32>
        %add3A_1144 = arith.addi %add3A_1143, %iota3A : vector<16xi32>
        %ge3A_1145 = arith.cmpf oge, %get3A_1138, %get3A_12 : vector<16xf32>
        %jit3A_1146 = arith.constant 0xFF800000 : f32
        %broadcast_in_dim3A_1147 = vector.broadcast %jit3A_1146 : f32 to vector<16xf32>
        %select_n3A_1148 = arith.select %ge3A_1145, %get3A_1138, %broadcast_in_dim3A_1147 : vector<16xi1>, vector<16xf32>
        %masked_sort3A_1149 = arith.constant -2147483648 : i32
        %masked_sort3A_1150 = vector.broadcast %masked_sort3A_1149 : i32 to vector<16xi32>
        %masked_sort3A_1151 = arith.xori %add3A_1144, %masked_sort3A_1150 : vector<16xi32>
        %masked_sort3A_1152, %masked_sort3A_1153, %masked_sort3A_1154 = tpu.sort %masked_sort3A_1151, %select_n3A_1148 masked %ge3A_1145 : (vector<16xi32>, vector<16xf32>, vector<16xi1>) -> (vector<16xi1>, vector<16xi32>, vector<16xf32>)
        %masked_sort3A_1155 = arith.xori %masked_sort3A_1153, %masked_sort3A_1150 : vector<16xi32>
        %add3A_1156 = vector.broadcast %min3A_1129 : i32 to vector<16xi32>
        %add3A_1157 = arith.addi %add3A_1156, %iota3A : vector<16xi32>
        tpu.vector_store_idx %arg14[%add3A_1157], %masked_sort3A_1154 : memref<768xf32, #tpu.memory_space<vmem>>[vector<16xi32>], vector<16xf32>,
        %add3A_1158 = vector.broadcast %min3A_1129 : i32 to vector<16xi32>
        %add3A_1159 = arith.addi %add3A_1158, %iota3A : vector<16xi32>
        tpu.vector_store_idx %arg15[%add3A_1159], %masked_sort3A_1155 : memref<768xi32, #tpu.memory_space<vmem>>[vector<16xi32>], vector<16xi32>,
        %all_reduce_population_count3A_1160 = tpu.all_reduce %ge3A_1145 {dim = 0 : i64, kind = #tpu.reduction_kind<sum>} : vector<16xi1> -> vector<16xi32>
        %slice3A_1161 = vector.extract_strided_slice %all_reduce_population_count3A_1160 {offsets = [0], sizes = [1], strides = [1]} : vector<16xi32> to vector<1xi32>
        %squeeze3A_1162 = vector.extract %slice3A_1161[0] : i32 from vector<1xi32>
        %add3A_1163 = arith.addi %min3A_1129, %squeeze3A_1162 : i32
        %min3A_1164 = arith.constant 752 : i32
        %min3A_1165 = arith.minsi %add3A_1163, %min3A_1164 : i32
        %slice3A_1166 = vector.extract_strided_slice %get3A_69 {offsets = [12], sizes = [1], strides = [1]} : vector<16xi32> to vector<1xi32>
        %squeeze3A_1167 = vector.extract %slice3A_1166[0] : i32 from vector<1xi32>
        %jit3A_1168 = arith.constant 4 : i32
        %eq3A_1169 = arith.constant 0 : i32
        %eq3A_1170 = arith.cmpi eq, %jit3A_1168, %eq3A_1169 : i32
        %jit3A_1171 = arith.constant 1 : i32
        %select_n3A_1172 = arith.select %eq3A_1170, %jit3A_1171, %jit3A_1168 : i32
        %rem3A_1173 = arith.remsi %squeeze3A_1167, %select_n3A_1172 : i32
        %ne3A_1174 = arith.constant 0 : i32
        %ne3A_1175 = arith.cmpi ne, %rem3A_1173, %ne3A_1174 : i32
        %lt3A_1176 = arith.constant 0 : i32
        %lt3A_1177 = arith.cmpi slt, %rem3A_1173, %lt3A_1176 : i32
        %lt3A_1178 = arith.constant 0 : i32
        %lt3A_1179 = arith.cmpi slt, %select_n3A_1172, %lt3A_1178 : i32
        %ne3A_1180 = arith.xori %lt3A_1177, %lt3A_1179 : i1
        %and3A_1181 = arith.andi %ne3A_1180, %ne3A_1175 : i1
        %add3A_1182 = arith.addi %rem3A_1173, %select_n3A_1172 : i32
        %select_n3A_1183 = arith.select %and3A_1181, %add3A_1182, %rem3A_1173 : i32
        %mul3A_1184 = arith.constant 32 : i32
        %mul3A_1185 = arith.muli %select_n3A_1183, %mul3A_1184 : i32
        %mul3A_1186 = arith.constant 16 : i32
        %mul3A_1187 = arith.muli %while3A_64, %mul3A_1186 : i32
        %add3A_1188 = arith.constant 12 : i32
        %add3A_1189 = arith.addi %mul3A_1187, %add3A_1188 : i32
        %add3A_1190 = arith.constant 0 : i32
        %add3A_1191 = arith.addi %mul3A_1185, %add3A_1190 : i32
        %get3A_1192 = arith.index_cast %add3A_1189 : i32 to index
        %get3A_1193 = arith.index_cast %add3A_1191 : i32 to index
        %get3A_1194 = tpu.vector_load %arg11[%get3A_1192, %get3A_1193] {strides = array<i32>} : memref<768x128xf32, #tpu.memory_space<vmem>>, vector<16xf32>,
        %mul3A_1195 = arith.constant 32 : i32
        %mul3A_1196 = arith.muli %squeeze3A_1167, %mul3A_1195 : i32
        %add3A_1197 = arith.constant 0 : i32
        %add3A_1198 = arith.addi %mul3A_1196, %add3A_1197 : i32
        %add3A_1199 = vector.broadcast %add3A_1198 : i32 to vector<16xi32>
        %add3A_1200 = arith.addi %add3A_1199, %iota3A : vector<16xi32>
        %ge3A_1201 = arith.cmpf oge, %get3A_1194, %get3A_12 : vector<16xf32>
        %jit3A_1202 = arith.constant 0xFF800000 : f32
        %broadcast_in_dim3A_1203 = vector.broadcast %jit3A_1202 : f32 to vector<16xf32>
        %select_n3A_1204 = arith.select %ge3A_1201, %get3A_1194, %broadcast_in_dim3A_1203 : vector<16xi1>, vector<16xf32>
        %masked_sort3A_1205 = arith.constant -2147483648 : i32
        %masked_sort3A_1206 = vector.broadcast %masked_sort3A_1205 : i32 to vector<16xi32>
        %masked_sort3A_1207 = arith.xori %add3A_1200, %masked_sort3A_1206 : vector<16xi32>
        %masked_sort3A_1208, %masked_sort3A_1209, %masked_sort3A_1210 = tpu.sort %masked_sort3A_1207, %select_n3A_1204 masked %ge3A_1201 : (vector<16xi32>, vector<16xf32>, vector<16xi1>) -> (vector<16xi1>, vector<16xi32>, vector<16xf32>)
        %masked_sort3A_1211 = arith.xori %masked_sort3A_1209, %masked_sort3A_1206 : vector<16xi32>
        %add3A_1212 = vector.broadcast %min3A_1165 : i32 to vector<16xi32>
        %add3A_1213 = arith.addi %add3A_1212, %iota3A : vector<16xi32>
        tpu.vector_store_idx %arg14[%add3A_1213], %masked_sort3A_1210 : memref<768xf32, #tpu.memory_space<vmem>>[vector<16xi32>], vector<16xf32>,
        %add3A_1214 = vector.broadcast %min3A_1165 : i32 to vector<16xi32>
        %add3A_1215 = arith.addi %add3A_1214, %iota3A : vector<16xi32>
        tpu.vector_store_idx %arg15[%add3A_1215], %masked_sort3A_1211 : memref<768xi32, #tpu.memory_space<vmem>>[vector<16xi32>], vector<16xi32>,
        %all_reduce_population_count3A_1216 = tpu.all_reduce %ge3A_1201 {dim = 0 : i64, kind = #tpu.reduction_kind<sum>} : vector<16xi1> -> vector<16xi32>
        %slice3A_1217 = vector.extract_strided_slice %all_reduce_population_count3A_1216 {offsets = [0], sizes = [1], strides = [1]} : vector<16xi32> to vector<1xi32>
        %squeeze3A_1218 = vector.extract %slice3A_1217[0] : i32 from vector<1xi32>
        %add3A_1219 = arith.addi %min3A_1165, %squeeze3A_1218 : i32
        %min3A_1220 = arith.constant 752 : i32
        %min3A_1221 = arith.minsi %add3A_1219, %min3A_1220 : i32
        %mul3A_1222 = arith.constant 16 : i32
        %mul3A_1223 = arith.muli %while3A_64, %mul3A_1222 : i32
        %add3A_1224 = arith.constant 12 : i32
        %add3A_1225 = arith.addi %mul3A_1223, %add3A_1224 : i32
        %add3A_1226 = arith.constant 16 : i32
        %add3A_1227 = arith.addi %mul3A_1185, %add3A_1226 : i32
        %get3A_1228 = arith.index_cast %add3A_1225 : i32 to index
        %get3A_1229 = arith.index_cast %add3A_1227 : i32 to index
        %get3A_1230 = tpu.vector_load %arg11[%get3A_1228, %get3A_1229] {strides = array<i32>} : memref<768x128xf32, #tpu.memory_space<vmem>>, vector<16xf32>,
        %mul3A_1231 = arith.constant 32 : i32
        %mul3A_1232 = arith.muli %squeeze3A_1167, %mul3A_1231 : i32
        %add3A_1233 = arith.constant 16 : i32
        %add3A_1234 = arith.addi %mul3A_1232, %add3A_1233 : i32
        %add3A_1235 = vector.broadcast %add3A_1234 : i32 to vector<16xi32>
        %add3A_1236 = arith.addi %add3A_1235, %iota3A : vector<16xi32>
        %ge3A_1237 = arith.cmpf oge, %get3A_1230, %get3A_12 : vector<16xf32>
        %jit3A_1238 = arith.constant 0xFF800000 : f32
        %broadcast_in_dim3A_1239 = vector.broadcast %jit3A_1238 : f32 to vector<16xf32>
        %select_n3A_1240 = arith.select %ge3A_1237, %get3A_1230, %broadcast_in_dim3A_1239 : vector<16xi1>, vector<16xf32>
        %masked_sort3A_1241 = arith.constant -2147483648 : i32
        %masked_sort3A_1242 = vector.broadcast %masked_sort3A_1241 : i32 to vector<16xi32>
        %masked_sort3A_1243 = arith.xori %add3A_1236, %masked_sort3A_1242 : vector<16xi32>
        %masked_sort3A_1244, %masked_sort3A_1245, %masked_sort3A_1246 = tpu.sort %masked_sort3A_1243, %select_n3A_1240 masked %ge3A_1237 : (vector<16xi32>, vector<16xf32>, vector<16xi1>) -> (vector<16xi1>, vector<16xi32>, vector<16xf32>)
        %masked_sort3A_1247 = arith.xori %masked_sort3A_1245, %masked_sort3A_1242 : vector<16xi32>
        %add3A_1248 = vector.broadcast %min3A_1221 : i32 to vector<16xi32>
        %add3A_1249 = arith.addi %add3A_1248, %iota3A : vector<16xi32>
        tpu.vector_store_idx %arg14[%add3A_1249], %masked_sort3A_1246 : memref<768xf32, #tpu.memory_space<vmem>>[vector<16xi32>], vector<16xf32>,
        %add3A_1250 = vector.broadcast %min3A_1221 : i32 to vector<16xi32>
        %add3A_1251 = arith.addi %add3A_1250, %iota3A : vector<16xi32>
        tpu.vector_store_idx %arg15[%add3A_1251], %masked_sort3A_1247 : memref<768xi32, #tpu.memory_space<vmem>>[vector<16xi32>], vector<16xi32>,
        %all_reduce_population_count3A_1252 = tpu.all_reduce %ge3A_1237 {dim = 0 : i64, kind = #tpu.reduction_kind<sum>} : vector<16xi1> -> vector<16xi32>
        %slice3A_1253 = vector.extract_strided_slice %all_reduce_population_count3A_1252 {offsets = [0], sizes = [1], strides = [1]} : vector<16xi32> to vector<1xi32>
        %squeeze3A_1254 = vector.extract %slice3A_1253[0] : i32 from vector<1xi32>
        %add3A_1255 = arith.addi %min3A_1221, %squeeze3A_1254 : i32
        %min3A_1256 = arith.constant 752 : i32
        %min3A_1257 = arith.minsi %add3A_1255, %min3A_1256 : i32
        %slice3A_1258 = vector.extract_strided_slice %get3A_69 {offsets = [13], sizes = [1], strides = [1]} : vector<16xi32> to vector<1xi32>
        %squeeze3A_1259 = vector.extract %slice3A_1258[0] : i32 from vector<1xi32>
        %jit3A_1260 = arith.constant 4 : i32
        %eq3A_1261 = arith.constant 0 : i32
        %eq3A_1262 = arith.cmpi eq, %jit3A_1260, %eq3A_1261 : i32
        %jit3A_1263 = arith.constant 1 : i32
        %select_n3A_1264 = arith.select %eq3A_1262, %jit3A_1263, %jit3A_1260 : i32
        %rem3A_1265 = arith.remsi %squeeze3A_1259, %select_n3A_1264 : i32
        %ne3A_1266 = arith.constant 0 : i32
        %ne3A_1267 = arith.cmpi ne, %rem3A_1265, %ne3A_1266 : i32
        %lt3A_1268 = arith.constant 0 : i32
        %lt3A_1269 = arith.cmpi slt, %rem3A_1265, %lt3A_1268 : i32
        %lt3A_1270 = arith.constant 0 : i32
        %lt3A_1271 = arith.cmpi slt, %select_n3A_1264, %lt3A_1270 : i32
        %ne3A_1272 = arith.xori %lt3A_1269, %lt3A_1271 : i1
        %and3A_1273 = arith.andi %ne3A_1272, %ne3A_1267 : i1
        %add3A_1274 = arith.addi %rem3A_1265, %select_n3A_1264 : i32
        %select_n3A_1275 = arith.select %and3A_1273, %add3A_1274, %rem3A_1265 : i32
        %mul3A_1276 = arith.constant 32 : i32
        %mul3A_1277 = arith.muli %select_n3A_1275, %mul3A_1276 : i32
        %mul3A_1278 = arith.constant 16 : i32
        %mul3A_1279 = arith.muli %while3A_64, %mul3A_1278 : i32
        %add3A_1280 = arith.constant 13 : i32
        %add3A_1281 = arith.addi %mul3A_1279, %add3A_1280 : i32
        %add3A_1282 = arith.constant 0 : i32
        %add3A_1283 = arith.addi %mul3A_1277, %add3A_1282 : i32
        %get3A_1284 = arith.index_cast %add3A_1281 : i32 to index
        %get3A_1285 = arith.index_cast %add3A_1283 : i32 to index
        %get3A_1286 = tpu.vector_load %arg11[%get3A_1284, %get3A_1285] {strides = array<i32>} : memref<768x128xf32, #tpu.memory_space<vmem>>, vector<16xf32>,
        %mul3A_1287 = arith.constant 32 : i32
        %mul3A_1288 = arith.muli %squeeze3A_1259, %mul3A_1287 : i32
        %add3A_1289 = arith.constant 0 : i32
        %add3A_1290 = arith.addi %mul3A_1288, %add3A_1289 : i32
        %add3A_1291 = vector.broadcast %add3A_1290 : i32 to vector<16xi32>
        %add3A_1292 = arith.addi %add3A_1291, %iota3A : vector<16xi32>
        %ge3A_1293 = arith.cmpf oge, %get3A_1286, %get3A_12 : vector<16xf32>
        %jit3A_1294 = arith.constant 0xFF800000 : f32
        %broadcast_in_dim3A_1295 = vector.broadcast %jit3A_1294 : f32 to vector<16xf32>
        %select_n3A_1296 = arith.select %ge3A_1293, %get3A_1286, %broadcast_in_dim3A_1295 : vector<16xi1>, vector<16xf32>
        %masked_sort3A_1297 = arith.constant -2147483648 : i32
        %masked_sort3A_1298 = vector.broadcast %masked_sort3A_1297 : i32 to vector<16xi32>
        %masked_sort3A_1299 = arith.xori %add3A_1292, %masked_sort3A_1298 : vector<16xi32>
        %masked_sort3A_1300, %masked_sort3A_1301, %masked_sort3A_1302 = tpu.sort %masked_sort3A_1299, %select_n3A_1296 masked %ge3A_1293 : (vector<16xi32>, vector<16xf32>, vector<16xi1>) -> (vector<16xi1>, vector<16xi32>, vector<16xf32>)
        %masked_sort3A_1303 = arith.xori %masked_sort3A_1301, %masked_sort3A_1298 : vector<16xi32>
        %add3A_1304 = vector.broadcast %min3A_1257 : i32 to vector<16xi32>
        %add3A_1305 = arith.addi %add3A_1304, %iota3A : vector<16xi32>
        tpu.vector_store_idx %arg14[%add3A_1305], %masked_sort3A_1302 : memref<768xf32, #tpu.memory_space<vmem>>[vector<16xi32>], vector<16xf32>,
        %add3A_1306 = vector.broadcast %min3A_1257 : i32 to vector<16xi32>
        %add3A_1307 = arith.addi %add3A_1306, %iota3A : vector<16xi32>
        tpu.vector_store_idx %arg15[%add3A_1307], %masked_sort3A_1303 : memref<768xi32, #tpu.memory_space<vmem>>[vector<16xi32>], vector<16xi32>,
        %all_reduce_population_count3A_1308 = tpu.all_reduce %ge3A_1293 {dim = 0 : i64, kind = #tpu.reduction_kind<sum>} : vector<16xi1> -> vector<16xi32>
        %slice3A_1309 = vector.extract_strided_slice %all_reduce_population_count3A_1308 {offsets = [0], sizes = [1], strides = [1]} : vector<16xi32> to vector<1xi32>
        %squeeze3A_1310 = vector.extract %slice3A_1309[0] : i32 from vector<1xi32>
        %add3A_1311 = arith.addi %min3A_1257, %squeeze3A_1310 : i32
        %min3A_1312 = arith.constant 752 : i32
        %min3A_1313 = arith.minsi %add3A_1311, %min3A_1312 : i32
        %mul3A_1314 = arith.constant 16 : i32
        %mul3A_1315 = arith.muli %while3A_64, %mul3A_1314 : i32
        %add3A_1316 = arith.constant 13 : i32
        %add3A_1317 = arith.addi %mul3A_1315, %add3A_1316 : i32
        %add3A_1318 = arith.constant 16 : i32
        %add3A_1319 = arith.addi %mul3A_1277, %add3A_1318 : i32
        %get3A_1320 = arith.index_cast %add3A_1317 : i32 to index
        %get3A_1321 = arith.index_cast %add3A_1319 : i32 to index
        %get3A_1322 = tpu.vector_load %arg11[%get3A_1320, %get3A_1321] {strides = array<i32>} : memref<768x128xf32, #tpu.memory_space<vmem>>, vector<16xf32>,
        %mul3A_1323 = arith.constant 32 : i32
        %mul3A_1324 = arith.muli %squeeze3A_1259, %mul3A_1323 : i32
        %add3A_1325 = arith.constant 16 : i32
        %add3A_1326 = arith.addi %mul3A_1324, %add3A_1325 : i32
        %add3A_1327 = vector.broadcast %add3A_1326 : i32 to vector<16xi32>
        %add3A_1328 = arith.addi %add3A_1327, %iota3A : vector<16xi32>
        %ge3A_1329 = arith.cmpf oge, %get3A_1322, %get3A_12 : vector<16xf32>
        %jit3A_1330 = arith.constant 0xFF800000 : f32
        %broadcast_in_dim3A_1331 = vector.broadcast %jit3A_1330 : f32 to vector<16xf32>
        %select_n3A_1332 = arith.select %ge3A_1329, %get3A_1322, %broadcast_in_dim3A_1331 : vector<16xi1>, vector<16xf32>
        %masked_sort3A_1333 = arith.constant -2147483648 : i32
        %masked_sort3A_1334 = vector.broadcast %masked_sort3A_1333 : i32 to vector<16xi32>
        %masked_sort3A_1335 = arith.xori %add3A_1328, %masked_sort3A_1334 : vector<16xi32>
        %masked_sort3A_1336, %masked_sort3A_1337, %masked_sort3A_1338 = tpu.sort %masked_sort3A_1335, %select_n3A_1332 masked %ge3A_1329 : (vector<16xi32>, vector<16xf32>, vector<16xi1>) -> (vector<16xi1>, vector<16xi32>, vector<16xf32>)
        %masked_sort3A_1339 = arith.xori %masked_sort3A_1337, %masked_sort3A_1334 : vector<16xi32>
        %add3A_1340 = vector.broadcast %min3A_1313 : i32 to vector<16xi32>
        %add3A_1341 = arith.addi %add3A_1340, %iota3A : vector<16xi32>
        tpu.vector_store_idx %arg14[%add3A_1341], %masked_sort3A_1338 : memref<768xf32, #tpu.memory_space<vmem>>[vector<16xi32>], vector<16xf32>,
        %add3A_1342 = vector.broadcast %min3A_1313 : i32 to vector<16xi32>
        %add3A_1343 = arith.addi %add3A_1342, %iota3A : vector<16xi32>
        tpu.vector_store_idx %arg15[%add3A_1343], %masked_sort3A_1339 : memref<768xi32, #tpu.memory_space<vmem>>[vector<16xi32>], vector<16xi32>,
        %all_reduce_population_count3A_1344 = tpu.all_reduce %ge3A_1329 {dim = 0 : i64, kind = #tpu.reduction_kind<sum>} : vector<16xi1> -> vector<16xi32>
        %slice3A_1345 = vector.extract_strided_slice %all_reduce_population_count3A_1344 {offsets = [0], sizes = [1], strides = [1]} : vector<16xi32> to vector<1xi32>
        %squeeze3A_1346 = vector.extract %slice3A_1345[0] : i32 from vector<1xi32>
        %add3A_1347 = arith.addi %min3A_1313, %squeeze3A_1346 : i32
        %min3A_1348 = arith.constant 752 : i32
        %min3A_1349 = arith.minsi %add3A_1347, %min3A_1348 : i32
        %slice3A_1350 = vector.extract_strided_slice %get3A_69 {offsets = [14], sizes = [1], strides = [1]} : vector<16xi32> to vector<1xi32>
        %squeeze3A_1351 = vector.extract %slice3A_1350[0] : i32 from vector<1xi32>
        %jit3A_1352 = arith.constant 4 : i32
        %eq3A_1353 = arith.constant 0 : i32
        %eq3A_1354 = arith.cmpi eq, %jit3A_1352, %eq3A_1353 : i32
        %jit3A_1355 = arith.constant 1 : i32
        %select_n3A_1356 = arith.select %eq3A_1354, %jit3A_1355, %jit3A_1352 : i32
        %rem3A_1357 = arith.remsi %squeeze3A_1351, %select_n3A_1356 : i32
        %ne3A_1358 = arith.constant 0 : i32
        %ne3A_1359 = arith.cmpi ne, %rem3A_1357, %ne3A_1358 : i32
        %lt3A_1360 = arith.constant 0 : i32
        %lt3A_1361 = arith.cmpi slt, %rem3A_1357, %lt3A_1360 : i32
        %lt3A_1362 = arith.constant 0 : i32
        %lt3A_1363 = arith.cmpi slt, %select_n3A_1356, %lt3A_1362 : i32
        %ne3A_1364 = arith.xori %lt3A_1361, %lt3A_1363 : i1
        %and3A_1365 = arith.andi %ne3A_1364, %ne3A_1359 : i1
        %add3A_1366 = arith.addi %rem3A_1357, %select_n3A_1356 : i32
        %select_n3A_1367 = arith.select %and3A_1365, %add3A_1366, %rem3A_1357 : i32
        %mul3A_1368 = arith.constant 32 : i32
        %mul3A_1369 = arith.muli %select_n3A_1367, %mul3A_1368 : i32
        %mul3A_1370 = arith.constant 16 : i32
        %mul3A_1371 = arith.muli %while3A_64, %mul3A_1370 : i32
        %add3A_1372 = arith.constant 14 : i32
        %add3A_1373 = arith.addi %mul3A_1371, %add3A_1372 : i32
        %add3A_1374 = arith.constant 0 : i32
        %add3A_1375 = arith.addi %mul3A_1369, %add3A_1374 : i32
        %get3A_1376 = arith.index_cast %add3A_1373 : i32 to index
        %get3A_1377 = arith.index_cast %add3A_1375 : i32 to index
        %get3A_1378 = tpu.vector_load %arg11[%get3A_1376, %get3A_1377] {strides = array<i32>} : memref<768x128xf32, #tpu.memory_space<vmem>>, vector<16xf32>,
        %mul3A_1379 = arith.constant 32 : i32
        %mul3A_1380 = arith.muli %squeeze3A_1351, %mul3A_1379 : i32
        %add3A_1381 = arith.constant 0 : i32
        %add3A_1382 = arith.addi %mul3A_1380, %add3A_1381 : i32
        %add3A_1383 = vector.broadcast %add3A_1382 : i32 to vector<16xi32>
        %add3A_1384 = arith.addi %add3A_1383, %iota3A : vector<16xi32>
        %ge3A_1385 = arith.cmpf oge, %get3A_1378, %get3A_12 : vector<16xf32>
        %jit3A_1386 = arith.constant 0xFF800000 : f32
        %broadcast_in_dim3A_1387 = vector.broadcast %jit3A_1386 : f32 to vector<16xf32>
        %select_n3A_1388 = arith.select %ge3A_1385, %get3A_1378, %broadcast_in_dim3A_1387 : vector<16xi1>, vector<16xf32>
        %masked_sort3A_1389 = arith.constant -2147483648 : i32
        %masked_sort3A_1390 = vector.broadcast %masked_sort3A_1389 : i32 to vector<16xi32>
        %masked_sort3A_1391 = arith.xori %add3A_1384, %masked_sort3A_1390 : vector<16xi32>
        %masked_sort3A_1392, %masked_sort3A_1393, %masked_sort3A_1394 = tpu.sort %masked_sort3A_1391, %select_n3A_1388 masked %ge3A_1385 : (vector<16xi32>, vector<16xf32>, vector<16xi1>) -> (vector<16xi1>, vector<16xi32>, vector<16xf32>)
        %masked_sort3A_1395 = arith.xori %masked_sort3A_1393, %masked_sort3A_1390 : vector<16xi32>
        %add3A_1396 = vector.broadcast %min3A_1349 : i32 to vector<16xi32>
        %add3A_1397 = arith.addi %add3A_1396, %iota3A : vector<16xi32>
        tpu.vector_store_idx %arg14[%add3A_1397], %masked_sort3A_1394 : memref<768xf32, #tpu.memory_space<vmem>>[vector<16xi32>], vector<16xf32>,
        %add3A_1398 = vector.broadcast %min3A_1349 : i32 to vector<16xi32>
        %add3A_1399 = arith.addi %add3A_1398, %iota3A : vector<16xi32>
        tpu.vector_store_idx %arg15[%add3A_1399], %masked_sort3A_1395 : memref<768xi32, #tpu.memory_space<vmem>>[vector<16xi32>], vector<16xi32>,
        %all_reduce_population_count3A_1400 = tpu.all_reduce %ge3A_1385 {dim = 0 : i64, kind = #tpu.reduction_kind<sum>} : vector<16xi1> -> vector<16xi32>
        %slice3A_1401 = vector.extract_strided_slice %all_reduce_population_count3A_1400 {offsets = [0], sizes = [1], strides = [1]} : vector<16xi32> to vector<1xi32>
        %squeeze3A_1402 = vector.extract %slice3A_1401[0] : i32 from vector<1xi32>
        %add3A_1403 = arith.addi %min3A_1349, %squeeze3A_1402 : i32
        %min3A_1404 = arith.constant 752 : i32
        %min3A_1405 = arith.minsi %add3A_1403, %min3A_1404 : i32
        %mul3A_1406 = arith.constant 16 : i32
        %mul3A_1407 = arith.muli %while3A_64, %mul3A_1406 : i32
        %add3A_1408 = arith.constant 14 : i32
        %add3A_1409 = arith.addi %mul3A_1407, %add3A_1408 : i32
        %add3A_1410 = arith.constant 16 : i32
        %add3A_1411 = arith.addi %mul3A_1369, %add3A_1410 : i32
        %get3A_1412 = arith.index_cast %add3A_1409 : i32 to index
        %get3A_1413 = arith.index_cast %add3A_1411 : i32 to index
        %get3A_1414 = tpu.vector_load %arg11[%get3A_1412, %get3A_1413] {strides = array<i32>} : memref<768x128xf32, #tpu.memory_space<vmem>>, vector<16xf32>,
        %mul3A_1415 = arith.constant 32 : i32
        %mul3A_1416 = arith.muli %squeeze3A_1351, %mul3A_1415 : i32
        %add3A_1417 = arith.constant 16 : i32
        %add3A_1418 = arith.addi %mul3A_1416, %add3A_1417 : i32
        %add3A_1419 = vector.broadcast %add3A_1418 : i32 to vector<16xi32>
        %add3A_1420 = arith.addi %add3A_1419, %iota3A : vector<16xi32>
        %ge3A_1421 = arith.cmpf oge, %get3A_1414, %get3A_12 : vector<16xf32>
        %jit3A_1422 = arith.constant 0xFF800000 : f32
        %broadcast_in_dim3A_1423 = vector.broadcast %jit3A_1422 : f32 to vector<16xf32>
        %select_n3A_1424 = arith.select %ge3A_1421, %get3A_1414, %broadcast_in_dim3A_1423 : vector<16xi1>, vector<16xf32>
        %masked_sort3A_1425 = arith.constant -2147483648 : i32
        %masked_sort3A_1426 = vector.broadcast %masked_sort3A_1425 : i32 to vector<16xi32>
        %masked_sort3A_1427 = arith.xori %add3A_1420, %masked_sort3A_1426 : vector<16xi32>
        %masked_sort3A_1428, %masked_sort3A_1429, %masked_sort3A_1430 = tpu.sort %masked_sort3A_1427, %select_n3A_1424 masked %ge3A_1421 : (vector<16xi32>, vector<16xf32>, vector<16xi1>) -> (vector<16xi1>, vector<16xi32>, vector<16xf32>)
        %masked_sort3A_1431 = arith.xori %masked_sort3A_1429, %masked_sort3A_1426 : vector<16xi32>
        %add3A_1432 = vector.broadcast %min3A_1405 : i32 to vector<16xi32>
        %add3A_1433 = arith.addi %add3A_1432, %iota3A : vector<16xi32>
        tpu.vector_store_idx %arg14[%add3A_1433], %masked_sort3A_1430 : memref<768xf32, #tpu.memory_space<vmem>>[vector<16xi32>], vector<16xf32>,
        %add3A_1434 = vector.broadcast %min3A_1405 : i32 to vector<16xi32>
        %add3A_1435 = arith.addi %add3A_1434, %iota3A : vector<16xi32>
        tpu.vector_store_idx %arg15[%add3A_1435], %masked_sort3A_1431 : memref<768xi32, #tpu.memory_space<vmem>>[vector<16xi32>], vector<16xi32>,
        %all_reduce_population_count3A_1436 = tpu.all_reduce %ge3A_1421 {dim = 0 : i64, kind = #tpu.reduction_kind<sum>} : vector<16xi1> -> vector<16xi32>
        %slice3A_1437 = vector.extract_strided_slice %all_reduce_population_count3A_1436 {offsets = [0], sizes = [1], strides = [1]} : vector<16xi32> to vector<1xi32>
        %squeeze3A_1438 = vector.extract %slice3A_1437[0] : i32 from vector<1xi32>
        %add3A_1439 = arith.addi %min3A_1405, %squeeze3A_1438 : i32
        %min3A_1440 = arith.constant 752 : i32
        %min3A_1441 = arith.minsi %add3A_1439, %min3A_1440 : i32
        %slice3A_1442 = vector.extract_strided_slice %get3A_69 {offsets = [15], sizes = [1], strides = [1]} : vector<16xi32> to vector<1xi32>
        %squeeze3A_1443 = vector.extract %slice3A_1442[0] : i32 from vector<1xi32>
        %jit3A_1444 = arith.constant 4 : i32
        %eq3A_1445 = arith.constant 0 : i32
        %eq3A_1446 = arith.cmpi eq, %jit3A_1444, %eq3A_1445 : i32
        %jit3A_1447 = arith.constant 1 : i32
        %select_n3A_1448 = arith.select %eq3A_1446, %jit3A_1447, %jit3A_1444 : i32
        %rem3A_1449 = arith.remsi %squeeze3A_1443, %select_n3A_1448 : i32
        %ne3A_1450 = arith.constant 0 : i32
        %ne3A_1451 = arith.cmpi ne, %rem3A_1449, %ne3A_1450 : i32
        %lt3A_1452 = arith.constant 0 : i32
        %lt3A_1453 = arith.cmpi slt, %rem3A_1449, %lt3A_1452 : i32
        %lt3A_1454 = arith.constant 0 : i32
        %lt3A_1455 = arith.cmpi slt, %select_n3A_1448, %lt3A_1454 : i32
        %ne3A_1456 = arith.xori %lt3A_1453, %lt3A_1455 : i1
        %and3A_1457 = arith.andi %ne3A_1456, %ne3A_1451 : i1
        %add3A_1458 = arith.addi %rem3A_1449, %select_n3A_1448 : i32
        %select_n3A_1459 = arith.select %and3A_1457, %add3A_1458, %rem3A_1449 : i32
        %mul3A_1460 = arith.constant 32 : i32
        %mul3A_1461 = arith.muli %select_n3A_1459, %mul3A_1460 : i32
        %mul3A_1462 = arith.constant 16 : i32
        %mul3A_1463 = arith.muli %while3A_64, %mul3A_1462 : i32
        %add3A_1464 = arith.constant 15 : i32
        %add3A_1465 = arith.addi %mul3A_1463, %add3A_1464 : i32
        %add3A_1466 = arith.constant 0 : i32
        %add3A_1467 = arith.addi %mul3A_1461, %add3A_1466 : i32
        %get3A_1468 = arith.index_cast %add3A_1465 : i32 to index
        %get3A_1469 = arith.index_cast %add3A_1467 : i32 to index
        %get3A_1470 = tpu.vector_load %arg11[%get3A_1468, %get3A_1469] {strides = array<i32>} : memref<768x128xf32, #tpu.memory_space<vmem>>, vector<16xf32>,
        %mul3A_1471 = arith.constant 32 : i32
        %mul3A_1472 = arith.muli %squeeze3A_1443, %mul3A_1471 : i32
        %add3A_1473 = arith.constant 0 : i32
        %add3A_1474 = arith.addi %mul3A_1472, %add3A_1473 : i32
        %add3A_1475 = vector.broadcast %add3A_1474 : i32 to vector<16xi32>
        %add3A_1476 = arith.addi %add3A_1475, %iota3A : vector<16xi32>
        %ge3A_1477 = arith.cmpf oge, %get3A_1470, %get3A_12 : vector<16xf32>
        %jit3A_1478 = arith.constant 0xFF800000 : f32
        %broadcast_in_dim3A_1479 = vector.broadcast %jit3A_1478 : f32 to vector<16xf32>
        %select_n3A_1480 = arith.select %ge3A_1477, %get3A_1470, %broadcast_in_dim3A_1479 : vector<16xi1>, vector<16xf32>
        %masked_sort3A_1481 = arith.constant -2147483648 : i32
        %masked_sort3A_1482 = vector.broadcast %masked_sort3A_1481 : i32 to vector<16xi32>
        %masked_sort3A_1483 = arith.xori %add3A_1476, %masked_sort3A_1482 : vector<16xi32>
        %masked_sort3A_1484, %masked_sort3A_1485, %masked_sort3A_1486 = tpu.sort %masked_sort3A_1483, %select_n3A_1480 masked %ge3A_1477 : (vector<16xi32>, vector<16xf32>, vector<16xi1>) -> (vector<16xi1>, vector<16xi32>, vector<16xf32>)
        %masked_sort3A_1487 = arith.xori %masked_sort3A_1485, %masked_sort3A_1482 : vector<16xi32>
        %add3A_1488 = vector.broadcast %min3A_1441 : i32 to vector<16xi32>
        %add3A_1489 = arith.addi %add3A_1488, %iota3A : vector<16xi32>
        tpu.vector_store_idx %arg14[%add3A_1489], %masked_sort3A_1486 : memref<768xf32, #tpu.memory_space<vmem>>[vector<16xi32>], vector<16xf32>,
        %add3A_1490 = vector.broadcast %min3A_1441 : i32 to vector<16xi32>
        %add3A_1491 = arith.addi %add3A_1490, %iota3A : vector<16xi32>
        tpu.vector_store_idx %arg15[%add3A_1491], %masked_sort3A_1487 : memref<768xi32, #tpu.memory_space<vmem>>[vector<16xi32>], vector<16xi32>,
        %all_reduce_population_count3A_1492 = tpu.all_reduce %ge3A_1477 {dim = 0 : i64, kind = #tpu.reduction_kind<sum>} : vector<16xi1> -> vector<16xi32>
        %slice3A_1493 = vector.extract_strided_slice %all_reduce_population_count3A_1492 {offsets = [0], sizes = [1], strides = [1]} : vector<16xi32> to vector<1xi32>
        %squeeze3A_1494 = vector.extract %slice3A_1493[0] : i32 from vector<1xi32>
        %add3A_1495 = arith.addi %min3A_1441, %squeeze3A_1494 : i32
        %min3A_1496 = arith.constant 752 : i32
        %min3A_1497 = arith.minsi %add3A_1495, %min3A_1496 : i32
        %mul3A_1498 = arith.constant 16 : i32
        %mul3A_1499 = arith.muli %while3A_64, %mul3A_1498 : i32
        %add3A_1500 = arith.constant 15 : i32
        %add3A_1501 = arith.addi %mul3A_1499, %add3A_1500 : i32
        %add3A_1502 = arith.constant 16 : i32
        %add3A_1503 = arith.addi %mul3A_1461, %add3A_1502 : i32
        %get3A_1504 = arith.index_cast %add3A_1501 : i32 to index
        %get3A_1505 = arith.index_cast %add3A_1503 : i32 to index
        %get3A_1506 = tpu.vector_load %arg11[%get3A_1504, %get3A_1505] {strides = array<i32>} : memref<768x128xf32, #tpu.memory_space<vmem>>, vector<16xf32>,
        %mul3A_1507 = arith.constant 32 : i32
        %mul3A_1508 = arith.muli %squeeze3A_1443, %mul3A_1507 : i32
        %add3A_1509 = arith.constant 16 : i32
        %add3A_1510 = arith.addi %mul3A_1508, %add3A_1509 : i32
        %add3A_1511 = vector.broadcast %add3A_1510 : i32 to vector<16xi32>
        %add3A_1512 = arith.addi %add3A_1511, %iota3A : vector<16xi32>
        %ge3A_1513 = arith.cmpf oge, %get3A_1506, %get3A_12 : vector<16xf32>
        %jit3A_1514 = arith.constant 0xFF800000 : f32
        %broadcast_in_dim3A_1515 = vector.broadcast %jit3A_1514 : f32 to vector<16xf32>
        %select_n3A_1516 = arith.select %ge3A_1513, %get3A_1506, %broadcast_in_dim3A_1515 : vector<16xi1>, vector<16xf32>
        %masked_sort3A_1517 = arith.constant -2147483648 : i32
        %masked_sort3A_1518 = vector.broadcast %masked_sort3A_1517 : i32 to vector<16xi32>
        %masked_sort3A_1519 = arith.xori %add3A_1512, %masked_sort3A_1518 : vector<16xi32>
        %masked_sort3A_1520, %masked_sort3A_1521, %masked_sort3A_1522 = tpu.sort %masked_sort3A_1519, %select_n3A_1516 masked %ge3A_1513 : (vector<16xi32>, vector<16xf32>, vector<16xi1>) -> (vector<16xi1>, vector<16xi32>, vector<16xf32>)
        %masked_sort3A_1523 = arith.xori %masked_sort3A_1521, %masked_sort3A_1518 : vector<16xi32>
        %add3A_1524 = vector.broadcast %min3A_1497 : i32 to vector<16xi32>
        %add3A_1525 = arith.addi %add3A_1524, %iota3A : vector<16xi32>
        tpu.vector_store_idx %arg14[%add3A_1525], %masked_sort3A_1522 : memref<768xf32, #tpu.memory_space<vmem>>[vector<16xi32>], vector<16xf32>,
        %add3A_1526 = vector.broadcast %min3A_1497 : i32 to vector<16xi32>
        %add3A_1527 = arith.addi %add3A_1526, %iota3A : vector<16xi32>
        tpu.vector_store_idx %arg15[%add3A_1527], %masked_sort3A_1523 : memref<768xi32, #tpu.memory_space<vmem>>[vector<16xi32>], vector<16xi32>,
        %all_reduce_population_count3A_1528 = tpu.all_reduce %ge3A_1513 {dim = 0 : i64, kind = #tpu.reduction_kind<sum>} : vector<16xi1> -> vector<16xi32>
        %slice3A_1529 = vector.extract_strided_slice %all_reduce_population_count3A_1528 {offsets = [0], sizes = [1], strides = [1]} : vector<16xi32> to vector<1xi32>
        %squeeze3A_1530 = vector.extract %slice3A_1529[0] : i32 from vector<1xi32>
        %add3A_1531 = arith.addi %min3A_1497, %squeeze3A_1530 : i32
        %min3A_1532 = arith.constant 752 : i32
        %min3A_1533 = arith.minsi %add3A_1531, %min3A_1532 : i32
        scf.yield %min3A_1533 : i32
      }
      "tpu.region"() ({
        %run_scoped3A = tpu.sem_alloc : memref<!tpu.dma_semaphore, #tpu.memory_space<semaphore_mem>>
        %dma_start3A_64 = arith.constant 0 : i32
        %dma_start3A_65 = tpu.memref_slice %arg7[%add3A_11, %dma_start3A_64] : memref<1024x768xf32, #tpu.memory_space<hbm>> -> memref<1x768xf32, #tpu.memory_space<hbm>>
        %dma_start3A_66 = tpu.memref_squeeze %dma_start3A_65 : memref<1x768xf32, #tpu.memory_space<hbm>> -> memref<768xf32, #tpu.memory_space<hbm>>
        %dma_start3A_67 = arith.constant 0 : i32
        %dma_start3A_68 = tpu.memref_slice %arg7[%add3A_11, %dma_start3A_67] : memref<1024x768xf32, #tpu.memory_space<hbm>> -> memref<1x768xf32, #tpu.memory_space<hbm>>
        %dma_start3A_69 = tpu.memref_squeeze %dma_start3A_68 : memref<1x768xf32, #tpu.memory_space<hbm>> -> memref<768xf32, #tpu.memory_space<hbm>>
        tpu.enqueue_dma source(%arg14 : memref<768xf32, #tpu.memory_space<vmem>>) target(%dma_start3A_69 : memref<768xf32, #tpu.memory_space<hbm>>) target_semaphore(%run_scoped3A : memref<!tpu.dma_semaphore, #tpu.memory_space<semaphore_mem>>)
        %dma_wait3A_70 = arith.constant 0 : i32
        %dma_wait3A_71 = tpu.memref_slice %arg7[%add3A_11, %dma_wait3A_70] : memref<1024x768xf32, #tpu.memory_space<hbm>> -> memref<1x768xf32, #tpu.memory_space<hbm>>
        %dma_wait3A_72 = tpu.memref_squeeze %dma_wait3A_71 : memref<1x768xf32, #tpu.memory_space<hbm>> -> memref<768xf32, #tpu.memory_space<hbm>>
        %dma_wait3A_73 = arith.constant 0 : i32
        %dma_wait3A_74 = tpu.memref_slice %arg7[%add3A_11, %dma_wait3A_73] : memref<1024x768xf32, #tpu.memory_space<hbm>> -> memref<1x768xf32, #tpu.memory_space<hbm>>
        %dma_wait3A_75 = tpu.memref_squeeze %dma_wait3A_74 : memref<1x768xf32, #tpu.memory_space<hbm>> -> memref<768xf32, #tpu.memory_space<hbm>>
        tpu.wait_dma2 semaphore(%run_scoped3A : memref<!tpu.dma_semaphore, #tpu.memory_space<semaphore_mem>>) src(%arg14 : memref<768xf32, #tpu.memory_space<vmem>>) dst(%dma_wait3A_75 : memref<768xf32, #tpu.memory_space<hbm>>)
        tpu.yield
      }) : () -> ()
      "tpu.region"() ({
        %run_scoped3A = tpu.sem_alloc : memref<!tpu.dma_semaphore, #tpu.memory_space<semaphore_mem>>
        %dma_start3A_64 = arith.constant 0 : i32
        %dma_start3A_65 = tpu.memref_slice %arg8[%add3A_11, %dma_start3A_64] : memref<1024x768xi32, #tpu.memory_space<hbm>> -> memref<1x768xi32, #tpu.memory_space<hbm>>
        %dma_start3A_66 = tpu.memref_squeeze %dma_start3A_65 : memref<1x768xi32, #tpu.memory_space<hbm>> -> memref<768xi32, #tpu.memory_space<hbm>>
        %dma_start3A_67 = arith.constant 0 : i32
        %dma_start3A_68 = tpu.memref_slice %arg8[%add3A_11, %dma_start3A_67] : memref<1024x768xi32, #tpu.memory_space<hbm>> -> memref<1x768xi32, #tpu.memory_space<hbm>>
        %dma_start3A_69 = tpu.memref_squeeze %dma_start3A_68 : memref<1x768xi32, #tpu.memory_space<hbm>> -> memref<768xi32, #tpu.memory_space<hbm>>
        tpu.enqueue_dma source(%arg15 : memref<768xi32, #tpu.memory_space<vmem>>) target(%dma_start3A_69 : memref<768xi32, #tpu.memory_space<hbm>>) target_semaphore(%run_scoped3A : memref<!tpu.dma_semaphore, #tpu.memory_space<semaphore_mem>>)
        %dma_wait3A_70 = arith.constant 0 : i32
        %dma_wait3A_71 = tpu.memref_slice %arg8[%add3A_11, %dma_wait3A_70] : memref<1024x768xi32, #tpu.memory_space<hbm>> -> memref<1x768xi32, #tpu.memory_space<hbm>>
        %dma_wait3A_72 = tpu.memref_squeeze %dma_wait3A_71 : memref<1x768xi32, #tpu.memory_space<hbm>> -> memref<768xi32, #tpu.memory_space<hbm>>
        %dma_wait3A_73 = arith.constant 0 : i32
        %dma_wait3A_74 = tpu.memref_slice %arg8[%add3A_11, %dma_wait3A_73] : memref<1024x768xi32, #tpu.memory_space<hbm>> -> memref<1x768xi32, #tpu.memory_space<hbm>>
        %dma_wait3A_75 = tpu.memref_squeeze %dma_wait3A_74 : memref<1x768xi32, #tpu.memory_space<hbm>> -> memref<768xi32, #tpu.memory_space<hbm>>
        tpu.wait_dma2 semaphore(%run_scoped3A : memref<!tpu.dma_semaphore, #tpu.memory_space<semaphore_mem>>) src(%arg15 : memref<768xi32, #tpu.memory_space<vmem>>) dst(%dma_wait3A_75 : memref<768xi32, #tpu.memory_space<hbm>>)
        tpu.yield
      }) : () -> ()
      %scan3A_63 = arith.constant 0 : i32
      scf.yield %scan3A_63 : i32
    }
    %scan3A_8 = arith.constant 32 : i32
    return
  }
}

#map = affine_map<(d0, d1) -> (0, 0)>
module attributes {stable_mosaic.version = 14 : i64} {
  func.func @_sc_a_body(%arg0: i32, %arg1: i32, %arg2: memref<1024x3200xf32, #tpu.memory_space<hbm>>, %arg3: memref<1024x16xf32, #tpu.memory_space<hbm>>, %arg4: memref<1024x768xi32, #tpu.memory_space<hbm>>, %arg5: memref<1024x768xi32, #tpu.memory_space<hbm>>, %arg6: memref<1024x16xi32, #tpu.memory_space<hbm>>, %arg7: memref<3200xf32, #tpu.memory_space<vmem>>, %arg8: memref<16xf32, #tpu.memory_space<vmem>>, %arg9: memref<768xi32, #tpu.memory_space<vmem>>, %arg10: memref<768xi32, #tpu.memory_space<vmem>>, %arg11: memref<16xi32, #tpu.memory_space<vmem>>) attributes {dimension_semantics = [#tpu.dimension_semantics<core_parallel>, #tpu.dimension_semantics<subcore_parallel>], iteration_bounds = array<i64: 2, 16>, scalar_prefetch = 0 : i64, scratch_operands = 5 : i64, tpu.core_type = #tpu.core_type<sc_vector_subcore>, window_params = [{transform_indices = #map}, {transform_indices = #map}, {transform_indices = #map}, {transform_indices = #map}, {transform_indices = #map}]} {
    %mul3A = arith.constant 2 : i32
    %mul3A_0 = arith.muli %arg1, %mul3A : i32
    %add3A = arith.addi %mul3A_0, %arg0 : i32
    %mul3A_1 = arith.constant 32 : i32
    %mul3A_2 = arith.muli %add3A, %mul3A_1 : i32
    %iota3A = tpu.iota {dimensions = array<i32: 0>} : vector<16xi32>
    %scan3A = arith.constant 0 : i32
    %scan3A_3 = arith.constant 0 : i32
    %scan3A_4 = arith.constant 32 : i32
    %scan3A_5 = arith.addi %scan3A_3, %scan3A_4 : i32
    %scan3A_6 = arith.constant 1 : i32
    %scan3A_7 = scf.for %scan3A_9 = %scan3A_3 to %scan3A_5 step %scan3A_6 iter_args(%scan3A_10 = %scan3A) -> (i32)  : i32 {
      %add3A_11 = arith.addi %mul3A_2, %scan3A_9 : i32
      "tpu.region"() ({
        %run_scoped3A = tpu.sem_alloc : memref<!tpu.dma_semaphore, #tpu.memory_space<semaphore_mem>>
        %dma_start3A = arith.constant 0 : i32
        %dma_start3A_28 = tpu.memref_slice %arg2[%add3A_11, %dma_start3A] : memref<1024x3200xf32, #tpu.memory_space<hbm>> -> memref<1x3200xf32, #tpu.memory_space<hbm>>
        %dma_start3A_29 = tpu.memref_squeeze %dma_start3A_28 : memref<1x3200xf32, #tpu.memory_space<hbm>> -> memref<3200xf32, #tpu.memory_space<hbm>>
        %dma_start3A_30 = arith.constant 0 : i32
        %dma_start3A_31 = tpu.memref_slice %arg2[%add3A_11, %dma_start3A_30] : memref<1024x3200xf32, #tpu.memory_space<hbm>> -> memref<1x3200xf32, #tpu.memory_space<hbm>>
        %dma_start3A_32 = tpu.memref_squeeze %dma_start3A_31 : memref<1x3200xf32, #tpu.memory_space<hbm>> -> memref<3200xf32, #tpu.memory_space<hbm>>
        tpu.enqueue_dma source(%dma_start3A_32 : memref<3200xf32, #tpu.memory_space<hbm>>) target(%arg7 : memref<3200xf32, #tpu.memory_space<vmem>>) target_semaphore(%run_scoped3A : memref<!tpu.dma_semaphore, #tpu.memory_space<semaphore_mem>>)
        %dma_wait3A = arith.constant 0 : i32
        %dma_wait3A_33 = tpu.memref_slice %arg2[%add3A_11, %dma_wait3A] : memref<1024x3200xf32, #tpu.memory_space<hbm>> -> memref<1x3200xf32, #tpu.memory_space<hbm>>
        %dma_wait3A_34 = tpu.memref_squeeze %dma_wait3A_33 : memref<1x3200xf32, #tpu.memory_space<hbm>> -> memref<3200xf32, #tpu.memory_space<hbm>>
        %dma_wait3A_35 = arith.constant 0 : i32
        %dma_wait3A_36 = tpu.memref_slice %arg2[%add3A_11, %dma_wait3A_35] : memref<1024x3200xf32, #tpu.memory_space<hbm>> -> memref<1x3200xf32, #tpu.memory_space<hbm>>
        %dma_wait3A_37 = tpu.memref_squeeze %dma_wait3A_36 : memref<1x3200xf32, #tpu.memory_space<hbm>> -> memref<3200xf32, #tpu.memory_space<hbm>>
        tpu.wait_dma2 semaphore(%run_scoped3A : memref<!tpu.dma_semaphore, #tpu.memory_space<semaphore_mem>>) src(%dma_wait3A_37 : memref<3200xf32, #tpu.memory_space<hbm>>) dst(%arg7 : memref<3200xf32, #tpu.memory_space<vmem>>)
        tpu.yield
      }) : () -> ()
      "tpu.region"() ({
        %run_scoped3A = tpu.sem_alloc : memref<!tpu.dma_semaphore, #tpu.memory_space<semaphore_mem>>
        %dma_start3A = arith.constant 0 : i32
        %dma_start3A_28 = tpu.memref_slice %arg3[%add3A_11, %dma_start3A] : memref<1024x16xf32, #tpu.memory_space<hbm>> -> memref<1x16xf32, #tpu.memory_space<hbm>>
        %dma_start3A_29 = tpu.memref_squeeze %dma_start3A_28 : memref<1x16xf32, #tpu.memory_space<hbm>> -> memref<16xf32, #tpu.memory_space<hbm>>
        %dma_start3A_30 = arith.constant 0 : i32
        %dma_start3A_31 = tpu.memref_slice %arg3[%add3A_11, %dma_start3A_30] : memref<1024x16xf32, #tpu.memory_space<hbm>> -> memref<1x16xf32, #tpu.memory_space<hbm>>
        %dma_start3A_32 = tpu.memref_squeeze %dma_start3A_31 : memref<1x16xf32, #tpu.memory_space<hbm>> -> memref<16xf32, #tpu.memory_space<hbm>>
        tpu.enqueue_dma source(%dma_start3A_32 : memref<16xf32, #tpu.memory_space<hbm>>) target(%arg8 : memref<16xf32, #tpu.memory_space<vmem>>) target_semaphore(%run_scoped3A : memref<!tpu.dma_semaphore, #tpu.memory_space<semaphore_mem>>)
        %dma_wait3A = arith.constant 0 : i32
        %dma_wait3A_33 = tpu.memref_slice %arg3[%add3A_11, %dma_wait3A] : memref<1024x16xf32, #tpu.memory_space<hbm>> -> memref<1x16xf32, #tpu.memory_space<hbm>>
        %dma_wait3A_34 = tpu.memref_squeeze %dma_wait3A_33 : memref<1x16xf32, #tpu.memory_space<hbm>> -> memref<16xf32, #tpu.memory_space<hbm>>
        %dma_wait3A_35 = arith.constant 0 : i32
        %dma_wait3A_36 = tpu.memref_slice %arg3[%add3A_11, %dma_wait3A_35] : memref<1024x16xf32, #tpu.memory_space<hbm>> -> memref<1x16xf32, #tpu.memory_space<hbm>>
        %dma_wait3A_37 = tpu.memref_squeeze %dma_wait3A_36 : memref<1x16xf32, #tpu.memory_space<hbm>> -> memref<16xf32, #tpu.memory_space<hbm>>
        tpu.wait_dma2 semaphore(%run_scoped3A : memref<!tpu.dma_semaphore, #tpu.memory_space<semaphore_mem>>) src(%dma_wait3A_37 : memref<16xf32, #tpu.memory_space<hbm>>) dst(%arg8 : memref<16xf32, #tpu.memory_space<vmem>>)
        tpu.yield
      }) : () -> ()
      %get3A = arith.constant 0 : index
      %get3A_12 = tpu.vector_load %arg8[%get3A] {strides = array<i32>} : memref<16xf32, #tpu.memory_space<vmem>>, vector<16xf32>,
      %scan3A_13 = arith.constant 0 : i32
      %scan3A_14 = arith.constant 0 : i32
      %scan3A_15 = arith.constant 48 : i32
      %scan3A_16 = arith.addi %scan3A_14, %scan3A_15 : i32
      %scan3A_17 = arith.constant 1 : i32
      %scan3A_18 = scf.for %scan3A_28 = %scan3A_14 to %scan3A_16 step %scan3A_17 iter_args(%scan3A_29 = %scan3A_13) -> (i32)  : i32 {
        %mul3A_30 = arith.constant 16 : i32
        %mul3A_31 = arith.muli %scan3A_28, %mul3A_30 : i32
        %add3A_32 = vector.broadcast %mul3A_31 : i32 to vector<16xi32>
        %add3A_33 = arith.addi %iota3A, %add3A_32 : vector<16xi32>
        %broadcast_in_dim3A_34 = arith.constant 3199 : i32
        %broadcast_in_dim3A_35 = vector.broadcast %broadcast_in_dim3A_34 : i32 to vector<16xi32>
        tpu.vector_store_idx %arg9[%add3A_33], %broadcast_in_dim3A_35 : memref<768xi32, #tpu.memory_space<vmem>>[vector<16xi32>], vector<16xi32>,
        %mul3A_36 = arith.constant 16 : i32
        %mul3A_37 = arith.muli %scan3A_28, %mul3A_36 : i32
        %add3A_38 = vector.broadcast %mul3A_37 : i32 to vector<16xi32>
        %add3A_39 = arith.addi %iota3A, %add3A_38 : vector<16xi32>
        %mul3A_40 = arith.constant 800 : i32
        %mul3A_41 = arith.muli %add3A_11, %mul3A_40 : i32
        %add3A_42 = arith.constant 800 : i32
        %add3A_43 = arith.addi %mul3A_41, %add3A_42 : i32
        %sub3A = arith.constant 1 : i32
        %sub3A_44 = arith.subi %add3A_43, %sub3A : i32
        %broadcast_in_dim3A_45 = vector.broadcast %sub3A_44 : i32 to vector<16xi32>
        tpu.vector_store_idx %arg10[%add3A_39], %broadcast_in_dim3A_45 : memref<768xi32, #tpu.memory_space<vmem>>[vector<16xi32>], vector<16xi32>,
        %scan3A_46 = arith.constant 0 : i32
        scf.yield %scan3A_46 : i32
      }
      %scan3A_19 = arith.constant 48 : i32
      %scan3A_20 = arith.constant 0 : i32
      %scan3A_21 = arith.constant 0 : i32
      %scan3A_22 = arith.constant 200 : i32
      %scan3A_23 = arith.addi %scan3A_21, %scan3A_22 : i32
      %scan3A_24 = arith.constant 1 : i32
      %scan3A_25 = scf.for %scan3A_28 = %scan3A_21 to %scan3A_23 step %scan3A_24 iter_args(%scan3A_29 = %scan3A_20) -> (i32)  : i32 {
        %mul3A_30 = arith.constant 16 : i32
        %mul3A_31 = arith.muli %scan3A_28, %mul3A_30 : i32
        %get3A_32 = arith.index_cast %mul3A_31 : i32 to index
        %get3A_33 = tpu.vector_load %arg7[%get3A_32] {strides = array<i32>} : memref<3200xf32, #tpu.memory_space<vmem>>, vector<16xf32>,
        %ge3A = arith.cmpf oge, %get3A_33, %get3A_12 : vector<16xf32>
        %mul3A_34 = arith.constant 16 : i32
        %mul3A_35 = arith.muli %scan3A_28, %mul3A_34 : i32
        %add3A_36 = vector.broadcast %mul3A_35 : i32 to vector<16xi32>
        %add3A_37 = arith.addi %iota3A, %add3A_36 : vector<16xi32>
        %shift_right_logical3A = arith.constant 2 : i32
        %shift_right_logical3A_38 = vector.broadcast %shift_right_logical3A : i32 to vector<16xi32>
        %shift_right_logical3A_39 = arith.shrui %add3A_37, %shift_right_logical3A_38 : vector<16xi32>
        %mul3A_40 = arith.constant 800 : i32
        %mul3A_41 = arith.muli %add3A_11, %mul3A_40 : i32
        %add3A_42 = vector.broadcast %mul3A_41 : i32 to vector<16xi32>
        %add3A_43 = arith.addi %shift_right_logical3A_39, %add3A_42 : vector<16xi32>
        %masked_sort3A = arith.constant -2147483648 : i32
        %masked_sort3A_44 = vector.broadcast %masked_sort3A : i32 to vector<16xi32>
        %masked_sort3A_45 = arith.xori %add3A_37, %masked_sort3A_44 : vector<16xi32>
        %masked_sort3A_46, %masked_sort3A_47, %masked_sort3A_48 = tpu.sort %masked_sort3A_45, %add3A_43 masked %ge3A : (vector<16xi32>, vector<16xi32>, vector<16xi1>) -> (vector<16xi1>, vector<16xi32>, vector<16xi32>)
        %masked_sort3A_49 = arith.xori %masked_sort3A_47, %masked_sort3A_44 : vector<16xi32>
        %add3A_50 = vector.broadcast %scan3A_29 : i32 to vector<16xi32>
        %add3A_51 = arith.addi %add3A_50, %iota3A : vector<16xi32>
        tpu.vector_store_idx %arg9[%add3A_51], %masked_sort3A_49 : memref<768xi32, #tpu.memory_space<vmem>>[vector<16xi32>], vector<16xi32>,
        %add3A_52 = vector.broadcast %scan3A_29 : i32 to vector<16xi32>
        %add3A_53 = arith.addi %add3A_52, %iota3A : vector<16xi32>
        tpu.vector_store_idx %arg10[%add3A_53], %masked_sort3A_48 : memref<768xi32, #tpu.memory_space<vmem>>[vector<16xi32>], vector<16xi32>,
        %all_reduce_population_count3A = tpu.all_reduce %ge3A {dim = 0 : i64, kind = #tpu.reduction_kind<sum>} : vector<16xi1> -> vector<16xi32>
        %slice3A = vector.extract_strided_slice %all_reduce_population_count3A {offsets = [0], sizes = [1], strides = [1]} : vector<16xi32> to vector<1xi32>
        %squeeze3A = vector.extract %slice3A[0] : i32 from vector<1xi32>
        %add3A_54 = arith.addi %scan3A_29, %squeeze3A : i32
        %min3A = arith.constant 752 : i32
        %min3A_55 = arith.minsi %add3A_54, %min3A : i32
        scf.yield %min3A_55 : i32
      }
      %scan3A_26 = arith.constant 200 : i32
      %broadcast_in_dim3A = vector.broadcast %scan3A_25 : i32 to vector<16xi32>
      tpu.vector_store_idx %arg11[%iota3A], %broadcast_in_dim3A : memref<16xi32, #tpu.memory_space<vmem>>[vector<16xi32>], vector<16xi32>,
      "tpu.region"() ({
        %run_scoped3A = tpu.sem_alloc : memref<!tpu.dma_semaphore, #tpu.memory_space<semaphore_mem>>
        %dma_start3A = arith.constant 0 : i32
        %dma_start3A_28 = tpu.memref_slice %arg4[%add3A_11, %dma_start3A] : memref<1024x768xi32, #tpu.memory_space<hbm>> -> memref<1x768xi32, #tpu.memory_space<hbm>>
        %dma_start3A_29 = tpu.memref_squeeze %dma_start3A_28 : memref<1x768xi32, #tpu.memory_space<hbm>> -> memref<768xi32, #tpu.memory_space<hbm>>
        %dma_start3A_30 = arith.constant 0 : i32
        %dma_start3A_31 = tpu.memref_slice %arg4[%add3A_11, %dma_start3A_30] : memref<1024x768xi32, #tpu.memory_space<hbm>> -> memref<1x768xi32, #tpu.memory_space<hbm>>
        %dma_start3A_32 = tpu.memref_squeeze %dma_start3A_31 : memref<1x768xi32, #tpu.memory_space<hbm>> -> memref<768xi32, #tpu.memory_space<hbm>>
        tpu.enqueue_dma source(%arg9 : memref<768xi32, #tpu.memory_space<vmem>>) target(%dma_start3A_32 : memref<768xi32, #tpu.memory_space<hbm>>) target_semaphore(%run_scoped3A : memref<!tpu.dma_semaphore, #tpu.memory_space<semaphore_mem>>)
        %dma_wait3A = arith.constant 0 : i32
        %dma_wait3A_33 = tpu.memref_slice %arg4[%add3A_11, %dma_wait3A] : memref<1024x768xi32, #tpu.memory_space<hbm>> -> memref<1x768xi32, #tpu.memory_space<hbm>>
        %dma_wait3A_34 = tpu.memref_squeeze %dma_wait3A_33 : memref<1x768xi32, #tpu.memory_space<hbm>> -> memref<768xi32, #tpu.memory_space<hbm>>
        %dma_wait3A_35 = arith.constant 0 : i32
        %dma_wait3A_36 = tpu.memref_slice %arg4[%add3A_11, %dma_wait3A_35] : memref<1024x768xi32, #tpu.memory_space<hbm>> -> memref<1x768xi32, #tpu.memory_space<hbm>>
        %dma_wait3A_37 = tpu.memref_squeeze %dma_wait3A_36 : memref<1x768xi32, #tpu.memory_space<hbm>> -> memref<768xi32, #tpu.memory_space<hbm>>
        tpu.wait_dma2 semaphore(%run_scoped3A : memref<!tpu.dma_semaphore, #tpu.memory_space<semaphore_mem>>) src(%arg9 : memref<768xi32, #tpu.memory_space<vmem>>) dst(%dma_wait3A_37 : memref<768xi32, #tpu.memory_space<hbm>>)
        tpu.yield
      }) : () -> ()
      "tpu.region"() ({
        %run_scoped3A = tpu.sem_alloc : memref<!tpu.dma_semaphore, #tpu.memory_space<semaphore_mem>>
        %dma_start3A = arith.constant 0 : i32
        %dma_start3A_28 = tpu.memref_slice %arg5[%add3A_11, %dma_start3A] : memref<1024x768xi32, #tpu.memory_space<hbm>> -> memref<1x768xi32, #tpu.memory_space<hbm>>
        %dma_start3A_29 = tpu.memref_squeeze %dma_start3A_28 : memref<1x768xi32, #tpu.memory_space<hbm>> -> memref<768xi32, #tpu.memory_space<hbm>>
        %dma_start3A_30 = arith.constant 0 : i32
        %dma_start3A_31 = tpu.memref_slice %arg5[%add3A_11, %dma_start3A_30] : memref<1024x768xi32, #tpu.memory_space<hbm>> -> memref<1x768xi32, #tpu.memory_space<hbm>>
        %dma_start3A_32 = tpu.memref_squeeze %dma_start3A_31 : memref<1x768xi32, #tpu.memory_space<hbm>> -> memref<768xi32, #tpu.memory_space<hbm>>
        tpu.enqueue_dma source(%arg10 : memref<768xi32, #tpu.memory_space<vmem>>) target(%dma_start3A_32 : memref<768xi32, #tpu.memory_space<hbm>>) target_semaphore(%run_scoped3A : memref<!tpu.dma_semaphore, #tpu.memory_space<semaphore_mem>>)
        %dma_wait3A = arith.constant 0 : i32
        %dma_wait3A_33 = tpu.memref_slice %arg5[%add3A_11, %dma_wait3A] : memref<1024x768xi32, #tpu.memory_space<hbm>> -> memref<1x768xi32, #tpu.memory_space<hbm>>
        %dma_wait3A_34 = tpu.memref_squeeze %dma_wait3A_33 : memref<1x768xi32, #tpu.memory_space<hbm>> -> memref<768xi32, #tpu.memory_space<hbm>>
        %dma_wait3A_35 = arith.constant 0 : i32
        %dma_wait3A_36 = tpu.memref_slice %arg5[%add3A_11, %dma_wait3A_35] : memref<1024x768xi32, #tpu.memory_space<hbm>> -> memref<1x768xi32, #tpu.memory_space<hbm>>
        %dma_wait3A_37 = tpu.memref_squeeze %dma_wait3A_36 : memref<1x768xi32, #tpu.memory_space<hbm>> -> memref<768xi32, #tpu.memory_space<hbm>>
        tpu.wait_dma2 semaphore(%run_scoped3A : memref<!tpu.dma_semaphore, #tpu.memory_space<semaphore_mem>>) src(%arg10 : memref<768xi32, #tpu.memory_space<vmem>>) dst(%dma_wait3A_37 : memref<768xi32, #tpu.memory_space<hbm>>)
        tpu.yield
      }) : () -> ()
      "tpu.region"() ({
        %run_scoped3A = tpu.sem_alloc : memref<!tpu.dma_semaphore, #tpu.memory_space<semaphore_mem>>
        %dma_start3A = arith.constant 0 : i32
        %dma_start3A_28 = tpu.memref_slice %arg6[%add3A_11, %dma_start3A] : memref<1024x16xi32, #tpu.memory_space<hbm>> -> memref<1x16xi32, #tpu.memory_space<hbm>>
        %dma_start3A_29 = tpu.memref_squeeze %dma_start3A_28 : memref<1x16xi32, #tpu.memory_space<hbm>> -> memref<16xi32, #tpu.memory_space<hbm>>
        %dma_start3A_30 = arith.constant 0 : i32
        %dma_start3A_31 = tpu.memref_slice %arg6[%add3A_11, %dma_start3A_30] : memref<1024x16xi32, #tpu.memory_space<hbm>> -> memref<1x16xi32, #tpu.memory_space<hbm>>
        %dma_start3A_32 = tpu.memref_squeeze %dma_start3A_31 : memref<1x16xi32, #tpu.memory_space<hbm>> -> memref<16xi32, #tpu.memory_space<hbm>>
        tpu.enqueue_dma source(%arg11 : memref<16xi32, #tpu.memory_space<vmem>>) target(%dma_start3A_32 : memref<16xi32, #tpu.memory_space<hbm>>) target_semaphore(%run_scoped3A : memref<!tpu.dma_semaphore, #tpu.memory_space<semaphore_mem>>)
        %dma_wait3A = arith.constant 0 : i32
        %dma_wait3A_33 = tpu.memref_slice %arg6[%add3A_11, %dma_wait3A] : memref<1024x16xi32, #tpu.memory_space<hbm>> -> memref<1x16xi32, #tpu.memory_space<hbm>>
        %dma_wait3A_34 = tpu.memref_squeeze %dma_wait3A_33 : memref<1x16xi32, #tpu.memory_space<hbm>> -> memref<16xi32, #tpu.memory_space<hbm>>
        %dma_wait3A_35 = arith.constant 0 : i32
        %dma_wait3A_36 = tpu.memref_slice %arg6[%add3A_11, %dma_wait3A_35] : memref<1024x16xi32, #tpu.memory_space<hbm>> -> memref<1x16xi32, #tpu.memory_space<hbm>>
        %dma_wait3A_37 = tpu.memref_squeeze %dma_wait3A_36 : memref<1x16xi32, #tpu.memory_space<hbm>> -> memref<16xi32, #tpu.memory_space<hbm>>
        tpu.wait_dma2 semaphore(%run_scoped3A : memref<!tpu.dma_semaphore, #tpu.memory_space<semaphore_mem>>) src(%arg11 : memref<16xi32, #tpu.memory_space<vmem>>) dst(%dma_wait3A_37 : memref<16xi32, #tpu.memory_space<hbm>>)
        tpu.yield
      }) : () -> ()
      %scan3A_27 = arith.constant 0 : i32
      scf.yield %scan3A_27 : i32
    }
    %scan3A_8 = arith.constant 32 : i32
    return
  }
}

module attributes {stable_mosaic.version = 14 : i64} {
  func.func @_k1_body(%arg0: i32, %arg1: i32, %arg2: memref<128x128xf32, #tpu.memory_space<vmem>>, %arg3: memref<4096x128xf32, #tpu.memory_space<vmem>>, %arg4: memref<128x4096xf32, #tpu.memory_space<vmem>>, %arg5: memref<128x128xf32, #tpu.memory_space<vmem>>, %arg6: memref<128x16xf32, #tpu.memory_space<vmem>>, %arg7: memref<25x128x128xi32, #tpu.memory_space<vmem>>) attributes {dimension_semantics = [#tpu.dimension_semantics<parallel>, #tpu.dimension_semantics<arbitrary>], iteration_bounds = array<i64: 8, 25>, scalar_prefetch = 0 : i64, scratch_operands = 1 : i64, tpu.core_type = #tpu.core_type<tc>, window_params = [{transform_indices = @transform_0, window_bounds = array<i64: 128, 128>}, {transform_indices = @transform_1, window_bounds = array<i64: 4096, 128>}, {transform_indices = @transform_2, window_bounds = array<i64: 128, 4096>}, {transform_indices = @transform_3, window_bounds = array<i64: 128, 128>}, {transform_indices = @transform_4, window_bounds = array<i64: 128, 16>}]} {
    %get3A = arith.constant 0 : index
    %get3A_0 = arith.constant 0 : index
    %get3A_1 = vector.load %arg2[%get3A, %get3A_0] : memref<128x128xf32, #tpu.memory_space<vmem>>, vector<128x128xf32>
    %get3A_2 = arith.constant 0 : index
    %get3A_3 = arith.constant 0 : index
    %get3A_4 = vector.load %arg3[%get3A_2, %get3A_3] : memref<4096x128xf32, #tpu.memory_space<vmem>>, vector<4096x128xf32>
    %dot_general3A = arith.constant dense<0.000000e+00> : vector<128x4096xf32>
    %dot_general3A_5 = tpu.matmul %get3A_1, %get3A_4, %dot_general3A {dimension_numbers = #tpu.dot_dimension_numbers<[1], [1], [0], [0], [0, 0, 1, 0], [], []>, transpose_lhs_hint = false} : vector<128x128xf32>, vector<4096x128xf32>, vector<128x4096xf32> -> vector<128x4096xf32>
    %iota3A = tpu.iota {dimensions = array<i32: 1>} : vector<128x4096xi32>
    %mul3A = arith.constant 4096 : i32
    %mul3A_6 = arith.muli %arg1, %mul3A : i32
    %add3A = vector.broadcast %mul3A_6 : i32 to vector<128x4096xi32>
    %add3A_7 = arith.addi %iota3A, %add3A : vector<128x4096xi32>
    %lt3A = arith.constant 100000 : i32
    %lt3A_8 = vector.broadcast %lt3A : i32 to vector<128x4096xi32>
    %lt3A_9 = arith.cmpi slt, %add3A_7, %lt3A_8 : vector<128x4096xi32>
    %jit3A = arith.constant 0xFF800000 : f32
    %broadcast_in_dim3A = vector.broadcast %jit3A : f32 to vector<128x4096xf32>
    %select_n3A = arith.select %lt3A_9, %dot_general3A_5, %broadcast_in_dim3A : vector<128x4096xi1>, vector<128x4096xf32>
    %swap3A = arith.constant 0 : index
    %swap3A_10 = arith.constant 0 : index
    %swap3A_11 = vector.load %arg4[%swap3A, %swap3A_10] : memref<128x4096xf32, #tpu.memory_space<vmem>>, vector<128x4096xf32>
    tpu.vector_store %arg4[%swap3A, %swap3A_10], %select_n3A {strides = array<i32>} : memref<128x4096xf32, #tpu.memory_space<vmem>>, vector<128x4096xf32>,
    %reshape3A = vector.shape_cast %select_n3A : vector<128x4096xf32> to vector<128x128x32xf32>
    %reduce_max3A = arith.constant dense<0xFF800000> : vector<128x128xf32>
    %reduce_max3A_12 = vector.multi_reduction <maximumf>, %reshape3A, %reduce_max3A [2] : vector<128x128x32xf32> to vector<128x128xf32>
    %swap3A_13 = arith.constant 0 : index
    %swap3A_14 = arith.constant 0 : index
    %swap3A_15 = vector.load %arg5[%swap3A_13, %swap3A_14] : memref<128x128xf32, #tpu.memory_space<vmem>>, vector<128x128xf32>
    tpu.vector_store %arg5[%swap3A_13, %swap3A_14], %reduce_max3A_12 {strides = array<i32>} : memref<128x128xf32, #tpu.memory_space<vmem>>, vector<128x128xf32>,
    %bitcast_convert_type3A = tpu.bitcast %reduce_max3A_12 : vector<128x128xf32> -> vector<128x128xi32>
    %lt3A_16 = arith.constant 0 : i32
    %lt3A_17 = vector.broadcast %lt3A_16 : i32 to vector<128x128xi32>
    %lt3A_18 = arith.cmpi slt, %bitcast_convert_type3A, %lt3A_17 : vector<128x128xi32>
    %xor3A = arith.constant 2147483647 : i32
    %xor3A_19 = vector.broadcast %xor3A : i32 to vector<128x128xi32>
    %xor3A_20 = arith.xori %bitcast_convert_type3A, %xor3A_19 : vector<128x128xi32>
    %select_n3A_21 = arith.select %lt3A_18, %xor3A_20, %bitcast_convert_type3A : vector<128x128xi1>, vector<128x128xi32>
    %swap3A_22 = arith.index_cast %arg1 : i32 to index
    %swap3A_23 = arith.constant 0 : index
    %swap3A_24 = arith.constant 0 : index
    %swap3A_25 = vector.load %arg7[%swap3A_22, %swap3A_23, %swap3A_24] : memref<25x128x128xi32, #tpu.memory_space<vmem>>, vector<1x128x128xi32>
    %swap3A_26 = vector.shape_cast %swap3A_25 : vector<1x128x128xi32> to vector<128x128xi32>
    %swap3A_27 = vector.shape_cast %select_n3A_21 : vector<128x128xi32> to vector<1x128x128xi32>
    tpu.vector_store %arg7[%swap3A_22, %swap3A_23, %swap3A_24], %swap3A_27 {strides = array<i32>} : memref<25x128x128xi32, #tpu.memory_space<vmem>>, vector<1x128x128xi32>,
    %eq3A = arith.constant 24 : i32
    %eq3A_28 = arith.cmpi eq, %arg1, %eq3A : i32
    %convert_element_type3A = arith.extui %eq3A_28 : i1 to i32
    %cond3A = arith.constant 0 : i32
    %cond3A_29 = arith.cmpi ne, %convert_element_type3A, %cond3A : i32
    scf.if %cond3A_29 {
      %get3A_30 = arith.constant 0 : index
      %get3A_31 = arith.constant 0 : index
      %get3A_32 = arith.constant 0 : index
      %get3A_33 = vector.load %arg7[%get3A_30, %get3A_31, %get3A_32] : memref<25x128x128xi32, #tpu.memory_space<vmem>>, vector<25x128x128xi32>
      %ge3A = arith.constant 0 : i32
      %ge3A_34 = vector.broadcast %ge3A : i32 to vector<25x128x128xi32>
      %ge3A_35 = arith.cmpi sge, %get3A_33, %ge3A_34 : vector<25x128x128xi32>
      %convert_element_type3A_36 = arith.extui %ge3A_35 : vector<25x128x128xi1> to vector<25x128x128xi32>
      %reduce_sum3A = arith.constant dense<0> : vector<128xi32>
      %reduce_sum3A_37 = vector.multi_reduction <add>, %convert_element_type3A_36, %reduce_sum3A [0, 2] : vector<25x128x128xi32> to vector<128xi32>
      %reshape3A_38 = vector.shape_cast %reduce_sum3A_37 : vector<128xi32> to vector<128x1xi32>
      %ge3A_39 = arith.constant 544 : i32
      %ge3A_40 = vector.broadcast %ge3A_39 : i32 to vector<128x1xi32>
      %ge3A_41 = arith.cmpi sge, %reshape3A_38, %ge3A_40 : vector<128x1xi32>
      %jit3A_42 = arith.constant 0 : i32
      %jit3A_43 = arith.constant -2147483648 : i32
      %broadcast_in_dim3A_44 = vector.broadcast %jit3A_42 : i32 to vector<128x1xi32>
      %broadcast_in_dim3A_45 = vector.broadcast %jit3A_43 : i32 to vector<128x1xi32>
      %select_n3A_46 = arith.select %ge3A_41, %broadcast_in_dim3A_44, %broadcast_in_dim3A_45 : vector<128x1xi1>, vector<128x1xi32>
      %add3A_47 = arith.constant 1073741824 : i32
      %add3A_48 = vector.broadcast %add3A_47 : i32 to vector<128x1xi32>
      %add3A_49 = arith.addi %select_n3A_46, %add3A_48 : vector<128x1xi32>
      %reshape3A_50 = vector.shape_cast %add3A_49 : vector<128x1xi32> to vector<1x128x1xi32>
      %ge3A_51 = vector.broadcast %reshape3A_50 : vector<1x128x1xi32> to vector<25x128x128xi32>
      %ge3A_52 = arith.cmpi sge, %get3A_33, %ge3A_51 : vector<25x128x128xi32>
      %convert_element_type3A_53 = arith.extui %ge3A_52 : vector<25x128x128xi1> to vector<25x128x128xi32>
      %reduce_sum3A_54 = arith.constant dense<0> : vector<128xi32>
      %reduce_sum3A_55 = vector.multi_reduction <add>, %convert_element_type3A_53, %reduce_sum3A_54 [0, 2] : vector<25x128x128xi32> to vector<128xi32>
      %reshape3A_56 = vector.shape_cast %reduce_sum3A_55 : vector<128xi32> to vector<128x1xi32>
      %ge3A_57 = arith.constant 544 : i32
      %ge3A_58 = vector.broadcast %ge3A_57 : i32 to vector<128x1xi32>
      %ge3A_59 = arith.cmpi sge, %reshape3A_56, %ge3A_58 : vector<128x1xi32>
      %select_n3A_60 = arith.select %ge3A_59, %add3A_49, %select_n3A_46 : vector<128x1xi1>, vector<128x1xi32>
      %add3A_61 = arith.constant 536870912 : i32
      %add3A_62 = vector.broadcast %add3A_61 : i32 to vector<128x1xi32>
      %add3A_63 = arith.addi %select_n3A_60, %add3A_62 : vector<128x1xi32>
      %reshape3A_64 = vector.shape_cast %add3A_63 : vector<128x1xi32> to vector<1x128x1xi32>
      %ge3A_65 = vector.broadcast %reshape3A_64 : vector<1x128x1xi32> to vector<25x128x128xi32>
      %ge3A_66 = arith.cmpi sge, %get3A_33, %ge3A_65 : vector<25x128x128xi32>
      %convert_element_type3A_67 = arith.extui %ge3A_66 : vector<25x128x128xi1> to vector<25x128x128xi32>
      %reduce_sum3A_68 = arith.constant dense<0> : vector<128xi32>
      %reduce_sum3A_69 = vector.multi_reduction <add>, %convert_element_type3A_67, %reduce_sum3A_68 [0, 2] : vector<25x128x128xi32> to vector<128xi32>
      %reshape3A_70 = vector.shape_cast %reduce_sum3A_69 : vector<128xi32> to vector<128x1xi32>
      %ge3A_71 = arith.constant 544 : i32
      %ge3A_72 = vector.broadcast %ge3A_71 : i32 to vector<128x1xi32>
      %ge3A_73 = arith.cmpi sge, %reshape3A_70, %ge3A_72 : vector<128x1xi32>
      %select_n3A_74 = arith.select %ge3A_73, %add3A_63, %select_n3A_60 : vector<128x1xi1>, vector<128x1xi32>
      %add3A_75 = arith.constant 268435456 : i32
      %add3A_76 = vector.broadcast %add3A_75 : i32 to vector<128x1xi32>
      %add3A_77 = arith.addi %select_n3A_74, %add3A_76 : vector<128x1xi32>
      %reshape3A_78 = vector.shape_cast %add3A_77 : vector<128x1xi32> to vector<1x128x1xi32>
      %ge3A_79 = vector.broadcast %reshape3A_78 : vector<1x128x1xi32> to vector<25x128x128xi32>
      %ge3A_80 = arith.cmpi sge, %get3A_33, %ge3A_79 : vector<25x128x128xi32>
      %convert_element_type3A_81 = arith.extui %ge3A_80 : vector<25x128x128xi1> to vector<25x128x128xi32>
      %reduce_sum3A_82 = arith.constant dense<0> : vector<128xi32>
      %reduce_sum3A_83 = vector.multi_reduction <add>, %convert_element_type3A_81, %reduce_sum3A_82 [0, 2] : vector<25x128x128xi32> to vector<128xi32>
      %reshape3A_84 = vector.shape_cast %reduce_sum3A_83 : vector<128xi32> to vector<128x1xi32>
      %ge3A_85 = arith.constant 544 : i32
      %ge3A_86 = vector.broadcast %ge3A_85 : i32 to vector<128x1xi32>
      %ge3A_87 = arith.cmpi sge, %reshape3A_84, %ge3A_86 : vector<128x1xi32>
      %select_n3A_88 = arith.select %ge3A_87, %add3A_77, %select_n3A_74 : vector<128x1xi1>, vector<128x1xi32>
      %add3A_89 = arith.constant 134217728 : i32
      %add3A_90 = vector.broadcast %add3A_89 : i32 to vector<128x1xi32>
      %add3A_91 = arith.addi %select_n3A_88, %add3A_90 : vector<128x1xi32>
      %reshape3A_92 = vector.shape_cast %add3A_91 : vector<128x1xi32> to vector<1x128x1xi32>
      %ge3A_93 = vector.broadcast %reshape3A_92 : vector<1x128x1xi32> to vector<25x128x128xi32>
      %ge3A_94 = arith.cmpi sge, %get3A_33, %ge3A_93 : vector<25x128x128xi32>
      %convert_element_type3A_95 = arith.extui %ge3A_94 : vector<25x128x128xi1> to vector<25x128x128xi32>
      %reduce_sum3A_96 = arith.constant dense<0> : vector<128xi32>
      %reduce_sum3A_97 = vector.multi_reduction <add>, %convert_element_type3A_95, %reduce_sum3A_96 [0, 2] : vector<25x128x128xi32> to vector<128xi32>
      %reshape3A_98 = vector.shape_cast %reduce_sum3A_97 : vector<128xi32> to vector<128x1xi32>
      %ge3A_99 = arith.constant 544 : i32
      %ge3A_100 = vector.broadcast %ge3A_99 : i32 to vector<128x1xi32>
      %ge3A_101 = arith.cmpi sge, %reshape3A_98, %ge3A_100 : vector<128x1xi32>
      %select_n3A_102 = arith.select %ge3A_101, %add3A_91, %select_n3A_88 : vector<128x1xi1>, vector<128x1xi32>
      %add3A_103 = arith.constant 67108864 : i32
      %add3A_104 = vector.broadcast %add3A_103 : i32 to vector<128x1xi32>
      %add3A_105 = arith.addi %select_n3A_102, %add3A_104 : vector<128x1xi32>
      %reshape3A_106 = vector.shape_cast %add3A_105 : vector<128x1xi32> to vector<1x128x1xi32>
      %ge3A_107 = vector.broadcast %reshape3A_106 : vector<1x128x1xi32> to vector<25x128x128xi32>
      %ge3A_108 = arith.cmpi sge, %get3A_33, %ge3A_107 : vector<25x128x128xi32>
      %convert_element_type3A_109 = arith.extui %ge3A_108 : vector<25x128x128xi1> to vector<25x128x128xi32>
      %reduce_sum3A_110 = arith.constant dense<0> : vector<128xi32>
      %reduce_sum3A_111 = vector.multi_reduction <add>, %convert_element_type3A_109, %reduce_sum3A_110 [0, 2] : vector<25x128x128xi32> to vector<128xi32>
      %reshape3A_112 = vector.shape_cast %reduce_sum3A_111 : vector<128xi32> to vector<128x1xi32>
      %ge3A_113 = arith.constant 544 : i32
      %ge3A_114 = vector.broadcast %ge3A_113 : i32 to vector<128x1xi32>
      %ge3A_115 = arith.cmpi sge, %reshape3A_112, %ge3A_114 : vector<128x1xi32>
      %select_n3A_116 = arith.select %ge3A_115, %add3A_105, %select_n3A_102 : vector<128x1xi1>, vector<128x1xi32>
      %add3A_117 = arith.constant 33554432 : i32
      %add3A_118 = vector.broadcast %add3A_117 : i32 to vector<128x1xi32>
      %add3A_119 = arith.addi %select_n3A_116, %add3A_118 : vector<128x1xi32>
      %reshape3A_120 = vector.shape_cast %add3A_119 : vector<128x1xi32> to vector<1x128x1xi32>
      %ge3A_121 = vector.broadcast %reshape3A_120 : vector<1x128x1xi32> to vector<25x128x128xi32>
      %ge3A_122 = arith.cmpi sge, %get3A_33, %ge3A_121 : vector<25x128x128xi32>
      %convert_element_type3A_123 = arith.extui %ge3A_122 : vector<25x128x128xi1> to vector<25x128x128xi32>
      %reduce_sum3A_124 = arith.constant dense<0> : vector<128xi32>
      %reduce_sum3A_125 = vector.multi_reduction <add>, %convert_element_type3A_123, %reduce_sum3A_124 [0, 2] : vector<25x128x128xi32> to vector<128xi32>
      %reshape3A_126 = vector.shape_cast %reduce_sum3A_125 : vector<128xi32> to vector<128x1xi32>
      %ge3A_127 = arith.constant 544 : i32
      %ge3A_128 = vector.broadcast %ge3A_127 : i32 to vector<128x1xi32>
      %ge3A_129 = arith.cmpi sge, %reshape3A_126, %ge3A_128 : vector<128x1xi32>
      %select_n3A_130 = arith.select %ge3A_129, %add3A_119, %select_n3A_116 : vector<128x1xi1>, vector<128x1xi32>
      %add3A_131 = arith.constant 16777216 : i32
      %add3A_132 = vector.broadcast %add3A_131 : i32 to vector<128x1xi32>
      %add3A_133 = arith.addi %select_n3A_130, %add3A_132 : vector<128x1xi32>
      %reshape3A_134 = vector.shape_cast %add3A_133 : vector<128x1xi32> to vector<1x128x1xi32>
      %ge3A_135 = vector.broadcast %reshape3A_134 : vector<1x128x1xi32> to vector<25x128x128xi32>
      %ge3A_136 = arith.cmpi sge, %get3A_33, %ge3A_135 : vector<25x128x128xi32>
      %convert_element_type3A_137 = arith.extui %ge3A_136 : vector<25x128x128xi1> to vector<25x128x128xi32>
      %reduce_sum3A_138 = arith.constant dense<0> : vector<128xi32>
      %reduce_sum3A_139 = vector.multi_reduction <add>, %convert_element_type3A_137, %reduce_sum3A_138 [0, 2] : vector<25x128x128xi32> to vector<128xi32>
      %reshape3A_140 = vector.shape_cast %reduce_sum3A_139 : vector<128xi32> to vector<128x1xi32>
      %ge3A_141 = arith.constant 544 : i32
      %ge3A_142 = vector.broadcast %ge3A_141 : i32 to vector<128x1xi32>
      %ge3A_143 = arith.cmpi sge, %reshape3A_140, %ge3A_142 : vector<128x1xi32>
      %select_n3A_144 = arith.select %ge3A_143, %add3A_133, %select_n3A_130 : vector<128x1xi1>, vector<128x1xi32>
      %add3A_145 = arith.constant 8388608 : i32
      %add3A_146 = vector.broadcast %add3A_145 : i32 to vector<128x1xi32>
      %add3A_147 = arith.addi %select_n3A_144, %add3A_146 : vector<128x1xi32>
      %reshape3A_148 = vector.shape_cast %add3A_147 : vector<128x1xi32> to vector<1x128x1xi32>
      %ge3A_149 = vector.broadcast %reshape3A_148 : vector<1x128x1xi32> to vector<25x128x128xi32>
      %ge3A_150 = arith.cmpi sge, %get3A_33, %ge3A_149 : vector<25x128x128xi32>
      %convert_element_type3A_151 = arith.extui %ge3A_150 : vector<25x128x128xi1> to vector<25x128x128xi32>
      %reduce_sum3A_152 = arith.constant dense<0> : vector<128xi32>
      %reduce_sum3A_153 = vector.multi_reduction <add>, %convert_element_type3A_151, %reduce_sum3A_152 [0, 2] : vector<25x128x128xi32> to vector<128xi32>
      %reshape3A_154 = vector.shape_cast %reduce_sum3A_153 : vector<128xi32> to vector<128x1xi32>
      %ge3A_155 = arith.constant 544 : i32
      %ge3A_156 = vector.broadcast %ge3A_155 : i32 to vector<128x1xi32>
      %ge3A_157 = arith.cmpi sge, %reshape3A_154, %ge3A_156 : vector<128x1xi32>
      %select_n3A_158 = arith.select %ge3A_157, %add3A_147, %select_n3A_144 : vector<128x1xi1>, vector<128x1xi32>
      %add3A_159 = arith.constant 4194304 : i32
      %add3A_160 = vector.broadcast %add3A_159 : i32 to vector<128x1xi32>
      %add3A_161 = arith.addi %select_n3A_158, %add3A_160 : vector<128x1xi32>
      %reshape3A_162 = vector.shape_cast %add3A_161 : vector<128x1xi32> to vector<1x128x1xi32>
      %ge3A_163 = vector.broadcast %reshape3A_162 : vector<1x128x1xi32> to vector<25x128x128xi32>
      %ge3A_164 = arith.cmpi sge, %get3A_33, %ge3A_163 : vector<25x128x128xi32>
      %convert_element_type3A_165 = arith.extui %ge3A_164 : vector<25x128x128xi1> to vector<25x128x128xi32>
      %reduce_sum3A_166 = arith.constant dense<0> : vector<128xi32>
      %reduce_sum3A_167 = vector.multi_reduction <add>, %convert_element_type3A_165, %reduce_sum3A_166 [0, 2] : vector<25x128x128xi32> to vector<128xi32>
      %reshape3A_168 = vector.shape_cast %reduce_sum3A_167 : vector<128xi32> to vector<128x1xi32>
      %ge3A_169 = arith.constant 544 : i32
      %ge3A_170 = vector.broadcast %ge3A_169 : i32 to vector<128x1xi32>
      %ge3A_171 = arith.cmpi sge, %reshape3A_168, %ge3A_170 : vector<128x1xi32>
      %select_n3A_172 = arith.select %ge3A_171, %add3A_161, %select_n3A_158 : vector<128x1xi1>, vector<128x1xi32>
      %add3A_173 = arith.constant 2097152 : i32
      %add3A_174 = vector.broadcast %add3A_173 : i32 to vector<128x1xi32>
      %add3A_175 = arith.addi %select_n3A_172, %add3A_174 : vector<128x1xi32>
      %reshape3A_176 = vector.shape_cast %add3A_175 : vector<128x1xi32> to vector<1x128x1xi32>
      %ge3A_177 = vector.broadcast %reshape3A_176 : vector<1x128x1xi32> to vector<25x128x128xi32>
      %ge3A_178 = arith.cmpi sge, %get3A_33, %ge3A_177 : vector<25x128x128xi32>
      %convert_element_type3A_179 = arith.extui %ge3A_178 : vector<25x128x128xi1> to vector<25x128x128xi32>
      %reduce_sum3A_180 = arith.constant dense<0> : vector<128xi32>
      %reduce_sum3A_181 = vector.multi_reduction <add>, %convert_element_type3A_179, %reduce_sum3A_180 [0, 2] : vector<25x128x128xi32> to vector<128xi32>
      %reshape3A_182 = vector.shape_cast %reduce_sum3A_181 : vector<128xi32> to vector<128x1xi32>
      %ge3A_183 = arith.constant 544 : i32
      %ge3A_184 = vector.broadcast %ge3A_183 : i32 to vector<128x1xi32>
      %ge3A_185 = arith.cmpi sge, %reshape3A_182, %ge3A_184 : vector<128x1xi32>
      %select_n3A_186 = arith.select %ge3A_185, %add3A_175, %select_n3A_172 : vector<128x1xi1>, vector<128x1xi32>
      %add3A_187 = arith.constant 1048576 : i32
      %add3A_188 = vector.broadcast %add3A_187 : i32 to vector<128x1xi32>
      %add3A_189 = arith.addi %select_n3A_186, %add3A_188 : vector<128x1xi32>
      %reshape3A_190 = vector.shape_cast %add3A_189 : vector<128x1xi32> to vector<1x128x1xi32>
      %ge3A_191 = vector.broadcast %reshape3A_190 : vector<1x128x1xi32> to vector<25x128x128xi32>
      %ge3A_192 = arith.cmpi sge, %get3A_33, %ge3A_191 : vector<25x128x128xi32>
      %convert_element_type3A_193 = arith.extui %ge3A_192 : vector<25x128x128xi1> to vector<25x128x128xi32>
      %reduce_sum3A_194 = arith.constant dense<0> : vector<128xi32>
      %reduce_sum3A_195 = vector.multi_reduction <add>, %convert_element_type3A_193, %reduce_sum3A_194 [0, 2] : vector<25x128x128xi32> to vector<128xi32>
      %reshape3A_196 = vector.shape_cast %reduce_sum3A_195 : vector<128xi32> to vector<128x1xi32>
      %ge3A_197 = arith.constant 544 : i32
      %ge3A_198 = vector.broadcast %ge3A_197 : i32 to vector<128x1xi32>
      %ge3A_199 = arith.cmpi sge, %reshape3A_196, %ge3A_198 : vector<128x1xi32>
      %select_n3A_200 = arith.select %ge3A_199, %add3A_189, %select_n3A_186 : vector<128x1xi1>, vector<128x1xi32>
      %add3A_201 = arith.constant 524288 : i32
      %add3A_202 = vector.broadcast %add3A_201 : i32 to vector<128x1xi32>
      %add3A_203 = arith.addi %select_n3A_200, %add3A_202 : vector<128x1xi32>
      %reshape3A_204 = vector.shape_cast %add3A_203 : vector<128x1xi32> to vector<1x128x1xi32>
      %ge3A_205 = vector.broadcast %reshape3A_204 : vector<1x128x1xi32> to vector<25x128x128xi32>
      %ge3A_206 = arith.cmpi sge, %get3A_33, %ge3A_205 : vector<25x128x128xi32>
      %convert_element_type3A_207 = arith.extui %ge3A_206 : vector<25x128x128xi1> to vector<25x128x128xi32>
      %reduce_sum3A_208 = arith.constant dense<0> : vector<128xi32>
      %reduce_sum3A_209 = vector.multi_reduction <add>, %convert_element_type3A_207, %reduce_sum3A_208 [0, 2] : vector<25x128x128xi32> to vector<128xi32>
      %reshape3A_210 = vector.shape_cast %reduce_sum3A_209 : vector<128xi32> to vector<128x1xi32>
      %ge3A_211 = arith.constant 544 : i32
      %ge3A_212 = vector.broadcast %ge3A_211 : i32 to vector<128x1xi32>
      %ge3A_213 = arith.cmpi sge, %reshape3A_210, %ge3A_212 : vector<128x1xi32>
      %select_n3A_214 = arith.select %ge3A_213, %add3A_203, %select_n3A_200 : vector<128x1xi1>, vector<128x1xi32>
      %add3A_215 = arith.constant 262144 : i32
      %add3A_216 = vector.broadcast %add3A_215 : i32 to vector<128x1xi32>
      %add3A_217 = arith.addi %select_n3A_214, %add3A_216 : vector<128x1xi32>
      %reshape3A_218 = vector.shape_cast %add3A_217 : vector<128x1xi32> to vector<1x128x1xi32>
      %ge3A_219 = vector.broadcast %reshape3A_218 : vector<1x128x1xi32> to vector<25x128x128xi32>
      %ge3A_220 = arith.cmpi sge, %get3A_33, %ge3A_219 : vector<25x128x128xi32>
      %convert_element_type3A_221 = arith.extui %ge3A_220 : vector<25x128x128xi1> to vector<25x128x128xi32>
      %reduce_sum3A_222 = arith.constant dense<0> : vector<128xi32>
      %reduce_sum3A_223 = vector.multi_reduction <add>, %convert_element_type3A_221, %reduce_sum3A_222 [0, 2] : vector<25x128x128xi32> to vector<128xi32>
      %reshape3A_224 = vector.shape_cast %reduce_sum3A_223 : vector<128xi32> to vector<128x1xi32>
      %ge3A_225 = arith.constant 544 : i32
      %ge3A_226 = vector.broadcast %ge3A_225 : i32 to vector<128x1xi32>
      %ge3A_227 = arith.cmpi sge, %reshape3A_224, %ge3A_226 : vector<128x1xi32>
      %select_n3A_228 = arith.select %ge3A_227, %add3A_217, %select_n3A_214 : vector<128x1xi1>, vector<128x1xi32>
      %add3A_229 = arith.constant 131072 : i32
      %add3A_230 = vector.broadcast %add3A_229 : i32 to vector<128x1xi32>
      %add3A_231 = arith.addi %select_n3A_228, %add3A_230 : vector<128x1xi32>
      %reshape3A_232 = vector.shape_cast %add3A_231 : vector<128x1xi32> to vector<1x128x1xi32>
      %ge3A_233 = vector.broadcast %reshape3A_232 : vector<1x128x1xi32> to vector<25x128x128xi32>
      %ge3A_234 = arith.cmpi sge, %get3A_33, %ge3A_233 : vector<25x128x128xi32>
      %convert_element_type3A_235 = arith.extui %ge3A_234 : vector<25x128x128xi1> to vector<25x128x128xi32>
      %reduce_sum3A_236 = arith.constant dense<0> : vector<128xi32>
      %reduce_sum3A_237 = vector.multi_reduction <add>, %convert_element_type3A_235, %reduce_sum3A_236 [0, 2] : vector<25x128x128xi32> to vector<128xi32>
      %reshape3A_238 = vector.shape_cast %reduce_sum3A_237 : vector<128xi32> to vector<128x1xi32>
      %ge3A_239 = arith.constant 544 : i32
      %ge3A_240 = vector.broadcast %ge3A_239 : i32 to vector<128x1xi32>
      %ge3A_241 = arith.cmpi sge, %reshape3A_238, %ge3A_240 : vector<128x1xi32>
      %select_n3A_242 = arith.select %ge3A_241, %add3A_231, %select_n3A_228 : vector<128x1xi1>, vector<128x1xi32>
      %add3A_243 = arith.constant 65536 : i32
      %add3A_244 = vector.broadcast %add3A_243 : i32 to vector<128x1xi32>
      %add3A_245 = arith.addi %select_n3A_242, %add3A_244 : vector<128x1xi32>
      %reshape3A_246 = vector.shape_cast %add3A_245 : vector<128x1xi32> to vector<1x128x1xi32>
      %ge3A_247 = vector.broadcast %reshape3A_246 : vector<1x128x1xi32> to vector<25x128x128xi32>
      %ge3A_248 = arith.cmpi sge, %get3A_33, %ge3A_247 : vector<25x128x128xi32>
      %convert_element_type3A_249 = arith.extui %ge3A_248 : vector<25x128x128xi1> to vector<25x128x128xi32>
      %reduce_sum3A_250 = arith.constant dense<0> : vector<128xi32>
      %reduce_sum3A_251 = vector.multi_reduction <add>, %convert_element_type3A_249, %reduce_sum3A_250 [0, 2] : vector<25x128x128xi32> to vector<128xi32>
      %reshape3A_252 = vector.shape_cast %reduce_sum3A_251 : vector<128xi32> to vector<128x1xi32>
      %ge3A_253 = arith.constant 544 : i32
      %ge3A_254 = vector.broadcast %ge3A_253 : i32 to vector<128x1xi32>
      %ge3A_255 = arith.cmpi sge, %reshape3A_252, %ge3A_254 : vector<128x1xi32>
      %select_n3A_256 = arith.select %ge3A_255, %add3A_245, %select_n3A_242 : vector<128x1xi1>, vector<128x1xi32>
      %add3A_257 = arith.constant 32768 : i32
      %add3A_258 = vector.broadcast %add3A_257 : i32 to vector<128x1xi32>
      %add3A_259 = arith.addi %select_n3A_256, %add3A_258 : vector<128x1xi32>
      %reshape3A_260 = vector.shape_cast %add3A_259 : vector<128x1xi32> to vector<1x128x1xi32>
      %ge3A_261 = vector.broadcast %reshape3A_260 : vector<1x128x1xi32> to vector<25x128x128xi32>
      %ge3A_262 = arith.cmpi sge, %get3A_33, %ge3A_261 : vector<25x128x128xi32>
      %convert_element_type3A_263 = arith.extui %ge3A_262 : vector<25x128x128xi1> to vector<25x128x128xi32>
      %reduce_sum3A_264 = arith.constant dense<0> : vector<128xi32>
      %reduce_sum3A_265 = vector.multi_reduction <add>, %convert_element_type3A_263, %reduce_sum3A_264 [0, 2] : vector<25x128x128xi32> to vector<128xi32>
      %reshape3A_266 = vector.shape_cast %reduce_sum3A_265 : vector<128xi32> to vector<128x1xi32>
      %ge3A_267 = arith.constant 544 : i32
      %ge3A_268 = vector.broadcast %ge3A_267 : i32 to vector<128x1xi32>
      %ge3A_269 = arith.cmpi sge, %reshape3A_266, %ge3A_268 : vector<128x1xi32>
      %select_n3A_270 = arith.select %ge3A_269, %add3A_259, %select_n3A_256 : vector<128x1xi1>, vector<128x1xi32>
      %add3A_271 = arith.constant 16384 : i32
      %add3A_272 = vector.broadcast %add3A_271 : i32 to vector<128x1xi32>
      %add3A_273 = arith.addi %select_n3A_270, %add3A_272 : vector<128x1xi32>
      %reshape3A_274 = vector.shape_cast %add3A_273 : vector<128x1xi32> to vector<1x128x1xi32>
      %ge3A_275 = vector.broadcast %reshape3A_274 : vector<1x128x1xi32> to vector<25x128x128xi32>
      %ge3A_276 = arith.cmpi sge, %get3A_33, %ge3A_275 : vector<25x128x128xi32>
      %convert_element_type3A_277 = arith.extui %ge3A_276 : vector<25x128x128xi1> to vector<25x128x128xi32>
      %reduce_sum3A_278 = arith.constant dense<0> : vector<128xi32>
      %reduce_sum3A_279 = vector.multi_reduction <add>, %convert_element_type3A_277, %reduce_sum3A_278 [0, 2] : vector<25x128x128xi32> to vector<128xi32>
      %reshape3A_280 = vector.shape_cast %reduce_sum3A_279 : vector<128xi32> to vector<128x1xi32>
      %ge3A_281 = arith.constant 544 : i32
      %ge3A_282 = vector.broadcast %ge3A_281 : i32 to vector<128x1xi32>
      %ge3A_283 = arith.cmpi sge, %reshape3A_280, %ge3A_282 : vector<128x1xi32>
      %select_n3A_284 = arith.select %ge3A_283, %add3A_273, %select_n3A_270 : vector<128x1xi1>, vector<128x1xi32>
      %add3A_285 = arith.constant 8192 : i32
      %add3A_286 = vector.broadcast %add3A_285 : i32 to vector<128x1xi32>
      %add3A_287 = arith.addi %select_n3A_284, %add3A_286 : vector<128x1xi32>
      %reshape3A_288 = vector.shape_cast %add3A_287 : vector<128x1xi32> to vector<1x128x1xi32>
      %ge3A_289 = vector.broadcast %reshape3A_288 : vector<1x128x1xi32> to vector<25x128x128xi32>
      %ge3A_290 = arith.cmpi sge, %get3A_33, %ge3A_289 : vector<25x128x128xi32>
      %convert_element_type3A_291 = arith.extui %ge3A_290 : vector<25x128x128xi1> to vector<25x128x128xi32>
      %reduce_sum3A_292 = arith.constant dense<0> : vector<128xi32>
      %reduce_sum3A_293 = vector.multi_reduction <add>, %convert_element_type3A_291, %reduce_sum3A_292 [0, 2] : vector<25x128x128xi32> to vector<128xi32>
      %reshape3A_294 = vector.shape_cast %reduce_sum3A_293 : vector<128xi32> to vector<128x1xi32>
      %ge3A_295 = arith.constant 544 : i32
      %ge3A_296 = vector.broadcast %ge3A_295 : i32 to vector<128x1xi32>
      %ge3A_297 = arith.cmpi sge, %reshape3A_294, %ge3A_296 : vector<128x1xi32>
      %select_n3A_298 = arith.select %ge3A_297, %add3A_287, %select_n3A_284 : vector<128x1xi1>, vector<128x1xi32>
      %lt3A_299 = arith.constant 0 : i32
      %lt3A_300 = vector.broadcast %lt3A_299 : i32 to vector<128x1xi32>
      %lt3A_301 = arith.cmpi slt, %select_n3A_298, %lt3A_300 : vector<128x1xi32>
      %xor3A_302 = arith.constant 2147483647 : i32
      %xor3A_303 = vector.broadcast %xor3A_302 : i32 to vector<128x1xi32>
      %xor3A_304 = arith.xori %select_n3A_298, %xor3A_303 : vector<128x1xi32>
      %select_n3A_305 = arith.select %lt3A_301, %xor3A_304, %select_n3A_298 : vector<128x1xi1>, vector<128x1xi32>
      %bitcast_convert_type3A_306 = tpu.bitcast %select_n3A_305 : vector<128x1xi32> -> vector<128x1xf32>
      %broadcast_in_dim3A_307 = vector.shape_cast %bitcast_convert_type3A_306 : vector<128x1xf32> to vector<128x1xf32>
      %broadcast_in_dim3A_308 = vector.broadcast %broadcast_in_dim3A_307 : vector<128x1xf32> to vector<128x16xf32>
      %swap3A_309 = arith.constant 0 : index
      %swap3A_310 = arith.constant 0 : index
      %swap3A_311 = vector.load %arg6[%swap3A_309, %swap3A_310] : memref<128x16xf32, #tpu.memory_space<vmem>>, vector<128x16xf32>
      tpu.vector_store %arg6[%swap3A_309, %swap3A_310], %broadcast_in_dim3A_308 {strides = array<i32>} : memref<128x16xf32, #tpu.memory_space<vmem>>, vector<128x16xf32>,
    } else {
    }
    return
  }
  func.func @transform_0(%arg0: i32, %arg1: i32) -> (i32, i32) {
    %c0_i32 = arith.constant 0 : i32
    %c0_i32_0 = arith.constant 0 : i32
    return %arg0, %c0_i32 : i32, i32
  }
  func.func @transform_1(%arg0: i32, %arg1: i32) -> (i32, i32) {
    %c0_i32 = arith.constant 0 : i32
    %c0_i32_0 = arith.constant 0 : i32
    return %arg1, %c0_i32 : i32, i32
  }
  func.func @transform_2(%arg0: i32, %arg1: i32) -> (i32, i32) {
    %c0_i32 = arith.constant 0 : i32
    return %arg0, %arg1 : i32, i32
  }
  func.func @transform_3(%arg0: i32, %arg1: i32) -> (i32, i32) {
    %c0_i32 = arith.constant 0 : i32
    return %arg0, %arg1 : i32, i32
  }
  func.func @transform_4(%arg0: i32, %arg1: i32) -> (i32, i32) {
    %c0_i32 = arith.constant 0 : i32
    %c0_i32_0 = arith.constant 0 : i32
    return %arg0, %c0_i32 : i32, i32
  }
}

</mosaic_0001>

<sc_bundles>
// kernel: gather_offload_async_start
scs
__scs_entry_jumppad:
0x0: {  	(pc) =	sbr.rel $0x88, $3  }
0x1: {  	(tag) =	ssettag $0x0;
	lr =	simm.s32 $0x1  }
0x2: {  	[smem:$0x3F9E] =	sst lr;
	_ =	strace $0xD0000000  }
0x3: {  	_ = 	snop  }
0x4: {  	_ = 	snop  }
0x5: {  	_ = 	snop  }
0x6: {  	_ = 	snop  }
0x7: {  	_ = 	snop  }
__scs_overlays_trampoline_lowered:
0x8: {  	[smem:$0x3FAD] =	sst s0  }
0x9: {  	[smem:$0x3FAE] =	sst s1  }
0xa: {  	[smem:$0x3FAF] =	sst s2  }
0xb: {  	[smem:$0x3FB0] =	sst s3  }
0xc: {  	[smem:$0x3FB1] =	sst s4  }
0xd: {  	[smem:$0x3FB2] =	sst s5  }
0xe: {  	[smem:$0x3FB3] =	sst s6  }
0xf: {  	[smem:$0x3FB4] =	sst s7  }
0x10: {  	[smem:$0x3FB5] =	sst s8  }
0x11: {  	[smem:$0x3FB6] =	sst s9;
	s0 =	simm.s32 @!p0 $0x0  }
0x12: {  	s1 =	sld [smem:$0x3F9C];
	s0 =	simm.s32 @p0 $0x1  }
0x13: {  	[smem:$0x3FB7] =	sst s0;
	s0 =	simm.s32 @!p1 $0x0  }
0x14: {  	s2 =	sld [smem:$0x3F9B];
	s0 =	simm.s32 @p1 $0x1  }
0x15: {  	[smem:$0x3FB8] =	sst s0;
	s0 =	simm.s32 @!p2 $0x0  }
0x16: {  	s3 =	sld [smem:$0x3FDB];
	s0 =	simm.s32 @p2 $0x1  }
0x17: {  	s4 =	simm.s32 $0x1BF5;
	[smem:$0x3FBA] =	sst s0  }
0x18: {  	s0 =	sld [smem:$0x3F9D];
	_ =	swait.ge [sflag:s4], $0x0  }
0x19: {  	s7 =	sld [smem:$0x3F9E]  }
0x1a: {  	s8 =	sadd.s32 $0xFFFFE003, lr  }
0x1b: {  	s9 =	sadd.s32 $0xFFFFFEF7, lr;
	s5 =	simm.s32 $0xFFFFFFFF;
	p2 =	slt.u32 s8, $0xFFFFF086  }
0x1c: {  	p1 =	slt.u32 s9, $0xF7A;
	s5 =	simm.s32 @!p2 $0x0  }
0x1d: {  	s5 =	simm.s32 @p1 $0x1;
	p0 =	seq.s32 s7, s2  }
0x1e: {  	s7 =	smul.u32 @!p0 $0xF7A, s2;
	p2 =	seq.s32 @!p0 s5, $0x0  }
0x1f: {  	s9 =	smul.u32 $0xF7A, s1;
	s8 =	simm.s32 @!p0 $0x1BF5;
	p2 =	por !p2, p0  }
0x20: {  	[sflag:s8] =	ssyncset.s32 @!p0 $0xFFFFF086;
	s6 =	sadd.s32 @!p0 s3, s7;
	s7 =	simm.s32 @!p0 $0x108  }
0x21: {  	s3 =	sadd.s32 s3, s9;
	s6 =	sadd.s32 @!p0 $0x88, s6;
	s7 =	simm.s32 @p2 $0x1082  }
0x22: {  	[simem:s7], [sflag:s8] =	dma.local @!p0 [hbm:s6], $0xF7A  }
0x23: {  	s9 =	sor.u32 $0xD0000000, s2;
	s6 =	simm.s32 $0x108;
	_ =	swait.ge @!p0 [sflag:s8], $0x0  }
0x24: {  	s3 =	sadd.s32 $0x88, s3;
	s6 =	simm.s32 @!p1 $0x1082;
	[sflag:s4] =	ssyncset.s32 $0xFFFFF086  }
0x25: {  	[simem:s6], [sflag:s4] =	dma.local [hbm:s3], $0xF7A  }
0x26: {  	[smem:$0x3F9E] =	sst s1;
	(tag) =	ssettag s2;
	_ =	strace s9  }
0x27: {  	s1 =	sld [smem:$0x3FAE]  }
0x28: {  	s2 =	sld [smem:$0x3FAF]  }
0x29: {  	s4 =	sld [smem:$0x3FB1]  }
0x2a: {  	p0 =	seq.s32 s5, $0x0;
	s5 =	sld [smem:$0x3FB2]  }
0x2b: {  	s6 =	sld [smem:$0x3FB3]  }
0x2c: {  	s7 =	sld [smem:$0x3FB4]  }
0x2d: {  	s3 =	simm.s32 $0x108;
	s8 =	sld [smem:$0x3FB5]  }
0x2e: {  	s3 =	simm.s32 @!p0 $0x1082;
	s9 =	sld [smem:$0x3FB6]  }
0x2f: {  	lr =	sadd.s32 s0, s3;
	s0 =	sld [smem:$0x3FAD]  }
0x30: {  	s3 =	sld [smem:$0x3FB0]  }
0x31: {  	[smem:$0x3FB9] =	sst s10  }
0x32: {  	s10 =	sld [smem:$0x3FB7];
	_ =	sdelay $0x3  }
0x33: {  	p0 =	seq.s32 s10, $0x1;
	s10 =	sld [smem:$0x3FB9];
	_ =	sdelay $0x3  }
0x34: {  	[smem:$0x3FB9] =	sst s10  }
0x35: {  	s10 =	sld [smem:$0x3FB8];
	_ =	sdelay $0x3  }
0x36: {  	p1 =	seq.s32 s10, $0x1;
	s10 =	sld [smem:$0x3FB9];
	_ =	sdelay $0x3  }
0x37: {  	[smem:$0x3FB9] =	sst s10  }
0x38: {  	s10 =	sld [smem:$0x3FBA]  }
0x39: {  	_ = 	snop;
	(pc) =	sbr.ind lr, $3  }
0x3a: {  	_ = 	snop  }
0x3b: {  	_ = 	snop  }
0x3c: {  	p2 =	seq.s32 s10, $0x1;
	s10 =	sld [smem:$0x3FB9]  }
0x3d: {  	_ =	shalt  }
0x3e: {  	_ =	shalt  }
0x3f: {  	_ =	shalt  }
0x40: {  	_ =	shalt  }
0x41: {  	_ =	shalt  }
0x42: {  	_ =	shalt  }
0x43: {  	_ =	shalt  }
0x44: {  	_ =	shalt  }
0x45: {  	_ =	shalt  }
0x46: {  	_ =	shalt  }
0x47: {  	_ =	shalt  }
0x48: {  	_ =	shalt  }
0x49: {  	_ =	shalt  }
0x4a: {  	_ =	shalt  }
0x4b: {  	_ =	shalt  }
0x4c: {  	_ =	shalt  }
0x4d: {  	_ =	shalt  }
0x4e: {  	_ =	shalt  }
0x4f: {  	_ =	shalt  }
0x50: {  	_ =	shalt  }
0x51: {  	_ =	shalt  }
0x52: {  	_ =	shalt  }
0x53: {  	_ =	shalt  }
0x54: {  	_ =	shalt  }
0x55: {  	_ =	shalt  }
0x56: {  	_ =	shalt  }
0x57: {  	_ =	shalt  }
0x58: {  	_ =	shalt  }
0x59: {  	_ =	shalt  }
0x5a: {  	_ =	shalt  }
0x5b: {  	_ =	shalt  }
0x5c: {  	_ =	shalt  }
0x5d: {  	_ =	shalt  }
0x5e: {  	_ =	shalt  }
0x5f: {  	_ =	shalt  }
0x60: {  	_ =	shalt  }
0x61: {  	_ =	shalt  }
0x62: {  	_ =	shalt  }
0x63: {  	_ =	shalt  }
0x64: {  	_ =	shalt  }
0x65: {  	_ =	shalt  }
0x66: {  	_ =	shalt  }
0x67: {  	_ =	shalt  }
0x68: {  	_ =	shalt  }
0x69: {  	_ =	shalt  }
0x6a: {  	_ =	shalt  }
0x6b: {  	_ =	shalt  }
0x6c: {  	_ =	shalt  }
0x6d: {  	_ =	shalt  }
0x6e: {  	_ =	shalt  }
0x6f: {  	_ =	shalt  }
0x70: {  	_ =	shalt  }
0x71: {  	_ =	shalt  }
0x72: {  	_ =	shalt  }
0x73: {  	_ =	shalt  }
0x74: {  	_ =	shalt  }
0x75: {  	_ =	shalt  }
0x76: {  	_ =	shalt  }
0x77: {  	_ =	shalt  }
0x78: {  	_ =	shalt  }
0x79: {  	_ =	shalt  }
0x7a: {  	_ =	shalt  }
0x7b: {  	_ =	shalt  }
0x7c: {  	_ =	shalt  }
0x7d: {  	_ =	shalt  }
0x7e: {  	_ =	shalt  }
0x7f: {  	_ =	shalt  }
0x80: {  	_ =	shalt  }
0x81: {  	_ =	shalt  }
0x82: {  	_ =	shalt  }
0x83: {  	_ =	shalt  }
0x84: {  	_ =	shalt  }
0x85: {  	_ =	shalt  }
0x86: {  	_ =	shalt  }
0x87: {  	_ =	shalt  }
.Lfunc_end0:
.L_simem_size_0:
called_computation_lowered:
.L_overlay_start_0:
0x88: {  	s2 =	sld [smem:$0x3FD9]  }
0x89: {  	s3 =	sld [smem:$0x3FFE];
	_ =	sdelay $0x1  }
0x8a: {  	s1 =	srdreg.scid  }
0x8b: {  	s0 =	sand.u32 $0x1, s1  }
0x8c: {  	s14 =	sshll.u32 s0, $0xA;
	s2 =	sadd.s32 s3, s2  }
0x8d: {  	s2 =	sadd.s32 s2, s14  }
0x8e: {  	[smem:$0x3FC5] =	sst s2  }
0x8f: {  	_ = 	snop  }
0x90: {  	s2 =	sld [smem:$0x3FD0];
	_ =	sdelay $0x2  }
0x91: {  	s15 =	simm.s32 $0xA;
	s4 =	simm.s32 $0x10  }
0x92: {  	[smem:s4], [sflag:s15] =	dma.local [hbm:s2], $0x1  }
0x93: {  	_ =	swait.eq [sflag:s15], $0x1  }
0x94: {  	[sflag:s15] =	ssyncset.done $0x0  }
0x95: {  	[sflag:s15] =	ssyncadd.s32 $0xFFFFFFFF  }
0x96: {  	s16 =	sld [smem:$0x11];
	(tm) =	ssettm $0x1  }
0x97: {  	s17 =	sld [smem:$0x3FFB];
	_ =	sdelay $0x3  }
0x98: {  	_ =	strace s17  }
0x99: {  	s3 =	sld [smem:$0x3FFC];
	_ =	sdelay $0x3  }
0x9a: {  	_ =	strace s3  }
0x9b: {  	s3 =	sld [smem:$0x3FFD];
	_ =	sdelay $0x3  }
0x9c: {  	_ =	strace s3  }
0x9d: {  	_ =	strace $0x8FFFFFFF  }
0x9e: {  	s18 =	sld [smem:$0x3FDB];
	_ =	sdelay $0x1  }
0x9f: {  	s19 =	simm.s32 $_scs_section_size  }
0xa0: {  	s5 =	simm.s32 $_size__tile_overlayer_lowered;
	s6 =	simm.s32 $_tile_overlayer_lowered  }
0xa1: {  	s22 =	simm.s32 $0x1BFF;
	s21 =	sshll.u32 s6, $0x1;
	s3 =	sadd.s32 s19, s18  }
0xa2: {  	s7 =	simm.s32 $0x0;
	s20 =	sshll.u32 s5, $0x1;
	s5 =	sadd.s32 s21, s3  }
0xa3: {  	[timem:s7], [sflag:s22] =	dma.local [hbm:s5], s20  }
0xa4: {  	_ =	swait.ge [sflag:s22], s20  }
0xa5: {  	s4 =	ssub.s32 $0x0, s20;
	[sflag:s22] =	ssyncset.done $0x0  }
0xa6: {  	[sflag:s22] =	ssyncadd.s32 s4;
	_ =	sdelay $0x1  }
0xa7: {  	s23 =	simm.s32 $0x1B8B  }
0xa8: {  	_ =	swait.ge [sflag:s23], $0x1  }
0xa9: {  	[sflag:s23] =	ssyncset.done $0x0  }
0xaa: {  	s25 =	simm.s32 $0x1B8E;
	s24 =	sld [smem:$0x3FFE];
	[sflag:s23] =	ssyncadd.s32 $0xFFFFFFFF  }
0xab: {  	s26 =	simm.s32 $execute0_lowered;
	[smem:$0x3FD2] =	sst s25  }
0xac: {  	s5 =	sshll.u32 s26, $0x1;
	_ =	strace $0x8000004C;
	[dreg:$0x1] =	wrdreg $0xFFFFFFFF  }
0xad: {  	s28 =	simm.s32 $_size_execute0_lowered;
	s3 =	sadd.s32 s3, s5;
	[dreg:$0x0] =	wrdreg $0x0  }
0xae: {  	s5 =	sshll.u32 s28, $0x1;
	[dreg:$0x2] =	wrdreg s3  }
0xaf: {  	[dreg:$0x3] =	wrdreg s5  }
0xb0: {  	[dreg:$0x4] =	wrdreg $0xC0  }
0xb1: {  	_ =	task [dreg:s7], $0x5FFFF  }
0xb2: {  	[dreg:$0x1] =	wrdreg $0xFFFFFFFF  }
0xb3: {  	[dreg:$0x0] =	wrdreg $0x60  }
0xb4: {  	[dreg:$0x2] =	wrdreg s24  }
0xb5: {  	[dreg:$0x3] =	wrdreg s16  }
0xb6: {  	[dreg:$0x4] =	wrdreg $0x9  }
0xb7: {  	_ =	task.clear_ibuf [dreg:s7], $0x5FFFF;
	_ =	strace $0x9000004C  }
0xb8: {  	s29 =	simm.s32 $0x9;
	_ =	strace $0x8000004E  }
0xb9: {  	_ =	swait.ge [sflag:s29], $0x1  }
0xba: {  	[sflag:s29] =	ssyncadd.s32 $0xFFFFFFFF  }
0xbb: {  	_ =	strace $0x9000004E  }
0xbc: {  	_ =	sfence  }
0xbd: {  	s30 =	sld [smem:$0x0];
	_ =	sdelay $0x2  }
0xbe: {  	s31 =	sshll.u32 s1, $0xD;
	s1 =	sshrl.u32 s1, $0x2  }
0xbf: {  	s3 =	sand.u32 $0x4000, s31;
	s1 =	sadd.s32 s1, s30  }
0xc0: {  	s0 =	sor.u32 s3, s0;
	s1 =	sshll.u32 s1, $0x11  }
0xc1: {  	s0 =	sor.u32 s1, s0  }
0xc2: {  	s0 =	sadd.s32 $0x8F2B, s0  }
0xc3: {  	[sflag:s0] =	ssyncadd.remote.s32 $0x1  }
0xc4: {  	_ =	sfence.sel $0xFFFF  }
0xc5: {  	[dreg:$0x0] =	wrdreg $0xFFFFFFFF;
	(pc) =	sbr.abs _section_cstart, $3  }
0xc6: {  	[dreg:$0x1] =	wrdreg $0xFFFFFFFF  }
0xc7: {  	_ =	task.clear_ibuf [dreg:s7], $0x2FFFF;
	_ =	strace $0x9FFFFFFF  }
0xc8: {  	(tm) =	ssettm $0x7FFFFFFF  }
0xc9: {  	_ =	shalt  }
tec
execute0_lowered:
.L_overlay_start_1:
0x0: {  	(tag) =	ssettag $0x1  }
0x1: {  	s8 =	rddreg [dreg:$0x0];
	s0 =	stileid.u32  }
0x2: {  	s1 =	srdreg.scid;
	s2 =	rddreg [dreg:$0x1]  }
0x3: {  	s5 =	simm.s32 $0x1;
	s9 =	simm.s32 $0x1;
	s10 =	simm.s32 $0x3  }
0x4: {  	s13 =	simm.s32 $0x0;
	s3 =	sand.u32 $0x1, s1;
	s4 =	sshll.u32 s0, $0x1  }
0x5: {  	s12 =	simm.s32 $0x0;
	s1 =	rddreg [dreg:$0x2];
	s6 =	sor.u32 s4, s3  }
0x6: {  	_ =	strace $0x8000004D;
	s3 =	sadd.s32 $0x18000, s8;
	s4 =	smul.u32 $0x3200, s6  }
0x7: {  	[sflag:s5] =	ssyncpa.u1 $0x0;
	p0 =	slt.u32 s6, $0x9;
	s6 =	simm.s32 $0x64000  }
.Ltmp0:
0x8: {  	s6 =	simm.s32 @!p0 $0x0;
	s7 =	ssub.s32 $0x7D000, s4;
	(pc) =	sbr.rel .LBB2_1-.Ltmp0, $4  }
0x9: {  	s9 =	simm.s32 @!p0 $0x0;
	p0 =	sne.s32 s7, s6;
	s7 =	simm.s32 $0x1  }
0xa: {  	s8 =	sadd.s32 $0x40000, s8;
	s6 =	simm.s32 $0x2;
	s7 =	simm.s32 @!p0 $0x0  }
0xb: {  	s11 =	smov.u32 s4;
	[sflag:s6] =	ssyncpa.u1 $0x0;
	s7 =	sadd.s32 s9, s7  }
0xc: {  	vm0 =	vmmov $0xffff;
	[sflag:s10] =	ssyncpa.u1 $0x0;
	s10 =	simm.s32 $0x0;
	s9 =	sadd.s32 $0x1, s7  }
.LBB2_4:
0xd: {  	vm1 =	veq.s32 v4, $0x80000000;
	v56 =	vand.u32 $0x3FF, v4;
	v6 =	vand.u32 $0x3FF, v6  }
0xe: {  	v2 =	vor.u32 v2, v5;
	v59 =	vshrl.u32 v1, $0xA;
	v60 =	vand.u32 $0x3FF, v1  }
0xf: {  	v4 =	vsel vm1, $0xFFFFFFFF, v56;
	v6 =	vsel vm1, $0xFFFFFFFF, v6;
	v2 =	vor.u32 v3, v2  }
0x10: {  	vm1 =	veq.s32 v1, $0x80000000;
	v5 =	vand.u32 $0x3FF, v59;
	v7 =	vshrl.u32 v4, $0x3  }
0x11: {  	v57 =	vshll.u32 v6, $0x3;
	v4 =	vshll.u32 v4, $0x7;
	v1 =	vsel vm1, $0xFFFFFFFF, v60  }
0x12: {  	v5 =	vsel vm1, $0xFFFFFFFF, v5;
	v6 =	vand.u32 $0x7F, v6;
	v7 =	vmul.u32 $0x1800, v7  }
0x13: {  	v58 =	vand.u32 $0xFFFFFC00, v57;
	v4 =	vand.u32 $0x380, v4;
	v61 =	vshrl.u32 v1, $0x3  }
0x14: {  	v62 =	vshll.u32 v5, $0x3;
	v3 =	vadd.s32 v7, v58;
	v7 =	vmul.u32 $0x1800, v61  }
0x15: {  	v1 =	vshll.u32 v1, $0x7;
	v3 =	vor.u32 v4, v3;
	v4 =	vand.u32 $0xFFFFFC00, v62  }
0x16: {  	v1 =	vand.u32 $0x380, v1;
	v3 =	vor.u32 v6, v3;
	v4 =	vadd.s32 v7, v4  }
0x17: {  	[tilespmem:s16], [sflag:$0x1] =	stream.indirect_vreg.gather [hbm4b:s3+s10], $0x1, v0, vm0, $0x4038;
	v63 =	vand.u32 $0x7F, v5;
	v1 =	vor.u32 v1, v4;
	[tilespmem:$0xC800] =	vst v63  }
0x18: {  	s15 =	sadd.s32 $0x10, s15;
	(ifvalue) =	ssetifvalue $0x7FFFFFFF;
	v0 =	vor.u32 v63, v1  }
0x19: {  	[tilespmem:s15], [sflag:$0x1] =	stream.indirect_vreg.gather [hbm4b:s3+s10], $0x1, v2, vm0, $0x4038;
	[tilespmem:$0xC800] =	vst v63  }
0x1a: {  	s15 =	sadd.s32 $0x10, s15;
	(ifvalue) =	ssetifvalue $0x7FFFFFFF  }
0x1b: {  	[tilespmem:s15], [sflag:$0x1] =	stream.indirect_vreg.gather [hbm4b:s3+s10], $0x1, v3, vm0, $0x4038;
	[tilespmem:$0xC800] =	vst v63  }
0x1c: {  	s15 =	sadd.s32 $0x10, s15;
	(ifvalue) =	ssetifvalue $0x7FFFFFFF  }
0x1d: {  	[tilespmem:s15], [sflag:$0x1] =	stream.indirect_vreg.gather [hbm4b:s3+s10], $0x1, v0, vm0, $0x4038;
	[tilespmem:$0xC800] =	vst v63  }
0x1e: {  	_ =	swait.ge [sflag:s5], $0x3200  }
0x1f: {  	s30 =	sshrl.u32 s13, $0x3;
	[sflag:s5] =	ssyncset.done $0x0  }
0x20: {  	s31 =	sand.u32 $0x7, s13;
	s15 =	sadd.s32 s8, s30;
	[sflag:s5] =	ssyncadd.s32 $0xFFFFCE00  }
0x21: {  	[hbm4b:s15+s31] =	stream.linear.scatter [tilespmem:s14], [sflag:$0x3], $0x3200, $0x38;
	[tilespmem:$0xC800] =	vst v63  }
.LBB2_5:
0x22: {  	s15 =	sadd.s32 $0x64000, s11  }
0x23: {  	p1 =	sgt.s32 s15, $0x7CFFF  }
0x24: {  	s15 =	smov.u32 @p1 s4;
	p1 =	sne.s32 s12, s9  }
.Ltmp1:
0x25: {  	p0 =	slt.u32 s12, $0x2;
	(pc) =	sbr.rel @!p1 .LBB2_6-.Ltmp1, $4  }
0x26: {  	s14 =	simm.s32 @!p0 $0x3  }
0x27: {  	_ =	swait.ge @!p0 [sflag:s14], $0x3200  }
0x28: {  	s16 =	sadd.s32 $0x1, s12;
	s13 =	smov.u32 s11;
	[sflag:s14] =	ssyncset.done @!p0 $0x0  }
0x29: {  	s12 =	smov.u32 s16;
	s11 =	smov.u32 s15;
	[sflag:s14] =	ssyncadd.s32 @!p0 $0xFFFFCE00  }
.LBB2_1:
0x2a: {  	p0 =	sge.u32 s12, s7  }
0x2b: {  	s14 =	sxor.u32 @!p0 $0x1, s12  }
0x2c: {  	s14 =	smul.u32 @!p0 $0xC800, s14  }
0x2d: {  	s31 =	sadd.s32 $0xFFFFFFFF, s12;
	s15 =	sshrl.u32 @!p0 s11, $0x3  }
0x2e: {  	s16 =	sand.u32 @!p0 $0x7, s11;
	s15 =	sadd.s32 @!p0 s2, s15;
	s14 =	sshra.s32 @!p0 s14, $0x2  }
0x2f: {  	[tilespmem:s14], [sflag:$0x2] =	stream.linear.gather @!p0 [hbm4b:s15+s16], $0x3200, $0x38;
	[tilespmem:$0xC800] =	vst v63  }
0x30: {  	p0 =	sge.u32 s31, s7  }
.Ltmp2:
0x31: {  	_ = 	snop;
	(pc) =	sbr.rel @p0 .LBB2_5-.Ltmp2, $1  }
0x32: {  	_ =	sdelay $0x3  }
0x33: {  	s14 =	sand.u32 $0x1, s12  }
0x34: {  	_ =	swait.ge [sflag:s6], $0x3200;
	p0 =	seq.s32 s14, $0x1;
	s14 =	simm.s32 $0x3200  }
0x35: {  	[sflag:s6] =	ssyncset.done $0x0;
	s14 =	simm.s32 @!p0 $0x0  }
0x36: {  	[sflag:s6] =	ssyncadd.s32 $0xFFFFCE00;
	(ifvalue) =	ssetifvalue $0x7FFFFFFF;
	v0 =	vld.msk [tilespmem:s14+$0x0 ss:$0x1], $0xffff  }
0x37: {  	s15 =	sadd.s32 $0x10, s14  }
0x38: {  	v1 =	vld.msk [tilespmem:s15+$0x0 ss:$0x1], $0xffff;
	_ =	sdelay $0x2  }
0x39: {  	v2 =	vshrl.u32 v0, $0xA  }
0x3a: {  	vm1 =	veq.s32 v0, $0x80000000;
	v0 =	vand.u32 $0x3FF, v0;
	v2 =	vand.u32 $0x3FF, v2  }
0x3b: {  	v0 =	vsel vm1, $0xFFFFFFFF, v0;
	v6 =	vshrl.u32 v1, $0xA;
	v2 =	vsel vm1, $0xFFFFFFFF, v2  }
0x3c: {  	v3 =	vshrl.u32 v0, $0x3;
	v0 =	vshll.u32 v0, $0x7;
	vm1 =	veq.s32 v1, $0x80000000  }
0x3d: {  	s15 =	sadd.s32 $0x10, s15;
	v1 =	vand.u32 $0x3FF, v1;
	v4 =	vshll.u32 v2, $0x3;
	v3 =	vmul.u32 $0x1800, v3  }
0x3e: {  	v0 =	vand.u32 $0x380, v0;
	v7 =	vand.u32 $0x7F, v2;
	v5 =	vand.u32 $0xFFFFFC00, v4;
	v4 =	vld.msk [tilespmem:s15+$0x0 ss:$0x1], $0xffff  }
0x3f: {  	v1 =	vsel vm1, $0xFFFFFFFF, v1;
	v2 =	vadd.s32 v3, v5;
	v3 =	vand.u32 $0x3FF, v6  }
0x40: {  	v3 =	vsel vm1, $0xFFFFFFFF, v3;
	v0 =	vor.u32 v0, v2;
	v2 =	vshrl.u32 v1, $0x3  }
0x41: {  	v1 =	vshll.u32 v1, $0x7;
	v5 =	vshll.u32 v3, $0x3;
	v8 =	vmul.u32 $0x1800, v2  }
0x42: {  	s18 =	simm.s32 $0x30;
	s14 =	sadd.s32 $0x6400, s14;
	s17 =	sadd.s32 $0x10, s15;
	v2 =	vand.u32 $0x380, v1;
	v0 =	vor.u32 v7, v0;
	v5 =	vand.u32 $0xFFFFFC00, v5  }
0x43: {  	s16 =	smov.u32 s14;
	s15 =	smov.u32 s14;
	v1 =	vld.msk [tilespmem:s17+$0x0 ss:$0x1], $0xffff;
	v3 =	vand.u32 $0x7F, v3;
	(ifvalue) =	ssetifvalue $0x7FFFFFFF;
	v6 =	vshrl.u32 v4, $0xA;
	v5 =	vadd.s32 v8, v5  }
.LBB2_3:
0x44: {  	s18 =	sadd.s32 $0x10, s18  }
0x45: {  	vm1 =	veq.s32 v4, $0x80000000;
	v4 =	vand.u32 $0x3FF, v4;
	v6 =	vand.u32 $0x3FF, v6;
	s15 =	sadd.s32 $0x10, s15;
	p0 =	slt.u32 s18, $0x31F0  }
.Ltmp3:
0x46: {  	v5 =	vor.u32 v2, v5;
	v4 =	vsel vm1, $0xFFFFFFFF, v4;
	v7 =	vsel vm1, $0xFFFFFFFF, v6;
	(pc) =	sbr.rel @p0 .LBB2_3-.Ltmp3, $4  }
0x47: {  	v2 =	vshrl.u32 v4, $0x3;
	v6 =	vshll.u32 v7, $0x3;
	v4 =	vshll.u32 v4, $0x7;
	[tilespmem:s16], [sflag:$0x1] =	stream.indirect_vreg.gather [hbm4b:s3+s10], $0x1, v0, vm0, $0x4038;
	[tilespmem:$0xC800] =	vst v63  }
0x48: {  	v0 =	vor.u32 v3, v5;
	s16 =	smov.u32 s15;
	v8 =	vmul.u32 $0x1800, v2;
	v2 =	vand.u32 $0x380, v4  }
0x49: {  	s17 =	sadd.s32 $0x10, s17;
	v9 =	vand.u32 $0xFFFFFC00, v6  }
0x4a: {  	v3 =	vand.u32 $0x7F, v7;
	v6 =	vshrl.u32 v1, $0xA;
	v5 =	vadd.s32 v8, v9;
	(ifvalue) =	ssetifvalue $0x7FFFFFFF;
	v4 =	vmovc v1;
	v1 =	vld.msk [tilespmem:s17+$0x0 ss:$0x1], $0xffff  }
.Ltmp4:
0x4b: {  	_ = 	snop;
	(pc) =	sbr.rel .LBB2_4-.Ltmp4, $1  }
0x4c: {  	_ =	sdelay $0x3  }
.LBB2_6:
0x4d: {  	_ =	sfence.sel $0x180000  }
0x4e: {  	s2 =	simm.s32 $0x2;
	[bflag:$0x0] =	sbarrier.arrive $0xFFFF  }
0x4f: {  	s30 =	simm.s32 $0x3;
	[sflag:s2] =	ssyncpa.u1 $0x1  }
0x50: {  	s31 =	simm.s32 $0x1;
	[sflag:s30] =	ssyncpa.u1 $0x1  }
0x51: {  	[sflag:s31] =	ssyncpa.u1 $0x1  }
0x52: {  	p0 =	sne.s32 s0, $0x0;
	_ =	strace $0x9000004D  }
0x53: {  	s0 =	sadd.s32 @!p0 $0x100000, s1;
	[bflag:$0x2] =	sbarrier.arrive $0xFFFF  }
0x54: {  	[sflag:s0] =	ssyncadd.tile.s32 @!p0 $0x1;
	_ =	shalt  }
.Lfunc_end2:
_tile_overlayer_lowered:
.L_overlay_start_2:
0x55: {  	(tag) =	ssettag $0x2  }
0x56: {  	s0 =	rddreg [dreg:$0x0];
	s2 =	stileid.u32  }
0x57: {  	s1 =	rddreg [dreg:$0x1];
	p0 =	sne.s32 s2, $0x0  }
0x58: {  	s3 =	rddreg [dreg:$0x2];
	[bflag:$0x3] =	sbarrier.arrive $0xFFFF;
	s2 =	simm.s32 @!p0 $0x1C01  }
0x59: {  	[timem:s3], [sflag:s2] =	dma.local @!p0 [hbm:s0], s1  }
0x5a: {  	s0 =	simm.s32 @!p0 $0x1  }
0x5b: {  	_ =	swait.ge @!p0 [sflag:s0], s1  }
0x5c: {  	s1 =	ssub.s32 @!p0 $0x0, s1;
	[sflag:s0] =	ssyncset.done @!p0 $0x0  }
0x5d: {  	[sflag:s0] =	ssyncadd.s32 @!p0 s1  }
0x5e: {  	[bflag:$0x3] =	sbarrier.arrive $0xFFFF  }
0x5f: {  	_ =	shalt  }

// kernel: kernel.5.cloned.1.call-start
scs
__scs_entry_jumppad:
0x0: {  	(pc) =	sbr.rel $0x88, $3  }
0x1: {  	(tag) =	ssettag $0x0;
	lr =	simm.s32 $0x1  }
0x2: {  	[smem:$0x3F9E] =	sst lr;
	_ =	strace $0xD0000000  }
0x3: {  	_ = 	snop  }
0x4: {  	_ = 	snop  }
0x5: {  	_ = 	snop  }
0x6: {  	_ = 	snop  }
0x7: {  	_ = 	snop  }
__scs_overlays_trampoline_lowered:
0x8: {  	[smem:$0x3FAD] =	sst s0  }
0x9: {  	[smem:$0x3FAE] =	sst s1  }
0xa: {  	[smem:$0x3FAF] =	sst s2  }
0xb: {  	[smem:$0x3FB0] =	sst s3  }
0xc: {  	[smem:$0x3FB1] =	sst s4  }
0xd: {  	[smem:$0x3FB2] =	sst s5  }
0xe: {  	[smem:$0x3FB3] =	sst s6  }
0xf: {  	[smem:$0x3FB4] =	sst s7  }
0x10: {  	[smem:$0x3FB5] =	sst s8  }
0x11: {  	[smem:$0x3FB6] =	sst s9;
	s0 =	simm.s32 @!p0 $0x0  }
0x12: {  	s1 =	sld [smem:$0x3F9C];
	s0 =	simm.s32 @p0 $0x1  }
0x13: {  	[smem:$0x3FB7] =	sst s0;
	s0 =	simm.s32 @!p1 $0x0  }
0x14: {  	s2 =	sld [smem:$0x3F9B];
	s0 =	simm.s32 @p1 $0x1  }
0x15: {  	[smem:$0x3FB8] =	sst s0;
	s0 =	simm.s32 @!p2 $0x0  }
0x16: {  	s3 =	sld [smem:$0x3FDB];
	s0 =	simm.s32 @p2 $0x1  }
0x17: {  	s4 =	simm.s32 $0x1BF5;
	[smem:$0x3FBA] =	sst s0  }
0x18: {  	s0 =	sld [smem:$0x3F9D];
	_ =	swait.ge [sflag:s4], $0x0  }
0x19: {  	s7 =	sld [smem:$0x3F9E]  }
0x1a: {  	s8 =	sadd.s32 $0xFFFFE003, lr  }
0x1b: {  	s9 =	sadd.s32 $0xFFFFFEF7, lr;
	s5 =	simm.s32 $0xFFFFFFFF;
	p2 =	slt.u32 s8, $0xFFFFF086  }
0x1c: {  	p1 =	slt.u32 s9, $0xF7A;
	s5 =	simm.s32 @!p2 $0x0  }
0x1d: {  	s5 =	simm.s32 @p1 $0x1;
	p0 =	seq.s32 s7, s2  }
0x1e: {  	s7 =	smul.u32 @!p0 $0xF7A, s2;
	p2 =	seq.s32 @!p0 s5, $0x0  }
0x1f: {  	s9 =	smul.u32 $0xF7A, s1;
	s8 =	simm.s32 @!p0 $0x1BF5;
	p2 =	por !p2, p0  }
0x20: {  	[sflag:s8] =	ssyncset.s32 @!p0 $0xFFFFF086;
	s6 =	sadd.s32 @!p0 s3, s7;
	s7 =	simm.s32 @!p0 $0x108  }
0x21: {  	s3 =	sadd.s32 s3, s9;
	s6 =	sadd.s32 @!p0 $0x88, s6;
	s7 =	simm.s32 @p2 $0x1082  }
0x22: {  	[simem:s7], [sflag:s8] =	dma.local @!p0 [hbm:s6], $0xF7A  }
0x23: {  	s9 =	sor.u32 $0xD0000000, s2;
	s6 =	simm.s32 $0x108;
	_ =	swait.ge @!p0 [sflag:s8], $0x0  }
0x24: {  	s3 =	sadd.s32 $0x88, s3;
	s6 =	simm.s32 @!p1 $0x1082;
	[sflag:s4] =	ssyncset.s32 $0xFFFFF086  }
0x25: {  	[simem:s6], [sflag:s4] =	dma.local [hbm:s3], $0xF7A  }
0x26: {  	[smem:$0x3F9E] =	sst s1;
	(tag) =	ssettag s2;
	_ =	strace s9  }
0x27: {  	s1 =	sld [smem:$0x3FAE]  }
0x28: {  	s2 =	sld [smem:$0x3FAF]  }
0x29: {  	s4 =	sld [smem:$0x3FB1]  }
0x2a: {  	p0 =	seq.s32 s5, $0x0;
	s5 =	sld [smem:$0x3FB2]  }
0x2b: {  	s6 =	sld [smem:$0x3FB3]  }
0x2c: {  	s7 =	sld [smem:$0x3FB4]  }
0x2d: {  	s3 =	simm.s32 $0x108;
	s8 =	sld [smem:$0x3FB5]  }
0x2e: {  	s3 =	simm.s32 @!p0 $0x1082;
	s9 =	sld [smem:$0x3FB6]  }
0x2f: {  	lr =	sadd.s32 s0, s3;
	s0 =	sld [smem:$0x3FAD]  }
0x30: {  	s3 =	sld [smem:$0x3FB0]  }
0x31: {  	[smem:$0x3FB9] =	sst s10  }
0x32: {  	s10 =	sld [smem:$0x3FB7];
	_ =	sdelay $0x3  }
0x33: {  	p0 =	seq.s32 s10, $0x1;
	s10 =	sld [smem:$0x3FB9];
	_ =	sdelay $0x3  }
0x34: {  	[smem:$0x3FB9] =	sst s10  }
0x35: {  	s10 =	sld [smem:$0x3FB8];
	_ =	sdelay $0x3  }
0x36: {  	p1 =	seq.s32 s10, $0x1;
	s10 =	sld [smem:$0x3FB9];
	_ =	sdelay $0x3  }
0x37: {  	[smem:$0x3FB9] =	sst s10  }
0x38: {  	s10 =	sld [smem:$0x3FBA]  }
0x39: {  	_ = 	snop;
	(pc) =	sbr.ind lr, $3  }
0x3a: {  	_ = 	snop  }
0x3b: {  	_ = 	snop  }
0x3c: {  	p2 =	seq.s32 s10, $0x1;
	s10 =	sld [smem:$0x3FB9]  }
0x3d: {  	_ =	shalt  }
0x3e: {  	_ =	shalt  }
0x3f: {  	_ =	shalt  }
0x40: {  	_ =	shalt  }
0x41: {  	_ =	shalt  }
0x42: {  	_ =	shalt  }
0x43: {  	_ =	shalt  }
0x44: {  	_ =	shalt  }
0x45: {  	_ =	shalt  }
0x46: {  	_ =	shalt  }
0x47: {  	_ =	shalt  }
0x48: {  	_ =	shalt  }
0x49: {  	_ =	shalt  }
0x4a: {  	_ =	shalt  }
0x4b: {  	_ =	shalt  }
0x4c: {  	_ =	shalt  }
0x4d: {  	_ =	shalt  }
0x4e: {  	_ =	shalt  }
0x4f: {  	_ =	shalt  }
0x50: {  	_ =	shalt  }
0x51: {  	_ =	shalt  }
0x52: {  	_ =	shalt  }
0x53: {  	_ =	shalt  }
0x54: {  	_ =	shalt  }
0x55: {  	_ =	shalt  }
0x56: {  	_ =	shalt  }
0x57: {  	_ =	shalt  }
0x58: {  	_ =	shalt  }
0x59: {  	_ =	shalt  }
0x5a: {  	_ =	shalt  }
0x5b: {  	_ =	shalt  }
0x5c: {  	_ =	shalt  }
0x5d: {  	_ =	shalt  }
0x5e: {  	_ =	shalt  }
0x5f: {  	_ =	shalt  }
0x60: {  	_ =	shalt  }
0x61: {  	_ =	shalt  }
0x62: {  	_ =	shalt  }
0x63: {  	_ =	shalt  }
0x64: {  	_ =	shalt  }
0x65: {  	_ =	shalt  }
0x66: {  	_ =	shalt  }
0x67: {  	_ =	shalt  }
0x68: {  	_ =	shalt  }
0x69: {  	_ =	shalt  }
0x6a: {  	_ =	shalt  }
0x6b: {  	_ =	shalt  }
0x6c: {  	_ =	shalt  }
0x6d: {  	_ =	shalt  }
0x6e: {  	_ =	shalt  }
0x6f: {  	_ =	shalt  }
0x70: {  	_ =	shalt  }
0x71: {  	_ =	shalt  }
0x72: {  	_ =	shalt  }
0x73: {  	_ =	shalt  }
0x74: {  	_ =	shalt  }
0x75: {  	_ =	shalt  }
0x76: {  	_ =	shalt  }
0x77: {  	_ =	shalt  }
0x78: {  	_ =	shalt  }
0x79: {  	_ =	shalt  }
0x7a: {  	_ =	shalt  }
0x7b: {  	_ =	shalt  }
0x7c: {  	_ =	shalt  }
0x7d: {  	_ =	shalt  }
0x7e: {  	_ =	shalt  }
0x7f: {  	_ =	shalt  }
0x80: {  	_ =	shalt  }
0x81: {  	_ =	shalt  }
0x82: {  	_ =	shalt  }
0x83: {  	_ =	shalt  }
0x84: {  	_ =	shalt  }
0x85: {  	_ =	shalt  }
0x86: {  	_ =	shalt  }
0x87: {  	_ =	shalt  }
.Lfunc_end0:
.L_simem_size_0:
called_computation.1_lowered:
.L_overlay_start_0:
0x88: {  	s2 =	sld [smem:$0x3FD9]  }
0x89: {  	s3 =	sld [smem:$0x3FFE];
	_ =	sdelay $0x1  }
0x8a: {  	s1 =	srdreg.scid  }
0x8b: {  	s0 =	sand.u32 $0x1, s1  }
0x8c: {  	s14 =	sshll.u32 s0, $0xA;
	s2 =	sadd.s32 s3, s2  }
0x8d: {  	s2 =	sadd.s32 s2, s14  }
0x8e: {  	[smem:$0x3FC5] =	sst s2  }
0x8f: {  	_ = 	snop  }
0x90: {  	s2 =	sld [smem:$0x3FD0];
	_ =	sdelay $0x2  }
0x91: {  	s15 =	simm.s32 $0xA;
	s4 =	simm.s32 $0x10  }
0x92: {  	[smem:s4], [sflag:s15] =	dma.local [hbm:s2], $0x1  }
0x93: {  	_ =	swait.eq [sflag:s15], $0x1  }
0x94: {  	[sflag:s15] =	ssyncset.done $0x0  }
0x95: {  	s16 =	sld [smem:$0x10];
	[sflag:s15] =	ssyncadd.s32 $0xFFFFFFFF  }
0x96: {  	s17 =	sld [smem:$0x11];
	(tm) =	ssettm $0x1  }
0x97: {  	s18 =	sld [smem:$0x3FFB];
	_ =	sdelay $0x3  }
0x98: {  	_ =	strace s18  }
0x99: {  	s4 =	sld [smem:$0x3FFC];
	_ =	sdelay $0x3  }
0x9a: {  	_ =	strace s4  }
0x9b: {  	s4 =	sld [smem:$0x3FFD];
	_ =	sdelay $0x3  }
0x9c: {  	_ =	strace s4  }
0x9d: {  	_ =	strace $0x8FFFFFFF  }
0x9e: {  	s19 =	sld [smem:$0x3FDB];
	_ =	sdelay $0x1  }
0x9f: {  	s5 =	simm.s32 $_scs_section_size  }
0xa0: {  	s6 =	simm.s32 $_size__tile_overlayer_lowered;
	s7 =	simm.s32 $_tile_overlayer_lowered  }
0xa1: {  	s22 =	simm.s32 $0x1BFF;
	s21 =	sshll.u32 s7, $0x1;
	s4 =	sadd.s32 s5, s19  }
0xa2: {  	s8 =	simm.s32 $0x0;
	s20 =	sshll.u32 s6, $0x1;
	s6 =	sadd.s32 s21, s4  }
0xa3: {  	[timem:s8], [sflag:s22] =	dma.local [hbm:s6], s20  }
0xa4: {  	_ =	swait.ge [sflag:s22], s20  }
0xa5: {  	s5 =	ssub.s32 $0x0, s20;
	[sflag:s22] =	ssyncset.done $0x0  }
0xa6: {  	[sflag:s22] =	ssyncadd.s32 s5;
	_ =	sdelay $0x1  }
0xa7: {  	s23 =	simm.s32 $0x1B8B  }
0xa8: {  	_ =	swait.ge [sflag:s23], $0x1  }
0xa9: {  	[sflag:s23] =	ssyncset.done $0x0  }
0xaa: {  	s25 =	simm.s32 $0x1B8E;
	s24 =	sld [smem:$0x3FFE];
	[sflag:s23] =	ssyncadd.s32 $0xFFFFFFFF  }
0xab: {  	s26 =	simm.s32 $execute0_lowered;
	[smem:$0x3FD2] =	sst s25  }
0xac: {  	s6 =	sshll.u32 s26, $0x1;
	_ =	strace $0x80000046;
	[dreg:$0x1] =	wrdreg $0xFFFFFFFF  }
0xad: {  	s28 =	simm.s32 $_size_execute0_lowered;
	s4 =	sadd.s32 s4, s6;
	[dreg:$0x0] =	wrdreg $0x0  }
0xae: {  	s6 =	sshll.u32 s28, $0x1;
	[dreg:$0x2] =	wrdreg s4  }
0xaf: {  	[dreg:$0x3] =	wrdreg s6  }
0xb0: {  	[dreg:$0x4] =	wrdreg $0xC0  }
0xb1: {  	_ =	task [dreg:s8], $0x5FFFF  }
0xb2: {  	[dreg:$0x1] =	wrdreg $0xFFFFFFFF  }
0xb3: {  	[dreg:$0x0] =	wrdreg $0x60  }
0xb4: {  	[dreg:$0x2] =	wrdreg s24  }
0xb5: {  	[dreg:$0x3] =	wrdreg s17  }
0xb6: {  	[dreg:$0x4] =	wrdreg s16  }
0xb7: {  	[dreg:$0x5] =	wrdreg $0x9  }
0xb8: {  	_ =	task.clear_ibuf [dreg:s8], $0x6FFFF;
	_ =	strace $0x90000046  }
0xb9: {  	s29 =	simm.s32 $0x9;
	_ =	strace $0x80000048  }
0xba: {  	_ =	swait.ge [sflag:s29], $0x1  }
0xbb: {  	[sflag:s29] =	ssyncadd.s32 $0xFFFFFFFF  }
0xbc: {  	_ =	strace $0x90000048  }
0xbd: {  	_ =	sfence  }
0xbe: {  	s30 =	sld [smem:$0x0];
	_ =	sdelay $0x2  }
0xbf: {  	s31 =	sshll.u32 s1, $0xD;
	s1 =	sshrl.u32 s1, $0x2  }
0xc0: {  	s3 =	sand.u32 $0x4000, s31;
	s1 =	sadd.s32 s1, s30  }
0xc1: {  	s0 =	sor.u32 s3, s0;
	s1 =	sshll.u32 s1, $0x11  }
0xc2: {  	s0 =	sor.u32 s1, s0  }
0xc3: {  	s0 =	sadd.s32 $0x8F2B, s0  }
0xc4: {  	[sflag:s0] =	ssyncadd.remote.s32 $0x1  }
0xc5: {  	_ =	sfence.sel $0xFFFF  }
0xc6: {  	[dreg:$0x0] =	wrdreg $0xFFFFFFFF;
	(pc) =	sbr.abs _section_cstart, $3  }
0xc7: {  	[dreg:$0x1] =	wrdreg $0xFFFFFFFF  }
0xc8: {  	_ =	task.clear_ibuf [dreg:s8], $0x2FFFF;
	_ =	strace $0x9FFFFFFF  }
0xc9: {  	(tm) =	ssettm $0x7FFFFFFF  }
tec
execute0_lowered:
.L_overlay_start_1:
0x0: {  	(tag) =	ssettag $0x1  }
0x1: {  	s7 =	rddreg [dreg:$0x0]  }
0x2: {  	s1 =	rddreg [dreg:$0x1]  }
0x3: {  	s2 =	rddreg [dreg:$0x2]  }
0x4: {  	s0 =	rddreg [dreg:$0x3]  }
0x5: {  	s3 =	simm.s32 $0x0;
	s4 =	srdreg.scid;
	s12 =	simm.s32 $0x1  }
0x6: {  	s13 =	simm.s32 $0xC80;
	s14 =	simm.s32 $0xD00;
	s15 =	simm.s32 $0x1000  }
0x7: {  	s16 =	simm.s32 $0x1300;
	s17 =	simm.s32 $0x0;
	[smem:$0x7FF] =	sst s3  }
0x8: {  	s5 =	sadd.s32 $0xC80000, s7;
	s8 =	sand.u32 $0x1, s4;
	s6 =	sadd.s32 $0xCE4000, s7  }
0x9: {  	s4 =	stileid.u32;
	s7 =	sadd.s32 $0xCFC000, s7;
	s9 =	ssub.s32 $0x2, s8  }
0xa: {  	s11 =	sshll.u32 s4, $0x6;
	s8 =	sshll.u32 s8, $0x5;
	s10 =	sshrl.u32 s9, $0x1  }
0xb: {  	v0 =	vlaneseq.u32;
	_ =	strace $0x80000047;
	s8 =	sor.u32 s8, s11;
	s9 =	ssub.s32 s9, s10  }
0xc: {  	v1 =	vimm.s32 $0xC7F;
	v2 =	vor.u32 $0x80000000, v0;
	s11 =	simm.s32 $0x400;
	s10 =	simm.s32 $0x80;
	s9 =	smax.u32 s9, $0x1  }
.LBB2_1:
0xd: {  	s18 =	simm.s32 $0x0  }
.LBB2_2:
0xe: {  	s22 =	sadd.s32 s8, s18  }
0xf: {  	s21 =	sshrl.u32 s22, $0x3  }
0x10: {  	s19 =	sshll.u32 s18, $0x7;
	s23 =	smul.u32 $0x6400, s21  }
0x11: {  	s20 =	sand.u32 $0x380, s19  }
0x12: {  	s19 =	sor.u32 s20, s23  }
0x13: {  	s19 =	sshrl.u32 s19, $0x3  }
0x14: {  	s29 =	simm.s32 $0x0;
	s30 =	sshll.u32 s21, $0xA;
	s19 =	sadd.s32 s5, s19  }
0x15: {  	[tilespmem:s29], [sflag:$0x1] =	stream.strided.gather [hbm4b:s19+s10], $0xC80, s11, s10, $0x38;
	[tilespmem:$0x1380] =	vst v63  }
0x16: {  	s19 =	sor.u32 s20, s30;
	_ =	swait.ge [sflag:s12], $0xC80  }
0x17: {  	s19 =	sshrl.u32 s19, $0x3;
	[sflag:s12] =	ssyncset.done $0x0  }
0x18: {  	v5 =	vor.u32 s29, v0;
	s24 =	sadd.s32 s1, s19;
	[sflag:s12] =	ssyncadd.s32 $0xFFFFF380  }
0x19: {  	[tilespmem:s13], [sflag:$0x1] =	stream.linear.gather [hbm4b:s24+s29], $0x80, $0x38;
	[tilespmem:$0x1380] =	vst v63  }
0x1a: {  	s22 =	smul.u32 $0x320, s22;
	_ =	swait.ge [sflag:s12], $0x80  }
0x1b: {  	[sflag:s12] =	ssyncset.done $0x0  }
0x1c: {  	s31 =	sadd.s32 $0x31F, s22;
	[sflag:s12] =	ssyncadd.s32 $0xFFFFFF80  }
0x1d: {  	v4 =	vmov s31;
	s23 =	simm.s32 $0x10;
	v3 =	vld [tilespmem:$0xC80];
	[tilespmem:v5+s14+$0x0] =	vst.idx.msk $0xffff, v1  }
.LBB2_3:
0x1e: {  	[tilespmem:v5+s15+$0x0] =	vst.idx.msk $0xffff, v4;
	v5 =	vor.u32 s23, v0;
	p0 =	seq.s32 s23, $0x2F0  }
.Ltmp0:
0x1f: {  	s23 =	sadd.s32 $0x10, s23;
	(pc) =	sbr.rel @!p0 .LBB2_3-.Ltmp0, $2  }
0x20: {  	_ =	sdelay $0x2  }
0x21: {  	[tilespmem:v5+s14+$0x0] =	vst.idx.msk $0xffff, v1  }
0x22: {  	_ =	sdelay $0x3  }
0x23: {  	[tilespmem:v5+s15+$0x0] =	vst.idx.msk $0xffff, v4;
	s30 =	simm.s32 $0x0  }
0x24: {  	v5 =	vld [tilespmem:s30+$0x0];
	_ =	sdelay $0x3  }
0x25: {  	v6 =	vor.u32 s30, v0  }
0x26: {  	v4 =	vmov s22;
	v6 =	vshrl.u32 v6, $0x2;
	vm0 =	vge.f32 v5, v3  }
0x27: {  	v5 =	vadd.s32 v4, v6;
	v6 =	vor.u32 s30, v2;
	v7 =	vmpcnt.ones.xlane vm0  }
0x28: {  	(xrf1) =	vsort.ascd.msk.u32 vm0, v6, v5  }
0x29: {  	(v2sf) =	vpush v7, $0x0;
	_ =	sdelay $0x9  }
0x2a: {  	v5 =	vadd.s32 s30, v0;
	_ =	sdelay $0x2  }
0x2b: {  	v6, v7, _ =	vpop (xrf1)  }
0x2c: {  	v6 =	vxor.u32 $0x80000000, v6  }
0x2d: {  	[tilespmem:v5+s14+$0x0] =	vst.idx.msk $0xffff, v6;
	s31 =	spop (v2sf)  }
0x2e: {  	s23 =	simm.s32 $0x10;
	[tilespmem:v5+s15+$0x0] =	vst.idx.msk $0xffff, v7;
	s22 =	sadd.s32 $0x0, s31  }
0x2f: {  	s24 =	simm.s32 $0x20;
	s25 =	simm.s32 $0x10;
	v5 =	vld [tilespmem:s23+$0x0];
	p1 =	slt.s32 s22, $0x2F0  }
.LBB2_5:
0x30: {  	p0 =	sne.s32 s24, $0xC70  }
0x31: {  	s22 =	simm.s32 @!p1 $0x2F0;
	s26 =	smov.u32 s24;
	s24 =	sadd.s32 $0x10, s24  }
0x32: {  	v6 =	vor.u32 s23, v0  }
0x33: {  	v6 =	vshrl.u32 v6, $0x2  }
0x34: {  	vm0 =	vge.f32 v5, v3;
	v5 =	vadd.s32 v4, v6;
	v6 =	vor.u32 s23, v2;
	s23 =	smov.u32 s26  }
0x35: {  	v7 =	vmpcnt.ones.xlane vm0;
	(xrf1) =	vsort.ascd.msk.u32 vm0, v6, v5;
	_ =	sdelay $0x1  }
0x36: {  	(v2sf) =	vpush v7, $0x0;
	_ =	sdelay $0x8  }
0x37: {  	v5 =	vadd.s32 s22, v0;
	_ =	sdelay $0x2  }
0x38: {  	v6, v7, _ =	vpop (xrf1)  }
.Ltmp1:
0x39: {  	v6 =	vxor.u32 $0x80000000, v6;
	(pc) =	sbr.rel @p0 .LBB2_5-.Ltmp1, $4  }
0x3a: {  	[tilespmem:v5+s14+$0x0] =	vst.idx.msk $0xffff, v6  }
0x3b: {  	s25 =	sadd.s32 $0x10, s25;
	[tilespmem:v5+s15+$0x0] =	vst.idx.msk $0xffff, v7;
	s26 =	spop (v2sf)  }
0x3c: {  	v5 =	vld [tilespmem:s25+$0x0];
	s22 =	sadd.s32 s22, s26  }
0x3d: {  	p1 =	slt.s32 s22, $0x2F0  }
0x3e: {  	_ =	sdelay $0x2  }
0x3f: {  	vm0 =	vge.f32 v5, v3  }
0x40: {  	v3 =	vmpcnt.ones.xlane vm0  }
0x41: {  	v61 =	vor.u32 s23, v0  }
0x42: {  	v5 =	vshrl.u32 v61, $0x2;
	(v2sf) =	vpush v3, $0x0  }
0x43: {  	v62 =	vor.u32 s23, v2;
	v3 =	vadd.s32 v4, v5  }
0x44: {  	(xrf1) =	vsort.ascd.msk.u32 vm0, v62, v3;
	_ =	sdelay $0x9  }
0x45: {  	s22 =	simm.s32 @!p1 $0x2F0  }
0x46: {  	v3 =	vadd.s32 s22, v0;
	_ =	sdelay $0x1  }
0x47: {  	s30 =	spop (v2sf)  }
0x48: {  	s21 =	smul.u32 $0x1800, s21;
	v4, v63, _ =	vpop (xrf1);
	s22 =	sadd.s32 s22, s30  }
0x49: {  	v4 =	vxor.u32 $0x80000000, v4;
	p0 =	slt.s32 s22, $0x2F0  }
0x4a: {  	s20 =	sor.u32 s20, s21;
	[tilespmem:v3+s14+$0x0] =	vst.idx.msk $0xffff, v4;
	s22 =	simm.s32 @!p0 $0x2F0  }
0x4b: {  	s20 =	sshrl.u32 s20, $0x3;
	[tilespmem:v3+s15+$0x0] =	vst.idx.msk $0xffff, v63;
	v3 =	vmov s22  }
0x4c: {  	s31 =	sadd.s32 s6, s20;
	[tilespmem:v0+s16+$0x0] =	vst.idx.msk $0xffff, v3  }
0x4d: {  	[hbm4b:s31+s10] =	stream.strided.scatter [tilespmem:s14], [sflag:$0x1], $0x300, s11, s10, $0x38;
	[tilespmem:$0x1380] =	vst v63  }
0x4e: {  	_ =	swait.ge [sflag:s12], $0x300  }
0x4f: {  	[sflag:s12] =	ssyncset.done $0x0  }
0x50: {  	s20 =	sadd.s32 s7, s20;
	[sflag:s12] =	ssyncadd.s32 $0xFFFFFD00  }
0x51: {  	[hbm4b:s20+s10] =	stream.strided.scatter [tilespmem:s15], [sflag:$0x1], $0x300, s11, s10, $0x38;
	[tilespmem:$0x1380] =	vst v63  }
0x52: {  	s18 =	sadd.s32 $0x1, s18;
	_ =	swait.ge [sflag:s12], $0x300  }
0x53: {  	p0 =	sne.s32 s18, $0x20;
	[sflag:s12] =	ssyncset.done $0x0  }
.Ltmp2:
0x54: {  	s19 =	sadd.s32 s2, s19;
	[sflag:s12] =	ssyncadd.s32 $0xFFFFFD00;
	(pc) =	sbr.rel @p0 .LBB2_2-.Ltmp2, $4  }
0x55: {  	[hbm4b:s19+s3] =	stream.linear.scatter [tilespmem:s16], [sflag:$0x1], $0x80, $0x38;
	[tilespmem:$0x1380] =	vst v63  }
0x56: {  	_ =	swait.ge [sflag:s12], $0x80  }
0x57: {  	[sflag:s12] =	ssyncset.done $0x0  }
0x58: {  	[sflag:s12] =	ssyncadd.s32 $0xFFFFFF80  }
0x59: {  	s17 =	sadd.s32 $0x1, s17  }
0x5a: {  	p0 =	sne.s32 s17, s9  }
.Ltmp3:
0x5b: {  	_ = 	snop;
	(pc) =	sbr.rel @p0 .LBB2_1-.Ltmp3, $1  }
0x5c: {  	_ =	sdelay $0x3  }
0x5d: {  	_ =	sfence.sel $0x180000  }
0x5e: {  	[bflag:$0x0] =	sbarrier.arrive $0xFFFF  }
0x5f: {  	p0 =	sne.s32 s4, $0x0;
	_ =	strace $0x90000047  }
0x60: {  	s0 =	sadd.s32 @!p0 $0x100000, s0;
	[bflag:$0x2] =	sbarrier.arrive $0xFFFF  }
0x61: {  	[sflag:s0] =	ssyncadd.tile.s32 @!p0 $0x1;
	_ =	shalt  }
.Lfunc_end2:
_tile_overlayer_lowered:
.L_overlay_start_2:
0x62: {  	(tag) =	ssettag $0x2  }
0x63: {  	s0 =	rddreg [dreg:$0x0];
	s2 =	stileid.u32  }
0x64: {  	s1 =	rddreg [dreg:$0x1];
	p0 =	sne.s32 s2, $0x0  }
0x65: {  	s3 =	rddreg [dreg:$0x2];
	[bflag:$0x3] =	sbarrier.arrive $0xFFFF;
	s2 =	simm.s32 @!p0 $0x1C01  }
0x66: {  	[timem:s3], [sflag:s2] =	dma.local @!p0 [hbm:s0], s1  }
0x67: {  	s0 =	simm.s32 @!p0 $0x1  }
0x68: {  	_ =	swait.ge @!p0 [sflag:s0], s1  }
0x69: {  	s1 =	ssub.s32 @!p0 $0x0, s1;
	[sflag:s0] =	ssyncset.done @!p0 $0x0  }
0x6a: {  	[sflag:s0] =	ssyncadd.s32 @!p0 s1  }
0x6b: {  	[bflag:$0x3] =	sbarrier.arrive $0xFFFF  }
0x6c: {  	_ =	shalt  }

// kernel: kernel.8.cloned.1.call-start
scs
__scs_entry_jumppad:
0x0: {  	(pc) =	sbr.rel $0x88, $3  }
0x1: {  	(tag) =	ssettag $0x0;
	lr =	simm.s32 $0x1  }
0x2: {  	[smem:$0x3F9E] =	sst lr;
	_ =	strace $0xD0000000  }
0x3: {  	_ = 	snop  }
0x4: {  	_ = 	snop  }
0x5: {  	_ = 	snop  }
0x6: {  	_ = 	snop  }
0x7: {  	_ = 	snop  }
__scs_overlays_trampoline_lowered:
0x8: {  	[smem:$0x3FAD] =	sst s0  }
0x9: {  	[smem:$0x3FAE] =	sst s1  }
0xa: {  	[smem:$0x3FAF] =	sst s2  }
0xb: {  	[smem:$0x3FB0] =	sst s3  }
0xc: {  	[smem:$0x3FB1] =	sst s4  }
0xd: {  	[smem:$0x3FB2] =	sst s5  }
0xe: {  	[smem:$0x3FB3] =	sst s6  }
0xf: {  	[smem:$0x3FB4] =	sst s7  }
0x10: {  	[smem:$0x3FB5] =	sst s8  }
0x11: {  	[smem:$0x3FB6] =	sst s9;
	s0 =	simm.s32 @!p0 $0x0  }
0x12: {  	s1 =	sld [smem:$0x3F9C];
	s0 =	simm.s32 @p0 $0x1  }
0x13: {  	[smem:$0x3FB7] =	sst s0;
	s0 =	simm.s32 @!p1 $0x0  }
0x14: {  	s2 =	sld [smem:$0x3F9B];
	s0 =	simm.s32 @p1 $0x1  }
0x15: {  	[smem:$0x3FB8] =	sst s0;
	s0 =	simm.s32 @!p2 $0x0  }
0x16: {  	s3 =	sld [smem:$0x3FDB];
	s0 =	simm.s32 @p2 $0x1  }
0x17: {  	s4 =	simm.s32 $0x1BF5;
	[smem:$0x3FBA] =	sst s0  }
0x18: {  	s0 =	sld [smem:$0x3F9D];
	_ =	swait.ge [sflag:s4], $0x0  }
0x19: {  	s7 =	sld [smem:$0x3F9E]  }
0x1a: {  	s8 =	sadd.s32 $0xFFFFE003, lr  }
0x1b: {  	s9 =	sadd.s32 $0xFFFFFEF7, lr;
	s5 =	simm.s32 $0xFFFFFFFF;
	p2 =	slt.u32 s8, $0xFFFFF086  }
0x1c: {  	p1 =	slt.u32 s9, $0xF7A;
	s5 =	simm.s32 @!p2 $0x0  }
0x1d: {  	s5 =	simm.s32 @p1 $0x1;
	p0 =	seq.s32 s7, s2  }
0x1e: {  	s7 =	smul.u32 @!p0 $0xF7A, s2;
	p2 =	seq.s32 @!p0 s5, $0x0  }
0x1f: {  	s9 =	smul.u32 $0xF7A, s1;
	s8 =	simm.s32 @!p0 $0x1BF5;
	p2 =	por !p2, p0  }
0x20: {  	[sflag:s8] =	ssyncset.s32 @!p0 $0xFFFFF086;
	s6 =	sadd.s32 @!p0 s3, s7;
	s7 =	simm.s32 @!p0 $0x108  }
0x21: {  	s3 =	sadd.s32 s3, s9;
	s6 =	sadd.s32 @!p0 $0x88, s6;
	s7 =	simm.s32 @p2 $0x1082  }
0x22: {  	[simem:s7], [sflag:s8] =	dma.local @!p0 [hbm:s6], $0xF7A  }
0x23: {  	s9 =	sor.u32 $0xD0000000, s2;
	s6 =	simm.s32 $0x108;
	_ =	swait.ge @!p0 [sflag:s8], $0x0  }
0x24: {  	s3 =	sadd.s32 $0x88, s3;
	s6 =	simm.s32 @!p1 $0x1082;
	[sflag:s4] =	ssyncset.s32 $0xFFFFF086  }
0x25: {  	[simem:s6], [sflag:s4] =	dma.local [hbm:s3], $0xF7A  }
0x26: {  	[smem:$0x3F9E] =	sst s1;
	(tag) =	ssettag s2;
	_ =	strace s9  }
0x27: {  	s1 =	sld [smem:$0x3FAE]  }
0x28: {  	s2 =	sld [smem:$0x3FAF]  }
0x29: {  	s4 =	sld [smem:$0x3FB1]  }
0x2a: {  	p0 =	seq.s32 s5, $0x0;
	s5 =	sld [smem:$0x3FB2]  }
0x2b: {  	s6 =	sld [smem:$0x3FB3]  }
0x2c: {  	s7 =	sld [smem:$0x3FB4]  }
0x2d: {  	s3 =	simm.s32 $0x108;
	s8 =	sld [smem:$0x3FB5]  }
0x2e: {  	s3 =	simm.s32 @!p0 $0x1082;
	s9 =	sld [smem:$0x3FB6]  }
0x2f: {  	lr =	sadd.s32 s0, s3;
	s0 =	sld [smem:$0x3FAD]  }
0x30: {  	s3 =	sld [smem:$0x3FB0]  }
0x31: {  	[smem:$0x3FB9] =	sst s10  }
0x32: {  	s10 =	sld [smem:$0x3FB7];
	_ =	sdelay $0x3  }
0x33: {  	p0 =	seq.s32 s10, $0x1;
	s10 =	sld [smem:$0x3FB9];
	_ =	sdelay $0x3  }
0x34: {  	[smem:$0x3FB9] =	sst s10  }
0x35: {  	s10 =	sld [smem:$0x3FB8];
	_ =	sdelay $0x3  }
0x36: {  	p1 =	seq.s32 s10, $0x1;
	s10 =	sld [smem:$0x3FB9];
	_ =	sdelay $0x3  }
0x37: {  	[smem:$0x3FB9] =	sst s10  }
0x38: {  	s10 =	sld [smem:$0x3FBA]  }
0x39: {  	_ = 	snop;
	(pc) =	sbr.ind lr, $3  }
0x3a: {  	_ = 	snop  }
0x3b: {  	_ = 	snop  }
0x3c: {  	p2 =	seq.s32 s10, $0x1;
	s10 =	sld [smem:$0x3FB9]  }
0x3d: {  	_ =	shalt  }
0x3e: {  	_ =	shalt  }
0x3f: {  	_ =	shalt  }
0x40: {  	_ =	shalt  }
0x41: {  	_ =	shalt  }
0x42: {  	_ =	shalt  }
0x43: {  	_ =	shalt  }
0x44: {  	_ =	shalt  }
0x45: {  	_ =	shalt  }
0x46: {  	_ =	shalt  }
0x47: {  	_ =	shalt  }
0x48: {  	_ =	shalt  }
0x49: {  	_ =	shalt  }
0x4a: {  	_ =	shalt  }
0x4b: {  	_ =	shalt  }
0x4c: {  	_ =	shalt  }
0x4d: {  	_ =	shalt  }
0x4e: {  	_ =	shalt  }
0x4f: {  	_ =	shalt  }
0x50: {  	_ =	shalt  }
0x51: {  	_ =	shalt  }
0x52: {  	_ =	shalt  }
0x53: {  	_ =	shalt  }
0x54: {  	_ =	shalt  }
0x55: {  	_ =	shalt  }
0x56: {  	_ =	shalt  }
0x57: {  	_ =	shalt  }
0x58: {  	_ =	shalt  }
0x59: {  	_ =	shalt  }
0x5a: {  	_ =	shalt  }
0x5b: {  	_ =	shalt  }
0x5c: {  	_ =	shalt  }
0x5d: {  	_ =	shalt  }
0x5e: {  	_ =	shalt  }
0x5f: {  	_ =	shalt  }
0x60: {  	_ =	shalt  }
0x61: {  	_ =	shalt  }
0x62: {  	_ =	shalt  }
0x63: {  	_ =	shalt  }
0x64: {  	_ =	shalt  }
0x65: {  	_ =	shalt  }
0x66: {  	_ =	shalt  }
0x67: {  	_ =	shalt  }
0x68: {  	_ =	shalt  }
0x69: {  	_ =	shalt  }
0x6a: {  	_ =	shalt  }
0x6b: {  	_ =	shalt  }
0x6c: {  	_ =	shalt  }
0x6d: {  	_ =	shalt  }
0x6e: {  	_ =	shalt  }
0x6f: {  	_ =	shalt  }
0x70: {  	_ =	shalt  }
0x71: {  	_ =	shalt  }
0x72: {  	_ =	shalt  }
0x73: {  	_ =	shalt  }
0x74: {  	_ =	shalt  }
0x75: {  	_ =	shalt  }
0x76: {  	_ =	shalt  }
0x77: {  	_ =	shalt  }
0x78: {  	_ =	shalt  }
0x79: {  	_ =	shalt  }
0x7a: {  	_ =	shalt  }
0x7b: {  	_ =	shalt  }
0x7c: {  	_ =	shalt  }
0x7d: {  	_ =	shalt  }
0x7e: {  	_ =	shalt  }
0x7f: {  	_ =	shalt  }
0x80: {  	_ =	shalt  }
0x81: {  	_ =	shalt  }
0x82: {  	_ =	shalt  }
0x83: {  	_ =	shalt  }
0x84: {  	_ =	shalt  }
0x85: {  	_ =	shalt  }
0x86: {  	_ =	shalt  }
0x87: {  	_ =	shalt  }
.Lfunc_end0:
.L_simem_size_0:
called_computation.2_lowered:
.L_overlay_start_0:
0x88: {  	s2 =	sld [smem:$0x3FD9]  }
0x89: {  	s3 =	sld [smem:$0x3FFE];
	_ =	sdelay $0x1  }
0x8a: {  	s1 =	srdreg.scid  }
0x8b: {  	s0 =	sand.u32 $0x1, s1  }
0x8c: {  	s14 =	sshll.u32 s0, $0xA;
	s2 =	sadd.s32 s3, s2  }
0x8d: {  	s2 =	sadd.s32 s2, s14  }
0x8e: {  	[smem:$0x3FC5] =	sst s2  }
0x8f: {  	_ = 	snop  }
0x90: {  	s2 =	sld [smem:$0x3FD0];
	_ =	sdelay $0x2  }
0x91: {  	s15 =	simm.s32 $0xA;
	s4 =	simm.s32 $0x10  }
0x92: {  	[smem:s4], [sflag:s15] =	dma.local [hbm:s2], $0x1  }
0x93: {  	_ =	swait.eq [sflag:s15], $0x1  }
0x94: {  	[sflag:s15] =	ssyncset.done $0x0  }
0x95: {  	s16 =	sld [smem:$0x10];
	[sflag:s15] =	ssyncadd.s32 $0xFFFFFFFF  }
0x96: {  	s17 =	sld [smem:$0x11];
	(tm) =	ssettm $0x1  }
0x97: {  	s18 =	sld [smem:$0x3FFB];
	_ =	sdelay $0x3  }
0x98: {  	_ =	strace s18  }
0x99: {  	s4 =	sld [smem:$0x3FFC];
	_ =	sdelay $0x3  }
0x9a: {  	_ =	strace s4  }
0x9b: {  	s4 =	sld [smem:$0x3FFD];
	_ =	sdelay $0x3  }
0x9c: {  	_ =	strace s4  }
0x9d: {  	_ =	strace $0x8FFFFFFF  }
0x9e: {  	s19 =	sld [smem:$0x3FDB];
	_ =	sdelay $0x1  }
0x9f: {  	s5 =	simm.s32 $_scs_section_size  }
0xa0: {  	s6 =	simm.s32 $_size__tile_overlayer_lowered;
	s7 =	simm.s32 $_tile_overlayer_lowered  }
0xa1: {  	s22 =	simm.s32 $0x1BFF;
	s21 =	sshll.u32 s7, $0x1;
	s4 =	sadd.s32 s5, s19  }
0xa2: {  	s8 =	simm.s32 $0x0;
	s20 =	sshll.u32 s6, $0x1;
	s6 =	sadd.s32 s21, s4  }
0xa3: {  	[timem:s8], [sflag:s22] =	dma.local [hbm:s6], s20  }
0xa4: {  	_ =	swait.ge [sflag:s22], s20  }
0xa5: {  	s5 =	ssub.s32 $0x0, s20;
	[sflag:s22] =	ssyncset.done $0x0  }
0xa6: {  	[sflag:s22] =	ssyncadd.s32 s5;
	_ =	sdelay $0x1  }
0xa7: {  	s23 =	simm.s32 $0x1B8B  }
0xa8: {  	_ =	swait.ge [sflag:s23], $0x1  }
0xa9: {  	[sflag:s23] =	ssyncset.done $0x0  }
0xaa: {  	s25 =	simm.s32 $0x1B8E;
	s24 =	sld [smem:$0x3FFE];
	[sflag:s23] =	ssyncadd.s32 $0xFFFFFFFF  }
0xab: {  	s26 =	simm.s32 $execute0_lowered;
	[smem:$0x3FD2] =	sst s25  }
0xac: {  	s6 =	sshll.u32 s26, $0x1;
	_ =	strace $0x80000049;
	[dreg:$0x1] =	wrdreg $0xFFFFFFFF  }
0xad: {  	s28 =	simm.s32 $_size_execute0_lowered;
	s4 =	sadd.s32 s4, s6;
	[dreg:$0x0] =	wrdreg $0x0  }
0xae: {  	s6 =	sshll.u32 s28, $0x1;
	[dreg:$0x2] =	wrdreg s4  }
0xaf: {  	[dreg:$0x3] =	wrdreg s6  }
0xb0: {  	[dreg:$0x4] =	wrdreg $0xC0  }
0xb1: {  	_ =	task [dreg:s8], $0x5FFFF  }
0xb2: {  	[dreg:$0x1] =	wrdreg $0xFFFFFFFF  }
0xb3: {  	[dreg:$0x0] =	wrdreg $0x60  }
0xb4: {  	[dreg:$0x2] =	wrdreg s24  }
0xb5: {  	[dreg:$0x3] =	wrdreg s17  }
0xb6: {  	[dreg:$0x4] =	wrdreg s16  }
0xb7: {  	[dreg:$0x5] =	wrdreg $0x9  }
0xb8: {  	_ =	task.clear_ibuf [dreg:s8], $0x6FFFF;
	_ =	strace $0x90000049  }
0xb9: {  	s29 =	simm.s32 $0x9;
	_ =	strace $0x8000004B  }
0xba: {  	_ =	swait.ge [sflag:s29], $0x1  }
0xbb: {  	[sflag:s29] =	ssyncadd.s32 $0xFFFFFFFF  }
0xbc: {  	_ =	strace $0x9000004B  }
0xbd: {  	_ =	sfence  }
0xbe: {  	s30 =	sld [smem:$0x0];
	_ =	sdelay $0x2  }
0xbf: {  	s31 =	sshll.u32 s1, $0xD;
	s1 =	sshrl.u32 s1, $0x2  }
0xc0: {  	s3 =	sand.u32 $0x4000, s31;
	s1 =	sadd.s32 s1, s30  }
0xc1: {  	s0 =	sor.u32 s3, s0;
	s1 =	sshll.u32 s1, $0x11  }
0xc2: {  	s0 =	sor.u32 s1, s0  }
0xc3: {  	s0 =	sadd.s32 $0x8F2B, s0  }
0xc4: {  	[sflag:s0] =	ssyncadd.remote.s32 $0x1  }
0xc5: {  	_ =	sfence.sel $0xFFFF  }
0xc6: {  	[dreg:$0x0] =	wrdreg $0xFFFFFFFF;
	(pc) =	sbr.abs _section_cstart, $3  }
0xc7: {  	[dreg:$0x1] =	wrdreg $0xFFFFFFFF  }
0xc8: {  	_ =	task.clear_ibuf [dreg:s8], $0x2FFFF;
	_ =	strace $0x9FFFFFFF  }
0xc9: {  	(tm) =	ssettm $0x7FFFFFFF  }
tec
execute0_lowered:
.L_overlay_start_1:
0x0: {  	(tag) =	ssettag $0x1  }
0x1: {  	s1 =	rddreg [dreg:$0x0]  }
0x2: {  	s2 =	rddreg [dreg:$0x1]  }
0x3: {  	s3 =	rddreg [dreg:$0x2];
	s4 =	simm.s32 $0x0;
	s5 =	srdreg.scid  }
0x4: {  	s14 =	simm.s32 $0x2;
	s15 =	simm.s32 $0x380;
	s16 =	simm.s32 $0x18680  }
0x5: {  	s17 =	simm.s32 $0x18700;
	s18 =	simm.s32 $0x300;
	s19 =	simm.s32 $0x680  }
0x6: {  	s20 =	simm.s32 $0x1;
	s21 =	simm.s32 $0x18780;
	s22 =	simm.s32 $0x18A80  }
0x7: {  	[smem:$0x7FF] =	sst s4;
	s6 =	sadd.s32 $0xD14000, s1;
	s7 =	sadd.s32 $0xCE4000, s1  }
.Ltmp0:
0x8: {  	s9 =	sand.u32 $0x1, s5;
	s8 =	sadd.s32 $0xCFC000, s1;
	(pc) =	sbr.rel .LBB2_1-.Ltmp0, $4  }
0x9: {  	s5 =	stileid.u32;
	_ =	strace $0x8000004A;
	s10 =	ssub.s32 $0x2, s9  }
0xa: {  	s12 =	sshll.u32 s5, $0x6;
	s13 =	sshll.u32 s9, $0x5;
	s11 =	sshrl.u32 s10, $0x1  }
0xb: {  	v0 =	vlaneseq.u32;
	s9 =	sadd.s32 $0x18000, s1;
	s11 =	ssub.s32 s10, s11;
	s10 =	sor.u32 s13, s12  }
0xc: {  	v1 =	vimm.f32 $-Inf;
	v2 =	vimm.s32 $0x0;
	v3 =	vor.u32 $0x80000000, v0;
	s12 =	simm.s32 $0x80;
	s13 =	simm.s32 $0x400;
	s11 =	smax.u32 s11, $0x1  }
.LBB2_8:
0xd: {  	s4 =	sadd.s32 $0x1, s4  }
0xe: {  	p0 =	sne.s32 s4, s11  }
.Ltmp1:
0xf: {  	_ = 	snop;
	(pc) =	sbr.rel @!p0 .LBB2_9-.Ltmp1, $1  }
0x10: {  	_ =	sdelay $0x3  }
.LBB2_1:
.Ltmp2:
0x11: {  	(pc) =	sbr.rel .LBB2_2-.Ltmp2, $2  }
0x12: {  	_ =	sdelay $0x2  }
0x13: {  	s23 =	simm.s32 $0x0  }
.LBB2_7:
0x14: {  	s0 =	sadd.s32 s1, s24  }
0x15: {  	[hbm4b:s0+s12] =	stream.strided.scatter [tilespmem:s21], [sflag:$0x2], $0x300, s13, s12, $0x38;
	[tilespmem:$0x18D80] =	vst v63  }
0x16: {  	s23 =	sadd.s32 $0x1, s23;
	_ =	swait.ge [sflag:s14], $0x300  }
0x17: {  	p0 =	sne.s32 s23, $0x20;
	[sflag:s14] =	ssyncset.done $0x0  }
.Ltmp3:
0x18: {  	s31 =	sadd.s32 s9, s24;
	[sflag:s14] =	ssyncadd.s32 $0xFFFFFD00;
	(pc) =	sbr.rel @!p0 .LBB2_8-.Ltmp3, $4  }
0x19: {  	[hbm4b:s31+s12] =	stream.strided.scatter [tilespmem:s22], [sflag:$0x2], $0x300, s13, s12, $0x38;
	[tilespmem:$0x18D80] =	vst v63  }
0x1a: {  	_ =	swait.ge [sflag:s14], $0x300  }
0x1b: {  	[sflag:s14] =	ssyncset.done $0x0  }
0x1c: {  	[sflag:s14] =	ssyncadd.s32 $0xFFFFFD00  }
.LBB2_2:
0x1d: {  	s24 =	sadd.s32 s10, s23  }
0x1e: {  	s25 =	sshrl.u32 s24, $0x3  }
0x1f: {  	s31 =	sshll.u32 s23, $0x7;
	s26 =	smul.u32 $0x1800, s25  }
0x20: {  	s28 =	sand.u32 $0x380, s31  }
0x21: {  	s24 =	sor.u32 s28, s26  }
0x22: {  	s24 =	sshrl.u32 s24, $0x3  }
0x23: {  	s29 =	simm.s32 $0x0;
	s0 =	sadd.s32 s7, s24  }
0x24: {  	[tilespmem:s29], [sflag:$0x2] =	stream.strided.gather [hbm4b:s0+s12], $0x300, s13, s12, $0x38;
	[tilespmem:$0x18D80] =	vst v63  }
0x25: {  	_ =	swait.ge [sflag:s14], $0x300  }
0x26: {  	[sflag:s14] =	ssyncset.done $0x0  }
0x27: {  	s25 =	sshll.u32 s25, $0xA;
	s30 =	sadd.s32 s8, s24;
	[sflag:s14] =	ssyncadd.s32 $0xFFFFFD00  }
0x28: {  	[tilespmem:s15], [sflag:$0x2] =	stream.strided.gather [hbm4b:s30+s12], $0x300, s13, s12, $0x38;
	[tilespmem:$0x18D80] =	vst v63  }
0x29: {  	s25 =	sor.u32 s28, s25;
	_ =	swait.ge [sflag:s14], $0x300  }
0x2a: {  	s25 =	sshrl.u32 s25, $0x3;
	[sflag:s14] =	ssyncset.done $0x0  }
0x2b: {  	s31 =	sadd.s32 s2, s25;
	[sflag:s14] =	ssyncadd.s32 $0xFFFFFD00  }
0x2c: {  	[tilespmem:s16], [sflag:$0x2] =	stream.linear.gather [hbm4b:s31+s29], $0x80, $0x38;
	[tilespmem:$0x18D80] =	vst v63  }
0x2d: {  	_ =	swait.ge [sflag:s14], $0x80  }
0x2e: {  	[sflag:s14] =	ssyncset.done $0x0  }
0x2f: {  	s25 =	sadd.s32 s3, s25;
	[sflag:s14] =	ssyncadd.s32 $0xFFFFFF80  }
0x30: {  	[tilespmem:s17], [sflag:$0x2] =	stream.linear.gather [hbm4b:s25+s29], $0x80, $0x38;
	[tilespmem:$0x18D80] =	vst v63  }
0x31: {  	_ =	swait.ge [sflag:s14], $0x80  }
0x32: {  	[sflag:s14] =	ssyncset.done $0x0  }
0x33: {  	[sflag:s14] =	ssyncadd.s32 $0xFFFFFF80  }
0x34: {  	v5 =	vor.u32 s29, v0;
	v4 =	vld [tilespmem:$0x18680]  }
0x35: {  	v6 =	vld [tilespmem:$0x18700];
	[tilespmem:s19], [sflag:$0x1] =	stream.indirect.gather [hbm4b:s6+s18], $0x80, s15, s18, $0xb8  }
0x36: {  	_ =	swait.ge [sflag:s20], $0x18000  }
0x37: {  	[sflag:s20] =	ssyncset.done $0x0  }
0x38: {  	[sflag:s20] =	ssyncadd.s32 $0xFFFE8000  }
0x39: {  	s25 =	simm.s32 $0x10;
	[tilespmem:v5+s21+$0x0] =	vst.idx.msk $0xffff, v1  }
.LBB2_3:
0x3a: {  	[tilespmem:v5+s22+$0x0] =	vst.idx.msk $0xffff, v2;
	v5 =	vor.u32 s25, v0;
	p0 =	sne.s32 s25, $0x2F0  }
.Ltmp4:
0x3b: {  	s25 =	sadd.s32 $0x10, s25;
	(pc) =	sbr.rel @p0 .LBB2_3-.Ltmp4, $2  }
0x3c: {  	_ =	sdelay $0x2  }
0x3d: {  	[tilespmem:v5+s21+$0x0] =	vst.idx.msk $0xffff, v1  }
0x3e: {  	v6 =	vxor.u32 $0x80000000, v6  }
0x3f: {  	(xrf0) =	vmax.scan.msk.u32 $0xffff, v6;
	_ =	sdelay $0x5  }
0x40: {  	v6, _, _ =	vpop (xrf0)  }
0x41: {  	(v2sf) =	vpush v6, $0xF;
	_ =	sdelay $0xe  }
0x42: {  	s25 =	spop (v2sf)  }
0x43: {  	s25 =	sadd.s32 $0x8000000F, s25  }
0x44: {  	p0 =	slt.s32 s25, $0x300  }
0x45: {  	p1 =	slt.s32 s25, $0x1;
	s25 =	simm.s32 @!p0 $0x300  }
0x46: {  	s26 =	sand.u32 $0xF, s25  }
0x47: {  	s31 =	sshra.s32 s25, $0x1F;
	p6 =	sne.s32 s26, $0x0  }
0x48: {  	s26 =	sshrl.u32 s31, $0x1C;
	p0 =	por !p1, !p6  }
0x49: {  	s25 =	sadd.s32 s26, s25;
	s26 =	simm.s32 $0x1;
	p0 =	por !p0, !p0  }
0x4a: {  	s25 =	sshra.s32 s25, $0x4;
	s26 =	simm.s32 @!p0 $0x0  }
0x4b: {  	s25 =	ssub.s32 s25, s26  }
0x4c: {  	p0 =	slt.s32 s25, $0x1  }
.Ltmp5:
0x4d: {  	_ = 	snop;
	(pc) =	sbr.rel @p0 .LBB2_7-.Ltmp5, $2  }
0x4e: {  	_ =	sdelay $0x2  }
0x4f: {  	[tilespmem:v5+s22+$0x0] =	vst.idx.msk $0xffff, v2  }
0x50: {  	s26 =	simm.s32 $0x0;
	s28 =	simm.s32 $0x680;
	s29 =	simm.s32 $0x0  }
.LBB2_6:
0x51: {  	v5 =	vld [tilespmem:s26+$0x0];
	_ =	sdelay $0x4  }
0x52: {  	(v2sf) =	vpush v5, $0x0;
	_ =	sdelay $0xe  }
0x53: {  	s30 =	spop (v2sf)  }
0x54: {  	s31 =	sand.u32 $0x3, s30  }
0x55: {  	s31 =	sshll.u32 s31, $0x5  }
0x56: {  	s31 =	sadd.s32 s31, s28  }
0x57: {  	v6 =	vld [tilespmem:s31+$0x0];
	_ =	sdelay $0x4  }
0x58: {  	s30 =	sshll.u32 s30, $0x5;
	vm0 =	vge.f32 v6, v4  }
0x59: {  	v7 =	vxor.u32 s30, v3;
	v6 =	vnsel vm0, $0xFF800000, v6  }
0x5a: {  	(xrf1) =	vsort.ascd.msk.u32 vm0, v7, v6;
	_ =	sdelay $0x9  }
0x5b: {  	v6 =	vadd.s32 s29, v0;
	_ =	sdelay $0x3  }
0x5c: {  	v7, v8, _ =	vpop (xrf1)  }
0x5d: {  	v7 =	vxor.u32 $0x80000000, v7;
	[tilespmem:v6+s21+$0x0] =	vst.idx.msk $0xffff, v8  }
0x5e: {  	[tilespmem:v6+s22+$0x0] =	vst.idx.msk $0xffff, v7  }
0x5f: {  	v6 =	vmpcnt.ones.xlane vm0;
	v7 =	vld [tilespmem:s31+$0x10];
	_ =	sdelay $0x1  }
0x60: {  	(v2sf) =	vpush v6, $0x0;
	_ =	sdelay $0x2  }
0x61: {  	vm9 =	vge.f32 v7, v4  }
0x62: {  	v6 =	vmpcnt.ones.xlane vm9;
	_ =	sdelay $0x1  }
0x63: {  	(v2sf) =	vpush v6, $0x0  }
0x64: {  	s30 =	sor.u32 $0x10, s30;
	(v2sf) =	vpush v5, $0x1  }
0x65: {  	v6 =	vnsel vm9, $0xFF800000, v7;
	v7 =	vxor.u32 s30, v3  }
0x66: {  	(xrf1) =	vsort.ascd.msk.u32 vm9, v7, v6;
	_ =	sdelay $0x5  }
0x67: {  	s0 =	spop (v2sf)  }
0x68: {  	s29 =	sadd.s32 s29, s0  }
0x69: {  	p0 =	slt.s32 s29, $0x2F0  }
0x6a: {  	s29 =	simm.s32 @!p0 $0x2F0  }
0x6b: {  	v6 =	vadd.s32 s29, v0;
	_ =	sdelay $0x1  }
0x6c: {  	s30 =	spop (v2sf)  }
0x6d: {  	s31 =	spop (v2sf)  }
0x6e: {  	v7, v36, _ =	vpop (xrf1);
	s0 =	sand.u32 $0x3, s31  }
0x6f: {  	v7 =	vxor.u32 $0x80000000, v7;
	[tilespmem:v6+s21+$0x0] =	vst.idx.msk $0xffff, v36;
	s0 =	sshll.u32 s0, $0x5  }
0x70: {  	[tilespmem:v6+s22+$0x0] =	vst.idx.msk $0xffff, v7;
	s0 =	sadd.s32 s0, s28  }
0x71: {  	v6 =	vld [tilespmem:s0+$0x80];
	_ =	sdelay $0x4  }
0x72: {  	s31 =	sshll.u32 s31, $0x5;
	vm10 =	vge.f32 v6, v4  }
0x73: {  	v7 =	vxor.u32 s31, v3;
	v6 =	vnsel vm10, $0xFF800000, v6  }
0x74: {  	(xrf1) =	vsort.ascd.msk.u32 vm10, v7, v6;
	_ =	sdelay $0x6  }
0x75: {  	s29 =	sadd.s32 s29, s30  }
0x76: {  	p0 =	slt.s32 s29, $0x2F0  }
0x77: {  	s29 =	simm.s32 @!p0 $0x2F0  }
0x78: {  	v6 =	vadd.s32 s29, v0;
	_ =	sdelay $0x3  }
0x79: {  	v7, v37, _ =	vpop (xrf1)  }
0x7a: {  	v7 =	vxor.u32 $0x80000000, v7;
	[tilespmem:v6+s21+$0x0] =	vst.idx.msk $0xffff, v37  }
0x7b: {  	[tilespmem:v6+s22+$0x0] =	vst.idx.msk $0xffff, v7  }
0x7c: {  	v6 =	vmpcnt.ones.xlane vm10;
	v7 =	vld [tilespmem:s0+$0x90];
	_ =	sdelay $0x1  }
0x7d: {  	(v2sf) =	vpush v6, $0x0;
	_ =	sdelay $0x2  }
0x7e: {  	vm11 =	vge.f32 v7, v4  }
0x7f: {  	v6 =	vmpcnt.ones.xlane vm11;
	_ =	sdelay $0x1  }
0x80: {  	(v2sf) =	vpush v6, $0x0  }
0x81: {  	s30 =	sor.u32 $0x10, s31;
	(v2sf) =	vpush v5, $0x2  }
0x82: {  	v6 =	vnsel vm11, $0xFF800000, v7;
	v7 =	vxor.u32 s30, v3  }
0x83: {  	(xrf1) =	vsort.ascd.msk.u32 vm11, v7, v6;
	_ =	sdelay $0x5  }
0x84: {  	s31 =	spop (v2sf)  }
0x85: {  	s0 =	sadd.s32 s29, s31  }
0x86: {  	p0 =	slt.s32 s0, $0x2F0  }
0x87: {  	s0 =	simm.s32 @!p0 $0x2F0  }
0x88: {  	v6 =	vadd.s32 s0, v0;
	_ =	sdelay $0x1  }
0x89: {  	s29 =	spop (v2sf)  }
0x8a: {  	s30 =	spop (v2sf)  }
0x8b: {  	v7, v38, _ =	vpop (xrf1);
	s31 =	sand.u32 $0x3, s30  }
0x8c: {  	v7 =	vxor.u32 $0x80000000, v7;
	[tilespmem:v6+s21+$0x0] =	vst.idx.msk $0xffff, v38;
	s31 =	sshll.u32 s31, $0x5  }
0x8d: {  	[tilespmem:v6+s22+$0x0] =	vst.idx.msk $0xffff, v7;
	s31 =	sadd.s32 s31, s28  }
0x8e: {  	v6 =	vld [tilespmem:s31+$0x100];
	_ =	sdelay $0x4  }
0x8f: {  	s30 =	sshll.u32 s30, $0x5;
	vm12 =	vge.f32 v6, v4  }
0x90: {  	v7 =	vxor.u32 s30, v3;
	v6 =	vnsel vm12, $0xFF800000, v6  }
0x91: {  	(xrf1) =	vsort.ascd.msk.u32 vm12, v7, v6;
	_ =	sdelay $0x6  }
0x92: {  	s0 =	sadd.s32 s0, s29  }
0x93: {  	p0 =	slt.s32 s0, $0x2F0  }
0x94: {  	s0 =	simm.s32 @!p0 $0x2F0  }
0x95: {  	v6 =	vadd.s32 s0, v0;
	_ =	sdelay $0x3  }
0x96: {  	v7, v39, _ =	vpop (xrf1)  }
0x97: {  	v7 =	vxor.u32 $0x80000000, v7;
	[tilespmem:v6+s21+$0x0] =	vst.idx.msk $0xffff, v39  }
0x98: {  	[tilespmem:v6+s22+$0x0] =	vst.idx.msk $0xffff, v7  }
0x99: {  	v6 =	vmpcnt.ones.xlane vm12;
	v7 =	vld [tilespmem:s31+$0x110];
	_ =	sdelay $0x1  }
0x9a: {  	(v2sf) =	vpush v6, $0x0;
	_ =	sdelay $0x2  }
0x9b: {  	vm13 =	vge.f32 v7, v4  }
0x9c: {  	v6 =	vmpcnt.ones.xlane vm13;
	_ =	sdelay $0x1  }
0x9d: {  	(v2sf) =	vpush v6, $0x0  }
0x9e: {  	s29 =	sor.u32 $0x10, s30;
	(v2sf) =	vpush v5, $0x3  }
0x9f: {  	v6 =	vnsel vm13, $0xFF800000, v7;
	v7 =	vxor.u32 s29, v3  }
0xa0: {  	(xrf1) =	vsort.ascd.msk.u32 vm13, v7, v6;
	_ =	sdelay $0x5  }
0xa1: {  	s29 =	spop (v2sf)  }
0xa2: {  	s0 =	sadd.s32 s0, s29  }
0xa3: {  	p0 =	slt.s32 s0, $0x2F0  }
0xa4: {  	s0 =	simm.s32 @!p0 $0x2F0  }
0xa5: {  	v6 =	vadd.s32 s0, v0;
	_ =	sdelay $0x1  }
0xa6: {  	s29 =	spop (v2sf)  }
0xa7: {  	s30 =	spop (v2sf)  }
0xa8: {  	v7, v40, _ =	vpop (xrf1);
	s31 =	sand.u32 $0x3, s30  }
0xa9: {  	v7 =	vxor.u32 $0x80000000, v7;
	[tilespmem:v6+s21+$0x0] =	vst.idx.msk $0xffff, v40;
	s31 =	sshll.u32 s31, $0x5  }
0xaa: {  	[tilespmem:v6+s22+$0x0] =	vst.idx.msk $0xffff, v7;
	s31 =	sadd.s32 s31, s28  }
0xab: {  	v6 =	vld [tilespmem:s31+$0x180];
	_ =	sdelay $0x4  }
0xac: {  	s30 =	sshll.u32 s30, $0x5;
	vm14 =	vge.f32 v6, v4  }
0xad: {  	v7 =	vxor.u32 s30, v3;
	v6 =	vnsel vm14, $0xFF800000, v6  }
0xae: {  	(xrf1) =	vsort.ascd.msk.u32 vm14, v7, v6;
	_ =	sdelay $0x6  }
0xaf: {  	s0 =	sadd.s32 s0, s29  }
0xb0: {  	p0 =	slt.s32 s0, $0x2F0  }
0xb1: {  	s0 =	simm.s32 @!p0 $0x2F0  }
0xb2: {  	v6 =	vadd.s32 s0, v0;
	_ =	sdelay $0x3  }
0xb3: {  	v7, v41, _ =	vpop (xrf1)  }
0xb4: {  	v7 =	vxor.u32 $0x80000000, v7;
	[tilespmem:v6+s21+$0x0] =	vst.idx.msk $0xffff, v41  }
0xb5: {  	[tilespmem:v6+s22+$0x0] =	vst.idx.msk $0xffff, v7  }
0xb6: {  	v6 =	vmpcnt.ones.xlane vm14;
	v7 =	vld [tilespmem:s31+$0x190];
	_ =	sdelay $0x1  }
0xb7: {  	(v2sf) =	vpush v6, $0x0;
	_ =	sdelay $0x2  }
0xb8: {  	vm15 =	vge.f32 v7, v4  }
0xb9: {  	v6 =	vmpcnt.ones.xlane vm15;
	_ =	sdelay $0x1  }
0xba: {  	(v2sf) =	vpush v6, $0x0  }
0xbb: {  	s29 =	sor.u32 $0x10, s30;
	(v2sf) =	vpush v5, $0x4  }
0xbc: {  	v6 =	vnsel vm15, $0xFF800000, v7;
	v7 =	vxor.u32 s29, v3  }
0xbd: {  	(xrf1) =	vsort.ascd.msk.u32 vm15, v7, v6;
	_ =	sdelay $0x5  }
0xbe: {  	s29 =	spop (v2sf)  }
0xbf: {  	s0 =	sadd.s32 s0, s29  }
0xc0: {  	p0 =	slt.s32 s0, $0x2F0  }
0xc1: {  	s0 =	simm.s32 @!p0 $0x2F0  }
0xc2: {  	v6 =	vadd.s32 s0, v0;
	_ =	sdelay $0x1  }
0xc3: {  	s29 =	spop (v2sf)  }
0xc4: {  	s30 =	spop (v2sf)  }
0xc5: {  	v7, v42, _ =	vpop (xrf1);
	s31 =	sand.u32 $0x3, s30  }
0xc6: {  	v7 =	vxor.u32 $0x80000000, v7;
	[tilespmem:v6+s21+$0x0] =	vst.idx.msk $0xffff, v42;
	s31 =	sshll.u32 s31, $0x5  }
0xc7: {  	[tilespmem:v6+s22+$0x0] =	vst.idx.msk $0xffff, v7;
	s31 =	sadd.s32 s31, s28  }
0xc8: {  	v6 =	vld [tilespmem:s31+$0x200];
	_ =	sdelay $0x4  }
0xc9: {  	s30 =	sshll.u32 s30, $0x5;
	vm4 =	vge.f32 v6, v4  }
0xca: {  	v7 =	vxor.u32 s30, v3;
	v6 =	vnsel vm4, $0xFF800000, v6  }
0xcb: {  	(xrf1) =	vsort.ascd.msk.u32 vm4, v7, v6;
	_ =	sdelay $0x6  }
0xcc: {  	s0 =	sadd.s32 s0, s29  }
0xcd: {  	p0 =	slt.s32 s0, $0x2F0  }
0xce: {  	s0 =	simm.s32 @!p0 $0x2F0  }
0xcf: {  	v6 =	vadd.s32 s0, v0;
	_ =	sdelay $0x3  }
0xd0: {  	v7, v43, _ =	vpop (xrf1)  }
0xd1: {  	v7 =	vxor.u32 $0x80000000, v7;
	[tilespmem:v6+s21+$0x0] =	vst.idx.msk $0xffff, v43  }
0xd2: {  	[tilespmem:v6+s22+$0x0] =	vst.idx.msk $0xffff, v7  }
0xd3: {  	v6 =	vmpcnt.ones.xlane vm4;
	v7 =	vld [tilespmem:s31+$0x210];
	_ =	sdelay $0x1  }
0xd4: {  	(v2sf) =	vpush v6, $0x0;
	_ =	sdelay $0x2  }
0xd5: {  	vm5 =	vge.f32 v7, v4  }
0xd6: {  	v6 =	vmpcnt.ones.xlane vm5;
	_ =	sdelay $0x1  }
0xd7: {  	(v2sf) =	vpush v6, $0x0  }
0xd8: {  	s29 =	sor.u32 $0x10, s30;
	(v2sf) =	vpush v5, $0x5  }
0xd9: {  	v6 =	vnsel vm5, $0xFF800000, v7;
	v7 =	vxor.u32 s29, v3  }
0xda: {  	(xrf1) =	vsort.ascd.msk.u32 vm5, v7, v6;
	_ =	sdelay $0x5  }
0xdb: {  	s29 =	spop (v2sf)  }
0xdc: {  	s0 =	sadd.s32 s0, s29  }
0xdd: {  	p0 =	slt.s32 s0, $0x2F0  }
0xde: {  	s0 =	simm.s32 @!p0 $0x2F0  }
0xdf: {  	v6 =	vadd.s32 s0, v0;
	_ =	sdelay $0x1  }
0xe0: {  	s29 =	spop (v2sf)  }
0xe1: {  	s30 =	spop (v2sf)  }
0xe2: {  	v7, v44, _ =	vpop (xrf1);
	s31 =	sand.u32 $0x3, s30  }
0xe3: {  	v7 =	vxor.u32 $0x80000000, v7;
	[tilespmem:v6+s21+$0x0] =	vst.idx.msk $0xffff, v44;
	s31 =	sshll.u32 s31, $0x5  }
0xe4: {  	[tilespmem:v6+s22+$0x0] =	vst.idx.msk $0xffff, v7;
	s31 =	sadd.s32 s31, s28  }
0xe5: {  	v6 =	vld [tilespmem:s31+$0x280];
	_ =	sdelay $0x4  }
0xe6: {  	s30 =	sshll.u32 s30, $0x5;
	vm6 =	vge.f32 v6, v4  }
0xe7: {  	v7 =	vxor.u32 s30, v3;
	v6 =	vnsel vm6, $0xFF800000, v6  }
0xe8: {  	(xrf1) =	vsort.ascd.msk.u32 vm6, v7, v6;
	_ =	sdelay $0x6  }
0xe9: {  	s0 =	sadd.s32 s0, s29  }
0xea: {  	p0 =	slt.s32 s0, $0x2F0  }
0xeb: {  	s0 =	simm.s32 @!p0 $0x2F0  }
0xec: {  	v6 =	vadd.s32 s0, v0;
	_ =	sdelay $0x3  }
0xed: {  	v7, v45, _ =	vpop (xrf1)  }
0xee: {  	v7 =	vxor.u32 $0x80000000, v7;
	[tilespmem:v6+s21+$0x0] =	vst.idx.msk $0xffff, v45  }
0xef: {  	[tilespmem:v6+s22+$0x0] =	vst.idx.msk $0xffff, v7  }
0xf0: {  	v6 =	vmpcnt.ones.xlane vm6;
	v7 =	vld [tilespmem:s31+$0x290];
	_ =	sdelay $0x1  }
0xf1: {  	(v2sf) =	vpush v6, $0x0;
	_ =	sdelay $0x2  }
0xf2: {  	vm7 =	vge.f32 v7, v4  }
0xf3: {  	v6 =	vmpcnt.ones.xlane vm7;
	_ =	sdelay $0x1  }
0xf4: {  	(v2sf) =	vpush v6, $0x0  }
0xf5: {  	s29 =	sor.u32 $0x10, s30;
	(v2sf) =	vpush v5, $0x6  }
0xf6: {  	v6 =	vnsel vm7, $0xFF800000, v7;
	v7 =	vxor.u32 s29, v3  }
0xf7: {  	(xrf1) =	vsort.ascd.msk.u32 vm7, v7, v6;
	_ =	sdelay $0x5  }
0xf8: {  	s29 =	spop (v2sf)  }
0xf9: {  	s0 =	sadd.s32 s0, s29  }
0xfa: {  	p0 =	slt.s32 s0, $0x2F0  }
0xfb: {  	s0 =	simm.s32 @!p0 $0x2F0  }
0xfc: {  	v6 =	vadd.s32 s0, v0;
	_ =	sdelay $0x1  }
0xfd: {  	s29 =	spop (v2sf)  }
0xfe: {  	s30 =	spop (v2sf)  }
0xff: {  	v7, v46, _ =	vpop (xrf1);
	s31 =	sand.u32 $0x3, s30  }
0x100: {  	v7 =	vxor.u32 $0x80000000, v7;
	[tilespmem:v6+s21+$0x0] =	vst.idx.msk $0xffff, v46;
	s31 =	sshll.u32 s31, $0x5  }
0x101: {  	[tilespmem:v6+s22+$0x0] =	vst.idx.msk $0xffff, v7;
	s31 =	sadd.s32 s31, s28  }
0x102: {  	v6 =	vld [tilespmem:s31+$0x300];
	_ =	sdelay $0x4  }
0x103: {  	s30 =	sshll.u32 s30, $0x5;
	vm8 =	vge.f32 v6, v4  }
0x104: {  	v7 =	vxor.u32 s30, v3;
	v6 =	vnsel vm8, $0xFF800000, v6  }
0x105: {  	(xrf1) =	vsort.ascd.msk.u32 vm8, v7, v6;
	_ =	sdelay $0x6  }
0x106: {  	s0 =	sadd.s32 s0, s29  }
0x107: {  	p0 =	slt.s32 s0, $0x2F0  }
0x108: {  	s0 =	simm.s32 @!p0 $0x2F0  }
0x109: {  	v6 =	vadd.s32 s0, v0;
	_ =	sdelay $0x3  }
0x10a: {  	v7, v47, _ =	vpop (xrf1)  }
0x10b: {  	v7 =	vxor.u32 $0x80000000, v7;
	[tilespmem:v6+s21+$0x0] =	vst.idx.msk $0xffff, v47  }
0x10c: {  	[tilespmem:v6+s22+$0x0] =	vst.idx.msk $0xffff, v7  }
0x10d: {  	v6 =	vmpcnt.ones.xlane vm8;
	v7 =	vld [tilespmem:s31+$0x310];
	_ =	sdelay $0x1  }
0x10e: {  	(v2sf) =	vpush v6, $0x0;
	_ =	sdelay $0x2  }
0x10f: {  	vm9 =	vge.f32 v7, v4  }
0x110: {  	v6 =	vmpcnt.ones.xlane vm9;
	_ =	sdelay $0x1  }
0x111: {  	(v2sf) =	vpush v6, $0x0  }
0x112: {  	s29 =	sor.u32 $0x10, s30;
	(v2sf) =	vpush v5, $0x7  }
0x113: {  	v6 =	vnsel vm9, $0xFF800000, v7;
	v7 =	vxor.u32 s29, v3  }
0x114: {  	(xrf1) =	vsort.ascd.msk.u32 vm9, v7, v6;
	_ =	sdelay $0x5  }
0x115: {  	s29 =	spop (v2sf)  }
0x116: {  	s0 =	sadd.s32 s0, s29  }
0x117: {  	p0 =	slt.s32 s0, $0x2F0  }
0x118: {  	s0 =	simm.s32 @!p0 $0x2F0  }
0x119: {  	v6 =	vadd.s32 s0, v0;
	_ =	sdelay $0x1  }
0x11a: {  	s29 =	spop (v2sf)  }
0x11b: {  	s30 =	spop (v2sf)  }
0x11c: {  	v7, v48, _ =	vpop (xrf1);
	s31 =	sand.u32 $0x3, s30  }
0x11d: {  	v7 =	vxor.u32 $0x80000000, v7;
	[tilespmem:v6+s21+$0x0] =	vst.idx.msk $0xffff, v48;
	s31 =	sshll.u32 s31, $0x5  }
0x11e: {  	[tilespmem:v6+s22+$0x0] =	vst.idx.msk $0xffff, v7;
	s31 =	sadd.s32 s31, s28  }
0x11f: {  	v6 =	vld [tilespmem:s31+$0x380];
	_ =	sdelay $0x4  }
0x120: {  	s30 =	sshll.u32 s30, $0x5;
	vm10 =	vge.f32 v6, v4  }
0x121: {  	v7 =	vxor.u32 s30, v3;
	v6 =	vnsel vm10, $0xFF800000, v6  }
0x122: {  	(xrf1) =	vsort.ascd.msk.u32 vm10, v7, v6;
	_ =	sdelay $0x6  }
0x123: {  	s0 =	sadd.s32 s0, s29  }
0x124: {  	p0 =	slt.s32 s0, $0x2F0  }
0x125: {  	s0 =	simm.s32 @!p0 $0x2F0  }
0x126: {  	v6 =	vadd.s32 s0, v0;
	_ =	sdelay $0x3  }
0x127: {  	v7, v49, _ =	vpop (xrf1)  }
0x128: {  	v7 =	vxor.u32 $0x80000000, v7;
	[tilespmem:v6+s21+$0x0] =	vst.idx.msk $0xffff, v49  }
0x129: {  	[tilespmem:v6+s22+$0x0] =	vst.idx.msk $0xffff, v7  }
0x12a: {  	v6 =	vmpcnt.ones.xlane vm10;
	v7 =	vld [tilespmem:s31+$0x390];
	_ =	sdelay $0x1  }
0x12b: {  	(v2sf) =	vpush v6, $0x0;
	_ =	sdelay $0x2  }
0x12c: {  	vm11 =	vge.f32 v7, v4  }
0x12d: {  	v6 =	vmpcnt.ones.xlane vm11;
	_ =	sdelay $0x1  }
0x12e: {  	(v2sf) =	vpush v6, $0x0  }
0x12f: {  	s29 =	sor.u32 $0x10, s30;
	(v2sf) =	vpush v5, $0x8  }
0x130: {  	v6 =	vnsel vm11, $0xFF800000, v7;
	v7 =	vxor.u32 s29, v3  }
0x131: {  	(xrf1) =	vsort.ascd.msk.u32 vm11, v7, v6;
	_ =	sdelay $0x5  }
0x132: {  	s29 =	spop (v2sf)  }
0x133: {  	s0 =	sadd.s32 s0, s29  }
0x134: {  	p0 =	slt.s32 s0, $0x2F0  }
0x135: {  	s0 =	simm.s32 @!p0 $0x2F0  }
0x136: {  	v6 =	vadd.s32 s0, v0;
	_ =	sdelay $0x1  }
0x137: {  	s29 =	spop (v2sf)  }
0x138: {  	s30 =	spop (v2sf)  }
0x139: {  	v7, v50, _ =	vpop (xrf1);
	s31 =	sand.u32 $0x3, s30  }
0x13a: {  	v7 =	vxor.u32 $0x80000000, v7;
	[tilespmem:v6+s21+$0x0] =	vst.idx.msk $0xffff, v50;
	s31 =	sshll.u32 s31, $0x5  }
0x13b: {  	[tilespmem:v6+s22+$0x0] =	vst.idx.msk $0xffff, v7;
	s31 =	sadd.s32 s31, s28  }
0x13c: {  	v6 =	vld [tilespmem:s31+$0x400];
	_ =	sdelay $0x4  }
0x13d: {  	s30 =	sshll.u32 s30, $0x5;
	vm12 =	vge.f32 v6, v4  }
0x13e: {  	v7 =	vxor.u32 s30, v3;
	v6 =	vnsel vm12, $0xFF800000, v6  }
0x13f: {  	(xrf1) =	vsort.ascd.msk.u32 vm12, v7, v6;
	_ =	sdelay $0x6  }
0x140: {  	s0 =	sadd.s32 s0, s29  }
0x141: {  	p0 =	slt.s32 s0, $0x2F0  }
0x142: {  	s0 =	simm.s32 @!p0 $0x2F0  }
0x143: {  	v6 =	vadd.s32 s0, v0;
	_ =	sdelay $0x3  }
0x144: {  	v7, v51, _ =	vpop (xrf1)  }
0x145: {  	v7 =	vxor.u32 $0x80000000, v7;
	[tilespmem:v6+s21+$0x0] =	vst.idx.msk $0xffff, v51  }
0x146: {  	[tilespmem:v6+s22+$0x0] =	vst.idx.msk $0xffff, v7  }
0x147: {  	v6 =	vmpcnt.ones.xlane vm12;
	v7 =	vld [tilespmem:s31+$0x410];
	_ =	sdelay $0x1  }
0x148: {  	(v2sf) =	vpush v6, $0x0;
	_ =	sdelay $0x2  }
0x149: {  	vm13 =	vge.f32 v7, v4  }
0x14a: {  	v6 =	vmpcnt.ones.xlane vm13;
	_ =	sdelay $0x1  }
0x14b: {  	(v2sf) =	vpush v6, $0x0  }
0x14c: {  	s29 =	sor.u32 $0x10, s30;
	(v2sf) =	vpush v5, $0x9  }
0x14d: {  	v6 =	vnsel vm13, $0xFF800000, v7;
	v7 =	vxor.u32 s29, v3  }
0x14e: {  	(xrf1) =	vsort.ascd.msk.u32 vm13, v7, v6;
	_ =	sdelay $0x5  }
0x14f: {  	s29 =	spop (v2sf)  }
0x150: {  	s0 =	sadd.s32 s0, s29  }
0x151: {  	p0 =	slt.s32 s0, $0x2F0  }
0x152: {  	s0 =	simm.s32 @!p0 $0x2F0  }
0x153: {  	v6 =	vadd.s32 s0, v0;
	_ =	sdelay $0x1  }
0x154: {  	s29 =	spop (v2sf)  }
0x155: {  	s30 =	spop (v2sf)  }
0x156: {  	v7, v52, _ =	vpop (xrf1);
	s31 =	sand.u32 $0x3, s30  }
0x157: {  	v7 =	vxor.u32 $0x80000000, v7;
	[tilespmem:v6+s21+$0x0] =	vst.idx.msk $0xffff, v52;
	s31 =	sshll.u32 s31, $0x5  }
0x158: {  	[tilespmem:v6+s22+$0x0] =	vst.idx.msk $0xffff, v7;
	s31 =	sadd.s32 s31, s28  }
0x159: {  	v6 =	vld [tilespmem:s31+$0x480];
	_ =	sdelay $0x4  }
0x15a: {  	s30 =	sshll.u32 s30, $0x5;
	vm14 =	vge.f32 v6, v4  }
0x15b: {  	v7 =	vxor.u32 s30, v3;
	v6 =	vnsel vm14, $0xFF800000, v6  }
0x15c: {  	(xrf1) =	vsort.ascd.msk.u32 vm14, v7, v6;
	_ =	sdelay $0x6  }
0x15d: {  	s0 =	sadd.s32 s0, s29  }
0x15e: {  	p0 =	slt.s32 s0, $0x2F0  }
0x15f: {  	s0 =	simm.s32 @!p0 $0x2F0  }
0x160: {  	v6 =	vadd.s32 s0, v0;
	_ =	sdelay $0x3  }
0x161: {  	v7, v53, _ =	vpop (xrf1)  }
0x162: {  	v7 =	vxor.u32 $0x80000000, v7;
	[tilespmem:v6+s21+$0x0] =	vst.idx.msk $0xffff, v53  }
0x163: {  	[tilespmem:v6+s22+$0x0] =	vst.idx.msk $0xffff, v7  }
0x164: {  	v6 =	vmpcnt.ones.xlane vm14;
	v7 =	vld [tilespmem:s31+$0x490];
	_ =	sdelay $0x1  }
0x165: {  	(v2sf) =	vpush v6, $0x0;
	_ =	sdelay $0x2  }
0x166: {  	vm15 =	vge.f32 v7, v4  }
0x167: {  	v6 =	vmpcnt.ones.xlane vm15;
	_ =	sdelay $0x1  }
0x168: {  	(v2sf) =	vpush v6, $0x0  }
0x169: {  	s29 =	sor.u32 $0x10, s30;
	(v2sf) =	vpush v5, $0xA  }
0x16a: {  	v6 =	vnsel vm15, $0xFF800000, v7;
	v7 =	vxor.u32 s29, v3  }
0x16b: {  	(xrf1) =	vsort.ascd.msk.u32 vm15, v7, v6;
	_ =	sdelay $0x5  }
0x16c: {  	s29 =	spop (v2sf)  }
0x16d: {  	s0 =	sadd.s32 s0, s29  }
0x16e: {  	p0 =	slt.s32 s0, $0x2F0  }
0x16f: {  	s0 =	simm.s32 @!p0 $0x2F0  }
0x170: {  	v6 =	vadd.s32 s0, v0;
	_ =	sdelay $0x1  }
0x171: {  	s29 =	spop (v2sf)  }
0x172: {  	s30 =	spop (v2sf)  }
0x173: {  	v7, v54, _ =	vpop (xrf1);
	s31 =	sand.u32 $0x3, s30  }
0x174: {  	v7 =	vxor.u32 $0x80000000, v7;
	[tilespmem:v6+s21+$0x0] =	vst.idx.msk $0xffff, v54;
	s31 =	sshll.u32 s31, $0x5  }
0x175: {  	[tilespmem:v6+s22+$0x0] =	vst.idx.msk $0xffff, v7;
	s31 =	sadd.s32 s31, s28  }
0x176: {  	v6 =	vld [tilespmem:s31+$0x500];
	_ =	sdelay $0x4  }
0x177: {  	s30 =	sshll.u32 s30, $0x5;
	vm4 =	vge.f32 v6, v4  }
0x178: {  	v7 =	vxor.u32 s30, v3;
	v6 =	vnsel vm4, $0xFF800000, v6  }
0x179: {  	(xrf1) =	vsort.ascd.msk.u32 vm4, v7, v6;
	_ =	sdelay $0x6  }
0x17a: {  	s0 =	sadd.s32 s0, s29  }
0x17b: {  	p0 =	slt.s32 s0, $0x2F0  }
0x17c: {  	s0 =	simm.s32 @!p0 $0x2F0  }
0x17d: {  	v6 =	vadd.s32 s0, v0;
	_ =	sdelay $0x3  }
0x17e: {  	v7, v55, _ =	vpop (xrf1)  }
0x17f: {  	v7 =	vxor.u32 $0x80000000, v7;
	[tilespmem:v6+s21+$0x0] =	vst.idx.msk $0xffff, v55  }
0x180: {  	[tilespmem:v6+s22+$0x0] =	vst.idx.msk $0xffff, v7  }
0x181: {  	v6 =	vmpcnt.ones.xlane vm4;
	v7 =	vld [tilespmem:s31+$0x510];
	_ =	sdelay $0x1  }
0x182: {  	(v2sf) =	vpush v6, $0x0;
	_ =	sdelay $0x2  }
0x183: {  	vm5 =	vge.f32 v7, v4  }
0x184: {  	v6 =	vmpcnt.ones.xlane vm5;
	_ =	sdelay $0x1  }
0x185: {  	(v2sf) =	vpush v6, $0x0  }
0x186: {  	s29 =	sor.u32 $0x10, s30;
	(v2sf) =	vpush v5, $0xB  }
0x187: {  	v6 =	vnsel vm5, $0xFF800000, v7;
	v7 =	vxor.u32 s29, v3  }
0x188: {  	(xrf1) =	vsort.ascd.msk.u32 vm5, v7, v6;
	_ =	sdelay $0x5  }
0x189: {  	s29 =	spop (v2sf)  }
0x18a: {  	s0 =	sadd.s32 s0, s29  }
0x18b: {  	p0 =	slt.s32 s0, $0x2F0  }
0x18c: {  	s0 =	simm.s32 @!p0 $0x2F0  }
0x18d: {  	v6 =	vadd.s32 s0, v0;
	_ =	sdelay $0x1  }
0x18e: {  	s29 =	spop (v2sf)  }
0x18f: {  	s30 =	spop (v2sf)  }
0x190: {  	v7, v56, _ =	vpop (xrf1);
	s31 =	sand.u32 $0x3, s30  }
0x191: {  	v7 =	vxor.u32 $0x80000000, v7;
	[tilespmem:v6+s21+$0x0] =	vst.idx.msk $0xffff, v56;
	s31 =	sshll.u32 s31, $0x5  }
0x192: {  	[tilespmem:v6+s22+$0x0] =	vst.idx.msk $0xffff, v7;
	s31 =	sadd.s32 s31, s28  }
0x193: {  	v6 =	vld [tilespmem:s31+$0x580];
	_ =	sdelay $0x4  }
0x194: {  	s30 =	sshll.u32 s30, $0x5;
	vm6 =	vge.f32 v6, v4  }
0x195: {  	v7 =	vxor.u32 s30, v3;
	v6 =	vnsel vm6, $0xFF800000, v6  }
0x196: {  	(xrf1) =	vsort.ascd.msk.u32 vm6, v7, v6;
	_ =	sdelay $0x6  }
0x197: {  	s0 =	sadd.s32 s0, s29  }
0x198: {  	p0 =	slt.s32 s0, $0x2F0  }
0x199: {  	s0 =	simm.s32 @!p0 $0x2F0  }
0x19a: {  	v6 =	vadd.s32 s0, v0;
	_ =	sdelay $0x3  }
0x19b: {  	v7, v57, _ =	vpop (xrf1)  }
0x19c: {  	v7 =	vxor.u32 $0x80000000, v7;
	[tilespmem:v6+s21+$0x0] =	vst.idx.msk $0xffff, v57  }
0x19d: {  	[tilespmem:v6+s22+$0x0] =	vst.idx.msk $0xffff, v7  }
0x19e: {  	v6 =	vmpcnt.ones.xlane vm6;
	v7 =	vld [tilespmem:s31+$0x590];
	_ =	sdelay $0x1  }
0x19f: {  	(v2sf) =	vpush v6, $0x0;
	_ =	sdelay $0x2  }
0x1a0: {  	vm7 =	vge.f32 v7, v4  }
0x1a1: {  	v6 =	vmpcnt.ones.xlane vm7;
	_ =	sdelay $0x1  }
0x1a2: {  	(v2sf) =	vpush v6, $0x0  }
0x1a3: {  	s29 =	sor.u32 $0x10, s30;
	(v2sf) =	vpush v5, $0xC  }
0x1a4: {  	v6 =	vnsel vm7, $0xFF800000, v7;
	v7 =	vxor.u32 s29, v3  }
0x1a5: {  	(xrf1) =	vsort.ascd.msk.u32 vm7, v7, v6;
	_ =	sdelay $0x5  }
0x1a6: {  	s29 =	spop (v2sf)  }
0x1a7: {  	s0 =	sadd.s32 s0, s29  }
0x1a8: {  	p0 =	slt.s32 s0, $0x2F0  }
0x1a9: {  	s0 =	simm.s32 @!p0 $0x2F0  }
0x1aa: {  	v6 =	vadd.s32 s0, v0;
	_ =	sdelay $0x1  }
0x1ab: {  	s29 =	spop (v2sf)  }
0x1ac: {  	s30 =	spop (v2sf)  }
0x1ad: {  	v7, v58, _ =	vpop (xrf1);
	s31 =	sand.u32 $0x3, s30  }
0x1ae: {  	v7 =	vxor.u32 $0x80000000, v7;
	[tilespmem:v6+s21+$0x0] =	vst.idx.msk $0xffff, v58;
	s31 =	sshll.u32 s31, $0x5  }
0x1af: {  	[tilespmem:v6+s22+$0x0] =	vst.idx.msk $0xffff, v7;
	s31 =	sadd.s32 s31, s28  }
0x1b0: {  	v6 =	vld [tilespmem:s31+$0x600];
	_ =	sdelay $0x4  }
0x1b1: {  	s30 =	sshll.u32 s30, $0x5;
	vm8 =	vge.f32 v6, v4  }
0x1b2: {  	v7 =	vxor.u32 s30, v3;
	v6 =	vnsel vm8, $0xFF800000, v6  }
0x1b3: {  	(xrf1) =	vsort.ascd.msk.u32 vm8, v7, v6;
	_ =	sdelay $0x6  }
0x1b4: {  	s0 =	sadd.s32 s0, s29  }
0x1b5: {  	p0 =	slt.s32 s0, $0x2F0  }
0x1b6: {  	s0 =	simm.s32 @!p0 $0x2F0  }
0x1b7: {  	v6 =	vadd.s32 s0, v0;
	_ =	sdelay $0x3  }
0x1b8: {  	v7, v59, _ =	vpop (xrf1)  }
0x1b9: {  	v7 =	vxor.u32 $0x80000000, v7;
	[tilespmem:v6+s21+$0x0] =	vst.idx.msk $0xffff, v59  }
0x1ba: {  	[tilespmem:v6+s22+$0x0] =	vst.idx.msk $0xffff, v7  }
0x1bb: {  	v6 =	vmpcnt.ones.xlane vm8;
	v7 =	vld [tilespmem:s31+$0x610];
	_ =	sdelay $0x1  }
0x1bc: {  	(v2sf) =	vpush v6, $0x0;
	_ =	sdelay $0x2  }
0x1bd: {  	vm9 =	vge.f32 v7, v4  }
0x1be: {  	v6 =	vmpcnt.ones.xlane vm9;
	_ =	sdelay $0x1  }
0x1bf: {  	(v2sf) =	vpush v6, $0x0  }
0x1c0: {  	s29 =	sor.u32 $0x10, s30;
	(v2sf) =	vpush v5, $0xD  }
0x1c1: {  	v6 =	vnsel vm9, $0xFF800000, v7;
	v7 =	vxor.u32 s29, v3  }
0x1c2: {  	(xrf1) =	vsort.ascd.msk.u32 vm9, v7, v6;
	_ =	sdelay $0x5  }
0x1c3: {  	s29 =	spop (v2sf)  }
0x1c4: {  	s0 =	sadd.s32 s0, s29  }
0x1c5: {  	p0 =	slt.s32 s0, $0x2F0  }
0x1c6: {  	s0 =	simm.s32 @!p0 $0x2F0  }
0x1c7: {  	v6 =	vadd.s32 s0, v0;
	_ =	sdelay $0x1  }
0x1c8: {  	s29 =	spop (v2sf)  }
0x1c9: {  	s30 =	spop (v2sf)  }
0x1ca: {  	v7, v60, _ =	vpop (xrf1);
	s31 =	sand.u32 $0x3, s30  }
0x1cb: {  	v7 =	vxor.u32 $0x80000000, v7;
	[tilespmem:v6+s21+$0x0] =	vst.idx.msk $0xffff, v60;
	s31 =	sshll.u32 s31, $0x5  }
0x1cc: {  	[tilespmem:v6+s22+$0x0] =	vst.idx.msk $0xffff, v7;
	s31 =	sadd.s32 s31, s28  }
0x1cd: {  	v6 =	vld [tilespmem:s31+$0x680];
	_ =	sdelay $0x4  }
0x1ce: {  	s30 =	sshll.u32 s30, $0x5;
	vm10 =	vge.f32 v6, v4  }
0x1cf: {  	v7 =	vxor.u32 s30, v3;
	v6 =	vnsel vm10, $0xFF800000, v6  }
0x1d0: {  	(xrf1) =	vsort.ascd.msk.u32 vm10, v7, v6;
	_ =	sdelay $0x6  }
0x1d1: {  	s0 =	sadd.s32 s0, s29  }
0x1d2: {  	p0 =	slt.s32 s0, $0x2F0  }
0x1d3: {  	s0 =	simm.s32 @!p0 $0x2F0  }
0x1d4: {  	v6 =	vadd.s32 s0, v0;
	_ =	sdelay $0x3  }
0x1d5: {  	v7, v61, _ =	vpop (xrf1)  }
0x1d6: {  	v7 =	vxor.u32 $0x80000000, v7;
	[tilespmem:v6+s21+$0x0] =	vst.idx.msk $0xffff, v61  }
0x1d7: {  	[tilespmem:v6+s22+$0x0] =	vst.idx.msk $0xffff, v7  }
0x1d8: {  	v6 =	vmpcnt.ones.xlane vm10;
	v7 =	vld [tilespmem:s31+$0x690];
	_ =	sdelay $0x1  }
0x1d9: {  	(v2sf) =	vpush v6, $0x0;
	_ =	sdelay $0x2  }
0x1da: {  	vm11 =	vge.f32 v7, v4  }
0x1db: {  	v6 =	vmpcnt.ones.xlane vm11;
	_ =	sdelay $0x1  }
0x1dc: {  	(v2sf) =	vpush v6, $0x0  }
0x1dd: {  	s29 =	sor.u32 $0x10, s30;
	(v2sf) =	vpush v5, $0xE  }
0x1de: {  	v6 =	vnsel vm11, $0xFF800000, v7;
	v7 =	vxor.u32 s29, v3  }
0x1df: {  	(xrf1) =	vsort.ascd.msk.u32 vm11, v7, v6;
	_ =	sdelay $0x5  }
0x1e0: {  	s29 =	spop (v2sf)  }
0x1e1: {  	s0 =	sadd.s32 s0, s29  }
0x1e2: {  	p0 =	slt.s32 s0, $0x2F0  }
0x1e3: {  	s0 =	simm.s32 @!p0 $0x2F0  }
0x1e4: {  	v6 =	vadd.s32 s0, v0;
	_ =	sdelay $0x1  }
0x1e5: {  	s29 =	spop (v2sf)  }
0x1e6: {  	s30 =	spop (v2sf)  }
0x1e7: {  	v7, v62, _ =	vpop (xrf1);
	s31 =	sand.u32 $0x3, s30  }
0x1e8: {  	v7 =	vxor.u32 $0x80000000, v7;
	[tilespmem:v6+s21+$0x0] =	vst.idx.msk $0xffff, v62;
	s31 =	sshll.u32 s31, $0x5  }
0x1e9: {  	[tilespmem:v6+s22+$0x0] =	vst.idx.msk $0xffff, v7;
	s31 =	sadd.s32 s31, s28  }
0x1ea: {  	v6 =	vld [tilespmem:s31+$0x700];
	_ =	sdelay $0x4  }
0x1eb: {  	s30 =	sshll.u32 s30, $0x5;
	vm12 =	vge.f32 v6, v4  }
0x1ec: {  	v7 =	vxor.u32 s30, v3;
	v6 =	vnsel vm12, $0xFF800000, v6  }
0x1ed: {  	(xrf1) =	vsort.ascd.msk.u32 vm12, v7, v6;
	_ =	sdelay $0x6  }
0x1ee: {  	s0 =	sadd.s32 s0, s29  }
0x1ef: {  	p0 =	slt.s32 s0, $0x2F0  }
0x1f0: {  	s0 =	simm.s32 @!p0 $0x2F0  }
0x1f1: {  	v6 =	vadd.s32 s0, v0;
	_ =	sdelay $0x3  }
0x1f2: {  	v7, v63, _ =	vpop (xrf1)  }
0x1f3: {  	v7 =	vxor.u32 $0x80000000, v7;
	[tilespmem:v6+s21+$0x0] =	vst.idx.msk $0xffff, v63  }
0x1f4: {  	[tilespmem:v6+s22+$0x0] =	vst.idx.msk $0xffff, v7  }
0x1f5: {  	v6 =	vmpcnt.ones.xlane vm12;
	v7 =	vld [tilespmem:s31+$0x710];
	_ =	sdelay $0x1  }
0x1f6: {  	(v2sf) =	vpush v6, $0x0;
	_ =	sdelay $0x2  }
0x1f7: {  	vm13 =	vge.f32 v7, v4  }
0x1f8: {  	v6 =	vmpcnt.ones.xlane vm13;
	_ =	sdelay $0x1  }
0x1f9: {  	(v2sf) =	vpush v6, $0x0  }
0x1fa: {  	s29 =	sor.u32 $0x10, s30;
	(v2sf) =	vpush v5, $0xF  }
0x1fb: {  	v6 =	vxor.u32 s29, v3;
	v5 =	vnsel vm13, $0xFF800000, v7  }
0x1fc: {  	(xrf1) =	vsort.ascd.msk.u32 vm13, v6, v5;
	_ =	sdelay $0x5  }
0x1fd: {  	s29 =	spop (v2sf)  }
0x1fe: {  	s0 =	sadd.s32 s0, s29  }
0x1ff: {  	p0 =	slt.s32 s0, $0x2F0  }
0x200: {  	s0 =	simm.s32 @!p0 $0x2F0  }
0x201: {  	v5 =	vadd.s32 s0, v0;
	_ =	sdelay $0x1  }
0x202: {  	s29 =	spop (v2sf)  }
0x203: {  	s30 =	spop (v2sf)  }
0x204: {  	v6, v7, _ =	vpop (xrf1);
	s31 =	sand.u32 $0x3, s30  }
0x205: {  	v6 =	vxor.u32 $0x80000000, v6;
	[tilespmem:v5+s21+$0x0] =	vst.idx.msk $0xffff, v7;
	s31 =	sshll.u32 s31, $0x5  }
0x206: {  	[tilespmem:v5+s22+$0x0] =	vst.idx.msk $0xffff, v6;
	s31 =	sadd.s32 s31, s28  }
0x207: {  	v5 =	vld [tilespmem:s31+$0x780];
	_ =	sdelay $0x4  }
0x208: {  	s30 =	sshll.u32 s30, $0x5;
	vm14 =	vge.f32 v5, v4  }
0x209: {  	v6 =	vxor.u32 s30, v3;
	v5 =	vnsel vm14, $0xFF800000, v5  }
0x20a: {  	(xrf1) =	vsort.ascd.msk.u32 vm14, v6, v5;
	_ =	sdelay $0x6  }
0x20b: {  	s0 =	sadd.s32 s0, s29  }
0x20c: {  	p0 =	slt.s32 s0, $0x2F0  }
0x20d: {  	s0 =	simm.s32 @!p0 $0x2F0  }
0x20e: {  	v5 =	vadd.s32 s0, v0;
	_ =	sdelay $0x3  }
0x20f: {  	v6, v7, _ =	vpop (xrf1)  }
0x210: {  	v6 =	vxor.u32 $0x80000000, v6;
	[tilespmem:v5+s21+$0x0] =	vst.idx.msk $0xffff, v7  }
0x211: {  	[tilespmem:v5+s22+$0x0] =	vst.idx.msk $0xffff, v6  }
0x212: {  	v6 =	vld [tilespmem:s31+$0x790];
	_ =	sdelay $0x2  }
0x213: {  	v5 =	vmpcnt.ones.xlane vm14;
	_ =	sdelay $0x1  }
0x214: {  	(v2sf) =	vpush v5, $0x0;
	vm15 =	vge.f32 v6, v4  }
0x215: {  	v5 =	vmpcnt.ones.xlane vm15;
	_ =	sdelay $0x1  }
0x216: {  	(v2sf) =	vpush v5, $0x0;
	_ =	sdelay $0x4  }
0x217: {  	s29 =	sor.u32 $0x10, s30  }
0x218: {  	v5 =	vnsel vm15, $0xFF800000, v6;
	v6 =	vxor.u32 s29, v3  }
0x219: {  	(xrf1) =	vsort.ascd.msk.u32 vm15, v6, v5;
	_ =	sdelay $0x4  }
0x21a: {  	s29 =	spop (v2sf)  }
0x21b: {  	s0 =	sadd.s32 s0, s29  }
0x21c: {  	p0 =	slt.s32 s0, $0x2F0  }
0x21d: {  	s0 =	simm.s32 @!p0 $0x2F0;
	s29 =	spop (v2sf)  }
0x21e: {  	s29 =	sadd.s32 s0, s29  }
0x21f: {  	v5 =	vadd.s32 s0, v0;
	p0 =	slt.s32 s29, $0x2F0  }
0x220: {  	s29 =	simm.s32 @!p0 $0x2F0;
	p0 =	sne.s32 s25, $0x1  }
.Ltmp6:
0x221: {  	_ = 	snop;
	(pc) =	sbr.rel @p0 .LBB2_6-.Ltmp6, $4  }
0x222: {  	_ = 	snop  }
0x223: {  	v6, v7, _ =	vpop (xrf1)  }
0x224: {  	v6 =	vxor.u32 $0x80000000, v6;
	[tilespmem:v5+s21+$0x0] =	vst.idx.msk $0xffff, v7  }
0x225: {  	s26 =	sadd.s32 $0x10, s26;
	s28 =	sadd.s32 $0x800, s28;
	[tilespmem:v5+s22+$0x0] =	vst.idx.msk $0xffff, v6;
	s25 =	sadd.s32 $0xFFFFFFFF, s25  }
.Ltmp7:
0x226: {  	_ = 	snop;
	(pc) =	sbr.rel .LBB2_7-.Ltmp7, $1  }
0x227: {  	_ =	sdelay $0x3  }
.LBB2_9:
0x228: {  	_ =	sfence.sel $0x180000  }
0x229: {  	[bflag:$0x0] =	sbarrier.arrive $0xFFFF  }
0x22a: {  	_ =	strace $0x9000004A  }
0x22b: {  	[bflag:$0x2] =	sbarrier.arrive $0xFFFF  }
0x22c: {  	p0 =	sne.s32 s5, $0x0;
	s0 =	rddreg [dreg:$0x3]  }
0x22d: {  	s0 =	sadd.s32 @!p0 $0x100000, s0  }
0x22e: {  	[sflag:s0] =	ssyncadd.tile.s32 @!p0 $0x1;
	_ =	shalt  }
.Lfunc_end2:
_tile_overlayer_lowered:
.L_overlay_start_2:
0x22f: {  	(tag) =	ssettag $0x2  }
0x230: {  	s0 =	rddreg [dreg:$0x0];
	s2 =	stileid.u32  }
0x231: {  	s1 =	rddreg [dreg:$0x1];
	p0 =	sne.s32 s2, $0x0  }
0x232: {  	s3 =	rddreg [dreg:$0x2];
	[bflag:$0x3] =	sbarrier.arrive $0xFFFF;
	s2 =	simm.s32 @!p0 $0x1C02  }
0x233: {  	[timem:s3], [sflag:s2] =	dma.local @!p0 [hbm:s0], s1  }
0x234: {  	s0 =	simm.s32 @!p0 $0x2  }
0x235: {  	_ =	swait.ge @!p0 [sflag:s0], s1  }
0x236: {  	s1 =	ssub.s32 @!p0 $0x0, s1;
	[sflag:s0] =	ssyncset.done @!p0 $0x0  }
0x237: {  	[sflag:s0] =	ssyncadd.s32 @!p0 s1  }
0x238: {  	[bflag:$0x3] =	sbarrier.arrive $0xFFFF  }
0x239: {  	_ =	shalt  }

</sc_bundles>
